<compile_context>
chip_gen: v7x
topology: tpu7x:2x2x1
jax: 0.10.2.dev20260603
libtpu: 0.0.44.dev20260713+nightly
codegen_flags: <defaults>
</compile_context>

<pallas_src>
import functools

import jax
import jax.numpy as jnp
import numpy as np
from jax import lax
from jax.experimental import pallas as pl
from jax.experimental.pallas import tpu as pltpu
from jax.experimental.pallas import tpu_sc as plsc

_C = 128
_HALF = 512000


def _tc_repack(tab_t):
    D, V = tab_t.shape
    K = 4096
    grid = _HALF // K
    nb = _HALF // K
    last = (V + K - 1) // K - 1

    def body(lo_ref, hi_ref, o_ref):
        o_ref[:, 0:D] = jnp.transpose(lo_ref[...], (1, 0))
        o_ref[:, D:2 * D] = jnp.transpose(hi_ref[...], (1, 0))

    return pl.pallas_call(
        body,
        grid=(grid,),
        in_specs=[
            pl.BlockSpec((D, K), lambda i: (0, i)),
            pl.BlockSpec((D, K), lambda i: (0, jnp.minimum(i + nb, last))),
        ],
        out_specs=pl.BlockSpec((K, 2 * D), lambda i: (i, 0)),
        out_shape=jax.ShapeDtypeStruct((_HALF, 2 * D), jnp.float32),
    )(tab_t, tab_t)


def _sc_gather(table, idx2, D):
    n_chunks = idx2.shape[0]
    N = n_chunks * _C
    info = plsc.get_sparse_core_info()
    num_cores = info.num_cores
    NW = info.num_cores * info.num_subcores
    per_w = n_chunks // NW
    mesh = plsc.VectorSubcoreMesh(core_axis_name="c", subcore_axis_name="s")

    @functools.partial(
        pl.kernel,
        mesh=mesh,
        out_type=jax.ShapeDtypeStruct((N, D), jnp.float32),
        scratch_types=[
            pltpu.VMEM((per_w, _C), jnp.int32),
            pltpu.VMEM((4, _C, D), jnp.float32),
            pltpu.SemaphoreType.DMA,
            pltpu.SemaphoreType.DMA,
            pltpu.SemaphoreType.DMA,
            pltpu.SemaphoreType.DMA,
            pltpu.SemaphoreType.DMA,
        ],
        compiler_params=pltpu.CompilerParams(use_tc_tiling_on_sc=False,
                                             needs_layout_passes=False),
    )
    def k(table_hbm, idx_hbm, out_hbm, idx_v, rows, s0, s1, s2, s3, osem):
        wid = lax.axis_index("s") * num_cores + lax.axis_index("c")
        k0 = wid * per_w
        pltpu.sync_copy(idx_hbm.at[pl.ds(k0, per_w), :], idx_v)
        sems = [s0, s1, s2, s3]

        def body(t, carry):
            a = 4 * t
            gs = [pltpu.async_copy(table_hbm.at[idx_v.at[a + i]],
                                   rows.at[i], sems[i]) for i in range(4)]
            ws = []
            for i in range(4):
                gs[i].wait()
                ws.append(pltpu.async_copy(
                    rows.at[i],
                    out_hbm.at[pl.ds((k0 + a + i) * _C, _C), :], osem))
            for w in ws:
                w.wait()
            return carry

        lax.fori_loop(0, per_w // 4, body, 0)

    return k(table, idx2)


def _tc_out_transpose(mid2, H, B, D):
    CB = B // _C
    KR = B // 2

    def body(x_ref, o_ref):
        y = jnp.transpose(x_ref[...], (1, 0))
        for c in range(CB):
            p, cc = (0, c) if c < CB // 2 else (1, c - CB // 2)
            for r in range(D // 8):
                o_ref[0, r, c, :, :] = (
                    y[p * D + 8 * r:p * D + 8 * r + 8,
                      cc * _C:cc * _C + _C])

    return pl.pallas_call(
        body,
        grid=(H,),
        in_specs=[pl.BlockSpec((KR, 2 * D), lambda i: (i, 0))],
        out_specs=pl.BlockSpec((1, D // 8, CB, 8, _C), lambda i: (i, 0, 0, 0, 0)),
        out_shape=jax.ShapeDtypeStruct((H, D // 8, CB, 8, _C), jnp.float32),
    )(mid2)


def _tc_times_t(row1_t, tp_t, fc_w, fc_b):
    H, B = row1_t.shape
    D = fc_w.shape[1]
    HB = 8

    def body(r1_ref, tp_ref, w_ref, b_ref, o_ref):
        t = jnp.log(tp_ref[...] - r1_ref[...] + 1.0)
        w = jnp.reshape(w_ref[...], (1, D, 1))
        bb = jnp.reshape(b_ref[...], (1, D, 1))
        o_ref[...] = t[:, None, :] * w + bb

    return pl.pallas_call(
        body,
        grid=(H // HB,),
        in_specs=[
            pl.BlockSpec((HB, B), lambda i: (i, 0)),
            pl.BlockSpec((1, B), lambda i: (0, 0)),
            pl.BlockSpec((1, D), lambda i: (0, 0)),
            pl.BlockSpec((1, D), lambda i: (0, 0)),
        ],
        out_specs=pl.BlockSpec((HB, D, B), lambda i: (i, 0, 0)),
        out_shape=jax.ShapeDtypeStruct((H, D, B), jnp.float32),
    )(row1_t, tp_t, fc_w, fc_b)


def kernel(row0, row1, row2, row3, row4, row5, row6, row7,
           click_emb, exposure_emb, uid_emb, fc_w, fc_b):
    B, H = row0.shape
    D = click_emb.shape[1]
    pg = jnp.asarray((np.arange(B) % 2) * (B // 2) + np.arange(B) // 2,
                     dtype=jnp.int32)
    idx = row0.astype(jnp.int32).T[:, pg].reshape(H * B // _C, _C)
    idx2 = (2 * idx) % (2 * _HALF) + idx // _HALF
    table_lin = _tc_repack(click_emb.T)
    table = table_lin.reshape(2 * _HALF, D)
    mid = _sc_gather(table, idx2, D)
    mid2 = mid.reshape(B * H // 2, 2 * D)
    out5 = _tc_out_transpose(mid2, H, B, D)
    high_items_emb = out5.transpose(2, 4, 0, 1, 3).reshape(B, H, D)
    row1_t = row1.T
    tp_t = row6.T[-1:, :]
    fc_b2 = jnp.reshape(fc_b, (1, D))
    times_t = _tc_times_t(row1_t, tp_t, fc_w, fc_b2)
    high_times_emb = times_t.transpose(2, 0, 1)
    sep_emb = exposure_emb[0]
    return (high_items_emb, high_times_emb, sep_emb)

# --- scband reference (transcript-rebuilt; emitter-appended) ---
"""Pipeline reference for scband-one-trans-emb-12060268167393 (READ-ONLY COPY).

The authoritative reference and input builder live on the scoring server;
editing this copy changes nothing except your own understanding.
"""

import jax, jax.numpy as jnp
import numpy as np

B = 4096
H = 200
L = 51
V = 1000000
U = 100000
D = 64

def setup_inputs(seed: int = 0) -> dict:
    key = jax.random.key(seed)
    ks = jax.random.split(key, 12)
    row0 = jax.random.randint(ks[0], (B, H), 0, V)
    row1 = jax.random.uniform(ks[1], (B, H), dtype=jnp.float32)
    row2 = jax.random.randint(ks[2], (B,), 0, H)
    row3 = jax.random.randint(ks[3], (B,), 0, U)
    row4 = jax.random.randint(ks[4], (B, L), 0, V)
    row5 = jax.random.uniform(ks[5], (B, L), dtype=jnp.float32)
    row6 = jnp.ones((B, L), dtype=jnp.float32)
    row7 = jax.random.randint(ks[6], (B,), 0, L - 1)
    click_emb = jax.random.normal(ks[7], (V, D), dtype=jnp.float32) * 0.02
    exposure_emb = jax.random.normal(ks[8], (V, D), dtype=jnp.float32) * 0.02
    uid_emb = jax.random.normal(ks[9], (U, D), dtype=jnp.float32) * 0.02
    fc_w = jax.random.normal(ks[10], (1, D), dtype=jnp.float32) * 0.1
    fc_b = jnp.zeros((D,), dtype=jnp.float32)
    return {"row0": row0, "row1": row1, "row2": row2, "row3": row3,
            "row4": row4, "row5": row5, "row6": row6, "row7": row7,
            "click_emb": click_emb, "exposure_emb": exposure_emb,
            "uid_emb": uid_emb, "fc_w": fc_w, "fc_b": fc_b}

def reference(row0, row1, row2, row3, row4, row5, row6, row7,
              click_emb, exposure_emb, uid_emb, fc_w, fc_b):
    # slicing per original forward
    item_id = row4[:, -1]
    item_rating = row5[:, -1]
    item_time_pad = row6[:, -1]
    seq_items_pad = row4[:, :-1]
    seq_ratings_pad = row5[:, :-1]
    seq_times_pad = row6[:, :-1]
    high_times_gap = item_time_pad[:, None] - row1
    seq_times_gap = item_time_pad[:, None] - seq_times_pad
    # embedding gathers (memory-bound)
    high_items_emb = jnp.take(click_emb, row0, axis=0)            # [B, H, D]
    t = jnp.log(high_times_gap + 1.0)[..., None]                  # [B, H, 1]
    high_times_emb = t @ fc_w + fc_b                              # [B, H, D]
    sep_emb = exposure_emb[0]                                     # [D]
    return (high_items_emb, high_times_emb, sep_emb)

if __name__ == "__main__":
    import jax
    _d = setup_inputs()
    print(jax.jit(kernel)(*tuple(_d.values())))

</pallas_src>

<mosaic_0001>
#map = affine_map<(d0, d1) -> (0, 0)>
module attributes {stable_mosaic.version = 14 : i64} {
  func.func @k(%arg0: i32, %arg1: i32, %arg2: memref<1024000x64xf32, #tpu.memory_space<hbm>>, %arg3: memref<6400x128xi32, #tpu.memory_space<hbm>>, %arg4: memref<819200x64xf32, #tpu.memory_space<hbm>>, %arg5: memref<200x128xi32, #tpu.memory_space<vmem>>, %arg6: memref<4x128x64xf32, #tpu.memory_space<vmem>>, %arg7: memref<!tpu.dma_semaphore, #tpu.memory_space<semaphore_mem>>, %arg8: memref<!tpu.dma_semaphore, #tpu.memory_space<semaphore_mem>>, %arg9: memref<!tpu.dma_semaphore, #tpu.memory_space<semaphore_mem>>, %arg10: memref<!tpu.dma_semaphore, #tpu.memory_space<semaphore_mem>>, %arg11: memref<!tpu.dma_semaphore, #tpu.memory_space<semaphore_mem>>) attributes {dimension_semantics = [#tpu.dimension_semantics<core_parallel>, #tpu.dimension_semantics<subcore_parallel>], iteration_bounds = array<i64: 2, 16>, scalar_prefetch = 0 : i64, scratch_operands = 7 : i64, tpu.core_type = #tpu.core_type<sc_vector_subcore>, window_params = [{transform_indices = #map}, {transform_indices = #map}, {transform_indices = #map}]} {
    %mul3A = arith.constant 2 : i32
    %mul3A_0 = arith.muli %arg1, %mul3A : i32
    %add3A = arith.addi %mul3A_0, %arg0 : i32
    %mul3A_1 = arith.constant 200 : i32
    %mul3A_2 = arith.muli %add3A, %mul3A_1 : i32
    "tpu.region"() ({
      %run_scoped3A = tpu.sem_alloc : memref<!tpu.dma_semaphore, #tpu.memory_space<semaphore_mem>>
      %dma_start3A = arith.constant 0 : i32
      %dma_start3A_8 = tpu.memref_slice %arg3[%mul3A_2, %dma_start3A] : memref<6400x128xi32, #tpu.memory_space<hbm>> -> memref<200x128xi32, #tpu.memory_space<hbm>>
      %dma_start3A_9 = arith.constant 0 : i32
      %dma_start3A_10 = tpu.memref_slice %arg3[%mul3A_2, %dma_start3A_9] : memref<6400x128xi32, #tpu.memory_space<hbm>> -> memref<200x128xi32, #tpu.memory_space<hbm>>
      tpu.enqueue_dma source(%dma_start3A_10 : memref<200x128xi32, #tpu.memory_space<hbm>>) target(%arg5 : memref<200x128xi32, #tpu.memory_space<vmem>>) target_semaphore(%run_scoped3A : memref<!tpu.dma_semaphore, #tpu.memory_space<semaphore_mem>>)
      %dma_wait3A = arith.constant 0 : i32
      %dma_wait3A_11 = tpu.memref_slice %arg3[%mul3A_2, %dma_wait3A] : memref<6400x128xi32, #tpu.memory_space<hbm>> -> memref<200x128xi32, #tpu.memory_space<hbm>>
      %dma_wait3A_12 = arith.constant 0 : i32
      %dma_wait3A_13 = tpu.memref_slice %arg3[%mul3A_2, %dma_wait3A_12] : memref<6400x128xi32, #tpu.memory_space<hbm>> -> memref<200x128xi32, #tpu.memory_space<hbm>>
      tpu.wait_dma2 semaphore(%run_scoped3A : memref<!tpu.dma_semaphore, #tpu.memory_space<semaphore_mem>>) src(%dma_wait3A_13 : memref<200x128xi32, #tpu.memory_space<hbm>>) dst(%arg5 : memref<200x128xi32, #tpu.memory_space<vmem>>)
      tpu.yield
    }) : () -> ()
    %scan3A = arith.constant 0 : i32
    %scan3A_3 = arith.constant 0 : i32
    %scan3A_4 = arith.constant 50 : i32
    %scan3A_5 = arith.addi %scan3A_3, %scan3A_4 : i32
    %scan3A_6 = arith.constant 1 : i32
    scf.for %scan3A_8 = %scan3A_3 to %scan3A_5 step %scan3A_6  : i32 {
      %mul3A_9 = arith.constant 4 : i32
      %mul3A_10 = arith.muli %mul3A_9, %scan3A_8 : i32
      %add3A_11 = arith.constant 0 : i32
      %add3A_12 = arith.addi %mul3A_10, %add3A_11 : i32
      %dma_start3A = arith.constant 0 : i32
      %dma_start3A_13 = arith.constant 0 : i32
      %dma_start3A_14 = arith.constant 0 : i32
      %dma_start3A_15 = tpu.memref_slice %arg6[%dma_start3A, %dma_start3A_13, %dma_start3A_14] : memref<4x128x64xf32, #tpu.memory_space<vmem>> -> memref<1x128x64xf32, #tpu.memory_space<vmem>>
      %dma_start3A_16 = tpu.memref_squeeze %dma_start3A_15 : memref<1x128x64xf32, #tpu.memory_space<vmem>> -> memref<128x64xf32, #tpu.memory_space<vmem>>
      %dma_start3A_17 = arith.constant 0 : i32
      %dma_start3A_18 = tpu.memref_slice %arg5[%add3A_12, %dma_start3A_17] : memref<200x128xi32, #tpu.memory_space<vmem>> -> memref<1x128xi32, #tpu.memory_space<vmem>>
      %dma_start3A_19 = tpu.memref_squeeze %dma_start3A_18 : memref<1x128xi32, #tpu.memory_space<vmem>> -> memref<128xi32, #tpu.memory_space<vmem>>
      %dma_start3A_20 = arith.constant 0 : i32
      %dma_start3A_21 = arith.constant 0 : i32
      %dma_start3A_22 = tpu.memref_slice %arg2[%dma_start3A_20, %dma_start3A_21] : memref<1024000x64xf32, #tpu.memory_space<hbm>> -> memref<1024000x64xf32, #tpu.memory_space<hbm>>
      tpu.enqueue_indirect_dma source(%dma_start3A_22 : memref<1024000x64xf32, #tpu.memory_space<hbm>>) target(%dma_start3A_16 : memref<128x64xf32, #tpu.memory_space<vmem>>) offsets(%dma_start3A_19 : memref<128xi32, #tpu.memory_space<vmem>>) semaphore(%arg7 : memref<!tpu.dma_semaphore, #tpu.memory_space<semaphore_mem>>)
      %add3A_23 = arith.constant 1 : i32
      %add3A_24 = arith.addi %mul3A_10, %add3A_23 : i32
      %dma_start3A_25 = arith.constant 1 : i32
      %dma_start3A_26 = arith.constant 0 : i32
      %dma_start3A_27 = arith.constant 0 : i32
      %dma_start3A_28 = tpu.memref_slice %arg6[%dma_start3A_25, %dma_start3A_26, %dma_start3A_27] : memref<4x128x64xf32, #tpu.memory_space<vmem>> -> memref<1x128x64xf32, #tpu.memory_space<vmem>>
      %dma_start3A_29 = tpu.memref_squeeze %dma_start3A_28 : memref<1x128x64xf32, #tpu.memory_space<vmem>> -> memref<128x64xf32, #tpu.memory_space<vmem>>
      %dma_start3A_30 = arith.constant 0 : i32
      %dma_start3A_31 = tpu.memref_slice %arg5[%add3A_24, %dma_start3A_30] : memref<200x128xi32, #tpu.memory_space<vmem>> -> memref<1x128xi32, #tpu.memory_space<vmem>>
      %dma_start3A_32 = tpu.memref_squeeze %dma_start3A_31 : memref<1x128xi32, #tpu.memory_space<vmem>> -> memref<128xi32, #tpu.memory_space<vmem>>
      %dma_start3A_33 = arith.constant 0 : i32
      %dma_start3A_34 = arith.constant 0 : i32
      %dma_start3A_35 = tpu.memref_slice %arg2[%dma_start3A_33, %dma_start3A_34] : memref<1024000x64xf32, #tpu.memory_space<hbm>> -> memref<1024000x64xf32, #tpu.memory_space<hbm>>
      tpu.enqueue_indirect_dma source(%dma_start3A_35 : memref<1024000x64xf32, #tpu.memory_space<hbm>>) target(%dma_start3A_29 : memref<128x64xf32, #tpu.memory_space<vmem>>) offsets(%dma_start3A_32 : memref<128xi32, #tpu.memory_space<vmem>>) semaphore(%arg8 : memref<!tpu.dma_semaphore, #tpu.memory_space<semaphore_mem>>)
      %add3A_36 = arith.constant 2 : i32
      %add3A_37 = arith.addi %mul3A_10, %add3A_36 : i32
      %dma_start3A_38 = arith.constant 2 : i32
      %dma_start3A_39 = arith.constant 0 : i32
      %dma_start3A_40 = arith.constant 0 : i32
      %dma_start3A_41 = tpu.memref_slice %arg6[%dma_start3A_38, %dma_start3A_39, %dma_start3A_40] : memref<4x128x64xf32, #tpu.memory_space<vmem>> -> memref<1x128x64xf32, #tpu.memory_space<vmem>>
      %dma_start3A_42 = tpu.memref_squeeze %dma_start3A_41 : memref<1x128x64xf32, #tpu.memory_space<vmem>> -> memref<128x64xf32, #tpu.memory_space<vmem>>
      %dma_start3A_43 = arith.constant 0 : i32
      %dma_start3A_44 = tpu.memref_slice %arg5[%add3A_37, %dma_start3A_43] : memref<200x128xi32, #tpu.memory_space<vmem>> -> memref<1x128xi32, #tpu.memory_space<vmem>>
      %dma_start3A_45 = tpu.memref_squeeze %dma_start3A_44 : memref<1x128xi32, #tpu.memory_space<vmem>> -> memref<128xi32, #tpu.memory_space<vmem>>
      %dma_start3A_46 = arith.constant 0 : i32
      %dma_start3A_47 = arith.constant 0 : i32
      %dma_start3A_48 = tpu.memref_slice %arg2[%dma_start3A_46, %dma_start3A_47] : memref<1024000x64xf32, #tpu.memory_space<hbm>> -> memref<1024000x64xf32, #tpu.memory_space<hbm>>
      tpu.enqueue_indirect_dma source(%dma_start3A_48 : memref<1024000x64xf32, #tpu.memory_space<hbm>>) target(%dma_start3A_42 : memref<128x64xf32, #tpu.memory_space<vmem>>) offsets(%dma_start3A_45 : memref<128xi32, #tpu.memory_space<vmem>>) semaphore(%arg9 : memref<!tpu.dma_semaphore, #tpu.memory_space<semaphore_mem>>)
      %add3A_49 = arith.constant 3 : i32
      %add3A_50 = arith.addi %mul3A_10, %add3A_49 : i32
      %dma_start3A_51 = arith.constant 3 : i32
      %dma_start3A_52 = arith.constant 0 : i32
      %dma_start3A_53 = arith.constant 0 : i32
      %dma_start3A_54 = tpu.memref_slice %arg6[%dma_start3A_51, %dma_start3A_52, %dma_start3A_53] : memref<4x128x64xf32, #tpu.memory_space<vmem>> -> memref<1x128x64xf32, #tpu.memory_space<vmem>>
      %dma_start3A_55 = tpu.memref_squeeze %dma_start3A_54 : memref<1x128x64xf32, #tpu.memory_space<vmem>> -> memref<128x64xf32, #tpu.memory_space<vmem>>
      %dma_start3A_56 = arith.constant 0 : i32
      %dma_start3A_57 = tpu.memref_slice %arg5[%add3A_50, %dma_start3A_56] : memref<200x128xi32, #tpu.memory_space<vmem>> -> memref<1x128xi32, #tpu.memory_space<vmem>>
      %dma_start3A_58 = tpu.memref_squeeze %dma_start3A_57 : memref<1x128xi32, #tpu.memory_space<vmem>> -> memref<128xi32, #tpu.memory_space<vmem>>
      %dma_start3A_59 = arith.constant 0 : i32
      %dma_start3A_60 = arith.constant 0 : i32
      %dma_start3A_61 = tpu.memref_slice %arg2[%dma_start3A_59, %dma_start3A_60] : memref<1024000x64xf32, #tpu.memory_space<hbm>> -> memref<1024000x64xf32, #tpu.memory_space<hbm>>
      tpu.enqueue_indirect_dma source(%dma_start3A_61 : memref<1024000x64xf32, #tpu.memory_space<hbm>>) target(%dma_start3A_55 : memref<128x64xf32, #tpu.memory_space<vmem>>) offsets(%dma_start3A_58 : memref<128xi32, #tpu.memory_space<vmem>>) semaphore(%arg10 : memref<!tpu.dma_semaphore, #tpu.memory_space<semaphore_mem>>)
      %dma_wait3A = arith.constant 0 : i32
      %dma_wait3A_62 = arith.constant 0 : i32
      %dma_wait3A_63 = arith.constant 0 : i32
      %dma_wait3A_64 = tpu.memref_slice %arg6[%dma_wait3A, %dma_wait3A_62, %dma_wait3A_63] : memref<4x128x64xf32, #tpu.memory_space<vmem>> -> memref<1x128x64xf32, #tpu.memory_space<vmem>>
      %dma_wait3A_65 = tpu.memref_squeeze %dma_wait3A_64 : memref<1x128x64xf32, #tpu.memory_space<vmem>> -> memref<128x64xf32, #tpu.memory_space<vmem>>
      %dma_wait3A_66 = arith.constant 0 : i32
      %dma_wait3A_67 = tpu.memref_slice %arg5[%add3A_12, %dma_wait3A_66] : memref<200x128xi32, #tpu.memory_space<vmem>> -> memref<1x128xi32, #tpu.memory_space<vmem>>
      %dma_wait3A_68 = tpu.memref_squeeze %dma_wait3A_67 : memref<1x128xi32, #tpu.memory_space<vmem>> -> memref<128xi32, #tpu.memory_space<vmem>>
      %dma_wait3A_69 = arith.constant 0 : i32
      %dma_wait3A_70 = arith.constant 0 : i32
      %dma_wait3A_71 = tpu.memref_slice %arg2[%dma_wait3A_69, %dma_wait3A_70] : memref<1024000x64xf32, #tpu.memory_space<hbm>> -> memref<1024000x64xf32, #tpu.memory_space<hbm>>
      tpu.wait_indirect_dma semaphore(%arg7 : memref<!tpu.dma_semaphore, #tpu.memory_space<semaphore_mem>>) src(%dma_wait3A_71 : memref<1024000x64xf32, #tpu.memory_space<hbm>>) dst(%dma_wait3A_65 : memref<128x64xf32, #tpu.memory_space<vmem>>)
      %add3A_72 = arith.addi %mul3A_2, %mul3A_10 : i32
      %add3A_73 = arith.constant 0 : i32
      %add3A_74 = arith.addi %add3A_72, %add3A_73 : i32
      %mul3A_75 = arith.constant 128 : i32
      %mul3A_76 = arith.muli %add3A_74, %mul3A_75 : i32
      %dma_start3A_77 = arith.constant 0 : i32
      %dma_start3A_78 = arith.constant 0 : i32
      %dma_start3A_79 = arith.constant 0 : i32
      %dma_start3A_80 = tpu.memref_slice %arg6[%dma_start3A_77, %dma_start3A_78, %dma_start3A_79] : memref<4x128x64xf32, #tpu.memory_space<vmem>> -> memref<1x128x64xf32, #tpu.memory_space<vmem>>
      %dma_start3A_81 = tpu.memref_squeeze %dma_start3A_80 : memref<1x128x64xf32, #tpu.memory_space<vmem>> -> memref<128x64xf32, #tpu.memory_space<vmem>>
      %dma_start3A_82 = arith.constant 0 : i32
      %dma_start3A_83 = tpu.memref_slice %arg4[%mul3A_76, %dma_start3A_82] : memref<819200x64xf32, #tpu.memory_space<hbm>> -> memref<128x64xf32, #tpu.memory_space<hbm>>
      %dma_start3A_84 = arith.constant 0 : i32
      %dma_start3A_85 = tpu.memref_slice %arg4[%mul3A_76, %dma_start3A_84] : memref<819200x64xf32, #tpu.memory_space<hbm>> -> memref<128x64xf32, #tpu.memory_space<hbm>>
      %dma_start3A_86 = arith.constant 0 : i32
      %dma_start3A_87 = arith.constant 0 : i32
      %dma_start3A_88 = tpu.memref_slice %arg6[%dma_start3A_77, %dma_start3A_86, %dma_start3A_87] : memref<4x128x64xf32, #tpu.memory_space<vmem>> -> memref<1x128x64xf32, #tpu.memory_space<vmem>>
      %dma_start3A_89 = tpu.memref_squeeze %dma_start3A_88 : memref<1x128x64xf32, #tpu.memory_space<vmem>> -> memref<128x64xf32, #tpu.memory_space<vmem>>
      tpu.enqueue_dma source(%dma_start3A_89 : memref<128x64xf32, #tpu.memory_space<vmem>>) target(%dma_start3A_85 : memref<128x64xf32, #tpu.memory_space<hbm>>) target_semaphore(%arg11 : memref<!tpu.dma_semaphore, #tpu.memory_space<semaphore_mem>>)
      %dma_wait3A_90 = arith.constant 1 : i32
      %dma_wait3A_91 = arith.constant 0 : i32
      %dma_wait3A_92 = arith.constant 0 : i32
      %dma_wait3A_93 = tpu.memref_slice %arg6[%dma_wait3A_90, %dma_wait3A_91, %dma_wait3A_92] : memref<4x128x64xf32, #tpu.memory_space<vmem>> -> memref<1x128x64xf32, #tpu.memory_space<vmem>>
      %dma_wait3A_94 = tpu.memref_squeeze %dma_wait3A_93 : memref<1x128x64xf32, #tpu.memory_space<vmem>> -> memref<128x64xf32, #tpu.memory_space<vmem>>
      %dma_wait3A_95 = arith.constant 0 : i32
      %dma_wait3A_96 = tpu.memref_slice %arg5[%add3A_24, %dma_wait3A_95] : memref<200x128xi32, #tpu.memory_space<vmem>> -> memref<1x128xi32, #tpu.memory_space<vmem>>
      %dma_wait3A_97 = tpu.memref_squeeze %dma_wait3A_96 : memref<1x128xi32, #tpu.memory_space<vmem>> -> memref<128xi32, #tpu.memory_space<vmem>>
      %dma_wait3A_98 = arith.constant 0 : i32
      %dma_wait3A_99 = arith.constant 0 : i32
      %dma_wait3A_100 = tpu.memref_slice %arg2[%dma_wait3A_98, %dma_wait3A_99] : memref<1024000x64xf32, #tpu.memory_space<hbm>> -> memref<1024000x64xf32, #tpu.memory_space<hbm>>
      tpu.wait_indirect_dma semaphore(%arg8 : memref<!tpu.dma_semaphore, #tpu.memory_space<semaphore_mem>>) src(%dma_wait3A_100 : memref<1024000x64xf32, #tpu.memory_space<hbm>>) dst(%dma_wait3A_94 : memref<128x64xf32, #tpu.memory_space<vmem>>)
      %add3A_101 = arith.addi %mul3A_2, %mul3A_10 : i32
      %add3A_102 = arith.constant 1 : i32
      %add3A_103 = arith.addi %add3A_101, %add3A_102 : i32
      %mul3A_104 = arith.constant 128 : i32
      %mul3A_105 = arith.muli %add3A_103, %mul3A_104 : i32
      %dma_start3A_106 = arith.constant 1 : i32
      %dma_start3A_107 = arith.constant 0 : i32
      %dma_start3A_108 = arith.constant 0 : i32
      %dma_start3A_109 = tpu.memref_slice %arg6[%dma_start3A_106, %dma_start3A_107, %dma_start3A_108] : memref<4x128x64xf32, #tpu.memory_space<vmem>> -> memref<1x128x64xf32, #tpu.memory_space<vmem>>
      %dma_start3A_110 = tpu.memref_squeeze %dma_start3A_109 : memref<1x128x64xf32, #tpu.memory_space<vmem>> -> memref<128x64xf32, #tpu.memory_space<vmem>>
      %dma_start3A_111 = arith.constant 0 : i32
      %dma_start3A_112 = tpu.memref_slice %arg4[%mul3A_105, %dma_start3A_111] : memref<819200x64xf32, #tpu.memory_space<hbm>> -> memref<128x64xf32, #tpu.memory_space<hbm>>
      %dma_start3A_113 = arith.constant 0 : i32
      %dma_start3A_114 = tpu.memref_slice %arg4[%mul3A_105, %dma_start3A_113] : memref<819200x64xf32, #tpu.memory_space<hbm>> -> memref<128x64xf32, #tpu.memory_space<hbm>>
      %dma_start3A_115 = arith.constant 0 : i32
      %dma_start3A_116 = arith.constant 0 : i32
      %dma_start3A_117 = tpu.memref_slice %arg6[%dma_start3A_106, %dma_start3A_115, %dma_start3A_116] : memref<4x128x64xf32, #tpu.memory_space<vmem>> -> memref<1x128x64xf32, #tpu.memory_space<vmem>>
      %dma_start3A_118 = tpu.memref_squeeze %dma_start3A_117 : memref<1x128x64xf32, #tpu.memory_space<vmem>> -> memref<128x64xf32, #tpu.memory_space<vmem>>
      tpu.enqueue_dma source(%dma_start3A_118 : memref<128x64xf32, #tpu.memory_space<vmem>>) target(%dma_start3A_114 : memref<128x64xf32, #tpu.memory_space<hbm>>) target_semaphore(%arg11 : memref<!tpu.dma_semaphore, #tpu.memory_space<semaphore_mem>>)
      %dma_wait3A_119 = arith.constant 2 : i32
      %dma_wait3A_120 = arith.constant 0 : i32
      %dma_wait3A_121 = arith.constant 0 : i32
      %dma_wait3A_122 = tpu.memref_slice %arg6[%dma_wait3A_119, %dma_wait3A_120, %dma_wait3A_121] : memref<4x128x64xf32, #tpu.memory_space<vmem>> -> memref<1x128x64xf32, #tpu.memory_space<vmem>>
      %dma_wait3A_123 = tpu.memref_squeeze %dma_wait3A_122 : memref<1x128x64xf32, #tpu.memory_space<vmem>> -> memref<128x64xf32, #tpu.memory_space<vmem>>
      %dma_wait3A_124 = arith.constant 0 : i32
      %dma_wait3A_125 = tpu.memref_slice %arg5[%add3A_37, %dma_wait3A_124] : memref<200x128xi32, #tpu.memory_space<vmem>> -> memref<1x128xi32, #tpu.memory_space<vmem>>
      %dma_wait3A_126 = tpu.memref_squeeze %dma_wait3A_125 : memref<1x128xi32, #tpu.memory_space<vmem>> -> memref<128xi32, #tpu.memory_space<vmem>>
      %dma_wait3A_127 = arith.constant 0 : i32
      %dma_wait3A_128 = arith.constant 0 : i32
      %dma_wait3A_129 = tpu.memref_slice %arg2[%dma_wait3A_127, %dma_wait3A_128] : memref<1024000x64xf32, #tpu.memory_space<hbm>> -> memref<1024000x64xf32, #tpu.memory_space<hbm>>
      tpu.wait_indirect_dma semaphore(%arg9 : memref<!tpu.dma_semaphore, #tpu.memory_space<semaphore_mem>>) src(%dma_wait3A_129 : memref<1024000x64xf32, #tpu.memory_space<hbm>>) dst(%dma_wait3A_123 : memref<128x64xf32, #tpu.memory_space<vmem>>)
      %add3A_130 = arith.addi %mul3A_2, %mul3A_10 : i32
      %add3A_131 = arith.constant 2 : i32
      %add3A_132 = arith.addi %add3A_130, %add3A_131 : i32
      %mul3A_133 = arith.constant 128 : i32
      %mul3A_134 = arith.muli %add3A_132, %mul3A_133 : i32
      %dma_start3A_135 = arith.constant 2 : i32
      %dma_start3A_136 = arith.constant 0 : i32
      %dma_start3A_137 = arith.constant 0 : i32
      %dma_start3A_138 = tpu.memref_slice %arg6[%dma_start3A_135, %dma_start3A_136, %dma_start3A_137] : memref<4x128x64xf32, #tpu.memory_space<vmem>> -> memref<1x128x64xf32, #tpu.memory_space<vmem>>
      %dma_start3A_139 = tpu.memref_squeeze %dma_start3A_138 : memref<1x128x64xf32, #tpu.memory_space<vmem>> -> memref<128x64xf32, #tpu.memory_space<vmem>>
      %dma_start3A_140 = arith.constant 0 : i32
      %dma_start3A_141 = tpu.memref_slice %arg4[%mul3A_134, %dma_start3A_140] : memref<819200x64xf32, #tpu.memory_space<hbm>> -> memref<128x64xf32, #tpu.memory_space<hbm>>
      %dma_start3A_142 = arith.constant 0 : i32
      %dma_start3A_143 = tpu.memref_slice %arg4[%mul3A_134, %dma_start3A_142] : memref<819200x64xf32, #tpu.memory_space<hbm>> -> memref<128x64xf32, #tpu.memory_space<hbm>>
      %dma_start3A_144 = arith.constant 0 : i32
      %dma_start3A_145 = arith.constant 0 : i32
      %dma_start3A_146 = tpu.memref_slice %arg6[%dma_start3A_135, %dma_start3A_144, %dma_start3A_145] : memref<4x128x64xf32, #tpu.memory_space<vmem>> -> memref<1x128x64xf32, #tpu.memory_space<vmem>>
      %dma_start3A_147 = tpu.memref_squeeze %dma_start3A_146 : memref<1x128x64xf32, #tpu.memory_space<vmem>> -> memref<128x64xf32, #tpu.memory_space<vmem>>
      tpu.enqueue_dma source(%dma_start3A_147 : memref<128x64xf32, #tpu.memory_space<vmem>>) target(%dma_start3A_143 : memref<128x64xf32, #tpu.memory_space<hbm>>) target_semaphore(%arg11 : memref<!tpu.dma_semaphore, #tpu.memory_space<semaphore_mem>>)
      %dma_wait3A_148 = arith.constant 3 : i32
      %dma_wait3A_149 = arith.constant 0 : i32
      %dma_wait3A_150 = arith.constant 0 : i32
      %dma_wait3A_151 = tpu.memref_slice %arg6[%dma_wait3A_148, %dma_wait3A_149, %dma_wait3A_150] : memref<4x128x64xf32, #tpu.memory_space<vmem>> -> memref<1x128x64xf32, #tpu.memory_space<vmem>>
      %dma_wait3A_152 = tpu.memref_squeeze %dma_wait3A_151 : memref<1x128x64xf32, #tpu.memory_space<vmem>> -> memref<128x64xf32, #tpu.memory_space<vmem>>
      %dma_wait3A_153 = arith.constant 0 : i32
      %dma_wait3A_154 = tpu.memref_slice %arg5[%add3A_50, %dma_wait3A_153] : memref<200x128xi32, #tpu.memory_space<vmem>> -> memref<1x128xi32, #tpu.memory_space<vmem>>
      %dma_wait3A_155 = tpu.memref_squeeze %dma_wait3A_154 : memref<1x128xi32, #tpu.memory_space<vmem>> -> memref<128xi32, #tpu.memory_space<vmem>>
      %dma_wait3A_156 = arith.constant 0 : i32
      %dma_wait3A_157 = arith.constant 0 : i32
      %dma_wait3A_158 = tpu.memref_slice %arg2[%dma_wait3A_156, %dma_wait3A_157] : memref<1024000x64xf32, #tpu.memory_space<hbm>> -> memref<1024000x64xf32, #tpu.memory_space<hbm>>
      tpu.wait_indirect_dma semaphore(%arg10 : memref<!tpu.dma_semaphore, #tpu.memory_space<semaphore_mem>>) src(%dma_wait3A_158 : memref<1024000x64xf32, #tpu.memory_space<hbm>>) dst(%dma_wait3A_152 : memref<128x64xf32, #tpu.memory_space<vmem>>)
      %add3A_159 = arith.addi %mul3A_2, %mul3A_10 : i32
      %add3A_160 = arith.constant 3 : i32
      %add3A_161 = arith.addi %add3A_159, %add3A_160 : i32
      %mul3A_162 = arith.constant 128 : i32
      %mul3A_163 = arith.muli %add3A_161, %mul3A_162 : i32
      %dma_start3A_164 = arith.constant 3 : i32
      %dma_start3A_165 = arith.constant 0 : i32
      %dma_start3A_166 = arith.constant 0 : i32
      %dma_start3A_167 = tpu.memref_slice %arg6[%dma_start3A_164, %dma_start3A_165, %dma_start3A_166] : memref<4x128x64xf32, #tpu.memory_space<vmem>> -> memref<1x128x64xf32, #tpu.memory_space<vmem>>
      %dma_start3A_168 = tpu.memref_squeeze %dma_start3A_167 : memref<1x128x64xf32, #tpu.memory_space<vmem>> -> memref<128x64xf32, #tpu.memory_space<vmem>>
      %dma_start3A_169 = arith.constant 0 : i32
      %dma_start3A_170 = tpu.memref_slice %arg4[%mul3A_163, %dma_start3A_169] : memref<819200x64xf32, #tpu.memory_space<hbm>> -> memref<128x64xf32, #tpu.memory_space<hbm>>
      %dma_start3A_171 = arith.constant 0 : i32
      %dma_start3A_172 = tpu.memref_slice %arg4[%mul3A_163, %dma_start3A_171] : memref<819200x64xf32, #tpu.memory_space<hbm>> -> memref<128x64xf32, #tpu.memory_space<hbm>>
      %dma_start3A_173 = arith.constant 0 : i32
      %dma_start3A_174 = arith.constant 0 : i32
      %dma_start3A_175 = tpu.memref_slice %arg6[%dma_start3A_164, %dma_start3A_173, %dma_start3A_174] : memref<4x128x64xf32, #tpu.memory_space<vmem>> -> memref<1x128x64xf32, #tpu.memory_space<vmem>>
      %dma_start3A_176 = tpu.memref_squeeze %dma_start3A_175 : memref<1x128x64xf32, #tpu.memory_space<vmem>> -> memref<128x64xf32, #tpu.memory_space<vmem>>
      tpu.enqueue_dma source(%dma_start3A_176 : memref<128x64xf32, #tpu.memory_space<vmem>>) target(%dma_start3A_172 : memref<128x64xf32, #tpu.memory_space<hbm>>) target_semaphore(%arg11 : memref<!tpu.dma_semaphore, #tpu.memory_space<semaphore_mem>>)
      %dma_wait3A_177 = arith.constant 0 : i32
      %dma_wait3A_178 = arith.constant 0 : i32
      %dma_wait3A_179 = arith.constant 0 : i32
      %dma_wait3A_180 = tpu.memref_slice %arg6[%dma_wait3A_177, %dma_wait3A_178, %dma_wait3A_179] : memref<4x128x64xf32, #tpu.memory_space<vmem>> -> memref<1x128x64xf32, #tpu.memory_space<vmem>>
      %dma_wait3A_181 = tpu.memref_squeeze %dma_wait3A_180 : memref<1x128x64xf32, #tpu.memory_space<vmem>> -> memref<128x64xf32, #tpu.memory_space<vmem>>
      %dma_wait3A_182 = arith.constant 0 : i32
      %dma_wait3A_183 = tpu.memref_slice %arg4[%mul3A_76, %dma_wait3A_182] : memref<819200x64xf32, #tpu.memory_space<hbm>> -> memref<128x64xf32, #tpu.memory_space<hbm>>
      %dma_wait3A_184 = arith.constant 0 : i32
      %dma_wait3A_185 = tpu.memref_slice %arg4[%mul3A_76, %dma_wait3A_184] : memref<819200x64xf32, #tpu.memory_space<hbm>> -> memref<128x64xf32, #tpu.memory_space<hbm>>
      %dma_wait3A_186 = arith.constant 0 : i32
      %dma_wait3A_187 = arith.constant 0 : i32
      %dma_wait3A_188 = tpu.memref_slice %arg6[%dma_wait3A_177, %dma_wait3A_186, %dma_wait3A_187] : memref<4x128x64xf32, #tpu.memory_space<vmem>> -> memref<1x128x64xf32, #tpu.memory_space<vmem>>
      %dma_wait3A_189 = tpu.memref_squeeze %dma_wait3A_188 : memref<1x128x64xf32, #tpu.memory_space<vmem>> -> memref<128x64xf32, #tpu.memory_space<vmem>>
      tpu.wait_dma2 semaphore(%arg11 : memref<!tpu.dma_semaphore, #tpu.memory_space<semaphore_mem>>) src(%dma_wait3A_189 : memref<128x64xf32, #tpu.memory_space<vmem>>) dst(%dma_wait3A_185 : memref<128x64xf32, #tpu.memory_space<hbm>>)
      %dma_wait3A_190 = arith.constant 1 : i32
      %dma_wait3A_191 = arith.constant 0 : i32
      %dma_wait3A_192 = arith.constant 0 : i32
      %dma_wait3A_193 = tpu.memref_slice %arg6[%dma_wait3A_190, %dma_wait3A_191, %dma_wait3A_192] : memref<4x128x64xf32, #tpu.memory_space<vmem>> -> memref<1x128x64xf32, #tpu.memory_space<vmem>>
      %dma_wait3A_194 = tpu.memref_squeeze %dma_wait3A_193 : memref<1x128x64xf32, #tpu.memory_space<vmem>> -> memref<128x64xf32, #tpu.memory_space<vmem>>
      %dma_wait3A_195 = arith.constant 0 : i32
      %dma_wait3A_196 = tpu.memref_slice %arg4[%mul3A_105, %dma_wait3A_195] : memref<819200x64xf32, #tpu.memory_space<hbm>> -> memref<128x64xf32, #tpu.memory_space<hbm>>
      %dma_wait3A_197 = arith.constant 0 : i32
      %dma_wait3A_198 = tpu.memref_slice %arg4[%mul3A_105, %dma_wait3A_197] : memref<819200x64xf32, #tpu.memory_space<hbm>> -> memref<128x64xf32, #tpu.memory_space<hbm>>
      %dma_wait3A_199 = arith.constant 0 : i32
      %dma_wait3A_200 = arith.constant 0 : i32
      %dma_wait3A_201 = tpu.memref_slice %arg6[%dma_wait3A_190, %dma_wait3A_199, %dma_wait3A_200] : memref<4x128x64xf32, #tpu.memory_space<vmem>> -> memref<1x128x64xf32, #tpu.memory_space<vmem>>
      %dma_wait3A_202 = tpu.memref_squeeze %dma_wait3A_201 : memref<1x128x64xf32, #tpu.memory_space<vmem>> -> memref<128x64xf32, #tpu.memory_space<vmem>>
      tpu.wait_dma2 semaphore(%arg11 : memref<!tpu.dma_semaphore, #tpu.memory_space<semaphore_mem>>) src(%dma_wait3A_202 : memref<128x64xf32, #tpu.memory_space<vmem>>) dst(%dma_wait3A_198 : memref<128x64xf32, #tpu.memory_space<hbm>>)
      %dma_wait3A_203 = arith.constant 2 : i32
      %dma_wait3A_204 = arith.constant 0 : i32
      %dma_wait3A_205 = arith.constant 0 : i32
      %dma_wait3A_206 = tpu.memref_slice %arg6[%dma_wait3A_203, %dma_wait3A_204, %dma_wait3A_205] : memref<4x128x64xf32, #tpu.memory_space<vmem>> -> memref<1x128x64xf32, #tpu.memory_space<vmem>>
      %dma_wait3A_207 = tpu.memref_squeeze %dma_wait3A_206 : memref<1x128x64xf32, #tpu.memory_space<vmem>> -> memref<128x64xf32, #tpu.memory_space<vmem>>
      %dma_wait3A_208 = arith.constant 0 : i32
      %dma_wait3A_209 = tpu.memref_slice %arg4[%mul3A_134, %dma_wait3A_208] : memref<819200x64xf32, #tpu.memory_space<hbm>> -> memref<128x64xf32, #tpu.memory_space<hbm>>
      %dma_wait3A_210 = arith.constant 0 : i32
      %dma_wait3A_211 = tpu.memref_slice %arg4[%mul3A_134, %dma_wait3A_210] : memref<819200x64xf32, #tpu.memory_space<hbm>> -> memref<128x64xf32, #tpu.memory_space<hbm>>
      %dma_wait3A_212 = arith.constant 0 : i32
      %dma_wait3A_213 = arith.constant 0 : i32
      %dma_wait3A_214 = tpu.memref_slice %arg6[%dma_wait3A_203, %dma_wait3A_212, %dma_wait3A_213] : memref<4x128x64xf32, #tpu.memory_space<vmem>> -> memref<1x128x64xf32, #tpu.memory_space<vmem>>
      %dma_wait3A_215 = tpu.memref_squeeze %dma_wait3A_214 : memref<1x128x64xf32, #tpu.memory_space<vmem>> -> memref<128x64xf32, #tpu.memory_space<vmem>>
      tpu.wait_dma2 semaphore(%arg11 : memref<!tpu.dma_semaphore, #tpu.memory_space<semaphore_mem>>) src(%dma_wait3A_215 : memref<128x64xf32, #tpu.memory_space<vmem>>) dst(%dma_wait3A_211 : memref<128x64xf32, #tpu.memory_space<hbm>>)
      %dma_wait3A_216 = arith.constant 3 : i32
      %dma_wait3A_217 = arith.constant 0 : i32
      %dma_wait3A_218 = arith.constant 0 : i32
      %dma_wait3A_219 = tpu.memref_slice %arg6[%dma_wait3A_216, %dma_wait3A_217, %dma_wait3A_218] : memref<4x128x64xf32, #tpu.memory_space<vmem>> -> memref<1x128x64xf32, #tpu.memory_space<vmem>>
      %dma_wait3A_220 = tpu.memref_squeeze %dma_wait3A_219 : memref<1x128x64xf32, #tpu.memory_space<vmem>> -> memref<128x64xf32, #tpu.memory_space<vmem>>
      %dma_wait3A_221 = arith.constant 0 : i32
      %dma_wait3A_222 = tpu.memref_slice %arg4[%mul3A_163, %dma_wait3A_221] : memref<819200x64xf32, #tpu.memory_space<hbm>> -> memref<128x64xf32, #tpu.memory_space<hbm>>
      %dma_wait3A_223 = arith.constant 0 : i32
      %dma_wait3A_224 = tpu.memref_slice %arg4[%mul3A_163, %dma_wait3A_223] : memref<819200x64xf32, #tpu.memory_space<hbm>> -> memref<128x64xf32, #tpu.memory_space<hbm>>
      %dma_wait3A_225 = arith.constant 0 : i32
      %dma_wait3A_226 = arith.constant 0 : i32
      %dma_wait3A_227 = tpu.memref_slice %arg6[%dma_wait3A_216, %dma_wait3A_225, %dma_wait3A_226] : memref<4x128x64xf32, #tpu.memory_space<vmem>> -> memref<1x128x64xf32, #tpu.memory_space<vmem>>
      %dma_wait3A_228 = tpu.memref_squeeze %dma_wait3A_227 : memref<1x128x64xf32, #tpu.memory_space<vmem>> -> memref<128x64xf32, #tpu.memory_space<vmem>>
      tpu.wait_dma2 semaphore(%arg11 : memref<!tpu.dma_semaphore, #tpu.memory_space<semaphore_mem>>) src(%dma_wait3A_228 : memref<128x64xf32, #tpu.memory_space<vmem>>) dst(%dma_wait3A_224 : memref<128x64xf32, #tpu.memory_space<hbm>>)
    }
    %scan3A_7 = arith.constant 50 : i32
    return
  }
}

module attributes {stable_mosaic.version = 14 : i64} {
  func.func @body(%arg0: i32, %arg1: memref<64x4096xf32, #tpu.memory_space<vmem>>, %arg2: memref<64x4096xf32, #tpu.memory_space<vmem>>, %arg3: memref<4096x128xf32, #tpu.memory_space<vmem>>) attributes {dimension_semantics = [#tpu.dimension_semantics<arbitrary>], iteration_bounds = array<i64: 125>, scalar_prefetch = 0 : i64, scratch_operands = 0 : i64, tpu.core_type = #tpu.core_type<tc>, window_params = [{transform_indices = @transform_0, window_bounds = array<i64: 64, 4096>}, {transform_indices = @transform_1, window_bounds = array<i64: 64, 4096>}, {transform_indices = @transform_2, window_bounds = array<i64: 4096, 128>}]} {
    %get3A = arith.constant 0 : index
    %get3A_0 = arith.constant 0 : index
    %get3A_1 = vector.load %arg1[%get3A, %get3A_0] : memref<64x4096xf32, #tpu.memory_space<vmem>>, vector<64x4096xf32>
    %transpose3A = tpu.transpose %get3A_1, [1, 0] : vector<64x4096xf32> -> vector<4096x64xf32>
    %swap3A = arith.constant 0 : index
    %swap3A_2 = arith.constant 0 : index
    %swap3A_3 = vector.load %arg3[%swap3A, %swap3A_2] : memref<4096x128xf32, #tpu.memory_space<vmem>>, vector<4096x64xf32>
    tpu.vector_store %arg3[%swap3A, %swap3A_2], %transpose3A {strides = array<i32>} : memref<4096x128xf32, #tpu.memory_space<vmem>>, vector<4096x64xf32>,
    %get3A_4 = arith.constant 0 : index
    %get3A_5 = arith.constant 0 : index
    %get3A_6 = vector.load %arg2[%get3A_4, %get3A_5] : memref<64x4096xf32, #tpu.memory_space<vmem>>, vector<64x4096xf32>
    %transpose3A_7 = tpu.transpose %get3A_6, [1, 0] : vector<64x4096xf32> -> vector<4096x64xf32>
    %swap3A_8 = arith.constant 0 : index
    %swap3A_9 = arith.constant 64 : index
    %swap3A_10 = vector.load %arg3[%swap3A_8, %swap3A_9] : memref<4096x128xf32, #tpu.memory_space<vmem>>, vector<4096x64xf32>
    tpu.vector_store %arg3[%swap3A_8, %swap3A_9], %transpose3A_7 {strides = array<i32>} : memref<4096x128xf32, #tpu.memory_space<vmem>>, vector<4096x64xf32>,
    return
  }
  func.func @transform_0(%arg0: i32) -> (i32, i32) {
    %c0_i32 = arith.constant 0 : i32
    %c0_i32_0 = arith.constant 0 : i32
    return %c0_i32, %arg0 : i32, i32
  }
  func.func @transform_1(%arg0: i32) -> (i32, i32) {
    %add3A = arith.constant 125 : i32
    %add3A_0 = arith.addi %arg0, %add3A : i32
    %min3A = arith.constant 244 : i32
    %min3A_1 = arith.minsi %add3A_0, %min3A : i32
    %c0_i32 = arith.constant 0 : i32
    %c0_i32_2 = arith.constant 0 : i32
    return %c0_i32, %min3A_1 : i32, i32
  }
  func.func @transform_2(%arg0: i32) -> (i32, i32) {
    %c0_i32 = arith.constant 0 : i32
    %c0_i32_0 = arith.constant 0 : i32
    return %arg0, %c0_i32 : i32, i32
  }
}

module attributes {stable_mosaic.version = 14 : i64} {
  func.func @body(%arg0: i32, %arg1: memref<8x4096xf32, #tpu.memory_space<vmem>>, %arg2: memref<1x4096xf32, #tpu.memory_space<vmem>>, %arg3: memref<1x64xf32, #tpu.memory_space<vmem>>, %arg4: memref<1x64xf32, #tpu.memory_space<vmem>>, %arg5: memref<8x64x4096xf32, #tpu.memory_space<vmem>>) attributes {dimension_semantics = [#tpu.dimension_semantics<arbitrary>], iteration_bounds = array<i64: 25>, scalar_prefetch = 0 : i64, scratch_operands = 0 : i64, tpu.core_type = #tpu.core_type<tc>, window_params = [{transform_indices = @transform_0, window_bounds = array<i64: 8, 4096>}, {pipeline_mode = #tpu.pipeline_mode<synchronous>, transform_indices = @transform_1, window_bounds = array<i64: 1, 4096>}, {pipeline_mode = #tpu.pipeline_mode<synchronous>, transform_indices = @transform_2, window_bounds = array<i64: 1, 64>}, {pipeline_mode = #tpu.pipeline_mode<synchronous>, transform_indices = @transform_3, window_bounds = array<i64: 1, 64>}, {transform_indices = @transform_4, window_bounds = array<i64: 8, 64, 4096>}]} {
    %get3A = arith.constant 0 : index
    %get3A_0 = arith.constant 0 : index
    %get3A_1 = vector.load %arg2[%get3A, %get3A_0] : memref<1x4096xf32, #tpu.memory_space<vmem>>, vector<1x4096xf32>
    %get3A_2 = arith.constant 0 : index
    %get3A_3 = arith.constant 0 : index
    %get3A_4 = vector.load %arg1[%get3A_2, %get3A_3] : memref<8x4096xf32, #tpu.memory_space<vmem>>, vector<8x4096xf32>
    %sub3A = vector.broadcast %get3A_1 : vector<1x4096xf32> to vector<8x4096xf32>
    %sub3A_5 = arith.subf %sub3A, %get3A_4 : vector<8x4096xf32>
    %add3A = arith.constant 1.000000e+00 : f32
    %add3A_6 = vector.broadcast %add3A : f32 to vector<8x4096xf32>
    %add3A_7 = arith.addf %sub3A_5, %add3A_6 : vector<8x4096xf32>
    %log3A = math.log %add3A_7 : vector<8x4096xf32>
    %get3A_8 = arith.constant 0 : index
    %get3A_9 = arith.constant 0 : index
    %get3A_10 = vector.load %arg3[%get3A_8, %get3A_9] : memref<1x64xf32, #tpu.memory_space<vmem>>, vector<1x64xf32>
    %reshape3A = vector.shape_cast %get3A_10 : vector<1x64xf32> to vector<1x64x1xf32>
    %get3A_11 = arith.constant 0 : index
    %get3A_12 = arith.constant 0 : index
    %get3A_13 = vector.load %arg4[%get3A_11, %get3A_12] : memref<1x64xf32, #tpu.memory_space<vmem>>, vector<1x64xf32>
    %reshape3A_14 = vector.shape_cast %get3A_13 : vector<1x64xf32> to vector<1x64x1xf32>
    %broadcast_in_dim3A = vector.shape_cast %log3A : vector<8x4096xf32> to vector<8x1x4096xf32>
    %mul3A = vector.broadcast %broadcast_in_dim3A : vector<8x1x4096xf32> to vector<8x64x4096xf32>
    %mul3A_15 = vector.broadcast %reshape3A : vector<1x64x1xf32> to vector<8x64x4096xf32>
    %mul3A_16 = arith.mulf %mul3A, %mul3A_15 : vector<8x64x4096xf32>
    %add3A_17 = vector.broadcast %reshape3A_14 : vector<1x64x1xf32> to vector<8x64x4096xf32>
    %add3A_18 = arith.addf %mul3A_16, %add3A_17 : vector<8x64x4096xf32>
    %swap3A = arith.constant 0 : index
    %swap3A_19 = arith.constant 0 : index
    %swap3A_20 = arith.constant 0 : index
    %swap3A_21 = vector.load %arg5[%swap3A, %swap3A_19, %swap3A_20] : memref<8x64x4096xf32, #tpu.memory_space<vmem>>, vector<8x64x4096xf32>
    tpu.vector_store %arg5[%swap3A, %swap3A_19, %swap3A_20], %add3A_18 {strides = array<i32>} : memref<8x64x4096xf32, #tpu.memory_space<vmem>>, vector<8x64x4096xf32>,
    return
  }
  func.func @transform_0(%arg0: i32) -> (i32, i32) {
    %c0_i32 = arith.constant 0 : i32
    %c0_i32_0 = arith.constant 0 : i32
    return %arg0, %c0_i32 : i32, i32
  }
  func.func @transform_1(%arg0: i32) -> (i32, i32) {
    %c0_i32 = arith.constant 0 : i32
    %c0_i32_0 = arith.constant 0 : i32
    %c0_i32_1 = arith.constant 0 : i32
    return %c0_i32, %c0_i32_0 : i32, i32
  }
  func.func @transform_2(%arg0: i32) -> (i32, i32) {
    %c0_i32 = arith.constant 0 : i32
    %c0_i32_0 = arith.constant 0 : i32
    %c0_i32_1 = arith.constant 0 : i32
    return %c0_i32, %c0_i32_0 : i32, i32
  }
  func.func @transform_3(%arg0: i32) -> (i32, i32) {
    %c0_i32 = arith.constant 0 : i32
    %c0_i32_0 = arith.constant 0 : i32
    %c0_i32_1 = arith.constant 0 : i32
    return %c0_i32, %c0_i32_0 : i32, i32
  }
  func.func @transform_4(%arg0: i32) -> (i32, i32, i32) {
    %c0_i32 = arith.constant 0 : i32
    %c0_i32_0 = arith.constant 0 : i32
    %c0_i32_1 = arith.constant 0 : i32
    return %arg0, %c0_i32, %c0_i32_0 : i32, i32, i32
  }
}

module attributes {stable_mosaic.version = 14 : i64} {
  func.func @body(%arg0: i32, %arg1: memref<2048x128xf32, #tpu.memory_space<vmem>>, %arg2: memref<1x8x32x8x128xf32, #tpu.memory_space<vmem>>) attributes {dimension_semantics = [#tpu.dimension_semantics<arbitrary>], iteration_bounds = array<i64: 200>, scalar_prefetch = 0 : i64, scratch_operands = 0 : i64, tpu.core_type = #tpu.core_type<tc>, window_params = [{transform_indices = @transform_0, window_bounds = array<i64: 2048, 128>}, {transform_indices = @transform_1, window_bounds = array<i64: 1, 8, 32, 8, 128>}]} {
    %get3A = arith.constant 0 : index
    %get3A_0 = arith.constant 0 : index
    %get3A_1 = vector.load %arg1[%get3A, %get3A_0] : memref<2048x128xf32, #tpu.memory_space<vmem>>, vector<2048x128xf32>
    %transpose3A = tpu.transpose %get3A_1, [1, 0] : vector<2048x128xf32> -> vector<128x2048xf32>
    %slice3A = vector.extract_strided_slice %transpose3A {offsets = [0, 0], sizes = [8, 128], strides = [1, 1]} : vector<128x2048xf32> to vector<8x128xf32>
    %swap3A = arith.constant 0 : index
    %swap3A_2 = arith.constant 0 : index
    %swap3A_3 = arith.constant 0 : index
    %swap3A_4 = arith.constant 0 : index
    %swap3A_5 = arith.constant 0 : index
    %swap3A_6 = vector.load %arg2[%swap3A, %swap3A_2, %swap3A_3, %swap3A_4, %swap3A_5] : memref<1x8x32x8x128xf32, #tpu.memory_space<vmem>>, vector<1x1x1x8x128xf32>
    %swap3A_7 = vector.shape_cast %swap3A_6 : vector<1x1x1x8x128xf32> to vector<8x128xf32>
    %swap3A_8 = vector.shape_cast %slice3A : vector<8x128xf32> to vector<1x1x1x8x128xf32>
    tpu.vector_store %arg2[%swap3A, %swap3A_2, %swap3A_3, %swap3A_4, %swap3A_5], %swap3A_8 {strides = array<i32>} : memref<1x8x32x8x128xf32, #tpu.memory_space<vmem>>, vector<1x1x1x8x128xf32>,
    %slice3A_9 = vector.extract_strided_slice %transpose3A {offsets = [8, 0], sizes = [8, 128], strides = [1, 1]} : vector<128x2048xf32> to vector<8x128xf32>
    %swap3A_10 = arith.constant 0 : index
    %swap3A_11 = arith.constant 1 : index
    %swap3A_12 = arith.constant 0 : index
    %swap3A_13 = arith.constant 0 : index
    %swap3A_14 = arith.constant 0 : index
    %swap3A_15 = vector.load %arg2[%swap3A_10, %swap3A_11, %swap3A_12, %swap3A_13, %swap3A_14] : memref<1x8x32x8x128xf32, #tpu.memory_space<vmem>>, vector<1x1x1x8x128xf32>
    %swap3A_16 = vector.shape_cast %swap3A_15 : vector<1x1x1x8x128xf32> to vector<8x128xf32>
    %swap3A_17 = vector.shape_cast %slice3A_9 : vector<8x128xf32> to vector<1x1x1x8x128xf32>
    tpu.vector_store %arg2[%swap3A_10, %swap3A_11, %swap3A_12, %swap3A_13, %swap3A_14], %swap3A_17 {strides = array<i32>} : memref<1x8x32x8x128xf32, #tpu.memory_space<vmem>>, vector<1x1x1x8x128xf32>,
    %slice3A_18 = vector.extract_strided_slice %transpose3A {offsets = [16, 0], sizes = [8, 128], strides = [1, 1]} : vector<128x2048xf32> to vector<8x128xf32>
    %swap3A_19 = arith.constant 0 : index
    %swap3A_20 = arith.constant 2 : index
    %swap3A_21 = arith.constant 0 : index
    %swap3A_22 = arith.constant 0 : index
    %swap3A_23 = arith.constant 0 : index
    %swap3A_24 = vector.load %arg2[%swap3A_19, %swap3A_20, %swap3A_21, %swap3A_22, %swap3A_23] : memref<1x8x32x8x128xf32, #tpu.memory_space<vmem>>, vector<1x1x1x8x128xf32>
    %swap3A_25 = vector.shape_cast %swap3A_24 : vector<1x1x1x8x128xf32> to vector<8x128xf32>
    %swap3A_26 = vector.shape_cast %slice3A_18 : vector<8x128xf32> to vector<1x1x1x8x128xf32>
    tpu.vector_store %arg2[%swap3A_19, %swap3A_20, %swap3A_21, %swap3A_22, %swap3A_23], %swap3A_26 {strides = array<i32>} : memref<1x8x32x8x128xf32, #tpu.memory_space<vmem>>, vector<1x1x1x8x128xf32>,
    %slice3A_27 = vector.extract_strided_slice %transpose3A {offsets = [24, 0], sizes = [8, 128], strides = [1, 1]} : vector<128x2048xf32> to vector<8x128xf32>
    %swap3A_28 = arith.constant 0 : index
    %swap3A_29 = arith.constant 3 : index
    %swap3A_30 = arith.constant 0 : index
    %swap3A_31 = arith.constant 0 : index
    %swap3A_32 = arith.constant 0 : index
    %swap3A_33 = vector.load %arg2[%swap3A_28, %swap3A_29, %swap3A_30, %swap3A_31, %swap3A_32] : memref<1x8x32x8x128xf32, #tpu.memory_space<vmem>>, vector<1x1x1x8x128xf32>
    %swap3A_34 = vector.shape_cast %swap3A_33 : vector<1x1x1x8x128xf32> to vector<8x128xf32>
    %swap3A_35 = vector.shape_cast %slice3A_27 : vector<8x128xf32> to vector<1x1x1x8x128xf32>
    tpu.vector_store %arg2[%swap3A_28, %swap3A_29, %swap3A_30, %swap3A_31, %swap3A_32], %swap3A_35 {strides = array<i32>} : memref<1x8x32x8x128xf32, #tpu.memory_space<vmem>>, vector<1x1x1x8x128xf32>,
    %slice3A_36 = vector.extract_strided_slice %transpose3A {offsets = [32, 0], sizes = [8, 128], strides = [1, 1]} : vector<128x2048xf32> to vector<8x128xf32>
    %swap3A_37 = arith.constant 0 : index
    %swap3A_38 = arith.constant 4 : index
    %swap3A_39 = arith.constant 0 : index
    %swap3A_40 = arith.constant 0 : index
    %swap3A_41 = arith.constant 0 : index
    %swap3A_42 = vector.load %arg2[%swap3A_37, %swap3A_38, %swap3A_39, %swap3A_40, %swap3A_41] : memref<1x8x32x8x128xf32, #tpu.memory_space<vmem>>, vector<1x1x1x8x128xf32>
    %swap3A_43 = vector.shape_cast %swap3A_42 : vector<1x1x1x8x128xf32> to vector<8x128xf32>
    %swap3A_44 = vector.shape_cast %slice3A_36 : vector<8x128xf32> to vector<1x1x1x8x128xf32>
    tpu.vector_store %arg2[%swap3A_37, %swap3A_38, %swap3A_39, %swap3A_40, %swap3A_41], %swap3A_44 {strides = array<i32>} : memref<1x8x32x8x128xf32, #tpu.memory_space<vmem>>, vector<1x1x1x8x128xf32>,
    %slice3A_45 = vector.extract_strided_slice %transpose3A {offsets = [40, 0], sizes = [8, 128], strides = [1, 1]} : vector<128x2048xf32> to vector<8x128xf32>
    %swap3A_46 = arith.constant 0 : index
    %swap3A_47 = arith.constant 5 : index
    %swap3A_48 = arith.constant 0 : index
    %swap3A_49 = arith.constant 0 : index
    %swap3A_50 = arith.constant 0 : index
    %swap3A_51 = vector.load %arg2[%swap3A_46, %swap3A_47, %swap3A_48, %swap3A_49, %swap3A_50] : memref<1x8x32x8x128xf32, #tpu.memory_space<vmem>>, vector<1x1x1x8x128xf32>
    %swap3A_52 = vector.shape_cast %swap3A_51 : vector<1x1x1x8x128xf32> to vector<8x128xf32>
    %swap3A_53 = vector.shape_cast %slice3A_45 : vector<8x128xf32> to vector<1x1x1x8x128xf32>
    tpu.vector_store %arg2[%swap3A_46, %swap3A_47, %swap3A_48, %swap3A_49, %swap3A_50], %swap3A_53 {strides = array<i32>} : memref<1x8x32x8x128xf32, #tpu.memory_space<vmem>>, vector<1x1x1x8x128xf32>,
    %slice3A_54 = vector.extract_strided_slice %transpose3A {offsets = [48, 0], sizes = [8, 128], strides = [1, 1]} : vector<128x2048xf32> to vector<8x128xf32>
    %swap3A_55 = arith.constant 0 : index
    %swap3A_56 = arith.constant 6 : index
    %swap3A_57 = arith.constant 0 : index
    %swap3A_58 = arith.constant 0 : index
    %swap3A_59 = arith.constant 0 : index
    %swap3A_60 = vector.load %arg2[%swap3A_55, %swap3A_56, %swap3A_57, %swap3A_58, %swap3A_59] : memref<1x8x32x8x128xf32, #tpu.memory_space<vmem>>, vector<1x1x1x8x128xf32>
    %swap3A_61 = vector.shape_cast %swap3A_60 : vector<1x1x1x8x128xf32> to vector<8x128xf32>
    %swap3A_62 = vector.shape_cast %slice3A_54 : vector<8x128xf32> to vector<1x1x1x8x128xf32>
    tpu.vector_store %arg2[%swap3A_55, %swap3A_56, %swap3A_57, %swap3A_58, %swap3A_59], %swap3A_62 {strides = array<i32>} : memref<1x8x32x8x128xf32, #tpu.memory_space<vmem>>, vector<1x1x1x8x128xf32>,
    %slice3A_63 = vector.extract_strided_slice %transpose3A {offsets = [56, 0], sizes = [8, 128], strides = [1, 1]} : vector<128x2048xf32> to vector<8x128xf32>
    %swap3A_64 = arith.constant 0 : index
    %swap3A_65 = arith.constant 7 : index
    %swap3A_66 = arith.constant 0 : index
    %swap3A_67 = arith.constant 0 : index
    %swap3A_68 = arith.constant 0 : index
    %swap3A_69 = vector.load %arg2[%swap3A_64, %swap3A_65, %swap3A_66, %swap3A_67, %swap3A_68] : memref<1x8x32x8x128xf32, #tpu.memory_space<vmem>>, vector<1x1x1x8x128xf32>
    %swap3A_70 = vector.shape_cast %swap3A_69 : vector<1x1x1x8x128xf32> to vector<8x128xf32>
    %swap3A_71 = vector.shape_cast %slice3A_63 : vector<8x128xf32> to vector<1x1x1x8x128xf32>
    tpu.vector_store %arg2[%swap3A_64, %swap3A_65, %swap3A_66, %swap3A_67, %swap3A_68], %swap3A_71 {strides = array<i32>} : memref<1x8x32x8x128xf32, #tpu.memory_space<vmem>>, vector<1x1x1x8x128xf32>,
    %slice3A_72 = vector.extract_strided_slice %transpose3A {offsets = [0, 128], sizes = [8, 128], strides = [1, 1]} : vector<128x2048xf32> to vector<8x128xf32>
    %swap3A_73 = arith.constant 0 : index
    %swap3A_74 = arith.constant 0 : index
    %swap3A_75 = arith.constant 1 : index
    %swap3A_76 = arith.constant 0 : index
    %swap3A_77 = arith.constant 0 : index
    %swap3A_78 = vector.load %arg2[%swap3A_73, %swap3A_74, %swap3A_75, %swap3A_76, %swap3A_77] : memref<1x8x32x8x128xf32, #tpu.memory_space<vmem>>, vector<1x1x1x8x128xf32>
    %swap3A_79 = vector.shape_cast %swap3A_78 : vector<1x1x1x8x128xf32> to vector<8x128xf32>
    %swap3A_80 = vector.shape_cast %slice3A_72 : vector<8x128xf32> to vector<1x1x1x8x128xf32>
    tpu.vector_store %arg2[%swap3A_73, %swap3A_74, %swap3A_75, %swap3A_76, %swap3A_77], %swap3A_80 {strides = array<i32>} : memref<1x8x32x8x128xf32, #tpu.memory_space<vmem>>, vector<1x1x1x8x128xf32>,
    %slice3A_81 = vector.extract_strided_slice %transpose3A {offsets = [8, 128], sizes = [8, 128], strides = [1, 1]} : vector<128x2048xf32> to vector<8x128xf32>
    %swap3A_82 = arith.constant 0 : index
    %swap3A_83 = arith.constant 1 : index
    %swap3A_84 = arith.constant 1 : index
    %swap3A_85 = arith.constant 0 : index
    %swap3A_86 = arith.constant 0 : index
    %swap3A_87 = vector.load %arg2[%swap3A_82, %swap3A_83, %swap3A_84, %swap3A_85, %swap3A_86] : memref<1x8x32x8x128xf32, #tpu.memory_space<vmem>>, vector<1x1x1x8x128xf32>
    %swap3A_88 = vector.shape_cast %swap3A_87 : vector<1x1x1x8x128xf32> to vector<8x128xf32>
    %swap3A_89 = vector.shape_cast %slice3A_81 : vector<8x128xf32> to vector<1x1x1x8x128xf32>
    tpu.vector_store %arg2[%swap3A_82, %swap3A_83, %swap3A_84, %swap3A_85, %swap3A_86], %swap3A_89 {strides = array<i32>} : memref<1x8x32x8x128xf32, #tpu.memory_space<vmem>>, vector<1x1x1x8x128xf32>,
    %slice3A_90 = vector.extract_strided_slice %transpose3A {offsets = [16, 128], sizes = [8, 128], strides = [1, 1]} : vector<128x2048xf32> to vector<8x128xf32>
    %swap3A_91 = arith.constant 0 : index
    %swap3A_92 = arith.constant 2 : index
    %swap3A_93 = arith.constant 1 : index
    %swap3A_94 = arith.constant 0 : index
    %swap3A_95 = arith.constant 0 : index
    %swap3A_96 = vector.load %arg2[%swap3A_91, %swap3A_92, %swap3A_93, %swap3A_94, %swap3A_95] : memref<1x8x32x8x128xf32, #tpu.memory_space<vmem>>, vector<1x1x1x8x128xf32>
    %swap3A_97 = vector.shape_cast %swap3A_96 : vector<1x1x1x8x128xf32> to vector<8x128xf32>
    %swap3A_98 = vector.shape_cast %slice3A_90 : vector<8x128xf32> to vector<1x1x1x8x128xf32>
    tpu.vector_store %arg2[%swap3A_91, %swap3A_92, %swap3A_93, %swap3A_94, %swap3A_95], %swap3A_98 {strides = array<i32>} : memref<1x8x32x8x128xf32, #tpu.memory_space<vmem>>, vector<1x1x1x8x128xf32>,
    %slice3A_99 = vector.extract_strided_slice %transpose3A {offsets = [24, 128], sizes = [8, 128], strides = [1, 1]} : vector<128x2048xf32> to vector<8x128xf32>
    %swap3A_100 = arith.constant 0 : index
    %swap3A_101 = arith.constant 3 : index
    %swap3A_102 = arith.constant 1 : index
    %swap3A_103 = arith.constant 0 : index
    %swap3A_104 = arith.constant 0 : index
    %swap3A_105 = vector.load %arg2[%swap3A_100, %swap3A_101, %swap3A_102, %swap3A_103, %swap3A_104] : memref<1x8x32x8x128xf32, #tpu.memory_space<vmem>>, vector<1x1x1x8x128xf32>
    %swap3A_106 = vector.shape_cast %swap3A_105 : vector<1x1x1x8x128xf32> to vector<8x128xf32>
    %swap3A_107 = vector.shape_cast %slice3A_99 : vector<8x128xf32> to vector<1x1x1x8x128xf32>
    tpu.vector_store %arg2[%swap3A_100, %swap3A_101, %swap3A_102, %swap3A_103, %swap3A_104], %swap3A_107 {strides = array<i32>} : memref<1x8x32x8x128xf32, #tpu.memory_space<vmem>>, vector<1x1x1x8x128xf32>,
    %slice3A_108 = vector.extract_strided_slice %transpose3A {offsets = [32, 128], sizes = [8, 128], strides = [1, 1]} : vector<128x2048xf32> to vector<8x128xf32>
    %swap3A_109 = arith.constant 0 : index
    %swap3A_110 = arith.constant 4 : index
    %swap3A_111 = arith.constant 1 : index
    %swap3A_112 = arith.constant 0 : index
    %swap3A_113 = arith.constant 0 : index
    %swap3A_114 = vector.load %arg2[%swap3A_109, %swap3A_110, %swap3A_111, %swap3A_112, %swap3A_113] : memref<1x8x32x8x128xf32, #tpu.memory_space<vmem>>, vector<1x1x1x8x128xf32>
    %swap3A_115 = vector.shape_cast %swap3A_114 : vector<1x1x1x8x128xf32> to vector<8x128xf32>
    %swap3A_116 = vector.shape_cast %slice3A_108 : vector<8x128xf32> to vector<1x1x1x8x128xf32>
    tpu.vector_store %arg2[%swap3A_109, %swap3A_110, %swap3A_111, %swap3A_112, %swap3A_113], %swap3A_116 {strides = array<i32>} : memref<1x8x32x8x128xf32, #tpu.memory_space<vmem>>, vector<1x1x1x8x128xf32>,
    %slice3A_117 = vector.extract_strided_slice %transpose3A {offsets = [40, 128], sizes = [8, 128], strides = [1, 1]} : vector<128x2048xf32> to vector<8x128xf32>
    %swap3A_118 = arith.constant 0 : index
    %swap3A_119 = arith.constant 5 : index
    %swap3A_120 = arith.constant 1 : index
    %swap3A_121 = arith.constant 0 : index
    %swap3A_122 = arith.constant 0 : index
    %swap3A_123 = vector.load %arg2[%swap3A_118, %swap3A_119, %swap3A_120, %swap3A_121, %swap3A_122] : memref<1x8x32x8x128xf32, #tpu.memory_space<vmem>>, vector<1x1x1x8x128xf32>
    %swap3A_124 = vector.shape_cast %swap3A_123 : vector<1x1x1x8x128xf32> to vector<8x128xf32>
    %swap3A_125 = vector.shape_cast %slice3A_117 : vector<8x128xf32> to vector<1x1x1x8x128xf32>
    tpu.vector_store %arg2[%swap3A_118, %swap3A_119, %swap3A_120, %swap3A_121, %swap3A_122], %swap3A_125 {strides = array<i32>} : memref<1x8x32x8x128xf32, #tpu.memory_space<vmem>>, vector<1x1x1x8x128xf32>,
    %slice3A_126 = vector.extract_strided_slice %transpose3A {offsets = [48, 128], sizes = [8, 128], strides = [1, 1]} : vector<128x2048xf32> to vector<8x128xf32>
    %swap3A_127 = arith.constant 0 : index
    %swap3A_128 = arith.constant 6 : index
    %swap3A_129 = arith.constant 1 : index
    %swap3A_130 = arith.constant 0 : index
    %swap3A_131 = arith.constant 0 : index
    %swap3A_132 = vector.load %arg2[%swap3A_127, %swap3A_128, %swap3A_129, %swap3A_130, %swap3A_131] : memref<1x8x32x8x128xf32, #tpu.memory_space<vmem>>, vector<1x1x1x8x128xf32>
    %swap3A_133 = vector.shape_cast %swap3A_132 : vector<1x1x1x8x128xf32> to vector<8x128xf32>
    %swap3A_134 = vector.shape_cast %slice3A_126 : vector<8x128xf32> to vector<1x1x1x8x128xf32>
    tpu.vector_store %arg2[%swap3A_127, %swap3A_128, %swap3A_129, %swap3A_130, %swap3A_131], %swap3A_134 {strides = array<i32>} : memref<1x8x32x8x128xf32, #tpu.memory_space<vmem>>, vector<1x1x1x8x128xf32>,
    %slice3A_135 = vector.extract_strided_slice %transpose3A {offsets = [56, 128], sizes = [8, 128], strides = [1, 1]} : vector<128x2048xf32> to vector<8x128xf32>
    %swap3A_136 = arith.constant 0 : index
    %swap3A_137 = arith.constant 7 : index
    %swap3A_138 = arith.constant 1 : index
    %swap3A_139 = arith.constant 0 : index
    %swap3A_140 = arith.constant 0 : index
    %swap3A_141 = vector.load %arg2[%swap3A_136, %swap3A_137, %swap3A_138, %swap3A_139, %swap3A_140] : memref<1x8x32x8x128xf32, #tpu.memory_space<vmem>>, vector<1x1x1x8x128xf32>
    %swap3A_142 = vector.shape_cast %swap3A_141 : vector<1x1x1x8x128xf32> to vector<8x128xf32>
    %swap3A_143 = vector.shape_cast %slice3A_135 : vector<8x128xf32> to vector<1x1x1x8x128xf32>
    tpu.vector_store %arg2[%swap3A_136, %swap3A_137, %swap3A_138, %swap3A_139, %swap3A_140], %swap3A_143 {strides = array<i32>} : memref<1x8x32x8x128xf32, #tpu.memory_space<vmem>>, vector<1x1x1x8x128xf32>,
    %slice3A_144 = vector.extract_strided_slice %transpose3A {offsets = [0, 256], sizes = [8, 128], strides = [1, 1]} : vector<128x2048xf32> to vector<8x128xf32>
    %swap3A_145 = arith.constant 0 : index
    %swap3A_146 = arith.constant 0 : index
    %swap3A_147 = arith.constant 2 : index
    %swap3A_148 = arith.constant 0 : index
    %swap3A_149 = arith.constant 0 : index
    %swap3A_150 = vector.load %arg2[%swap3A_145, %swap3A_146, %swap3A_147, %swap3A_148, %swap3A_149] : memref<1x8x32x8x128xf32, #tpu.memory_space<vmem>>, vector<1x1x1x8x128xf32>
    %swap3A_151 = vector.shape_cast %swap3A_150 : vector<1x1x1x8x128xf32> to vector<8x128xf32>
    %swap3A_152 = vector.shape_cast %slice3A_144 : vector<8x128xf32> to vector<1x1x1x8x128xf32>
    tpu.vector_store %arg2[%swap3A_145, %swap3A_146, %swap3A_147, %swap3A_148, %swap3A_149], %swap3A_152 {strides = array<i32>} : memref<1x8x32x8x128xf32, #tpu.memory_space<vmem>>, vector<1x1x1x8x128xf32>,
    %slice3A_153 = vector.extract_strided_slice %transpose3A {offsets = [8, 256], sizes = [8, 128], strides = [1, 1]} : vector<128x2048xf32> to vector<8x128xf32>
    %swap3A_154 = arith.constant 0 : index
    %swap3A_155 = arith.constant 1 : index
    %swap3A_156 = arith.constant 2 : index
    %swap3A_157 = arith.constant 0 : index
    %swap3A_158 = arith.constant 0 : index
    %swap3A_159 = vector.load %arg2[%swap3A_154, %swap3A_155, %swap3A_156, %swap3A_157, %swap3A_158] : memref<1x8x32x8x128xf32, #tpu.memory_space<vmem>>, vector<1x1x1x8x128xf32>
    %swap3A_160 = vector.shape_cast %swap3A_159 : vector<1x1x1x8x128xf32> to vector<8x128xf32>
    %swap3A_161 = vector.shape_cast %slice3A_153 : vector<8x128xf32> to vector<1x1x1x8x128xf32>
    tpu.vector_store %arg2[%swap3A_154, %swap3A_155, %swap3A_156, %swap3A_157, %swap3A_158], %swap3A_161 {strides = array<i32>} : memref<1x8x32x8x128xf32, #tpu.memory_space<vmem>>, vector<1x1x1x8x128xf32>,
    %slice3A_162 = vector.extract_strided_slice %transpose3A {offsets = [16, 256], sizes = [8, 128], strides = [1, 1]} : vector<128x2048xf32> to vector<8x128xf32>
    %swap3A_163 = arith.constant 0 : index
    %swap3A_164 = arith.constant 2 : index
    %swap3A_165 = arith.constant 2 : index
    %swap3A_166 = arith.constant 0 : index
    %swap3A_167 = arith.constant 0 : index
    %swap3A_168 = vector.load %arg2[%swap3A_163, %swap3A_164, %swap3A_165, %swap3A_166, %swap3A_167] : memref<1x8x32x8x128xf32, #tpu.memory_space<vmem>>, vector<1x1x1x8x128xf32>
    %swap3A_169 = vector.shape_cast %swap3A_168 : vector<1x1x1x8x128xf32> to vector<8x128xf32>
    %swap3A_170 = vector.shape_cast %slice3A_162 : vector<8x128xf32> to vector<1x1x1x8x128xf32>
    tpu.vector_store %arg2[%swap3A_163, %swap3A_164, %swap3A_165, %swap3A_166, %swap3A_167], %swap3A_170 {strides = array<i32>} : memref<1x8x32x8x128xf32, #tpu.memory_space<vmem>>, vector<1x1x1x8x128xf32>,
    %slice3A_171 = vector.extract_strided_slice %transpose3A {offsets = [24, 256], sizes = [8, 128], strides = [1, 1]} : vector<128x2048xf32> to vector<8x128xf32>
    %swap3A_172 = arith.constant 0 : index
    %swap3A_173 = arith.constant 3 : index
    %swap3A_174 = arith.constant 2 : index
    %swap3A_175 = arith.constant 0 : index
    %swap3A_176 = arith.constant 0 : index
    %swap3A_177 = vector.load %arg2[%swap3A_172, %swap3A_173, %swap3A_174, %swap3A_175, %swap3A_176] : memref<1x8x32x8x128xf32, #tpu.memory_space<vmem>>, vector<1x1x1x8x128xf32>
    %swap3A_178 = vector.shape_cast %swap3A_177 : vector<1x1x1x8x128xf32> to vector<8x128xf32>
    %swap3A_179 = vector.shape_cast %slice3A_171 : vector<8x128xf32> to vector<1x1x1x8x128xf32>
    tpu.vector_store %arg2[%swap3A_172, %swap3A_173, %swap3A_174, %swap3A_175, %swap3A_176], %swap3A_179 {strides = array<i32>} : memref<1x8x32x8x128xf32, #tpu.memory_space<vmem>>, vector<1x1x1x8x128xf32>,
    %slice3A_180 = vector.extract_strided_slice %transpose3A {offsets = [32, 256], sizes = [8, 128], strides = [1, 1]} : vector<128x2048xf32> to vector<8x128xf32>
    %swap3A_181 = arith.constant 0 : index
    %swap3A_182 = arith.constant 4 : index
    %swap3A_183 = arith.constant 2 : index
    %swap3A_184 = arith.constant 0 : index
    %swap3A_185 = arith.constant 0 : index
    %swap3A_186 = vector.load %arg2[%swap3A_181, %swap3A_182, %swap3A_183, %swap3A_184, %swap3A_185] : memref<1x8x32x8x128xf32, #tpu.memory_space<vmem>>, vector<1x1x1x8x128xf32>
    %swap3A_187 = vector.shape_cast %swap3A_186 : vector<1x1x1x8x128xf32> to vector<8x128xf32>
    %swap3A_188 = vector.shape_cast %slice3A_180 : vector<8x128xf32> to vector<1x1x1x8x128xf32>
    tpu.vector_store %arg2[%swap3A_181, %swap3A_182, %swap3A_183, %swap3A_184, %swap3A_185], %swap3A_188 {strides = array<i32>} : memref<1x8x32x8x128xf32, #tpu.memory_space<vmem>>, vector<1x1x1x8x128xf32>,
    %slice3A_189 = vector.extract_strided_slice %transpose3A {offsets = [40, 256], sizes = [8, 128], strides = [1, 1]} : vector<128x2048xf32> to vector<8x128xf32>
    %swap3A_190 = arith.constant 0 : index
    %swap3A_191 = arith.constant 5 : index
    %swap3A_192 = arith.constant 2 : index
    %swap3A_193 = arith.constant 0 : index
    %swap3A_194 = arith.constant 0 : index
    %swap3A_195 = vector.load %arg2[%swap3A_190, %swap3A_191, %swap3A_192, %swap3A_193, %swap3A_194] : memref<1x8x32x8x128xf32, #tpu.memory_space<vmem>>, vector<1x1x1x8x128xf32>
    %swap3A_196 = vector.shape_cast %swap3A_195 : vector<1x1x1x8x128xf32> to vector<8x128xf32>
    %swap3A_197 = vector.shape_cast %slice3A_189 : vector<8x128xf32> to vector<1x1x1x8x128xf32>
    tpu.vector_store %arg2[%swap3A_190, %swap3A_191, %swap3A_192, %swap3A_193, %swap3A_194], %swap3A_197 {strides = array<i32>} : memref<1x8x32x8x128xf32, #tpu.memory_space<vmem>>, vector<1x1x1x8x128xf32>,
    %slice3A_198 = vector.extract_strided_slice %transpose3A {offsets = [48, 256], sizes = [8, 128], strides = [1, 1]} : vector<128x2048xf32> to vector<8x128xf32>
    %swap3A_199 = arith.constant 0 : index
    %swap3A_200 = arith.constant 6 : index
    %swap3A_201 = arith.constant 2 : index
    %swap3A_202 = arith.constant 0 : index
    %swap3A_203 = arith.constant 0 : index
    %swap3A_204 = vector.load %arg2[%swap3A_199, %swap3A_200, %swap3A_201, %swap3A_202, %swap3A_203] : memref<1x8x32x8x128xf32, #tpu.memory_space<vmem>>, vector<1x1x1x8x128xf32>
    %swap3A_205 = vector.shape_cast %swap3A_204 : vector<1x1x1x8x128xf32> to vector<8x128xf32>
    %swap3A_206 = vector.shape_cast %slice3A_198 : vector<8x128xf32> to vector<1x1x1x8x128xf32>
    tpu.vector_store %arg2[%swap3A_199, %swap3A_200, %swap3A_201, %swap3A_202, %swap3A_203], %swap3A_206 {strides = array<i32>} : memref<1x8x32x8x128xf32, #tpu.memory_space<vmem>>, vector<1x1x1x8x128xf32>,
    %slice3A_207 = vector.extract_strided_slice %transpose3A {offsets = [56, 256], sizes = [8, 128], strides = [1, 1]} : vector<128x2048xf32> to vector<8x128xf32>
    %swap3A_208 = arith.constant 0 : index
    %swap3A_209 = arith.constant 7 : index
    %swap3A_210 = arith.constant 2 : index
    %swap3A_211 = arith.constant 0 : index
    %swap3A_212 = arith.constant 0 : index
    %swap3A_213 = vector.load %arg2[%swap3A_208, %swap3A_209, %swap3A_210, %swap3A_211, %swap3A_212] : memref<1x8x32x8x128xf32, #tpu.memory_space<vmem>>, vector<1x1x1x8x128xf32>
    %swap3A_214 = vector.shape_cast %swap3A_213 : vector<1x1x1x8x128xf32> to vector<8x128xf32>
    %swap3A_215 = vector.shape_cast %slice3A_207 : vector<8x128xf32> to vector<1x1x1x8x128xf32>
    tpu.vector_store %arg2[%swap3A_208, %swap3A_209, %swap3A_210, %swap3A_211, %swap3A_212], %swap3A_215 {strides = array<i32>} : memref<1x8x32x8x128xf32, #tpu.memory_space<vmem>>, vector<1x1x1x8x128xf32>,
    %slice3A_216 = vector.extract_strided_slice %transpose3A {offsets = [0, 384], sizes = [8, 128], strides = [1, 1]} : vector<128x2048xf32> to vector<8x128xf32>
    %swap3A_217 = arith.constant 0 : index
    %swap3A_218 = arith.constant 0 : index
    %swap3A_219 = arith.constant 3 : index
    %swap3A_220 = arith.constant 0 : index
    %swap3A_221 = arith.constant 0 : index
    %swap3A_222 = vector.load %arg2[%swap3A_217, %swap3A_218, %swap3A_219, %swap3A_220, %swap3A_221] : memref<1x8x32x8x128xf32, #tpu.memory_space<vmem>>, vector<1x1x1x8x128xf32>
    %swap3A_223 = vector.shape_cast %swap3A_222 : vector<1x1x1x8x128xf32> to vector<8x128xf32>
    %swap3A_224 = vector.shape_cast %slice3A_216 : vector<8x128xf32> to vector<1x1x1x8x128xf32>
    tpu.vector_store %arg2[%swap3A_217, %swap3A_218, %swap3A_219, %swap3A_220, %swap3A_221], %swap3A_224 {strides = array<i32>} : memref<1x8x32x8x128xf32, #tpu.memory_space<vmem>>, vector<1x1x1x8x128xf32>,
    %slice3A_225 = vector.extract_strided_slice %transpose3A {offsets = [8, 384], sizes = [8, 128], strides = [1, 1]} : vector<128x2048xf32> to vector<8x128xf32>
    %swap3A_226 = arith.constant 0 : index
    %swap3A_227 = arith.constant 1 : index
    %swap3A_228 = arith.constant 3 : index
    %swap3A_229 = arith.constant 0 : index
    %swap3A_230 = arith.constant 0 : index
    %swap3A_231 = vector.load %arg2[%swap3A_226, %swap3A_227, %swap3A_228, %swap3A_229, %swap3A_230] : memref<1x8x32x8x128xf32, #tpu.memory_space<vmem>>, vector<1x1x1x8x128xf32>
    %swap3A_232 = vector.shape_cast %swap3A_231 : vector<1x1x1x8x128xf32> to vector<8x128xf32>
    %swap3A_233 = vector.shape_cast %slice3A_225 : vector<8x128xf32> to vector<1x1x1x8x128xf32>
    tpu.vector_store %arg2[%swap3A_226, %swap3A_227, %swap3A_228, %swap3A_229, %swap3A_230], %swap3A_233 {strides = array<i32>} : memref<1x8x32x8x128xf32, #tpu.memory_space<vmem>>, vector<1x1x1x8x128xf32>,
    %slice3A_234 = vector.extract_strided_slice %transpose3A {offsets = [16, 384], sizes = [8, 128], strides = [1, 1]} : vector<128x2048xf32> to vector<8x128xf32>
    %swap3A_235 = arith.constant 0 : index
    %swap3A_236 = arith.constant 2 : index
    %swap3A_237 = arith.constant 3 : index
    %swap3A_238 = arith.constant 0 : index
    %swap3A_239 = arith.constant 0 : index
    %swap3A_240 = vector.load %arg2[%swap3A_235, %swap3A_236, %swap3A_237, %swap3A_238, %swap3A_239] : memref<1x8x32x8x128xf32, #tpu.memory_space<vmem>>, vector<1x1x1x8x128xf32>
    %swap3A_241 = vector.shape_cast %swap3A_240 : vector<1x1x1x8x128xf32> to vector<8x128xf32>
    %swap3A_242 = vector.shape_cast %slice3A_234 : vector<8x128xf32> to vector<1x1x1x8x128xf32>
    tpu.vector_store %arg2[%swap3A_235, %swap3A_236, %swap3A_237, %swap3A_238, %swap3A_239], %swap3A_242 {strides = array<i32>} : memref<1x8x32x8x128xf32, #tpu.memory_space<vmem>>, vector<1x1x1x8x128xf32>,
    %slice3A_243 = vector.extract_strided_slice %transpose3A {offsets = [24, 384], sizes = [8, 128], strides = [1, 1]} : vector<128x2048xf32> to vector<8x128xf32>
    %swap3A_244 = arith.constant 0 : index
    %swap3A_245 = arith.constant 3 : index
    %swap3A_246 = arith.constant 3 : index
    %swap3A_247 = arith.constant 0 : index
    %swap3A_248 = arith.constant 0 : index
    %swap3A_249 = vector.load %arg2[%swap3A_244, %swap3A_245, %swap3A_246, %swap3A_247, %swap3A_248] : memref<1x8x32x8x128xf32, #tpu.memory_space<vmem>>, vector<1x1x1x8x128xf32>
    %swap3A_250 = vector.shape_cast %swap3A_249 : vector<1x1x1x8x128xf32> to vector<8x128xf32>
    %swap3A_251 = vector.shape_cast %slice3A_243 : vector<8x128xf32> to vector<1x1x1x8x128xf32>
    tpu.vector_store %arg2[%swap3A_244, %swap3A_245, %swap3A_246, %swap3A_247, %swap3A_248], %swap3A_251 {strides = array<i32>} : memref<1x8x32x8x128xf32, #tpu.memory_space<vmem>>, vector<1x1x1x8x128xf32>,
    %slice3A_252 = vector.extract_strided_slice %transpose3A {offsets = [32, 384], sizes = [8, 128], strides = [1, 1]} : vector<128x2048xf32> to vector<8x128xf32>
    %swap3A_253 = arith.constant 0 : index
    %swap3A_254 = arith.constant 4 : index
    %swap3A_255 = arith.constant 3 : index
    %swap3A_256 = arith.constant 0 : index
    %swap3A_257 = arith.constant 0 : index
    %swap3A_258 = vector.load %arg2[%swap3A_253, %swap3A_254, %swap3A_255, %swap3A_256, %swap3A_257] : memref<1x8x32x8x128xf32, #tpu.memory_space<vmem>>, vector<1x1x1x8x128xf32>
    %swap3A_259 = vector.shape_cast %swap3A_258 : vector<1x1x1x8x128xf32> to vector<8x128xf32>
    %swap3A_260 = vector.shape_cast %slice3A_252 : vector<8x128xf32> to vector<1x1x1x8x128xf32>
    tpu.vector_store %arg2[%swap3A_253, %swap3A_254, %swap3A_255, %swap3A_256, %swap3A_257], %swap3A_260 {strides = array<i32>} : memref<1x8x32x8x128xf32, #tpu.memory_space<vmem>>, vector<1x1x1x8x128xf32>,
    %slice3A_261 = vector.extract_strided_slice %transpose3A {offsets = [40, 384], sizes = [8, 128], strides = [1, 1]} : vector<128x2048xf32> to vector<8x128xf32>
    %swap3A_262 = arith.constant 0 : index
    %swap3A_263 = arith.constant 5 : index
    %swap3A_264 = arith.constant 3 : index
    %swap3A_265 = arith.constant 0 : index
    %swap3A_266 = arith.constant 0 : index
    %swap3A_267 = vector.load %arg2[%swap3A_262, %swap3A_263, %swap3A_264, %swap3A_265, %swap3A_266] : memref<1x8x32x8x128xf32, #tpu.memory_space<vmem>>, vector<1x1x1x8x128xf32>
    %swap3A_268 = vector.shape_cast %swap3A_267 : vector<1x1x1x8x128xf32> to vector<8x128xf32>
    %swap3A_269 = vector.shape_cast %slice3A_261 : vector<8x128xf32> to vector<1x1x1x8x128xf32>
    tpu.vector_store %arg2[%swap3A_262, %swap3A_263, %swap3A_264, %swap3A_265, %swap3A_266], %swap3A_269 {strides = array<i32>} : memref<1x8x32x8x128xf32, #tpu.memory_space<vmem>>, vector<1x1x1x8x128xf32>,
    %slice3A_270 = vector.extract_strided_slice %transpose3A {offsets = [48, 384], sizes = [8, 128], strides = [1, 1]} : vector<128x2048xf32> to vector<8x128xf32>
    %swap3A_271 = arith.constant 0 : index
    %swap3A_272 = arith.constant 6 : index
    %swap3A_273 = arith.constant 3 : index
    %swap3A_274 = arith.constant 0 : index
    %swap3A_275 = arith.constant 0 : index
    %swap3A_276 = vector.load %arg2[%swap3A_271, %swap3A_272, %swap3A_273, %swap3A_274, %swap3A_275] : memref<1x8x32x8x128xf32, #tpu.memory_space<vmem>>, vector<1x1x1x8x128xf32>
    %swap3A_277 = vector.shape_cast %swap3A_276 : vector<1x1x1x8x128xf32> to vector<8x128xf32>
    %swap3A_278 = vector.shape_cast %slice3A_270 : vector<8x128xf32> to vector<1x1x1x8x128xf32>
    tpu.vector_store %arg2[%swap3A_271, %swap3A_272, %swap3A_273, %swap3A_274, %swap3A_275], %swap3A_278 {strides = array<i32>} : memref<1x8x32x8x128xf32, #tpu.memory_space<vmem>>, vector<1x1x1x8x128xf32>,
    %slice3A_279 = vector.extract_strided_slice %transpose3A {offsets = [56, 384], sizes = [8, 128], strides = [1, 1]} : vector<128x2048xf32> to vector<8x128xf32>
    %swap3A_280 = arith.constant 0 : index
    %swap3A_281 = arith.constant 7 : index
    %swap3A_282 = arith.constant 3 : index
    %swap3A_283 = arith.constant 0 : index
    %swap3A_284 = arith.constant 0 : index
    %swap3A_285 = vector.load %arg2[%swap3A_280, %swap3A_281, %swap3A_282, %swap3A_283, %swap3A_284] : memref<1x8x32x8x128xf32, #tpu.memory_space<vmem>>, vector<1x1x1x8x128xf32>
    %swap3A_286 = vector.shape_cast %swap3A_285 : vector<1x1x1x8x128xf32> to vector<8x128xf32>
    %swap3A_287 = vector.shape_cast %slice3A_279 : vector<8x128xf32> to vector<1x1x1x8x128xf32>
    tpu.vector_store %arg2[%swap3A_280, %swap3A_281, %swap3A_282, %swap3A_283, %swap3A_284], %swap3A_287 {strides = array<i32>} : memref<1x8x32x8x128xf32, #tpu.memory_space<vmem>>, vector<1x1x1x8x128xf32>,
    %slice3A_288 = vector.extract_strided_slice %transpose3A {offsets = [0, 512], sizes = [8, 128], strides = [1, 1]} : vector<128x2048xf32> to vector<8x128xf32>
    %swap3A_289 = arith.constant 0 : index
    %swap3A_290 = arith.constant 0 : index
    %swap3A_291 = arith.constant 4 : index
    %swap3A_292 = arith.constant 0 : index
    %swap3A_293 = arith.constant 0 : index
    %swap3A_294 = vector.load %arg2[%swap3A_289, %swap3A_290, %swap3A_291, %swap3A_292, %swap3A_293] : memref<1x8x32x8x128xf32, #tpu.memory_space<vmem>>, vector<1x1x1x8x128xf32>
    %swap3A_295 = vector.shape_cast %swap3A_294 : vector<1x1x1x8x128xf32> to vector<8x128xf32>
    %swap3A_296 = vector.shape_cast %slice3A_288 : vector<8x128xf32> to vector<1x1x1x8x128xf32>
    tpu.vector_store %arg2[%swap3A_289, %swap3A_290, %swap3A_291, %swap3A_292, %swap3A_293], %swap3A_296 {strides = array<i32>} : memref<1x8x32x8x128xf32, #tpu.memory_space<vmem>>, vector<1x1x1x8x128xf32>,
    %slice3A_297 = vector.extract_strided_slice %transpose3A {offsets = [8, 512], sizes = [8, 128], strides = [1, 1]} : vector<128x2048xf32> to vector<8x128xf32>
    %swap3A_298 = arith.constant 0 : index
    %swap3A_299 = arith.constant 1 : index
    %swap3A_300 = arith.constant 4 : index
    %swap3A_301 = arith.constant 0 : index
    %swap3A_302 = arith.constant 0 : index
    %swap3A_303 = vector.load %arg2[%swap3A_298, %swap3A_299, %swap3A_300, %swap3A_301, %swap3A_302] : memref<1x8x32x8x128xf32, #tpu.memory_space<vmem>>, vector<1x1x1x8x128xf32>
    %swap3A_304 = vector.shape_cast %swap3A_303 : vector<1x1x1x8x128xf32> to vector<8x128xf32>
    %swap3A_305 = vector.shape_cast %slice3A_297 : vector<8x128xf32> to vector<1x1x1x8x128xf32>
    tpu.vector_store %arg2[%swap3A_298, %swap3A_299, %swap3A_300, %swap3A_301, %swap3A_302], %swap3A_305 {strides = array<i32>} : memref<1x8x32x8x128xf32, #tpu.memory_space<vmem>>, vector<1x1x1x8x128xf32>,
    %slice3A_306 = vector.extract_strided_slice %transpose3A {offsets = [16, 512], sizes = [8, 128], strides = [1, 1]} : vector<128x2048xf32> to vector<8x128xf32>
    %swap3A_307 = arith.constant 0 : index
    %swap3A_308 = arith.constant 2 : index
    %swap3A_309 = arith.constant 4 : index
    %swap3A_310 = arith.constant 0 : index
    %swap3A_311 = arith.constant 0 : index
    %swap3A_312 = vector.load %arg2[%swap3A_307, %swap3A_308, %swap3A_309, %swap3A_310, %swap3A_311] : memref<1x8x32x8x128xf32, #tpu.memory_space<vmem>>, vector<1x1x1x8x128xf32>
    %swap3A_313 = vector.shape_cast %swap3A_312 : vector<1x1x1x8x128xf32> to vector<8x128xf32>
    %swap3A_314 = vector.shape_cast %slice3A_306 : vector<8x128xf32> to vector<1x1x1x8x128xf32>
    tpu.vector_store %arg2[%swap3A_307, %swap3A_308, %swap3A_309, %swap3A_310, %swap3A_311], %swap3A_314 {strides = array<i32>} : memref<1x8x32x8x128xf32, #tpu.memory_space<vmem>>, vector<1x1x1x8x128xf32>,
    %slice3A_315 = vector.extract_strided_slice %transpose3A {offsets = [24, 512], sizes = [8, 128], strides = [1, 1]} : vector<128x2048xf32> to vector<8x128xf32>
    %swap3A_316 = arith.constant 0 : index
    %swap3A_317 = arith.constant 3 : index
    %swap3A_318 = arith.constant 4 : index
    %swap3A_319 = arith.constant 0 : index
    %swap3A_320 = arith.constant 0 : index
    %swap3A_321 = vector.load %arg2[%swap3A_316, %swap3A_317, %swap3A_318, %swap3A_319, %swap3A_320] : memref<1x8x32x8x128xf32, #tpu.memory_space<vmem>>, vector<1x1x1x8x128xf32>
    %swap3A_322 = vector.shape_cast %swap3A_321 : vector<1x1x1x8x128xf32> to vector<8x128xf32>
    %swap3A_323 = vector.shape_cast %slice3A_315 : vector<8x128xf32> to vector<1x1x1x8x128xf32>
    tpu.vector_store %arg2[%swap3A_316, %swap3A_317, %swap3A_318, %swap3A_319, %swap3A_320], %swap3A_323 {strides = array<i32>} : memref<1x8x32x8x128xf32, #tpu.memory_space<vmem>>, vector<1x1x1x8x128xf32>,
    %slice3A_324 = vector.extract_strided_slice %transpose3A {offsets = [32, 512], sizes = [8, 128], strides = [1, 1]} : vector<128x2048xf32> to vector<8x128xf32>
    %swap3A_325 = arith.constant 0 : index
    %swap3A_326 = arith.constant 4 : index
    %swap3A_327 = arith.constant 4 : index
    %swap3A_328 = arith.constant 0 : index
    %swap3A_329 = arith.constant 0 : index
    %swap3A_330 = vector.load %arg2[%swap3A_325, %swap3A_326, %swap3A_327, %swap3A_328, %swap3A_329] : memref<1x8x32x8x128xf32, #tpu.memory_space<vmem>>, vector<1x1x1x8x128xf32>
    %swap3A_331 = vector.shape_cast %swap3A_330 : vector<1x1x1x8x128xf32> to vector<8x128xf32>
    %swap3A_332 = vector.shape_cast %slice3A_324 : vector<8x128xf32> to vector<1x1x1x8x128xf32>
    tpu.vector_store %arg2[%swap3A_325, %swap3A_326, %swap3A_327, %swap3A_328, %swap3A_329], %swap3A_332 {strides = array<i32>} : memref<1x8x32x8x128xf32, #tpu.memory_space<vmem>>, vector<1x1x1x8x128xf32>,
    %slice3A_333 = vector.extract_strided_slice %transpose3A {offsets = [40, 512], sizes = [8, 128], strides = [1, 1]} : vector<128x2048xf32> to vector<8x128xf32>
    %swap3A_334 = arith.constant 0 : index
    %swap3A_335 = arith.constant 5 : index
    %swap3A_336 = arith.constant 4 : index
    %swap3A_337 = arith.constant 0 : index
    %swap3A_338 = arith.constant 0 : index
    %swap3A_339 = vector.load %arg2[%swap3A_334, %swap3A_335, %swap3A_336, %swap3A_337, %swap3A_338] : memref<1x8x32x8x128xf32, #tpu.memory_space<vmem>>, vector<1x1x1x8x128xf32>
    %swap3A_340 = vector.shape_cast %swap3A_339 : vector<1x1x1x8x128xf32> to vector<8x128xf32>
    %swap3A_341 = vector.shape_cast %slice3A_333 : vector<8x128xf32> to vector<1x1x1x8x128xf32>
    tpu.vector_store %arg2[%swap3A_334, %swap3A_335, %swap3A_336, %swap3A_337, %swap3A_338], %swap3A_341 {strides = array<i32>} : memref<1x8x32x8x128xf32, #tpu.memory_space<vmem>>, vector<1x1x1x8x128xf32>,
    %slice3A_342 = vector.extract_strided_slice %transpose3A {offsets = [48, 512], sizes = [8, 128], strides = [1, 1]} : vector<128x2048xf32> to vector<8x128xf32>
    %swap3A_343 = arith.constant 0 : index
    %swap3A_344 = arith.constant 6 : index
    %swap3A_345 = arith.constant 4 : index
    %swap3A_346 = arith.constant 0 : index
    %swap3A_347 = arith.constant 0 : index
    %swap3A_348 = vector.load %arg2[%swap3A_343, %swap3A_344, %swap3A_345, %swap3A_346, %swap3A_347] : memref<1x8x32x8x128xf32, #tpu.memory_space<vmem>>, vector<1x1x1x8x128xf32>
    %swap3A_349 = vector.shape_cast %swap3A_348 : vector<1x1x1x8x128xf32> to vector<8x128xf32>
    %swap3A_350 = vector.shape_cast %slice3A_342 : vector<8x128xf32> to vector<1x1x1x8x128xf32>
    tpu.vector_store %arg2[%swap3A_343, %swap3A_344, %swap3A_345, %swap3A_346, %swap3A_347], %swap3A_350 {strides = array<i32>} : memref<1x8x32x8x128xf32, #tpu.memory_space<vmem>>, vector<1x1x1x8x128xf32>,
    %slice3A_351 = vector.extract_strided_slice %transpose3A {offsets = [56, 512], sizes = [8, 128], strides = [1, 1]} : vector<128x2048xf32> to vector<8x128xf32>
    %swap3A_352 = arith.constant 0 : index
    %swap3A_353 = arith.constant 7 : index
    %swap3A_354 = arith.constant 4 : index
    %swap3A_355 = arith.constant 0 : index
    %swap3A_356 = arith.constant 0 : index
    %swap3A_357 = vector.load %arg2[%swap3A_352, %swap3A_353, %swap3A_354, %swap3A_355, %swap3A_356] : memref<1x8x32x8x128xf32, #tpu.memory_space<vmem>>, vector<1x1x1x8x128xf32>
    %swap3A_358 = vector.shape_cast %swap3A_357 : vector<1x1x1x8x128xf32> to vector<8x128xf32>
    %swap3A_359 = vector.shape_cast %slice3A_351 : vector<8x128xf32> to vector<1x1x1x8x128xf32>
    tpu.vector_store %arg2[%swap3A_352, %swap3A_353, %swap3A_354, %swap3A_355, %swap3A_356], %swap3A_359 {strides = array<i32>} : memref<1x8x32x8x128xf32, #tpu.memory_space<vmem>>, vector<1x1x1x8x128xf32>,
    %slice3A_360 = vector.extract_strided_slice %transpose3A {offsets = [0, 640], sizes = [8, 128], strides = [1, 1]} : vector<128x2048xf32> to vector<8x128xf32>
    %swap3A_361 = arith.constant 0 : index
    %swap3A_362 = arith.constant 0 : index
    %swap3A_363 = arith.constant 5 : index
    %swap3A_364 = arith.constant 0 : index
    %swap3A_365 = arith.constant 0 : index
    %swap3A_366 = vector.load %arg2[%swap3A_361, %swap3A_362, %swap3A_363, %swap3A_364, %swap3A_365] : memref<1x8x32x8x128xf32, #tpu.memory_space<vmem>>, vector<1x1x1x8x128xf32>
    %swap3A_367 = vector.shape_cast %swap3A_366 : vector<1x1x1x8x128xf32> to vector<8x128xf32>
    %swap3A_368 = vector.shape_cast %slice3A_360 : vector<8x128xf32> to vector<1x1x1x8x128xf32>
    tpu.vector_store %arg2[%swap3A_361, %swap3A_362, %swap3A_363, %swap3A_364, %swap3A_365], %swap3A_368 {strides = array<i32>} : memref<1x8x32x8x128xf32, #tpu.memory_space<vmem>>, vector<1x1x1x8x128xf32>,
    %slice3A_369 = vector.extract_strided_slice %transpose3A {offsets = [8, 640], sizes = [8, 128], strides = [1, 1]} : vector<128x2048xf32> to vector<8x128xf32>
    %swap3A_370 = arith.constant 0 : index
    %swap3A_371 = arith.constant 1 : index
    %swap3A_372 = arith.constant 5 : index
    %swap3A_373 = arith.constant 0 : index
    %swap3A_374 = arith.constant 0 : index
    %swap3A_375 = vector.load %arg2[%swap3A_370, %swap3A_371, %swap3A_372, %swap3A_373, %swap3A_374] : memref<1x8x32x8x128xf32, #tpu.memory_space<vmem>>, vector<1x1x1x8x128xf32>
    %swap3A_376 = vector.shape_cast %swap3A_375 : vector<1x1x1x8x128xf32> to vector<8x128xf32>
    %swap3A_377 = vector.shape_cast %slice3A_369 : vector<8x128xf32> to vector<1x1x1x8x128xf32>
    tpu.vector_store %arg2[%swap3A_370, %swap3A_371, %swap3A_372, %swap3A_373, %swap3A_374], %swap3A_377 {strides = array<i32>} : memref<1x8x32x8x128xf32, #tpu.memory_space<vmem>>, vector<1x1x1x8x128xf32>,
    %slice3A_378 = vector.extract_strided_slice %transpose3A {offsets = [16, 640], sizes = [8, 128], strides = [1, 1]} : vector<128x2048xf32> to vector<8x128xf32>
    %swap3A_379 = arith.constant 0 : index
    %swap3A_380 = arith.constant 2 : index
    %swap3A_381 = arith.constant 5 : index
    %swap3A_382 = arith.constant 0 : index
    %swap3A_383 = arith.constant 0 : index
    %swap3A_384 = vector.load %arg2[%swap3A_379, %swap3A_380, %swap3A_381, %swap3A_382, %swap3A_383] : memref<1x8x32x8x128xf32, #tpu.memory_space<vmem>>, vector<1x1x1x8x128xf32>
    %swap3A_385 = vector.shape_cast %swap3A_384 : vector<1x1x1x8x128xf32> to vector<8x128xf32>
    %swap3A_386 = vector.shape_cast %slice3A_378 : vector<8x128xf32> to vector<1x1x1x8x128xf32>
    tpu.vector_store %arg2[%swap3A_379, %swap3A_380, %swap3A_381, %swap3A_382, %swap3A_383], %swap3A_386 {strides = array<i32>} : memref<1x8x32x8x128xf32, #tpu.memory_space<vmem>>, vector<1x1x1x8x128xf32>,
    %slice3A_387 = vector.extract_strided_slice %transpose3A {offsets = [24, 640], sizes = [8, 128], strides = [1, 1]} : vector<128x2048xf32> to vector<8x128xf32>
    %swap3A_388 = arith.constant 0 : index
    %swap3A_389 = arith.constant 3 : index
    %swap3A_390 = arith.constant 5 : index
    %swap3A_391 = arith.constant 0 : index
    %swap3A_392 = arith.constant 0 : index
    %swap3A_393 = vector.load %arg2[%swap3A_388, %swap3A_389, %swap3A_390, %swap3A_391, %swap3A_392] : memref<1x8x32x8x128xf32, #tpu.memory_space<vmem>>, vector<1x1x1x8x128xf32>
    %swap3A_394 = vector.shape_cast %swap3A_393 : vector<1x1x1x8x128xf32> to vector<8x128xf32>
    %swap3A_395 = vector.shape_cast %slice3A_387 : vector<8x128xf32> to vector<1x1x1x8x128xf32>
    tpu.vector_store %arg2[%swap3A_388, %swap3A_389, %swap3A_390, %swap3A_391, %swap3A_392], %swap3A_395 {strides = array<i32>} : memref<1x8x32x8x128xf32, #tpu.memory_space<vmem>>, vector<1x1x1x8x128xf32>,
    %slice3A_396 = vector.extract_strided_slice %transpose3A {offsets = [32, 640], sizes = [8, 128], strides = [1, 1]} : vector<128x2048xf32> to vector<8x128xf32>
    %swap3A_397 = arith.constant 0 : index
    %swap3A_398 = arith.constant 4 : index
    %swap3A_399 = arith.constant 5 : index
    %swap3A_400 = arith.constant 0 : index
    %swap3A_401 = arith.constant 0 : index
    %swap3A_402 = vector.load %arg2[%swap3A_397, %swap3A_398, %swap3A_399, %swap3A_400, %swap3A_401] : memref<1x8x32x8x128xf32, #tpu.memory_space<vmem>>, vector<1x1x1x8x128xf32>
    %swap3A_403 = vector.shape_cast %swap3A_402 : vector<1x1x1x8x128xf32> to vector<8x128xf32>
    %swap3A_404 = vector.shape_cast %slice3A_396 : vector<8x128xf32> to vector<1x1x1x8x128xf32>
    tpu.vector_store %arg2[%swap3A_397, %swap3A_398, %swap3A_399, %swap3A_400, %swap3A_401], %swap3A_404 {strides = array<i32>} : memref<1x8x32x8x128xf32, #tpu.memory_space<vmem>>, vector<1x1x1x8x128xf32>,
    %slice3A_405 = vector.extract_strided_slice %transpose3A {offsets = [40, 640], sizes = [8, 128], strides = [1, 1]} : vector<128x2048xf32> to vector<8x128xf32>
    %swap3A_406 = arith.constant 0 : index
    %swap3A_407 = arith.constant 5 : index
    %swap3A_408 = arith.constant 5 : index
    %swap3A_409 = arith.constant 0 : index
    %swap3A_410 = arith.constant 0 : index
    %swap3A_411 = vector.load %arg2[%swap3A_406, %swap3A_407, %swap3A_408, %swap3A_409, %swap3A_410] : memref<1x8x32x8x128xf32, #tpu.memory_space<vmem>>, vector<1x1x1x8x128xf32>
    %swap3A_412 = vector.shape_cast %swap3A_411 : vector<1x1x1x8x128xf32> to vector<8x128xf32>
    %swap3A_413 = vector.shape_cast %slice3A_405 : vector<8x128xf32> to vector<1x1x1x8x128xf32>
    tpu.vector_store %arg2[%swap3A_406, %swap3A_407, %swap3A_408, %swap3A_409, %swap3A_410], %swap3A_413 {strides = array<i32>} : memref<1x8x32x8x128xf32, #tpu.memory_space<vmem>>, vector<1x1x1x8x128xf32>,
    %slice3A_414 = vector.extract_strided_slice %transpose3A {offsets = [48, 640], sizes = [8, 128], strides = [1, 1]} : vector<128x2048xf32> to vector<8x128xf32>
    %swap3A_415 = arith.constant 0 : index
    %swap3A_416 = arith.constant 6 : index
    %swap3A_417 = arith.constant 5 : index
    %swap3A_418 = arith.constant 0 : index
    %swap3A_419 = arith.constant 0 : index
    %swap3A_420 = vector.load %arg2[%swap3A_415, %swap3A_416, %swap3A_417, %swap3A_418, %swap3A_419] : memref<1x8x32x8x128xf32, #tpu.memory_space<vmem>>, vector<1x1x1x8x128xf32>
    %swap3A_421 = vector.shape_cast %swap3A_420 : vector<1x1x1x8x128xf32> to vector<8x128xf32>
    %swap3A_422 = vector.shape_cast %slice3A_414 : vector<8x128xf32> to vector<1x1x1x8x128xf32>
    tpu.vector_store %arg2[%swap3A_415, %swap3A_416, %swap3A_417, %swap3A_418, %swap3A_419], %swap3A_422 {strides = array<i32>} : memref<1x8x32x8x128xf32, #tpu.memory_space<vmem>>, vector<1x1x1x8x128xf32>,
    %slice3A_423 = vector.extract_strided_slice %transpose3A {offsets = [56, 640], sizes = [8, 128], strides = [1, 1]} : vector<128x2048xf32> to vector<8x128xf32>
    %swap3A_424 = arith.constant 0 : index
    %swap3A_425 = arith.constant 7 : index
    %swap3A_426 = arith.constant 5 : index
    %swap3A_427 = arith.constant 0 : index
    %swap3A_428 = arith.constant 0 : index
    %swap3A_429 = vector.load %arg2[%swap3A_424, %swap3A_425, %swap3A_426, %swap3A_427, %swap3A_428] : memref<1x8x32x8x128xf32, #tpu.memory_space<vmem>>, vector<1x1x1x8x128xf32>
    %swap3A_430 = vector.shape_cast %swap3A_429 : vector<1x1x1x8x128xf32> to vector<8x128xf32>
    %swap3A_431 = vector.shape_cast %slice3A_423 : vector<8x128xf32> to vector<1x1x1x8x128xf32>
    tpu.vector_store %arg2[%swap3A_424, %swap3A_425, %swap3A_426, %swap3A_427, %swap3A_428], %swap3A_431 {strides = array<i32>} : memref<1x8x32x8x128xf32, #tpu.memory_space<vmem>>, vector<1x1x1x8x128xf32>,
    %slice3A_432 = vector.extract_strided_slice %transpose3A {offsets = [0, 768], sizes = [8, 128], strides = [1, 1]} : vector<128x2048xf32> to vector<8x128xf32>
    %swap3A_433 = arith.constant 0 : index
    %swap3A_434 = arith.constant 0 : index
    %swap3A_435 = arith.constant 6 : index
    %swap3A_436 = arith.constant 0 : index
    %swap3A_437 = arith.constant 0 : index
    %swap3A_438 = vector.load %arg2[%swap3A_433, %swap3A_434, %swap3A_435, %swap3A_436, %swap3A_437] : memref<1x8x32x8x128xf32, #tpu.memory_space<vmem>>, vector<1x1x1x8x128xf32>
    %swap3A_439 = vector.shape_cast %swap3A_438 : vector<1x1x1x8x128xf32> to vector<8x128xf32>
    %swap3A_440 = vector.shape_cast %slice3A_432 : vector<8x128xf32> to vector<1x1x1x8x128xf32>
    tpu.vector_store %arg2[%swap3A_433, %swap3A_434, %swap3A_435, %swap3A_436, %swap3A_437], %swap3A_440 {strides = array<i32>} : memref<1x8x32x8x128xf32, #tpu.memory_space<vmem>>, vector<1x1x1x8x128xf32>,
    %slice3A_441 = vector.extract_strided_slice %transpose3A {offsets = [8, 768], sizes = [8, 128], strides = [1, 1]} : vector<128x2048xf32> to vector<8x128xf32>
    %swap3A_442 = arith.constant 0 : index
    %swap3A_443 = arith.constant 1 : index
    %swap3A_444 = arith.constant 6 : index
    %swap3A_445 = arith.constant 0 : index
    %swap3A_446 = arith.constant 0 : index
    %swap3A_447 = vector.load %arg2[%swap3A_442, %swap3A_443, %swap3A_444, %swap3A_445, %swap3A_446] : memref<1x8x32x8x128xf32, #tpu.memory_space<vmem>>, vector<1x1x1x8x128xf32>
    %swap3A_448 = vector.shape_cast %swap3A_447 : vector<1x1x1x8x128xf32> to vector<8x128xf32>
    %swap3A_449 = vector.shape_cast %slice3A_441 : vector<8x128xf32> to vector<1x1x1x8x128xf32>
    tpu.vector_store %arg2[%swap3A_442, %swap3A_443, %swap3A_444, %swap3A_445, %swap3A_446], %swap3A_449 {strides = array<i32>} : memref<1x8x32x8x128xf32, #tpu.memory_space<vmem>>, vector<1x1x1x8x128xf32>,
    %slice3A_450 = vector.extract_strided_slice %transpose3A {offsets = [16, 768], sizes = [8, 128], strides = [1, 1]} : vector<128x2048xf32> to vector<8x128xf32>
    %swap3A_451 = arith.constant 0 : index
    %swap3A_452 = arith.constant 2 : index
    %swap3A_453 = arith.constant 6 : index
    %swap3A_454 = arith.constant 0 : index
    %swap3A_455 = arith.constant 0 : index
    %swap3A_456 = vector.load %arg2[%swap3A_451, %swap3A_452, %swap3A_453, %swap3A_454, %swap3A_455] : memref<1x8x32x8x128xf32, #tpu.memory_space<vmem>>, vector<1x1x1x8x128xf32>
    %swap3A_457 = vector.shape_cast %swap3A_456 : vector<1x1x1x8x128xf32> to vector<8x128xf32>
    %swap3A_458 = vector.shape_cast %slice3A_450 : vector<8x128xf32> to vector<1x1x1x8x128xf32>
    tpu.vector_store %arg2[%swap3A_451, %swap3A_452, %swap3A_453, %swap3A_454, %swap3A_455], %swap3A_458 {strides = array<i32>} : memref<1x8x32x8x128xf32, #tpu.memory_space<vmem>>, vector<1x1x1x8x128xf32>,
    %slice3A_459 = vector.extract_strided_slice %transpose3A {offsets = [24, 768], sizes = [8, 128], strides = [1, 1]} : vector<128x2048xf32> to vector<8x128xf32>
    %swap3A_460 = arith.constant 0 : index
    %swap3A_461 = arith.constant 3 : index
    %swap3A_462 = arith.constant 6 : index
    %swap3A_463 = arith.constant 0 : index
    %swap3A_464 = arith.constant 0 : index
    %swap3A_465 = vector.load %arg2[%swap3A_460, %swap3A_461, %swap3A_462, %swap3A_463, %swap3A_464] : memref<1x8x32x8x128xf32, #tpu.memory_space<vmem>>, vector<1x1x1x8x128xf32>
    %swap3A_466 = vector.shape_cast %swap3A_465 : vector<1x1x1x8x128xf32> to vector<8x128xf32>
    %swap3A_467 = vector.shape_cast %slice3A_459 : vector<8x128xf32> to vector<1x1x1x8x128xf32>
    tpu.vector_store %arg2[%swap3A_460, %swap3A_461, %swap3A_462, %swap3A_463, %swap3A_464], %swap3A_467 {strides = array<i32>} : memref<1x8x32x8x128xf32, #tpu.memory_space<vmem>>, vector<1x1x1x8x128xf32>,
    %slice3A_468 = vector.extract_strided_slice %transpose3A {offsets = [32, 768], sizes = [8, 128], strides = [1, 1]} : vector<128x2048xf32> to vector<8x128xf32>
    %swap3A_469 = arith.constant 0 : index
    %swap3A_470 = arith.constant 4 : index
    %swap3A_471 = arith.constant 6 : index
    %swap3A_472 = arith.constant 0 : index
    %swap3A_473 = arith.constant 0 : index
    %swap3A_474 = vector.load %arg2[%swap3A_469, %swap3A_470, %swap3A_471, %swap3A_472, %swap3A_473] : memref<1x8x32x8x128xf32, #tpu.memory_space<vmem>>, vector<1x1x1x8x128xf32>
    %swap3A_475 = vector.shape_cast %swap3A_474 : vector<1x1x1x8x128xf32> to vector<8x128xf32>
    %swap3A_476 = vector.shape_cast %slice3A_468 : vector<8x128xf32> to vector<1x1x1x8x128xf32>
    tpu.vector_store %arg2[%swap3A_469, %swap3A_470, %swap3A_471, %swap3A_472, %swap3A_473], %swap3A_476 {strides = array<i32>} : memref<1x8x32x8x128xf32, #tpu.memory_space<vmem>>, vector<1x1x1x8x128xf32>,
    %slice3A_477 = vector.extract_strided_slice %transpose3A {offsets = [40, 768], sizes = [8, 128], strides = [1, 1]} : vector<128x2048xf32> to vector<8x128xf32>
    %swap3A_478 = arith.constant 0 : index
    %swap3A_479 = arith.constant 5 : index
    %swap3A_480 = arith.constant 6 : index
    %swap3A_481 = arith.constant 0 : index
    %swap3A_482 = arith.constant 0 : index
    %swap3A_483 = vector.load %arg2[%swap3A_478, %swap3A_479, %swap3A_480, %swap3A_481, %swap3A_482] : memref<1x8x32x8x128xf32, #tpu.memory_space<vmem>>, vector<1x1x1x8x128xf32>
    %swap3A_484 = vector.shape_cast %swap3A_483 : vector<1x1x1x8x128xf32> to vector<8x128xf32>
    %swap3A_485 = vector.shape_cast %slice3A_477 : vector<8x128xf32> to vector<1x1x1x8x128xf32>
    tpu.vector_store %arg2[%swap3A_478, %swap3A_479, %swap3A_480, %swap3A_481, %swap3A_482], %swap3A_485 {strides = array<i32>} : memref<1x8x32x8x128xf32, #tpu.memory_space<vmem>>, vector<1x1x1x8x128xf32>,
    %slice3A_486 = vector.extract_strided_slice %transpose3A {offsets = [48, 768], sizes = [8, 128], strides = [1, 1]} : vector<128x2048xf32> to vector<8x128xf32>
    %swap3A_487 = arith.constant 0 : index
    %swap3A_488 = arith.constant 6 : index
    %swap3A_489 = arith.constant 6 : index
    %swap3A_490 = arith.constant 0 : index
    %swap3A_491 = arith.constant 0 : index
    %swap3A_492 = vector.load %arg2[%swap3A_487, %swap3A_488, %swap3A_489, %swap3A_490, %swap3A_491] : memref<1x8x32x8x128xf32, #tpu.memory_space<vmem>>, vector<1x1x1x8x128xf32>
    %swap3A_493 = vector.shape_cast %swap3A_492 : vector<1x1x1x8x128xf32> to vector<8x128xf32>
    %swap3A_494 = vector.shape_cast %slice3A_486 : vector<8x128xf32> to vector<1x1x1x8x128xf32>
    tpu.vector_store %arg2[%swap3A_487, %swap3A_488, %swap3A_489, %swap3A_490, %swap3A_491], %swap3A_494 {strides = array<i32>} : memref<1x8x32x8x128xf32, #tpu.memory_space<vmem>>, vector<1x1x1x8x128xf32>,
    %slice3A_495 = vector.extract_strided_slice %transpose3A {offsets = [56, 768], sizes = [8, 128], strides = [1, 1]} : vector<128x2048xf32> to vector<8x128xf32>
    %swap3A_496 = arith.constant 0 : index
    %swap3A_497 = arith.constant 7 : index
    %swap3A_498 = arith.constant 6 : index
    %swap3A_499 = arith.constant 0 : index
    %swap3A_500 = arith.constant 0 : index
    %swap3A_501 = vector.load %arg2[%swap3A_496, %swap3A_497, %swap3A_498, %swap3A_499, %swap3A_500] : memref<1x8x32x8x128xf32, #tpu.memory_space<vmem>>, vector<1x1x1x8x128xf32>
    %swap3A_502 = vector.shape_cast %swap3A_501 : vector<1x1x1x8x128xf32> to vector<8x128xf32>
    %swap3A_503 = vector.shape_cast %slice3A_495 : vector<8x128xf32> to vector<1x1x1x8x128xf32>
    tpu.vector_store %arg2[%swap3A_496, %swap3A_497, %swap3A_498, %swap3A_499, %swap3A_500], %swap3A_503 {strides = array<i32>} : memref<1x8x32x8x128xf32, #tpu.memory_space<vmem>>, vector<1x1x1x8x128xf32>,
    %slice3A_504 = vector.extract_strided_slice %transpose3A {offsets = [0, 896], sizes = [8, 128], strides = [1, 1]} : vector<128x2048xf32> to vector<8x128xf32>
    %swap3A_505 = arith.constant 0 : index
    %swap3A_506 = arith.constant 0 : index
    %swap3A_507 = arith.constant 7 : index
    %swap3A_508 = arith.constant 0 : index
    %swap3A_509 = arith.constant 0 : index
    %swap3A_510 = vector.load %arg2[%swap3A_505, %swap3A_506, %swap3A_507, %swap3A_508, %swap3A_509] : memref<1x8x32x8x128xf32, #tpu.memory_space<vmem>>, vector<1x1x1x8x128xf32>
    %swap3A_511 = vector.shape_cast %swap3A_510 : vector<1x1x1x8x128xf32> to vector<8x128xf32>
    %swap3A_512 = vector.shape_cast %slice3A_504 : vector<8x128xf32> to vector<1x1x1x8x128xf32>
    tpu.vector_store %arg2[%swap3A_505, %swap3A_506, %swap3A_507, %swap3A_508, %swap3A_509], %swap3A_512 {strides = array<i32>} : memref<1x8x32x8x128xf32, #tpu.memory_space<vmem>>, vector<1x1x1x8x128xf32>,
    %slice3A_513 = vector.extract_strided_slice %transpose3A {offsets = [8, 896], sizes = [8, 128], strides = [1, 1]} : vector<128x2048xf32> to vector<8x128xf32>
    %swap3A_514 = arith.constant 0 : index
    %swap3A_515 = arith.constant 1 : index
    %swap3A_516 = arith.constant 7 : index
    %swap3A_517 = arith.constant 0 : index
    %swap3A_518 = arith.constant 0 : index
    %swap3A_519 = vector.load %arg2[%swap3A_514, %swap3A_515, %swap3A_516, %swap3A_517, %swap3A_518] : memref<1x8x32x8x128xf32, #tpu.memory_space<vmem>>, vector<1x1x1x8x128xf32>
    %swap3A_520 = vector.shape_cast %swap3A_519 : vector<1x1x1x8x128xf32> to vector<8x128xf32>
    %swap3A_521 = vector.shape_cast %slice3A_513 : vector<8x128xf32> to vector<1x1x1x8x128xf32>
    tpu.vector_store %arg2[%swap3A_514, %swap3A_515, %swap3A_516, %swap3A_517, %swap3A_518], %swap3A_521 {strides = array<i32>} : memref<1x8x32x8x128xf32, #tpu.memory_space<vmem>>, vector<1x1x1x8x128xf32>,
    %slice3A_522 = vector.extract_strided_slice %transpose3A {offsets = [16, 896], sizes = [8, 128], strides = [1, 1]} : vector<128x2048xf32> to vector<8x128xf32>
    %swap3A_523 = arith.constant 0 : index
    %swap3A_524 = arith.constant 2 : index
    %swap3A_525 = arith.constant 7 : index
    %swap3A_526 = arith.constant 0 : index
    %swap3A_527 = arith.constant 0 : index
    %swap3A_528 = vector.load %arg2[%swap3A_523, %swap3A_524, %swap3A_525, %swap3A_526, %swap3A_527] : memref<1x8x32x8x128xf32, #tpu.memory_space<vmem>>, vector<1x1x1x8x128xf32>
    %swap3A_529 = vector.shape_cast %swap3A_528 : vector<1x1x1x8x128xf32> to vector<8x128xf32>
    %swap3A_530 = vector.shape_cast %slice3A_522 : vector<8x128xf32> to vector<1x1x1x8x128xf32>
    tpu.vector_store %arg2[%swap3A_523, %swap3A_524, %swap3A_525, %swap3A_526, %swap3A_527], %swap3A_530 {strides = array<i32>} : memref<1x8x32x8x128xf32, #tpu.memory_space<vmem>>, vector<1x1x1x8x128xf32>,
    %slice3A_531 = vector.extract_strided_slice %transpose3A {offsets = [24, 896], sizes = [8, 128], strides = [1, 1]} : vector<128x2048xf32> to vector<8x128xf32>
    %swap3A_532 = arith.constant 0 : index
    %swap3A_533 = arith.constant 3 : index
    %swap3A_534 = arith.constant 7 : index
    %swap3A_535 = arith.constant 0 : index
    %swap3A_536 = arith.constant 0 : index
    %swap3A_537 = vector.load %arg2[%swap3A_532, %swap3A_533, %swap3A_534, %swap3A_535, %swap3A_536] : memref<1x8x32x8x128xf32, #tpu.memory_space<vmem>>, vector<1x1x1x8x128xf32>
    %swap3A_538 = vector.shape_cast %swap3A_537 : vector<1x1x1x8x128xf32> to vector<8x128xf32>
    %swap3A_539 = vector.shape_cast %slice3A_531 : vector<8x128xf32> to vector<1x1x1x8x128xf32>
    tpu.vector_store %arg2[%swap3A_532, %swap3A_533, %swap3A_534, %swap3A_535, %swap3A_536], %swap3A_539 {strides = array<i32>} : memref<1x8x32x8x128xf32, #tpu.memory_space<vmem>>, vector<1x1x1x8x128xf32>,
    %slice3A_540 = vector.extract_strided_slice %transpose3A {offsets = [32, 896], sizes = [8, 128], strides = [1, 1]} : vector<128x2048xf32> to vector<8x128xf32>
    %swap3A_541 = arith.constant 0 : index
    %swap3A_542 = arith.constant 4 : index
    %swap3A_543 = arith.constant 7 : index
    %swap3A_544 = arith.constant 0 : index
    %swap3A_545 = arith.constant 0 : index
    %swap3A_546 = vector.load %arg2[%swap3A_541, %swap3A_542, %swap3A_543, %swap3A_544, %swap3A_545] : memref<1x8x32x8x128xf32, #tpu.memory_space<vmem>>, vector<1x1x1x8x128xf32>
    %swap3A_547 = vector.shape_cast %swap3A_546 : vector<1x1x1x8x128xf32> to vector<8x128xf32>
    %swap3A_548 = vector.shape_cast %slice3A_540 : vector<8x128xf32> to vector<1x1x1x8x128xf32>
    tpu.vector_store %arg2[%swap3A_541, %swap3A_542, %swap3A_543, %swap3A_544, %swap3A_545], %swap3A_548 {strides = array<i32>} : memref<1x8x32x8x128xf32, #tpu.memory_space<vmem>>, vector<1x1x1x8x128xf32>,
    %slice3A_549 = vector.extract_strided_slice %transpose3A {offsets = [40, 896], sizes = [8, 128], strides = [1, 1]} : vector<128x2048xf32> to vector<8x128xf32>
    %swap3A_550 = arith.constant 0 : index
    %swap3A_551 = arith.constant 5 : index
    %swap3A_552 = arith.constant 7 : index
    %swap3A_553 = arith.constant 0 : index
    %swap3A_554 = arith.constant 0 : index
    %swap3A_555 = vector.load %arg2[%swap3A_550, %swap3A_551, %swap3A_552, %swap3A_553, %swap3A_554] : memref<1x8x32x8x128xf32, #tpu.memory_space<vmem>>, vector<1x1x1x8x128xf32>
    %swap3A_556 = vector.shape_cast %swap3A_555 : vector<1x1x1x8x128xf32> to vector<8x128xf32>
    %swap3A_557 = vector.shape_cast %slice3A_549 : vector<8x128xf32> to vector<1x1x1x8x128xf32>
    tpu.vector_store %arg2[%swap3A_550, %swap3A_551, %swap3A_552, %swap3A_553, %swap3A_554], %swap3A_557 {strides = array<i32>} : memref<1x8x32x8x128xf32, #tpu.memory_space<vmem>>, vector<1x1x1x8x128xf32>,
    %slice3A_558 = vector.extract_strided_slice %transpose3A {offsets = [48, 896], sizes = [8, 128], strides = [1, 1]} : vector<128x2048xf32> to vector<8x128xf32>
    %swap3A_559 = arith.constant 0 : index
    %swap3A_560 = arith.constant 6 : index
    %swap3A_561 = arith.constant 7 : index
    %swap3A_562 = arith.constant 0 : index
    %swap3A_563 = arith.constant 0 : index
    %swap3A_564 = vector.load %arg2[%swap3A_559, %swap3A_560, %swap3A_561, %swap3A_562, %swap3A_563] : memref<1x8x32x8x128xf32, #tpu.memory_space<vmem>>, vector<1x1x1x8x128xf32>
    %swap3A_565 = vector.shape_cast %swap3A_564 : vector<1x1x1x8x128xf32> to vector<8x128xf32>
    %swap3A_566 = vector.shape_cast %slice3A_558 : vector<8x128xf32> to vector<1x1x1x8x128xf32>
    tpu.vector_store %arg2[%swap3A_559, %swap3A_560, %swap3A_561, %swap3A_562, %swap3A_563], %swap3A_566 {strides = array<i32>} : memref<1x8x32x8x128xf32, #tpu.memory_space<vmem>>, vector<1x1x1x8x128xf32>,
    %slice3A_567 = vector.extract_strided_slice %transpose3A {offsets = [56, 896], sizes = [8, 128], strides = [1, 1]} : vector<128x2048xf32> to vector<8x128xf32>
    %swap3A_568 = arith.constant 0 : index
    %swap3A_569 = arith.constant 7 : index
    %swap3A_570 = arith.constant 7 : index
    %swap3A_571 = arith.constant 0 : index
    %swap3A_572 = arith.constant 0 : index
    %swap3A_573 = vector.load %arg2[%swap3A_568, %swap3A_569, %swap3A_570, %swap3A_571, %swap3A_572] : memref<1x8x32x8x128xf32, #tpu.memory_space<vmem>>, vector<1x1x1x8x128xf32>
    %swap3A_574 = vector.shape_cast %swap3A_573 : vector<1x1x1x8x128xf32> to vector<8x128xf32>
    %swap3A_575 = vector.shape_cast %slice3A_567 : vector<8x128xf32> to vector<1x1x1x8x128xf32>
    tpu.vector_store %arg2[%swap3A_568, %swap3A_569, %swap3A_570, %swap3A_571, %swap3A_572], %swap3A_575 {strides = array<i32>} : memref<1x8x32x8x128xf32, #tpu.memory_space<vmem>>, vector<1x1x1x8x128xf32>,
    %slice3A_576 = vector.extract_strided_slice %transpose3A {offsets = [0, 1024], sizes = [8, 128], strides = [1, 1]} : vector<128x2048xf32> to vector<8x128xf32>
    %swap3A_577 = arith.constant 0 : index
    %swap3A_578 = arith.constant 0 : index
    %swap3A_579 = arith.constant 8 : index
    %swap3A_580 = arith.constant 0 : index
    %swap3A_581 = arith.constant 0 : index
    %swap3A_582 = vector.load %arg2[%swap3A_577, %swap3A_578, %swap3A_579, %swap3A_580, %swap3A_581] : memref<1x8x32x8x128xf32, #tpu.memory_space<vmem>>, vector<1x1x1x8x128xf32>
    %swap3A_583 = vector.shape_cast %swap3A_582 : vector<1x1x1x8x128xf32> to vector<8x128xf32>
    %swap3A_584 = vector.shape_cast %slice3A_576 : vector<8x128xf32> to vector<1x1x1x8x128xf32>
    tpu.vector_store %arg2[%swap3A_577, %swap3A_578, %swap3A_579, %swap3A_580, %swap3A_581], %swap3A_584 {strides = array<i32>} : memref<1x8x32x8x128xf32, #tpu.memory_space<vmem>>, vector<1x1x1x8x128xf32>,
    %slice3A_585 = vector.extract_strided_slice %transpose3A {offsets = [8, 1024], sizes = [8, 128], strides = [1, 1]} : vector<128x2048xf32> to vector<8x128xf32>
    %swap3A_586 = arith.constant 0 : index
    %swap3A_587 = arith.constant 1 : index
    %swap3A_588 = arith.constant 8 : index
    %swap3A_589 = arith.constant 0 : index
    %swap3A_590 = arith.constant 0 : index
    %swap3A_591 = vector.load %arg2[%swap3A_586, %swap3A_587, %swap3A_588, %swap3A_589, %swap3A_590] : memref<1x8x32x8x128xf32, #tpu.memory_space<vmem>>, vector<1x1x1x8x128xf32>
    %swap3A_592 = vector.shape_cast %swap3A_591 : vector<1x1x1x8x128xf32> to vector<8x128xf32>
    %swap3A_593 = vector.shape_cast %slice3A_585 : vector<8x128xf32> to vector<1x1x1x8x128xf32>
    tpu.vector_store %arg2[%swap3A_586, %swap3A_587, %swap3A_588, %swap3A_589, %swap3A_590], %swap3A_593 {strides = array<i32>} : memref<1x8x32x8x128xf32, #tpu.memory_space<vmem>>, vector<1x1x1x8x128xf32>,
    %slice3A_594 = vector.extract_strided_slice %transpose3A {offsets = [16, 1024], sizes = [8, 128], strides = [1, 1]} : vector<128x2048xf32> to vector<8x128xf32>
    %swap3A_595 = arith.constant 0 : index
    %swap3A_596 = arith.constant 2 : index
    %swap3A_597 = arith.constant 8 : index
    %swap3A_598 = arith.constant 0 : index
    %swap3A_599 = arith.constant 0 : index
    %swap3A_600 = vector.load %arg2[%swap3A_595, %swap3A_596, %swap3A_597, %swap3A_598, %swap3A_599] : memref<1x8x32x8x128xf32, #tpu.memory_space<vmem>>, vector<1x1x1x8x128xf32>
    %swap3A_601 = vector.shape_cast %swap3A_600 : vector<1x1x1x8x128xf32> to vector<8x128xf32>
    %swap3A_602 = vector.shape_cast %slice3A_594 : vector<8x128xf32> to vector<1x1x1x8x128xf32>
    tpu.vector_store %arg2[%swap3A_595, %swap3A_596, %swap3A_597, %swap3A_598, %swap3A_599], %swap3A_602 {strides = array<i32>} : memref<1x8x32x8x128xf32, #tpu.memory_space<vmem>>, vector<1x1x1x8x128xf32>,
    %slice3A_603 = vector.extract_strided_slice %transpose3A {offsets = [24, 1024], sizes = [8, 128], strides = [1, 1]} : vector<128x2048xf32> to vector<8x128xf32>
    %swap3A_604 = arith.constant 0 : index
    %swap3A_605 = arith.constant 3 : index
    %swap3A_606 = arith.constant 8 : index
    %swap3A_607 = arith.constant 0 : index
    %swap3A_608 = arith.constant 0 : index
    %swap3A_609 = vector.load %arg2[%swap3A_604, %swap3A_605, %swap3A_606, %swap3A_607, %swap3A_608] : memref<1x8x32x8x128xf32, #tpu.memory_space<vmem>>, vector<1x1x1x8x128xf32>
    %swap3A_610 = vector.shape_cast %swap3A_609 : vector<1x1x1x8x128xf32> to vector<8x128xf32>
    %swap3A_611 = vector.shape_cast %slice3A_603 : vector<8x128xf32> to vector<1x1x1x8x128xf32>
    tpu.vector_store %arg2[%swap3A_604, %swap3A_605, %swap3A_606, %swap3A_607, %swap3A_608], %swap3A_611 {strides = array<i32>} : memref<1x8x32x8x128xf32, #tpu.memory_space<vmem>>, vector<1x1x1x8x128xf32>,
    %slice3A_612 = vector.extract_strided_slice %transpose3A {offsets = [32, 1024], sizes = [8, 128], strides = [1, 1]} : vector<128x2048xf32> to vector<8x128xf32>
    %swap3A_613 = arith.constant 0 : index
    %swap3A_614 = arith.constant 4 : index
    %swap3A_615 = arith.constant 8 : index
    %swap3A_616 = arith.constant 0 : index
    %swap3A_617 = arith.constant 0 : index
    %swap3A_618 = vector.load %arg2[%swap3A_613, %swap3A_614, %swap3A_615, %swap3A_616, %swap3A_617] : memref<1x8x32x8x128xf32, #tpu.memory_space<vmem>>, vector<1x1x1x8x128xf32>
    %swap3A_619 = vector.shape_cast %swap3A_618 : vector<1x1x1x8x128xf32> to vector<8x128xf32>
    %swap3A_620 = vector.shape_cast %slice3A_612 : vector<8x128xf32> to vector<1x1x1x8x128xf32>
    tpu.vector_store %arg2[%swap3A_613, %swap3A_614, %swap3A_615, %swap3A_616, %swap3A_617], %swap3A_620 {strides = array<i32>} : memref<1x8x32x8x128xf32, #tpu.memory_space<vmem>>, vector<1x1x1x8x128xf32>,
    %slice3A_621 = vector.extract_strided_slice %transpose3A {offsets = [40, 1024], sizes = [8, 128], strides = [1, 1]} : vector<128x2048xf32> to vector<8x128xf32>
    %swap3A_622 = arith.constant 0 : index
    %swap3A_623 = arith.constant 5 : index
    %swap3A_624 = arith.constant 8 : index
    %swap3A_625 = arith.constant 0 : index
    %swap3A_626 = arith.constant 0 : index
    %swap3A_627 = vector.load %arg2[%swap3A_622, %swap3A_623, %swap3A_624, %swap3A_625, %swap3A_626] : memref<1x8x32x8x128xf32, #tpu.memory_space<vmem>>, vector<1x1x1x8x128xf32>
    %swap3A_628 = vector.shape_cast %swap3A_627 : vector<1x1x1x8x128xf32> to vector<8x128xf32>
    %swap3A_629 = vector.shape_cast %slice3A_621 : vector<8x128xf32> to vector<1x1x1x8x128xf32>
    tpu.vector_store %arg2[%swap3A_622, %swap3A_623, %swap3A_624, %swap3A_625, %swap3A_626], %swap3A_629 {strides = array<i32>} : memref<1x8x32x8x128xf32, #tpu.memory_space<vmem>>, vector<1x1x1x8x128xf32>,
    %slice3A_630 = vector.extract_strided_slice %transpose3A {offsets = [48, 1024], sizes = [8, 128], strides = [1, 1]} : vector<128x2048xf32> to vector<8x128xf32>
    %swap3A_631 = arith.constant 0 : index
    %swap3A_632 = arith.constant 6 : index
    %swap3A_633 = arith.constant 8 : index
    %swap3A_634 = arith.constant 0 : index
    %swap3A_635 = arith.constant 0 : index
    %swap3A_636 = vector.load %arg2[%swap3A_631, %swap3A_632, %swap3A_633, %swap3A_634, %swap3A_635] : memref<1x8x32x8x128xf32, #tpu.memory_space<vmem>>, vector<1x1x1x8x128xf32>
    %swap3A_637 = vector.shape_cast %swap3A_636 : vector<1x1x1x8x128xf32> to vector<8x128xf32>
    %swap3A_638 = vector.shape_cast %slice3A_630 : vector<8x128xf32> to vector<1x1x1x8x128xf32>
    tpu.vector_store %arg2[%swap3A_631, %swap3A_632, %swap3A_633, %swap3A_634, %swap3A_635], %swap3A_638 {strides = array<i32>} : memref<1x8x32x8x128xf32, #tpu.memory_space<vmem>>, vector<1x1x1x8x128xf32>,
    %slice3A_639 = vector.extract_strided_slice %transpose3A {offsets = [56, 1024], sizes = [8, 128], strides = [1, 1]} : vector<128x2048xf32> to vector<8x128xf32>
    %swap3A_640 = arith.constant 0 : index
    %swap3A_641 = arith.constant 7 : index
    %swap3A_642 = arith.constant 8 : index
    %swap3A_643 = arith.constant 0 : index
    %swap3A_644 = arith.constant 0 : index
    %swap3A_645 = vector.load %arg2[%swap3A_640, %swap3A_641, %swap3A_642, %swap3A_643, %swap3A_644] : memref<1x8x32x8x128xf32, #tpu.memory_space<vmem>>, vector<1x1x1x8x128xf32>
    %swap3A_646 = vector.shape_cast %swap3A_645 : vector<1x1x1x8x128xf32> to vector<8x128xf32>
    %swap3A_647 = vector.shape_cast %slice3A_639 : vector<8x128xf32> to vector<1x1x1x8x128xf32>
    tpu.vector_store %arg2[%swap3A_640, %swap3A_641, %swap3A_642, %swap3A_643, %swap3A_644], %swap3A_647 {strides = array<i32>} : memref<1x8x32x8x128xf32, #tpu.memory_space<vmem>>, vector<1x1x1x8x128xf32>,
    %slice3A_648 = vector.extract_strided_slice %transpose3A {offsets = [0, 1152], sizes = [8, 128], strides = [1, 1]} : vector<128x2048xf32> to vector<8x128xf32>
    %swap3A_649 = arith.constant 0 : index
    %swap3A_650 = arith.constant 0 : index
    %swap3A_651 = arith.constant 9 : index
    %swap3A_652 = arith.constant 0 : index
    %swap3A_653 = arith.constant 0 : index
    %swap3A_654 = vector.load %arg2[%swap3A_649, %swap3A_650, %swap3A_651, %swap3A_652, %swap3A_653] : memref<1x8x32x8x128xf32, #tpu.memory_space<vmem>>, vector<1x1x1x8x128xf32>
    %swap3A_655 = vector.shape_cast %swap3A_654 : vector<1x1x1x8x128xf32> to vector<8x128xf32>
    %swap3A_656 = vector.shape_cast %slice3A_648 : vector<8x128xf32> to vector<1x1x1x8x128xf32>
    tpu.vector_store %arg2[%swap3A_649, %swap3A_650, %swap3A_651, %swap3A_652, %swap3A_653], %swap3A_656 {strides = array<i32>} : memref<1x8x32x8x128xf32, #tpu.memory_space<vmem>>, vector<1x1x1x8x128xf32>,
    %slice3A_657 = vector.extract_strided_slice %transpose3A {offsets = [8, 1152], sizes = [8, 128], strides = [1, 1]} : vector<128x2048xf32> to vector<8x128xf32>
    %swap3A_658 = arith.constant 0 : index
    %swap3A_659 = arith.constant 1 : index
    %swap3A_660 = arith.constant 9 : index
    %swap3A_661 = arith.constant 0 : index
    %swap3A_662 = arith.constant 0 : index
    %swap3A_663 = vector.load %arg2[%swap3A_658, %swap3A_659, %swap3A_660, %swap3A_661, %swap3A_662] : memref<1x8x32x8x128xf32, #tpu.memory_space<vmem>>, vector<1x1x1x8x128xf32>
    %swap3A_664 = vector.shape_cast %swap3A_663 : vector<1x1x1x8x128xf32> to vector<8x128xf32>
    %swap3A_665 = vector.shape_cast %slice3A_657 : vector<8x128xf32> to vector<1x1x1x8x128xf32>
    tpu.vector_store %arg2[%swap3A_658, %swap3A_659, %swap3A_660, %swap3A_661, %swap3A_662], %swap3A_665 {strides = array<i32>} : memref<1x8x32x8x128xf32, #tpu.memory_space<vmem>>, vector<1x1x1x8x128xf32>,
    %slice3A_666 = vector.extract_strided_slice %transpose3A {offsets = [16, 1152], sizes = [8, 128], strides = [1, 1]} : vector<128x2048xf32> to vector<8x128xf32>
    %swap3A_667 = arith.constant 0 : index
    %swap3A_668 = arith.constant 2 : index
    %swap3A_669 = arith.constant 9 : index
    %swap3A_670 = arith.constant 0 : index
    %swap3A_671 = arith.constant 0 : index
    %swap3A_672 = vector.load %arg2[%swap3A_667, %swap3A_668, %swap3A_669, %swap3A_670, %swap3A_671] : memref<1x8x32x8x128xf32, #tpu.memory_space<vmem>>, vector<1x1x1x8x128xf32>
    %swap3A_673 = vector.shape_cast %swap3A_672 : vector<1x1x1x8x128xf32> to vector<8x128xf32>
    %swap3A_674 = vector.shape_cast %slice3A_666 : vector<8x128xf32> to vector<1x1x1x8x128xf32>
    tpu.vector_store %arg2[%swap3A_667, %swap3A_668, %swap3A_669, %swap3A_670, %swap3A_671], %swap3A_674 {strides = array<i32>} : memref<1x8x32x8x128xf32, #tpu.memory_space<vmem>>, vector<1x1x1x8x128xf32>,
    %slice3A_675 = vector.extract_strided_slice %transpose3A {offsets = [24, 1152], sizes = [8, 128], strides = [1, 1]} : vector<128x2048xf32> to vector<8x128xf32>
    %swap3A_676 = arith.constant 0 : index
    %swap3A_677 = arith.constant 3 : index
    %swap3A_678 = arith.constant 9 : index
    %swap3A_679 = arith.constant 0 : index
    %swap3A_680 = arith.constant 0 : index
    %swap3A_681 = vector.load %arg2[%swap3A_676, %swap3A_677, %swap3A_678, %swap3A_679, %swap3A_680] : memref<1x8x32x8x128xf32, #tpu.memory_space<vmem>>, vector<1x1x1x8x128xf32>
    %swap3A_682 = vector.shape_cast %swap3A_681 : vector<1x1x1x8x128xf32> to vector<8x128xf32>
    %swap3A_683 = vector.shape_cast %slice3A_675 : vector<8x128xf32> to vector<1x1x1x8x128xf32>
    tpu.vector_store %arg2[%swap3A_676, %swap3A_677, %swap3A_678, %swap3A_679, %swap3A_680], %swap3A_683 {strides = array<i32>} : memref<1x8x32x8x128xf32, #tpu.memory_space<vmem>>, vector<1x1x1x8x128xf32>,
    %slice3A_684 = vector.extract_strided_slice %transpose3A {offsets = [32, 1152], sizes = [8, 128], strides = [1, 1]} : vector<128x2048xf32> to vector<8x128xf32>
    %swap3A_685 = arith.constant 0 : index
    %swap3A_686 = arith.constant 4 : index
    %swap3A_687 = arith.constant 9 : index
    %swap3A_688 = arith.constant 0 : index
    %swap3A_689 = arith.constant 0 : index
    %swap3A_690 = vector.load %arg2[%swap3A_685, %swap3A_686, %swap3A_687, %swap3A_688, %swap3A_689] : memref<1x8x32x8x128xf32, #tpu.memory_space<vmem>>, vector<1x1x1x8x128xf32>
    %swap3A_691 = vector.shape_cast %swap3A_690 : vector<1x1x1x8x128xf32> to vector<8x128xf32>
    %swap3A_692 = vector.shape_cast %slice3A_684 : vector<8x128xf32> to vector<1x1x1x8x128xf32>
    tpu.vector_store %arg2[%swap3A_685, %swap3A_686, %swap3A_687, %swap3A_688, %swap3A_689], %swap3A_692 {strides = array<i32>} : memref<1x8x32x8x128xf32, #tpu.memory_space<vmem>>, vector<1x1x1x8x128xf32>,
    %slice3A_693 = vector.extract_strided_slice %transpose3A {offsets = [40, 1152], sizes = [8, 128], strides = [1, 1]} : vector<128x2048xf32> to vector<8x128xf32>
    %swap3A_694 = arith.constant 0 : index
    %swap3A_695 = arith.constant 5 : index
    %swap3A_696 = arith.constant 9 : index
    %swap3A_697 = arith.constant 0 : index
    %swap3A_698 = arith.constant 0 : index
    %swap3A_699 = vector.load %arg2[%swap3A_694, %swap3A_695, %swap3A_696, %swap3A_697, %swap3A_698] : memref<1x8x32x8x128xf32, #tpu.memory_space<vmem>>, vector<1x1x1x8x128xf32>
    %swap3A_700 = vector.shape_cast %swap3A_699 : vector<1x1x1x8x128xf32> to vector<8x128xf32>
    %swap3A_701 = vector.shape_cast %slice3A_693 : vector<8x128xf32> to vector<1x1x1x8x128xf32>
    tpu.vector_store %arg2[%swap3A_694, %swap3A_695, %swap3A_696, %swap3A_697, %swap3A_698], %swap3A_701 {strides = array<i32>} : memref<1x8x32x8x128xf32, #tpu.memory_space<vmem>>, vector<1x1x1x8x128xf32>,
    %slice3A_702 = vector.extract_strided_slice %transpose3A {offsets = [48, 1152], sizes = [8, 128], strides = [1, 1]} : vector<128x2048xf32> to vector<8x128xf32>
    %swap3A_703 = arith.constant 0 : index
    %swap3A_704 = arith.constant 6 : index
    %swap3A_705 = arith.constant 9 : index
    %swap3A_706 = arith.constant 0 : index
    %swap3A_707 = arith.constant 0 : index
    %swap3A_708 = vector.load %arg2[%swap3A_703, %swap3A_704, %swap3A_705, %swap3A_706, %swap3A_707] : memref<1x8x32x8x128xf32, #tpu.memory_space<vmem>>, vector<1x1x1x8x128xf32>
    %swap3A_709 = vector.shape_cast %swap3A_708 : vector<1x1x1x8x128xf32> to vector<8x128xf32>
    %swap3A_710 = vector.shape_cast %slice3A_702 : vector<8x128xf32> to vector<1x1x1x8x128xf32>
    tpu.vector_store %arg2[%swap3A_703, %swap3A_704, %swap3A_705, %swap3A_706, %swap3A_707], %swap3A_710 {strides = array<i32>} : memref<1x8x32x8x128xf32, #tpu.memory_space<vmem>>, vector<1x1x1x8x128xf32>,
    %slice3A_711 = vector.extract_strided_slice %transpose3A {offsets = [56, 1152], sizes = [8, 128], strides = [1, 1]} : vector<128x2048xf32> to vector<8x128xf32>
    %swap3A_712 = arith.constant 0 : index
    %swap3A_713 = arith.constant 7 : index
    %swap3A_714 = arith.constant 9 : index
    %swap3A_715 = arith.constant 0 : index
    %swap3A_716 = arith.constant 0 : index
    %swap3A_717 = vector.load %arg2[%swap3A_712, %swap3A_713, %swap3A_714, %swap3A_715, %swap3A_716] : memref<1x8x32x8x128xf32, #tpu.memory_space<vmem>>, vector<1x1x1x8x128xf32>
    %swap3A_718 = vector.shape_cast %swap3A_717 : vector<1x1x1x8x128xf32> to vector<8x128xf32>
    %swap3A_719 = vector.shape_cast %slice3A_711 : vector<8x128xf32> to vector<1x1x1x8x128xf32>
    tpu.vector_store %arg2[%swap3A_712, %swap3A_713, %swap3A_714, %swap3A_715, %swap3A_716], %swap3A_719 {strides = array<i32>} : memref<1x8x32x8x128xf32, #tpu.memory_space<vmem>>, vector<1x1x1x8x128xf32>,
    %slice3A_720 = vector.extract_strided_slice %transpose3A {offsets = [0, 1280], sizes = [8, 128], strides = [1, 1]} : vector<128x2048xf32> to vector<8x128xf32>
    %swap3A_721 = arith.constant 0 : index
    %swap3A_722 = arith.constant 0 : index
    %swap3A_723 = arith.constant 10 : index
    %swap3A_724 = arith.constant 0 : index
    %swap3A_725 = arith.constant 0 : index
    %swap3A_726 = vector.load %arg2[%swap3A_721, %swap3A_722, %swap3A_723, %swap3A_724, %swap3A_725] : memref<1x8x32x8x128xf32, #tpu.memory_space<vmem>>, vector<1x1x1x8x128xf32>
    %swap3A_727 = vector.shape_cast %swap3A_726 : vector<1x1x1x8x128xf32> to vector<8x128xf32>
    %swap3A_728 = vector.shape_cast %slice3A_720 : vector<8x128xf32> to vector<1x1x1x8x128xf32>
    tpu.vector_store %arg2[%swap3A_721, %swap3A_722, %swap3A_723, %swap3A_724, %swap3A_725], %swap3A_728 {strides = array<i32>} : memref<1x8x32x8x128xf32, #tpu.memory_space<vmem>>, vector<1x1x1x8x128xf32>,
    %slice3A_729 = vector.extract_strided_slice %transpose3A {offsets = [8, 1280], sizes = [8, 128], strides = [1, 1]} : vector<128x2048xf32> to vector<8x128xf32>
    %swap3A_730 = arith.constant 0 : index
    %swap3A_731 = arith.constant 1 : index
    %swap3A_732 = arith.constant 10 : index
    %swap3A_733 = arith.constant 0 : index
    %swap3A_734 = arith.constant 0 : index
    %swap3A_735 = vector.load %arg2[%swap3A_730, %swap3A_731, %swap3A_732, %swap3A_733, %swap3A_734] : memref<1x8x32x8x128xf32, #tpu.memory_space<vmem>>, vector<1x1x1x8x128xf32>
    %swap3A_736 = vector.shape_cast %swap3A_735 : vector<1x1x1x8x128xf32> to vector<8x128xf32>
    %swap3A_737 = vector.shape_cast %slice3A_729 : vector<8x128xf32> to vector<1x1x1x8x128xf32>
    tpu.vector_store %arg2[%swap3A_730, %swap3A_731, %swap3A_732, %swap3A_733, %swap3A_734], %swap3A_737 {strides = array<i32>} : memref<1x8x32x8x128xf32, #tpu.memory_space<vmem>>, vector<1x1x1x8x128xf32>,
    %slice3A_738 = vector.extract_strided_slice %transpose3A {offsets = [16, 1280], sizes = [8, 128], strides = [1, 1]} : vector<128x2048xf32> to vector<8x128xf32>
    %swap3A_739 = arith.constant 0 : index
    %swap3A_740 = arith.constant 2 : index
    %swap3A_741 = arith.constant 10 : index
    %swap3A_742 = arith.constant 0 : index
    %swap3A_743 = arith.constant 0 : index
    %swap3A_744 = vector.load %arg2[%swap3A_739, %swap3A_740, %swap3A_741, %swap3A_742, %swap3A_743] : memref<1x8x32x8x128xf32, #tpu.memory_space<vmem>>, vector<1x1x1x8x128xf32>
    %swap3A_745 = vector.shape_cast %swap3A_744 : vector<1x1x1x8x128xf32> to vector<8x128xf32>
    %swap3A_746 = vector.shape_cast %slice3A_738 : vector<8x128xf32> to vector<1x1x1x8x128xf32>
    tpu.vector_store %arg2[%swap3A_739, %swap3A_740, %swap3A_741, %swap3A_742, %swap3A_743], %swap3A_746 {strides = array<i32>} : memref<1x8x32x8x128xf32, #tpu.memory_space<vmem>>, vector<1x1x1x8x128xf32>,
    %slice3A_747 = vector.extract_strided_slice %transpose3A {offsets = [24, 1280], sizes = [8, 128], strides = [1, 1]} : vector<128x2048xf32> to vector<8x128xf32>
    %swap3A_748 = arith.constant 0 : index
    %swap3A_749 = arith.constant 3 : index
    %swap3A_750 = arith.constant 10 : index
    %swap3A_751 = arith.constant 0 : index
    %swap3A_752 = arith.constant 0 : index
    %swap3A_753 = vector.load %arg2[%swap3A_748, %swap3A_749, %swap3A_750, %swap3A_751, %swap3A_752] : memref<1x8x32x8x128xf32, #tpu.memory_space<vmem>>, vector<1x1x1x8x128xf32>
    %swap3A_754 = vector.shape_cast %swap3A_753 : vector<1x1x1x8x128xf32> to vector<8x128xf32>
    %swap3A_755 = vector.shape_cast %slice3A_747 : vector<8x128xf32> to vector<1x1x1x8x128xf32>
    tpu.vector_store %arg2[%swap3A_748, %swap3A_749, %swap3A_750, %swap3A_751, %swap3A_752], %swap3A_755 {strides = array<i32>} : memref<1x8x32x8x128xf32, #tpu.memory_space<vmem>>, vector<1x1x1x8x128xf32>,
    %slice3A_756 = vector.extract_strided_slice %transpose3A {offsets = [32, 1280], sizes = [8, 128], strides = [1, 1]} : vector<128x2048xf32> to vector<8x128xf32>
    %swap3A_757 = arith.constant 0 : index
    %swap3A_758 = arith.constant 4 : index
    %swap3A_759 = arith.constant 10 : index
    %swap3A_760 = arith.constant 0 : index
    %swap3A_761 = arith.constant 0 : index
    %swap3A_762 = vector.load %arg2[%swap3A_757, %swap3A_758, %swap3A_759, %swap3A_760, %swap3A_761] : memref<1x8x32x8x128xf32, #tpu.memory_space<vmem>>, vector<1x1x1x8x128xf32>
    %swap3A_763 = vector.shape_cast %swap3A_762 : vector<1x1x1x8x128xf32> to vector<8x128xf32>
    %swap3A_764 = vector.shape_cast %slice3A_756 : vector<8x128xf32> to vector<1x1x1x8x128xf32>
    tpu.vector_store %arg2[%swap3A_757, %swap3A_758, %swap3A_759, %swap3A_760, %swap3A_761], %swap3A_764 {strides = array<i32>} : memref<1x8x32x8x128xf32, #tpu.memory_space<vmem>>, vector<1x1x1x8x128xf32>,
    %slice3A_765 = vector.extract_strided_slice %transpose3A {offsets = [40, 1280], sizes = [8, 128], strides = [1, 1]} : vector<128x2048xf32> to vector<8x128xf32>
    %swap3A_766 = arith.constant 0 : index
    %swap3A_767 = arith.constant 5 : index
    %swap3A_768 = arith.constant 10 : index
    %swap3A_769 = arith.constant 0 : index
    %swap3A_770 = arith.constant 0 : index
    %swap3A_771 = vector.load %arg2[%swap3A_766, %swap3A_767, %swap3A_768, %swap3A_769, %swap3A_770] : memref<1x8x32x8x128xf32, #tpu.memory_space<vmem>>, vector<1x1x1x8x128xf32>
    %swap3A_772 = vector.shape_cast %swap3A_771 : vector<1x1x1x8x128xf32> to vector<8x128xf32>
    %swap3A_773 = vector.shape_cast %slice3A_765 : vector<8x128xf32> to vector<1x1x1x8x128xf32>
    tpu.vector_store %arg2[%swap3A_766, %swap3A_767, %swap3A_768, %swap3A_769, %swap3A_770], %swap3A_773 {strides = array<i32>} : memref<1x8x32x8x128xf32, #tpu.memory_space<vmem>>, vector<1x1x1x8x128xf32>,
    %slice3A_774 = vector.extract_strided_slice %transpose3A {offsets = [48, 1280], sizes = [8, 128], strides = [1, 1]} : vector<128x2048xf32> to vector<8x128xf32>
    %swap3A_775 = arith.constant 0 : index
    %swap3A_776 = arith.constant 6 : index
    %swap3A_777 = arith.constant 10 : index
    %swap3A_778 = arith.constant 0 : index
    %swap3A_779 = arith.constant 0 : index
    %swap3A_780 = vector.load %arg2[%swap3A_775, %swap3A_776, %swap3A_777, %swap3A_778, %swap3A_779] : memref<1x8x32x8x128xf32, #tpu.memory_space<vmem>>, vector<1x1x1x8x128xf32>
    %swap3A_781 = vector.shape_cast %swap3A_780 : vector<1x1x1x8x128xf32> to vector<8x128xf32>
    %swap3A_782 = vector.shape_cast %slice3A_774 : vector<8x128xf32> to vector<1x1x1x8x128xf32>
    tpu.vector_store %arg2[%swap3A_775, %swap3A_776, %swap3A_777, %swap3A_778, %swap3A_779], %swap3A_782 {strides = array<i32>} : memref<1x8x32x8x128xf32, #tpu.memory_space<vmem>>, vector<1x1x1x8x128xf32>,
    %slice3A_783 = vector.extract_strided_slice %transpose3A {offsets = [56, 1280], sizes = [8, 128], strides = [1, 1]} : vector<128x2048xf32> to vector<8x128xf32>
    %swap3A_784 = arith.constant 0 : index
    %swap3A_785 = arith.constant 7 : index
    %swap3A_786 = arith.constant 10 : index
    %swap3A_787 = arith.constant 0 : index
    %swap3A_788 = arith.constant 0 : index
    %swap3A_789 = vector.load %arg2[%swap3A_784, %swap3A_785, %swap3A_786, %swap3A_787, %swap3A_788] : memref<1x8x32x8x128xf32, #tpu.memory_space<vmem>>, vector<1x1x1x8x128xf32>
    %swap3A_790 = vector.shape_cast %swap3A_789 : vector<1x1x1x8x128xf32> to vector<8x128xf32>
    %swap3A_791 = vector.shape_cast %slice3A_783 : vector<8x128xf32> to vector<1x1x1x8x128xf32>
    tpu.vector_store %arg2[%swap3A_784, %swap3A_785, %swap3A_786, %swap3A_787, %swap3A_788], %swap3A_791 {strides = array<i32>} : memref<1x8x32x8x128xf32, #tpu.memory_space<vmem>>, vector<1x1x1x8x128xf32>,
    %slice3A_792 = vector.extract_strided_slice %transpose3A {offsets = [0, 1408], sizes = [8, 128], strides = [1, 1]} : vector<128x2048xf32> to vector<8x128xf32>
    %swap3A_793 = arith.constant 0 : index
    %swap3A_794 = arith.constant 0 : index
    %swap3A_795 = arith.constant 11 : index
    %swap3A_796 = arith.constant 0 : index
    %swap3A_797 = arith.constant 0 : index
    %swap3A_798 = vector.load %arg2[%swap3A_793, %swap3A_794, %swap3A_795, %swap3A_796, %swap3A_797] : memref<1x8x32x8x128xf32, #tpu.memory_space<vmem>>, vector<1x1x1x8x128xf32>
    %swap3A_799 = vector.shape_cast %swap3A_798 : vector<1x1x1x8x128xf32> to vector<8x128xf32>
    %swap3A_800 = vector.shape_cast %slice3A_792 : vector<8x128xf32> to vector<1x1x1x8x128xf32>
    tpu.vector_store %arg2[%swap3A_793, %swap3A_794, %swap3A_795, %swap3A_796, %swap3A_797], %swap3A_800 {strides = array<i32>} : memref<1x8x32x8x128xf32, #tpu.memory_space<vmem>>, vector<1x1x1x8x128xf32>,
    %slice3A_801 = vector.extract_strided_slice %transpose3A {offsets = [8, 1408], sizes = [8, 128], strides = [1, 1]} : vector<128x2048xf32> to vector<8x128xf32>
    %swap3A_802 = arith.constant 0 : index
    %swap3A_803 = arith.constant 1 : index
    %swap3A_804 = arith.constant 11 : index
    %swap3A_805 = arith.constant 0 : index
    %swap3A_806 = arith.constant 0 : index
    %swap3A_807 = vector.load %arg2[%swap3A_802, %swap3A_803, %swap3A_804, %swap3A_805, %swap3A_806] : memref<1x8x32x8x128xf32, #tpu.memory_space<vmem>>, vector<1x1x1x8x128xf32>
    %swap3A_808 = vector.shape_cast %swap3A_807 : vector<1x1x1x8x128xf32> to vector<8x128xf32>
    %swap3A_809 = vector.shape_cast %slice3A_801 : vector<8x128xf32> to vector<1x1x1x8x128xf32>
    tpu.vector_store %arg2[%swap3A_802, %swap3A_803, %swap3A_804, %swap3A_805, %swap3A_806], %swap3A_809 {strides = array<i32>} : memref<1x8x32x8x128xf32, #tpu.memory_space<vmem>>, vector<1x1x1x8x128xf32>,
    %slice3A_810 = vector.extract_strided_slice %transpose3A {offsets = [16, 1408], sizes = [8, 128], strides = [1, 1]} : vector<128x2048xf32> to vector<8x128xf32>
    %swap3A_811 = arith.constant 0 : index
    %swap3A_812 = arith.constant 2 : index
    %swap3A_813 = arith.constant 11 : index
    %swap3A_814 = arith.constant 0 : index
    %swap3A_815 = arith.constant 0 : index
    %swap3A_816 = vector.load %arg2[%swap3A_811, %swap3A_812, %swap3A_813, %swap3A_814, %swap3A_815] : memref<1x8x32x8x128xf32, #tpu.memory_space<vmem>>, vector<1x1x1x8x128xf32>
    %swap3A_817 = vector.shape_cast %swap3A_816 : vector<1x1x1x8x128xf32> to vector<8x128xf32>
    %swap3A_818 = vector.shape_cast %slice3A_810 : vector<8x128xf32> to vector<1x1x1x8x128xf32>
    tpu.vector_store %arg2[%swap3A_811, %swap3A_812, %swap3A_813, %swap3A_814, %swap3A_815], %swap3A_818 {strides = array<i32>} : memref<1x8x32x8x128xf32, #tpu.memory_space<vmem>>, vector<1x1x1x8x128xf32>,
    %slice3A_819 = vector.extract_strided_slice %transpose3A {offsets = [24, 1408], sizes = [8, 128], strides = [1, 1]} : vector<128x2048xf32> to vector<8x128xf32>
    %swap3A_820 = arith.constant 0 : index
    %swap3A_821 = arith.constant 3 : index
    %swap3A_822 = arith.constant 11 : index
    %swap3A_823 = arith.constant 0 : index
    %swap3A_824 = arith.constant 0 : index
    %swap3A_825 = vector.load %arg2[%swap3A_820, %swap3A_821, %swap3A_822, %swap3A_823, %swap3A_824] : memref<1x8x32x8x128xf32, #tpu.memory_space<vmem>>, vector<1x1x1x8x128xf32>
    %swap3A_826 = vector.shape_cast %swap3A_825 : vector<1x1x1x8x128xf32> to vector<8x128xf32>
    %swap3A_827 = vector.shape_cast %slice3A_819 : vector<8x128xf32> to vector<1x1x1x8x128xf32>
    tpu.vector_store %arg2[%swap3A_820, %swap3A_821, %swap3A_822, %swap3A_823, %swap3A_824], %swap3A_827 {strides = array<i32>} : memref<1x8x32x8x128xf32, #tpu.memory_space<vmem>>, vector<1x1x1x8x128xf32>,
    %slice3A_828 = vector.extract_strided_slice %transpose3A {offsets = [32, 1408], sizes = [8, 128], strides = [1, 1]} : vector<128x2048xf32> to vector<8x128xf32>
    %swap3A_829 = arith.constant 0 : index
    %swap3A_830 = arith.constant 4 : index
    %swap3A_831 = arith.constant 11 : index
    %swap3A_832 = arith.constant 0 : index
    %swap3A_833 = arith.constant 0 : index
    %swap3A_834 = vector.load %arg2[%swap3A_829, %swap3A_830, %swap3A_831, %swap3A_832, %swap3A_833] : memref<1x8x32x8x128xf32, #tpu.memory_space<vmem>>, vector<1x1x1x8x128xf32>
    %swap3A_835 = vector.shape_cast %swap3A_834 : vector<1x1x1x8x128xf32> to vector<8x128xf32>
    %swap3A_836 = vector.shape_cast %slice3A_828 : vector<8x128xf32> to vector<1x1x1x8x128xf32>
    tpu.vector_store %arg2[%swap3A_829, %swap3A_830, %swap3A_831, %swap3A_832, %swap3A_833], %swap3A_836 {strides = array<i32>} : memref<1x8x32x8x128xf32, #tpu.memory_space<vmem>>, vector<1x1x1x8x128xf32>,
    %slice3A_837 = vector.extract_strided_slice %transpose3A {offsets = [40, 1408], sizes = [8, 128], strides = [1, 1]} : vector<128x2048xf32> to vector<8x128xf32>
    %swap3A_838 = arith.constant 0 : index
    %swap3A_839 = arith.constant 5 : index
    %swap3A_840 = arith.constant 11 : index
    %swap3A_841 = arith.constant 0 : index
    %swap3A_842 = arith.constant 0 : index
    %swap3A_843 = vector.load %arg2[%swap3A_838, %swap3A_839, %swap3A_840, %swap3A_841, %swap3A_842] : memref<1x8x32x8x128xf32, #tpu.memory_space<vmem>>, vector<1x1x1x8x128xf32>
    %swap3A_844 = vector.shape_cast %swap3A_843 : vector<1x1x1x8x128xf32> to vector<8x128xf32>
    %swap3A_845 = vector.shape_cast %slice3A_837 : vector<8x128xf32> to vector<1x1x1x8x128xf32>
    tpu.vector_store %arg2[%swap3A_838, %swap3A_839, %swap3A_840, %swap3A_841, %swap3A_842], %swap3A_845 {strides = array<i32>} : memref<1x8x32x8x128xf32, #tpu.memory_space<vmem>>, vector<1x1x1x8x128xf32>,
    %slice3A_846 = vector.extract_strided_slice %transpose3A {offsets = [48, 1408], sizes = [8, 128], strides = [1, 1]} : vector<128x2048xf32> to vector<8x128xf32>
    %swap3A_847 = arith.constant 0 : index
    %swap3A_848 = arith.constant 6 : index
    %swap3A_849 = arith.constant 11 : index
    %swap3A_850 = arith.constant 0 : index
    %swap3A_851 = arith.constant 0 : index
    %swap3A_852 = vector.load %arg2[%swap3A_847, %swap3A_848, %swap3A_849, %swap3A_850, %swap3A_851] : memref<1x8x32x8x128xf32, #tpu.memory_space<vmem>>, vector<1x1x1x8x128xf32>
    %swap3A_853 = vector.shape_cast %swap3A_852 : vector<1x1x1x8x128xf32> to vector<8x128xf32>
    %swap3A_854 = vector.shape_cast %slice3A_846 : vector<8x128xf32> to vector<1x1x1x8x128xf32>
    tpu.vector_store %arg2[%swap3A_847, %swap3A_848, %swap3A_849, %swap3A_850, %swap3A_851], %swap3A_854 {strides = array<i32>} : memref<1x8x32x8x128xf32, #tpu.memory_space<vmem>>, vector<1x1x1x8x128xf32>,
    %slice3A_855 = vector.extract_strided_slice %transpose3A {offsets = [56, 1408], sizes = [8, 128], strides = [1, 1]} : vector<128x2048xf32> to vector<8x128xf32>
    %swap3A_856 = arith.constant 0 : index
    %swap3A_857 = arith.constant 7 : index
    %swap3A_858 = arith.constant 11 : index
    %swap3A_859 = arith.constant 0 : index
    %swap3A_860 = arith.constant 0 : index
    %swap3A_861 = vector.load %arg2[%swap3A_856, %swap3A_857, %swap3A_858, %swap3A_859, %swap3A_860] : memref<1x8x32x8x128xf32, #tpu.memory_space<vmem>>, vector<1x1x1x8x128xf32>
    %swap3A_862 = vector.shape_cast %swap3A_861 : vector<1x1x1x8x128xf32> to vector<8x128xf32>
    %swap3A_863 = vector.shape_cast %slice3A_855 : vector<8x128xf32> to vector<1x1x1x8x128xf32>
    tpu.vector_store %arg2[%swap3A_856, %swap3A_857, %swap3A_858, %swap3A_859, %swap3A_860], %swap3A_863 {strides = array<i32>} : memref<1x8x32x8x128xf32, #tpu.memory_space<vmem>>, vector<1x1x1x8x128xf32>,
    %slice3A_864 = vector.extract_strided_slice %transpose3A {offsets = [0, 1536], sizes = [8, 128], strides = [1, 1]} : vector<128x2048xf32> to vector<8x128xf32>
    %swap3A_865 = arith.constant 0 : index
    %swap3A_866 = arith.constant 0 : index
    %swap3A_867 = arith.constant 12 : index
    %swap3A_868 = arith.constant 0 : index
    %swap3A_869 = arith.constant 0 : index
    %swap3A_870 = vector.load %arg2[%swap3A_865, %swap3A_866, %swap3A_867, %swap3A_868, %swap3A_869] : memref<1x8x32x8x128xf32, #tpu.memory_space<vmem>>, vector<1x1x1x8x128xf32>
    %swap3A_871 = vector.shape_cast %swap3A_870 : vector<1x1x1x8x128xf32> to vector<8x128xf32>
    %swap3A_872 = vector.shape_cast %slice3A_864 : vector<8x128xf32> to vector<1x1x1x8x128xf32>
    tpu.vector_store %arg2[%swap3A_865, %swap3A_866, %swap3A_867, %swap3A_868, %swap3A_869], %swap3A_872 {strides = array<i32>} : memref<1x8x32x8x128xf32, #tpu.memory_space<vmem>>, vector<1x1x1x8x128xf32>,
    %slice3A_873 = vector.extract_strided_slice %transpose3A {offsets = [8, 1536], sizes = [8, 128], strides = [1, 1]} : vector<128x2048xf32> to vector<8x128xf32>
    %swap3A_874 = arith.constant 0 : index
    %swap3A_875 = arith.constant 1 : index
    %swap3A_876 = arith.constant 12 : index
    %swap3A_877 = arith.constant 0 : index
    %swap3A_878 = arith.constant 0 : index
    %swap3A_879 = vector.load %arg2[%swap3A_874, %swap3A_875, %swap3A_876, %swap3A_877, %swap3A_878] : memref<1x8x32x8x128xf32, #tpu.memory_space<vmem>>, vector<1x1x1x8x128xf32>
    %swap3A_880 = vector.shape_cast %swap3A_879 : vector<1x1x1x8x128xf32> to vector<8x128xf32>
    %swap3A_881 = vector.shape_cast %slice3A_873 : vector<8x128xf32> to vector<1x1x1x8x128xf32>
    tpu.vector_store %arg2[%swap3A_874, %swap3A_875, %swap3A_876, %swap3A_877, %swap3A_878], %swap3A_881 {strides = array<i32>} : memref<1x8x32x8x128xf32, #tpu.memory_space<vmem>>, vector<1x1x1x8x128xf32>,
    %slice3A_882 = vector.extract_strided_slice %transpose3A {offsets = [16, 1536], sizes = [8, 128], strides = [1, 1]} : vector<128x2048xf32> to vector<8x128xf32>
    %swap3A_883 = arith.constant 0 : index
    %swap3A_884 = arith.constant 2 : index
    %swap3A_885 = arith.constant 12 : index
    %swap3A_886 = arith.constant 0 : index
    %swap3A_887 = arith.constant 0 : index
    %swap3A_888 = vector.load %arg2[%swap3A_883, %swap3A_884, %swap3A_885, %swap3A_886, %swap3A_887] : memref<1x8x32x8x128xf32, #tpu.memory_space<vmem>>, vector<1x1x1x8x128xf32>
    %swap3A_889 = vector.shape_cast %swap3A_888 : vector<1x1x1x8x128xf32> to vector<8x128xf32>
    %swap3A_890 = vector.shape_cast %slice3A_882 : vector<8x128xf32> to vector<1x1x1x8x128xf32>
    tpu.vector_store %arg2[%swap3A_883, %swap3A_884, %swap3A_885, %swap3A_886, %swap3A_887], %swap3A_890 {strides = array<i32>} : memref<1x8x32x8x128xf32, #tpu.memory_space<vmem>>, vector<1x1x1x8x128xf32>,
    %slice3A_891 = vector.extract_strided_slice %transpose3A {offsets = [24, 1536], sizes = [8, 128], strides = [1, 1]} : vector<128x2048xf32> to vector<8x128xf32>
    %swap3A_892 = arith.constant 0 : index
    %swap3A_893 = arith.constant 3 : index
    %swap3A_894 = arith.constant 12 : index
    %swap3A_895 = arith.constant 0 : index
    %swap3A_896 = arith.constant 0 : index
    %swap3A_897 = vector.load %arg2[%swap3A_892, %swap3A_893, %swap3A_894, %swap3A_895, %swap3A_896] : memref<1x8x32x8x128xf32, #tpu.memory_space<vmem>>, vector<1x1x1x8x128xf32>
    %swap3A_898 = vector.shape_cast %swap3A_897 : vector<1x1x1x8x128xf32> to vector<8x128xf32>
    %swap3A_899 = vector.shape_cast %slice3A_891 : vector<8x128xf32> to vector<1x1x1x8x128xf32>
    tpu.vector_store %arg2[%swap3A_892, %swap3A_893, %swap3A_894, %swap3A_895, %swap3A_896], %swap3A_899 {strides = array<i32>} : memref<1x8x32x8x128xf32, #tpu.memory_space<vmem>>, vector<1x1x1x8x128xf32>,
    %slice3A_900 = vector.extract_strided_slice %transpose3A {offsets = [32, 1536], sizes = [8, 128], strides = [1, 1]} : vector<128x2048xf32> to vector<8x128xf32>
    %swap3A_901 = arith.constant 0 : index
    %swap3A_902 = arith.constant 4 : index
    %swap3A_903 = arith.constant 12 : index
    %swap3A_904 = arith.constant 0 : index
    %swap3A_905 = arith.constant 0 : index
    %swap3A_906 = vector.load %arg2[%swap3A_901, %swap3A_902, %swap3A_903, %swap3A_904, %swap3A_905] : memref<1x8x32x8x128xf32, #tpu.memory_space<vmem>>, vector<1x1x1x8x128xf32>
    %swap3A_907 = vector.shape_cast %swap3A_906 : vector<1x1x1x8x128xf32> to vector<8x128xf32>
    %swap3A_908 = vector.shape_cast %slice3A_900 : vector<8x128xf32> to vector<1x1x1x8x128xf32>
    tpu.vector_store %arg2[%swap3A_901, %swap3A_902, %swap3A_903, %swap3A_904, %swap3A_905], %swap3A_908 {strides = array<i32>} : memref<1x8x32x8x128xf32, #tpu.memory_space<vmem>>, vector<1x1x1x8x128xf32>,
    %slice3A_909 = vector.extract_strided_slice %transpose3A {offsets = [40, 1536], sizes = [8, 128], strides = [1, 1]} : vector<128x2048xf32> to vector<8x128xf32>
    %swap3A_910 = arith.constant 0 : index
    %swap3A_911 = arith.constant 5 : index
    %swap3A_912 = arith.constant 12 : index
    %swap3A_913 = arith.constant 0 : index
    %swap3A_914 = arith.constant 0 : index
    %swap3A_915 = vector.load %arg2[%swap3A_910, %swap3A_911, %swap3A_912, %swap3A_913, %swap3A_914] : memref<1x8x32x8x128xf32, #tpu.memory_space<vmem>>, vector<1x1x1x8x128xf32>
    %swap3A_916 = vector.shape_cast %swap3A_915 : vector<1x1x1x8x128xf32> to vector<8x128xf32>
    %swap3A_917 = vector.shape_cast %slice3A_909 : vector<8x128xf32> to vector<1x1x1x8x128xf32>
    tpu.vector_store %arg2[%swap3A_910, %swap3A_911, %swap3A_912, %swap3A_913, %swap3A_914], %swap3A_917 {strides = array<i32>} : memref<1x8x32x8x128xf32, #tpu.memory_space<vmem>>, vector<1x1x1x8x128xf32>,
    %slice3A_918 = vector.extract_strided_slice %transpose3A {offsets = [48, 1536], sizes = [8, 128], strides = [1, 1]} : vector<128x2048xf32> to vector<8x128xf32>
    %swap3A_919 = arith.constant 0 : index
    %swap3A_920 = arith.constant 6 : index
    %swap3A_921 = arith.constant 12 : index
    %swap3A_922 = arith.constant 0 : index
    %swap3A_923 = arith.constant 0 : index
    %swap3A_924 = vector.load %arg2[%swap3A_919, %swap3A_920, %swap3A_921, %swap3A_922, %swap3A_923] : memref<1x8x32x8x128xf32, #tpu.memory_space<vmem>>, vector<1x1x1x8x128xf32>
    %swap3A_925 = vector.shape_cast %swap3A_924 : vector<1x1x1x8x128xf32> to vector<8x128xf32>
    %swap3A_926 = vector.shape_cast %slice3A_918 : vector<8x128xf32> to vector<1x1x1x8x128xf32>
    tpu.vector_store %arg2[%swap3A_919, %swap3A_920, %swap3A_921, %swap3A_922, %swap3A_923], %swap3A_926 {strides = array<i32>} : memref<1x8x32x8x128xf32, #tpu.memory_space<vmem>>, vector<1x1x1x8x128xf32>,
    %slice3A_927 = vector.extract_strided_slice %transpose3A {offsets = [56, 1536], sizes = [8, 128], strides = [1, 1]} : vector<128x2048xf32> to vector<8x128xf32>
    %swap3A_928 = arith.constant 0 : index
    %swap3A_929 = arith.constant 7 : index
    %swap3A_930 = arith.constant 12 : index
    %swap3A_931 = arith.constant 0 : index
    %swap3A_932 = arith.constant 0 : index
    %swap3A_933 = vector.load %arg2[%swap3A_928, %swap3A_929, %swap3A_930, %swap3A_931, %swap3A_932] : memref<1x8x32x8x128xf32, #tpu.memory_space<vmem>>, vector<1x1x1x8x128xf32>
    %swap3A_934 = vector.shape_cast %swap3A_933 : vector<1x1x1x8x128xf32> to vector<8x128xf32>
    %swap3A_935 = vector.shape_cast %slice3A_927 : vector<8x128xf32> to vector<1x1x1x8x128xf32>
    tpu.vector_store %arg2[%swap3A_928, %swap3A_929, %swap3A_930, %swap3A_931, %swap3A_932], %swap3A_935 {strides = array<i32>} : memref<1x8x32x8x128xf32, #tpu.memory_space<vmem>>, vector<1x1x1x8x128xf32>,
    %slice3A_936 = vector.extract_strided_slice %transpose3A {offsets = [0, 1664], sizes = [8, 128], strides = [1, 1]} : vector<128x2048xf32> to vector<8x128xf32>
    %swap3A_937 = arith.constant 0 : index
    %swap3A_938 = arith.constant 0 : index
    %swap3A_939 = arith.constant 13 : index
    %swap3A_940 = arith.constant 0 : index
    %swap3A_941 = arith.constant 0 : index
    %swap3A_942 = vector.load %arg2[%swap3A_937, %swap3A_938, %swap3A_939, %swap3A_940, %swap3A_941] : memref<1x8x32x8x128xf32, #tpu.memory_space<vmem>>, vector<1x1x1x8x128xf32>
    %swap3A_943 = vector.shape_cast %swap3A_942 : vector<1x1x1x8x128xf32> to vector<8x128xf32>
    %swap3A_944 = vector.shape_cast %slice3A_936 : vector<8x128xf32> to vector<1x1x1x8x128xf32>
    tpu.vector_store %arg2[%swap3A_937, %swap3A_938, %swap3A_939, %swap3A_940, %swap3A_941], %swap3A_944 {strides = array<i32>} : memref<1x8x32x8x128xf32, #tpu.memory_space<vmem>>, vector<1x1x1x8x128xf32>,
    %slice3A_945 = vector.extract_strided_slice %transpose3A {offsets = [8, 1664], sizes = [8, 128], strides = [1, 1]} : vector<128x2048xf32> to vector<8x128xf32>
    %swap3A_946 = arith.constant 0 : index
    %swap3A_947 = arith.constant 1 : index
    %swap3A_948 = arith.constant 13 : index
    %swap3A_949 = arith.constant 0 : index
    %swap3A_950 = arith.constant 0 : index
    %swap3A_951 = vector.load %arg2[%swap3A_946, %swap3A_947, %swap3A_948, %swap3A_949, %swap3A_950] : memref<1x8x32x8x128xf32, #tpu.memory_space<vmem>>, vector<1x1x1x8x128xf32>
    %swap3A_952 = vector.shape_cast %swap3A_951 : vector<1x1x1x8x128xf32> to vector<8x128xf32>
    %swap3A_953 = vector.shape_cast %slice3A_945 : vector<8x128xf32> to vector<1x1x1x8x128xf32>
    tpu.vector_store %arg2[%swap3A_946, %swap3A_947, %swap3A_948, %swap3A_949, %swap3A_950], %swap3A_953 {strides = array<i32>} : memref<1x8x32x8x128xf32, #tpu.memory_space<vmem>>, vector<1x1x1x8x128xf32>,
    %slice3A_954 = vector.extract_strided_slice %transpose3A {offsets = [16, 1664], sizes = [8, 128], strides = [1, 1]} : vector<128x2048xf32> to vector<8x128xf32>
    %swap3A_955 = arith.constant 0 : index
    %swap3A_956 = arith.constant 2 : index
    %swap3A_957 = arith.constant 13 : index
    %swap3A_958 = arith.constant 0 : index
    %swap3A_959 = arith.constant 0 : index
    %swap3A_960 = vector.load %arg2[%swap3A_955, %swap3A_956, %swap3A_957, %swap3A_958, %swap3A_959] : memref<1x8x32x8x128xf32, #tpu.memory_space<vmem>>, vector<1x1x1x8x128xf32>
    %swap3A_961 = vector.shape_cast %swap3A_960 : vector<1x1x1x8x128xf32> to vector<8x128xf32>
    %swap3A_962 = vector.shape_cast %slice3A_954 : vector<8x128xf32> to vector<1x1x1x8x128xf32>
    tpu.vector_store %arg2[%swap3A_955, %swap3A_956, %swap3A_957, %swap3A_958, %swap3A_959], %swap3A_962 {strides = array<i32>} : memref<1x8x32x8x128xf32, #tpu.memory_space<vmem>>, vector<1x1x1x8x128xf32>,
    %slice3A_963 = vector.extract_strided_slice %transpose3A {offsets = [24, 1664], sizes = [8, 128], strides = [1, 1]} : vector<128x2048xf32> to vector<8x128xf32>
    %swap3A_964 = arith.constant 0 : index
    %swap3A_965 = arith.constant 3 : index
    %swap3A_966 = arith.constant 13 : index
    %swap3A_967 = arith.constant 0 : index
    %swap3A_968 = arith.constant 0 : index
    %swap3A_969 = vector.load %arg2[%swap3A_964, %swap3A_965, %swap3A_966, %swap3A_967, %swap3A_968] : memref<1x8x32x8x128xf32, #tpu.memory_space<vmem>>, vector<1x1x1x8x128xf32>
    %swap3A_970 = vector.shape_cast %swap3A_969 : vector<1x1x1x8x128xf32> to vector<8x128xf32>
    %swap3A_971 = vector.shape_cast %slice3A_963 : vector<8x128xf32> to vector<1x1x1x8x128xf32>
    tpu.vector_store %arg2[%swap3A_964, %swap3A_965, %swap3A_966, %swap3A_967, %swap3A_968], %swap3A_971 {strides = array<i32>} : memref<1x8x32x8x128xf32, #tpu.memory_space<vmem>>, vector<1x1x1x8x128xf32>,
    %slice3A_972 = vector.extract_strided_slice %transpose3A {offsets = [32, 1664], sizes = [8, 128], strides = [1, 1]} : vector<128x2048xf32> to vector<8x128xf32>
    %swap3A_973 = arith.constant 0 : index
    %swap3A_974 = arith.constant 4 : index
    %swap3A_975 = arith.constant 13 : index
    %swap3A_976 = arith.constant 0 : index
    %swap3A_977 = arith.constant 0 : index
    %swap3A_978 = vector.load %arg2[%swap3A_973, %swap3A_974, %swap3A_975, %swap3A_976, %swap3A_977] : memref<1x8x32x8x128xf32, #tpu.memory_space<vmem>>, vector<1x1x1x8x128xf32>
    %swap3A_979 = vector.shape_cast %swap3A_978 : vector<1x1x1x8x128xf32> to vector<8x128xf32>
    %swap3A_980 = vector.shape_cast %slice3A_972 : vector<8x128xf32> to vector<1x1x1x8x128xf32>
    tpu.vector_store %arg2[%swap3A_973, %swap3A_974, %swap3A_975, %swap3A_976, %swap3A_977], %swap3A_980 {strides = array<i32>} : memref<1x8x32x8x128xf32, #tpu.memory_space<vmem>>, vector<1x1x1x8x128xf32>,
    %slice3A_981 = vector.extract_strided_slice %transpose3A {offsets = [40, 1664], sizes = [8, 128], strides = [1, 1]} : vector<128x2048xf32> to vector<8x128xf32>
    %swap3A_982 = arith.constant 0 : index
    %swap3A_983 = arith.constant 5 : index
    %swap3A_984 = arith.constant 13 : index
    %swap3A_985 = arith.constant 0 : index
    %swap3A_986 = arith.constant 0 : index
    %swap3A_987 = vector.load %arg2[%swap3A_982, %swap3A_983, %swap3A_984, %swap3A_985, %swap3A_986] : memref<1x8x32x8x128xf32, #tpu.memory_space<vmem>>, vector<1x1x1x8x128xf32>
    %swap3A_988 = vector.shape_cast %swap3A_987 : vector<1x1x1x8x128xf32> to vector<8x128xf32>
    %swap3A_989 = vector.shape_cast %slice3A_981 : vector<8x128xf32> to vector<1x1x1x8x128xf32>
    tpu.vector_store %arg2[%swap3A_982, %swap3A_983, %swap3A_984, %swap3A_985, %swap3A_986], %swap3A_989 {strides = array<i32>} : memref<1x8x32x8x128xf32, #tpu.memory_space<vmem>>, vector<1x1x1x8x128xf32>,
    %slice3A_990 = vector.extract_strided_slice %transpose3A {offsets = [48, 1664], sizes = [8, 128], strides = [1, 1]} : vector<128x2048xf32> to vector<8x128xf32>
    %swap3A_991 = arith.constant 0 : index
    %swap3A_992 = arith.constant 6 : index
    %swap3A_993 = arith.constant 13 : index
    %swap3A_994 = arith.constant 0 : index
    %swap3A_995 = arith.constant 0 : index
    %swap3A_996 = vector.load %arg2[%swap3A_991, %swap3A_992, %swap3A_993, %swap3A_994, %swap3A_995] : memref<1x8x32x8x128xf32, #tpu.memory_space<vmem>>, vector<1x1x1x8x128xf32>
    %swap3A_997 = vector.shape_cast %swap3A_996 : vector<1x1x1x8x128xf32> to vector<8x128xf32>
    %swap3A_998 = vector.shape_cast %slice3A_990 : vector<8x128xf32> to vector<1x1x1x8x128xf32>
    tpu.vector_store %arg2[%swap3A_991, %swap3A_992, %swap3A_993, %swap3A_994, %swap3A_995], %swap3A_998 {strides = array<i32>} : memref<1x8x32x8x128xf32, #tpu.memory_space<vmem>>, vector<1x1x1x8x128xf32>,
    %slice3A_999 = vector.extract_strided_slice %transpose3A {offsets = [56, 1664], sizes = [8, 128], strides = [1, 1]} : vector<128x2048xf32> to vector<8x128xf32>
    %swap3A_1000 = arith.constant 0 : index
    %swap3A_1001 = arith.constant 7 : index
    %swap3A_1002 = arith.constant 13 : index
    %swap3A_1003 = arith.constant 0 : index
    %swap3A_1004 = arith.constant 0 : index
    %swap3A_1005 = vector.load %arg2[%swap3A_1000, %swap3A_1001, %swap3A_1002, %swap3A_1003, %swap3A_1004] : memref<1x8x32x8x128xf32, #tpu.memory_space<vmem>>, vector<1x1x1x8x128xf32>
    %swap3A_1006 = vector.shape_cast %swap3A_1005 : vector<1x1x1x8x128xf32> to vector<8x128xf32>
    %swap3A_1007 = vector.shape_cast %slice3A_999 : vector<8x128xf32> to vector<1x1x1x8x128xf32>
    tpu.vector_store %arg2[%swap3A_1000, %swap3A_1001, %swap3A_1002, %swap3A_1003, %swap3A_1004], %swap3A_1007 {strides = array<i32>} : memref<1x8x32x8x128xf32, #tpu.memory_space<vmem>>, vector<1x1x1x8x128xf32>,
    %slice3A_1008 = vector.extract_strided_slice %transpose3A {offsets = [0, 1792], sizes = [8, 128], strides = [1, 1]} : vector<128x2048xf32> to vector<8x128xf32>
    %swap3A_1009 = arith.constant 0 : index
    %swap3A_1010 = arith.constant 0 : index
    %swap3A_1011 = arith.constant 14 : index
    %swap3A_1012 = arith.constant 0 : index
    %swap3A_1013 = arith.constant 0 : index
    %swap3A_1014 = vector.load %arg2[%swap3A_1009, %swap3A_1010, %swap3A_1011, %swap3A_1012, %swap3A_1013] : memref<1x8x32x8x128xf32, #tpu.memory_space<vmem>>, vector<1x1x1x8x128xf32>
    %swap3A_1015 = vector.shape_cast %swap3A_1014 : vector<1x1x1x8x128xf32> to vector<8x128xf32>
    %swap3A_1016 = vector.shape_cast %slice3A_1008 : vector<8x128xf32> to vector<1x1x1x8x128xf32>
    tpu.vector_store %arg2[%swap3A_1009, %swap3A_1010, %swap3A_1011, %swap3A_1012, %swap3A_1013], %swap3A_1016 {strides = array<i32>} : memref<1x8x32x8x128xf32, #tpu.memory_space<vmem>>, vector<1x1x1x8x128xf32>,
    %slice3A_1017 = vector.extract_strided_slice %transpose3A {offsets = [8, 1792], sizes = [8, 128], strides = [1, 1]} : vector<128x2048xf32> to vector<8x128xf32>
    %swap3A_1018 = arith.constant 0 : index
    %swap3A_1019 = arith.constant 1 : index
    %swap3A_1020 = arith.constant 14 : index
    %swap3A_1021 = arith.constant 0 : index
    %swap3A_1022 = arith.constant 0 : index
    %swap3A_1023 = vector.load %arg2[%swap3A_1018, %swap3A_1019, %swap3A_1020, %swap3A_1021, %swap3A_1022] : memref<1x8x32x8x128xf32, #tpu.memory_space<vmem>>, vector<1x1x1x8x128xf32>
    %swap3A_1024 = vector.shape_cast %swap3A_1023 : vector<1x1x1x8x128xf32> to vector<8x128xf32>
    %swap3A_1025 = vector.shape_cast %slice3A_1017 : vector<8x128xf32> to vector<1x1x1x8x128xf32>
    tpu.vector_store %arg2[%swap3A_1018, %swap3A_1019, %swap3A_1020, %swap3A_1021, %swap3A_1022], %swap3A_1025 {strides = array<i32>} : memref<1x8x32x8x128xf32, #tpu.memory_space<vmem>>, vector<1x1x1x8x128xf32>,
    %slice3A_1026 = vector.extract_strided_slice %transpose3A {offsets = [16, 1792], sizes = [8, 128], strides = [1, 1]} : vector<128x2048xf32> to vector<8x128xf32>
    %swap3A_1027 = arith.constant 0 : index
    %swap3A_1028 = arith.constant 2 : index
    %swap3A_1029 = arith.constant 14 : index
    %swap3A_1030 = arith.constant 0 : index
    %swap3A_1031 = arith.constant 0 : index
    %swap3A_1032 = vector.load %arg2[%swap3A_1027, %swap3A_1028, %swap3A_1029, %swap3A_1030, %swap3A_1031] : memref<1x8x32x8x128xf32, #tpu.memory_space<vmem>>, vector<1x1x1x8x128xf32>
    %swap3A_1033 = vector.shape_cast %swap3A_1032 : vector<1x1x1x8x128xf32> to vector<8x128xf32>
    %swap3A_1034 = vector.shape_cast %slice3A_1026 : vector<8x128xf32> to vector<1x1x1x8x128xf32>
    tpu.vector_store %arg2[%swap3A_1027, %swap3A_1028, %swap3A_1029, %swap3A_1030, %swap3A_1031], %swap3A_1034 {strides = array<i32>} : memref<1x8x32x8x128xf32, #tpu.memory_space<vmem>>, vector<1x1x1x8x128xf32>,
    %slice3A_1035 = vector.extract_strided_slice %transpose3A {offsets = [24, 1792], sizes = [8, 128], strides = [1, 1]} : vector<128x2048xf32> to vector<8x128xf32>
    %swap3A_1036 = arith.constant 0 : index
    %swap3A_1037 = arith.constant 3 : index
    %swap3A_1038 = arith.constant 14 : index
    %swap3A_1039 = arith.constant 0 : index
    %swap3A_1040 = arith.constant 0 : index
    %swap3A_1041 = vector.load %arg2[%swap3A_1036, %swap3A_1037, %swap3A_1038, %swap3A_1039, %swap3A_1040] : memref<1x8x32x8x128xf32, #tpu.memory_space<vmem>>, vector<1x1x1x8x128xf32>
    %swap3A_1042 = vector.shape_cast %swap3A_1041 : vector<1x1x1x8x128xf32> to vector<8x128xf32>
    %swap3A_1043 = vector.shape_cast %slice3A_1035 : vector<8x128xf32> to vector<1x1x1x8x128xf32>
    tpu.vector_store %arg2[%swap3A_1036, %swap3A_1037, %swap3A_1038, %swap3A_1039, %swap3A_1040], %swap3A_1043 {strides = array<i32>} : memref<1x8x32x8x128xf32, #tpu.memory_space<vmem>>, vector<1x1x1x8x128xf32>,
    %slice3A_1044 = vector.extract_strided_slice %transpose3A {offsets = [32, 1792], sizes = [8, 128], strides = [1, 1]} : vector<128x2048xf32> to vector<8x128xf32>
    %swap3A_1045 = arith.constant 0 : index
    %swap3A_1046 = arith.constant 4 : index
    %swap3A_1047 = arith.constant 14 : index
    %swap3A_1048 = arith.constant 0 : index
    %swap3A_1049 = arith.constant 0 : index
    %swap3A_1050 = vector.load %arg2[%swap3A_1045, %swap3A_1046, %swap3A_1047, %swap3A_1048, %swap3A_1049] : memref<1x8x32x8x128xf32, #tpu.memory_space<vmem>>, vector<1x1x1x8x128xf32>
    %swap3A_1051 = vector.shape_cast %swap3A_1050 : vector<1x1x1x8x128xf32> to vector<8x128xf32>
    %swap3A_1052 = vector.shape_cast %slice3A_1044 : vector<8x128xf32> to vector<1x1x1x8x128xf32>
    tpu.vector_store %arg2[%swap3A_1045, %swap3A_1046, %swap3A_1047, %swap3A_1048, %swap3A_1049], %swap3A_1052 {strides = array<i32>} : memref<1x8x32x8x128xf32, #tpu.memory_space<vmem>>, vector<1x1x1x8x128xf32>,
    %slice3A_1053 = vector.extract_strided_slice %transpose3A {offsets = [40, 1792], sizes = [8, 128], strides = [1, 1]} : vector<128x2048xf32> to vector<8x128xf32>
    %swap3A_1054 = arith.constant 0 : index
    %swap3A_1055 = arith.constant 5 : index
    %swap3A_1056 = arith.constant 14 : index
    %swap3A_1057 = arith.constant 0 : index
    %swap3A_1058 = arith.constant 0 : index
    %swap3A_1059 = vector.load %arg2[%swap3A_1054, %swap3A_1055, %swap3A_1056, %swap3A_1057, %swap3A_1058] : memref<1x8x32x8x128xf32, #tpu.memory_space<vmem>>, vector<1x1x1x8x128xf32>
    %swap3A_1060 = vector.shape_cast %swap3A_1059 : vector<1x1x1x8x128xf32> to vector<8x128xf32>
    %swap3A_1061 = vector.shape_cast %slice3A_1053 : vector<8x128xf32> to vector<1x1x1x8x128xf32>
    tpu.vector_store %arg2[%swap3A_1054, %swap3A_1055, %swap3A_1056, %swap3A_1057, %swap3A_1058], %swap3A_1061 {strides = array<i32>} : memref<1x8x32x8x128xf32, #tpu.memory_space<vmem>>, vector<1x1x1x8x128xf32>,
    %slice3A_1062 = vector.extract_strided_slice %transpose3A {offsets = [48, 1792], sizes = [8, 128], strides = [1, 1]} : vector<128x2048xf32> to vector<8x128xf32>
    %swap3A_1063 = arith.constant 0 : index
    %swap3A_1064 = arith.constant 6 : index
    %swap3A_1065 = arith.constant 14 : index
    %swap3A_1066 = arith.constant 0 : index
    %swap3A_1067 = arith.constant 0 : index
    %swap3A_1068 = vector.load %arg2[%swap3A_1063, %swap3A_1064, %swap3A_1065, %swap3A_1066, %swap3A_1067] : memref<1x8x32x8x128xf32, #tpu.memory_space<vmem>>, vector<1x1x1x8x128xf32>
    %swap3A_1069 = vector.shape_cast %swap3A_1068 : vector<1x1x1x8x128xf32> to vector<8x128xf32>
    %swap3A_1070 = vector.shape_cast %slice3A_1062 : vector<8x128xf32> to vector<1x1x1x8x128xf32>
    tpu.vector_store %arg2[%swap3A_1063, %swap3A_1064, %swap3A_1065, %swap3A_1066, %swap3A_1067], %swap3A_1070 {strides = array<i32>} : memref<1x8x32x8x128xf32, #tpu.memory_space<vmem>>, vector<1x1x1x8x128xf32>,
    %slice3A_1071 = vector.extract_strided_slice %transpose3A {offsets = [56, 1792], sizes = [8, 128], strides = [1, 1]} : vector<128x2048xf32> to vector<8x128xf32>
    %swap3A_1072 = arith.constant 0 : index
    %swap3A_1073 = arith.constant 7 : index
    %swap3A_1074 = arith.constant 14 : index
    %swap3A_1075 = arith.constant 0 : index
    %swap3A_1076 = arith.constant 0 : index
    %swap3A_1077 = vector.load %arg2[%swap3A_1072, %swap3A_1073, %swap3A_1074, %swap3A_1075, %swap3A_1076] : memref<1x8x32x8x128xf32, #tpu.memory_space<vmem>>, vector<1x1x1x8x128xf32>
    %swap3A_1078 = vector.shape_cast %swap3A_1077 : vector<1x1x1x8x128xf32> to vector<8x128xf32>
    %swap3A_1079 = vector.shape_cast %slice3A_1071 : vector<8x128xf32> to vector<1x1x1x8x128xf32>
    tpu.vector_store %arg2[%swap3A_1072, %swap3A_1073, %swap3A_1074, %swap3A_1075, %swap3A_1076], %swap3A_1079 {strides = array<i32>} : memref<1x8x32x8x128xf32, #tpu.memory_space<vmem>>, vector<1x1x1x8x128xf32>,
    %slice3A_1080 = vector.extract_strided_slice %transpose3A {offsets = [0, 1920], sizes = [8, 128], strides = [1, 1]} : vector<128x2048xf32> to vector<8x128xf32>
    %swap3A_1081 = arith.constant 0 : index
    %swap3A_1082 = arith.constant 0 : index
    %swap3A_1083 = arith.constant 15 : index
    %swap3A_1084 = arith.constant 0 : index
    %swap3A_1085 = arith.constant 0 : index
    %swap3A_1086 = vector.load %arg2[%swap3A_1081, %swap3A_1082, %swap3A_1083, %swap3A_1084, %swap3A_1085] : memref<1x8x32x8x128xf32, #tpu.memory_space<vmem>>, vector<1x1x1x8x128xf32>
    %swap3A_1087 = vector.shape_cast %swap3A_1086 : vector<1x1x1x8x128xf32> to vector<8x128xf32>
    %swap3A_1088 = vector.shape_cast %slice3A_1080 : vector<8x128xf32> to vector<1x1x1x8x128xf32>
    tpu.vector_store %arg2[%swap3A_1081, %swap3A_1082, %swap3A_1083, %swap3A_1084, %swap3A_1085], %swap3A_1088 {strides = array<i32>} : memref<1x8x32x8x128xf32, #tpu.memory_space<vmem>>, vector<1x1x1x8x128xf32>,
    %slice3A_1089 = vector.extract_strided_slice %transpose3A {offsets = [8, 1920], sizes = [8, 128], strides = [1, 1]} : vector<128x2048xf32> to vector<8x128xf32>
    %swap3A_1090 = arith.constant 0 : index
    %swap3A_1091 = arith.constant 1 : index
    %swap3A_1092 = arith.constant 15 : index
    %swap3A_1093 = arith.constant 0 : index
    %swap3A_1094 = arith.constant 0 : index
    %swap3A_1095 = vector.load %arg2[%swap3A_1090, %swap3A_1091, %swap3A_1092, %swap3A_1093, %swap3A_1094] : memref<1x8x32x8x128xf32, #tpu.memory_space<vmem>>, vector<1x1x1x8x128xf32>
    %swap3A_1096 = vector.shape_cast %swap3A_1095 : vector<1x1x1x8x128xf32> to vector<8x128xf32>
    %swap3A_1097 = vector.shape_cast %slice3A_1089 : vector<8x128xf32> to vector<1x1x1x8x128xf32>
    tpu.vector_store %arg2[%swap3A_1090, %swap3A_1091, %swap3A_1092, %swap3A_1093, %swap3A_1094], %swap3A_1097 {strides = array<i32>} : memref<1x8x32x8x128xf32, #tpu.memory_space<vmem>>, vector<1x1x1x8x128xf32>,
    %slice3A_1098 = vector.extract_strided_slice %transpose3A {offsets = [16, 1920], sizes = [8, 128], strides = [1, 1]} : vector<128x2048xf32> to vector<8x128xf32>
    %swap3A_1099 = arith.constant 0 : index
    %swap3A_1100 = arith.constant 2 : index
    %swap3A_1101 = arith.constant 15 : index
    %swap3A_1102 = arith.constant 0 : index
    %swap3A_1103 = arith.constant 0 : index
    %swap3A_1104 = vector.load %arg2[%swap3A_1099, %swap3A_1100, %swap3A_1101, %swap3A_1102, %swap3A_1103] : memref<1x8x32x8x128xf32, #tpu.memory_space<vmem>>, vector<1x1x1x8x128xf32>
    %swap3A_1105 = vector.shape_cast %swap3A_1104 : vector<1x1x1x8x128xf32> to vector<8x128xf32>
    %swap3A_1106 = vector.shape_cast %slice3A_1098 : vector<8x128xf32> to vector<1x1x1x8x128xf32>
    tpu.vector_store %arg2[%swap3A_1099, %swap3A_1100, %swap3A_1101, %swap3A_1102, %swap3A_1103], %swap3A_1106 {strides = array<i32>} : memref<1x8x32x8x128xf32, #tpu.memory_space<vmem>>, vector<1x1x1x8x128xf32>,
    %slice3A_1107 = vector.extract_strided_slice %transpose3A {offsets = [24, 1920], sizes = [8, 128], strides = [1, 1]} : vector<128x2048xf32> to vector<8x128xf32>
    %swap3A_1108 = arith.constant 0 : index
    %swap3A_1109 = arith.constant 3 : index
    %swap3A_1110 = arith.constant 15 : index
    %swap3A_1111 = arith.constant 0 : index
    %swap3A_1112 = arith.constant 0 : index
    %swap3A_1113 = vector.load %arg2[%swap3A_1108, %swap3A_1109, %swap3A_1110, %swap3A_1111, %swap3A_1112] : memref<1x8x32x8x128xf32, #tpu.memory_space<vmem>>, vector<1x1x1x8x128xf32>
    %swap3A_1114 = vector.shape_cast %swap3A_1113 : vector<1x1x1x8x128xf32> to vector<8x128xf32>
    %swap3A_1115 = vector.shape_cast %slice3A_1107 : vector<8x128xf32> to vector<1x1x1x8x128xf32>
    tpu.vector_store %arg2[%swap3A_1108, %swap3A_1109, %swap3A_1110, %swap3A_1111, %swap3A_1112], %swap3A_1115 {strides = array<i32>} : memref<1x8x32x8x128xf32, #tpu.memory_space<vmem>>, vector<1x1x1x8x128xf32>,
    %slice3A_1116 = vector.extract_strided_slice %transpose3A {offsets = [32, 1920], sizes = [8, 128], strides = [1, 1]} : vector<128x2048xf32> to vector<8x128xf32>
    %swap3A_1117 = arith.constant 0 : index
    %swap3A_1118 = arith.constant 4 : index
    %swap3A_1119 = arith.constant 15 : index
    %swap3A_1120 = arith.constant 0 : index
    %swap3A_1121 = arith.constant 0 : index
    %swap3A_1122 = vector.load %arg2[%swap3A_1117, %swap3A_1118, %swap3A_1119, %swap3A_1120, %swap3A_1121] : memref<1x8x32x8x128xf32, #tpu.memory_space<vmem>>, vector<1x1x1x8x128xf32>
    %swap3A_1123 = vector.shape_cast %swap3A_1122 : vector<1x1x1x8x128xf32> to vector<8x128xf32>
    %swap3A_1124 = vector.shape_cast %slice3A_1116 : vector<8x128xf32> to vector<1x1x1x8x128xf32>
    tpu.vector_store %arg2[%swap3A_1117, %swap3A_1118, %swap3A_1119, %swap3A_1120, %swap3A_1121], %swap3A_1124 {strides = array<i32>} : memref<1x8x32x8x128xf32, #tpu.memory_space<vmem>>, vector<1x1x1x8x128xf32>,
    %slice3A_1125 = vector.extract_strided_slice %transpose3A {offsets = [40, 1920], sizes = [8, 128], strides = [1, 1]} : vector<128x2048xf32> to vector<8x128xf32>
    %swap3A_1126 = arith.constant 0 : index
    %swap3A_1127 = arith.constant 5 : index
    %swap3A_1128 = arith.constant 15 : index
    %swap3A_1129 = arith.constant 0 : index
    %swap3A_1130 = arith.constant 0 : index
    %swap3A_1131 = vector.load %arg2[%swap3A_1126, %swap3A_1127, %swap3A_1128, %swap3A_1129, %swap3A_1130] : memref<1x8x32x8x128xf32, #tpu.memory_space<vmem>>, vector<1x1x1x8x128xf32>
    %swap3A_1132 = vector.shape_cast %swap3A_1131 : vector<1x1x1x8x128xf32> to vector<8x128xf32>
    %swap3A_1133 = vector.shape_cast %slice3A_1125 : vector<8x128xf32> to vector<1x1x1x8x128xf32>
    tpu.vector_store %arg2[%swap3A_1126, %swap3A_1127, %swap3A_1128, %swap3A_1129, %swap3A_1130], %swap3A_1133 {strides = array<i32>} : memref<1x8x32x8x128xf32, #tpu.memory_space<vmem>>, vector<1x1x1x8x128xf32>,
    %slice3A_1134 = vector.extract_strided_slice %transpose3A {offsets = [48, 1920], sizes = [8, 128], strides = [1, 1]} : vector<128x2048xf32> to vector<8x128xf32>
    %swap3A_1135 = arith.constant 0 : index
    %swap3A_1136 = arith.constant 6 : index
    %swap3A_1137 = arith.constant 15 : index
    %swap3A_1138 = arith.constant 0 : index
    %swap3A_1139 = arith.constant 0 : index
    %swap3A_1140 = vector.load %arg2[%swap3A_1135, %swap3A_1136, %swap3A_1137, %swap3A_1138, %swap3A_1139] : memref<1x8x32x8x128xf32, #tpu.memory_space<vmem>>, vector<1x1x1x8x128xf32>
    %swap3A_1141 = vector.shape_cast %swap3A_1140 : vector<1x1x1x8x128xf32> to vector<8x128xf32>
    %swap3A_1142 = vector.shape_cast %slice3A_1134 : vector<8x128xf32> to vector<1x1x1x8x128xf32>
    tpu.vector_store %arg2[%swap3A_1135, %swap3A_1136, %swap3A_1137, %swap3A_1138, %swap3A_1139], %swap3A_1142 {strides = array<i32>} : memref<1x8x32x8x128xf32, #tpu.memory_space<vmem>>, vector<1x1x1x8x128xf32>,
    %slice3A_1143 = vector.extract_strided_slice %transpose3A {offsets = [56, 1920], sizes = [8, 128], strides = [1, 1]} : vector<128x2048xf32> to vector<8x128xf32>
    %swap3A_1144 = arith.constant 0 : index
    %swap3A_1145 = arith.constant 7 : index
    %swap3A_1146 = arith.constant 15 : index
    %swap3A_1147 = arith.constant 0 : index
    %swap3A_1148 = arith.constant 0 : index
    %swap3A_1149 = vector.load %arg2[%swap3A_1144, %swap3A_1145, %swap3A_1146, %swap3A_1147, %swap3A_1148] : memref<1x8x32x8x128xf32, #tpu.memory_space<vmem>>, vector<1x1x1x8x128xf32>
    %swap3A_1150 = vector.shape_cast %swap3A_1149 : vector<1x1x1x8x128xf32> to vector<8x128xf32>
    %swap3A_1151 = vector.shape_cast %slice3A_1143 : vector<8x128xf32> to vector<1x1x1x8x128xf32>
    tpu.vector_store %arg2[%swap3A_1144, %swap3A_1145, %swap3A_1146, %swap3A_1147, %swap3A_1148], %swap3A_1151 {strides = array<i32>} : memref<1x8x32x8x128xf32, #tpu.memory_space<vmem>>, vector<1x1x1x8x128xf32>,
    %slice3A_1152 = vector.extract_strided_slice %transpose3A {offsets = [64, 0], sizes = [8, 128], strides = [1, 1]} : vector<128x2048xf32> to vector<8x128xf32>
    %swap3A_1153 = arith.constant 0 : index
    %swap3A_1154 = arith.constant 0 : index
    %swap3A_1155 = arith.constant 16 : index
    %swap3A_1156 = arith.constant 0 : index
    %swap3A_1157 = arith.constant 0 : index
    %swap3A_1158 = vector.load %arg2[%swap3A_1153, %swap3A_1154, %swap3A_1155, %swap3A_1156, %swap3A_1157] : memref<1x8x32x8x128xf32, #tpu.memory_space<vmem>>, vector<1x1x1x8x128xf32>
    %swap3A_1159 = vector.shape_cast %swap3A_1158 : vector<1x1x1x8x128xf32> to vector<8x128xf32>
    %swap3A_1160 = vector.shape_cast %slice3A_1152 : vector<8x128xf32> to vector<1x1x1x8x128xf32>
    tpu.vector_store %arg2[%swap3A_1153, %swap3A_1154, %swap3A_1155, %swap3A_1156, %swap3A_1157], %swap3A_1160 {strides = array<i32>} : memref<1x8x32x8x128xf32, #tpu.memory_space<vmem>>, vector<1x1x1x8x128xf32>,
    %slice3A_1161 = vector.extract_strided_slice %transpose3A {offsets = [72, 0], sizes = [8, 128], strides = [1, 1]} : vector<128x2048xf32> to vector<8x128xf32>
    %swap3A_1162 = arith.constant 0 : index
    %swap3A_1163 = arith.constant 1 : index
    %swap3A_1164 = arith.constant 16 : index
    %swap3A_1165 = arith.constant 0 : index
    %swap3A_1166 = arith.constant 0 : index
    %swap3A_1167 = vector.load %arg2[%swap3A_1162, %swap3A_1163, %swap3A_1164, %swap3A_1165, %swap3A_1166] : memref<1x8x32x8x128xf32, #tpu.memory_space<vmem>>, vector<1x1x1x8x128xf32>
    %swap3A_1168 = vector.shape_cast %swap3A_1167 : vector<1x1x1x8x128xf32> to vector<8x128xf32>
    %swap3A_1169 = vector.shape_cast %slice3A_1161 : vector<8x128xf32> to vector<1x1x1x8x128xf32>
    tpu.vector_store %arg2[%swap3A_1162, %swap3A_1163, %swap3A_1164, %swap3A_1165, %swap3A_1166], %swap3A_1169 {strides = array<i32>} : memref<1x8x32x8x128xf32, #tpu.memory_space<vmem>>, vector<1x1x1x8x128xf32>,
    %slice3A_1170 = vector.extract_strided_slice %transpose3A {offsets = [80, 0], sizes = [8, 128], strides = [1, 1]} : vector<128x2048xf32> to vector<8x128xf32>
    %swap3A_1171 = arith.constant 0 : index
    %swap3A_1172 = arith.constant 2 : index
    %swap3A_1173 = arith.constant 16 : index
    %swap3A_1174 = arith.constant 0 : index
    %swap3A_1175 = arith.constant 0 : index
    %swap3A_1176 = vector.load %arg2[%swap3A_1171, %swap3A_1172, %swap3A_1173, %swap3A_1174, %swap3A_1175] : memref<1x8x32x8x128xf32, #tpu.memory_space<vmem>>, vector<1x1x1x8x128xf32>
    %swap3A_1177 = vector.shape_cast %swap3A_1176 : vector<1x1x1x8x128xf32> to vector<8x128xf32>
    %swap3A_1178 = vector.shape_cast %slice3A_1170 : vector<8x128xf32> to vector<1x1x1x8x128xf32>
    tpu.vector_store %arg2[%swap3A_1171, %swap3A_1172, %swap3A_1173, %swap3A_1174, %swap3A_1175], %swap3A_1178 {strides = array<i32>} : memref<1x8x32x8x128xf32, #tpu.memory_space<vmem>>, vector<1x1x1x8x128xf32>,
    %slice3A_1179 = vector.extract_strided_slice %transpose3A {offsets = [88, 0], sizes = [8, 128], strides = [1, 1]} : vector<128x2048xf32> to vector<8x128xf32>
    %swap3A_1180 = arith.constant 0 : index
    %swap3A_1181 = arith.constant 3 : index
    %swap3A_1182 = arith.constant 16 : index
    %swap3A_1183 = arith.constant 0 : index
    %swap3A_1184 = arith.constant 0 : index
    %swap3A_1185 = vector.load %arg2[%swap3A_1180, %swap3A_1181, %swap3A_1182, %swap3A_1183, %swap3A_1184] : memref<1x8x32x8x128xf32, #tpu.memory_space<vmem>>, vector<1x1x1x8x128xf32>
    %swap3A_1186 = vector.shape_cast %swap3A_1185 : vector<1x1x1x8x128xf32> to vector<8x128xf32>
    %swap3A_1187 = vector.shape_cast %slice3A_1179 : vector<8x128xf32> to vector<1x1x1x8x128xf32>
    tpu.vector_store %arg2[%swap3A_1180, %swap3A_1181, %swap3A_1182, %swap3A_1183, %swap3A_1184], %swap3A_1187 {strides = array<i32>} : memref<1x8x32x8x128xf32, #tpu.memory_space<vmem>>, vector<1x1x1x8x128xf32>,
    %slice3A_1188 = vector.extract_strided_slice %transpose3A {offsets = [96, 0], sizes = [8, 128], strides = [1, 1]} : vector<128x2048xf32> to vector<8x128xf32>
    %swap3A_1189 = arith.constant 0 : index
    %swap3A_1190 = arith.constant 4 : index
    %swap3A_1191 = arith.constant 16 : index
    %swap3A_1192 = arith.constant 0 : index
    %swap3A_1193 = arith.constant 0 : index
    %swap3A_1194 = vector.load %arg2[%swap3A_1189, %swap3A_1190, %swap3A_1191, %swap3A_1192, %swap3A_1193] : memref<1x8x32x8x128xf32, #tpu.memory_space<vmem>>, vector<1x1x1x8x128xf32>
    %swap3A_1195 = vector.shape_cast %swap3A_1194 : vector<1x1x1x8x128xf32> to vector<8x128xf32>
    %swap3A_1196 = vector.shape_cast %slice3A_1188 : vector<8x128xf32> to vector<1x1x1x8x128xf32>
    tpu.vector_store %arg2[%swap3A_1189, %swap3A_1190, %swap3A_1191, %swap3A_1192, %swap3A_1193], %swap3A_1196 {strides = array<i32>} : memref<1x8x32x8x128xf32, #tpu.memory_space<vmem>>, vector<1x1x1x8x128xf32>,
    %slice3A_1197 = vector.extract_strided_slice %transpose3A {offsets = [104, 0], sizes = [8, 128], strides = [1, 1]} : vector<128x2048xf32> to vector<8x128xf32>
    %swap3A_1198 = arith.constant 0 : index
    %swap3A_1199 = arith.constant 5 : index
    %swap3A_1200 = arith.constant 16 : index
    %swap3A_1201 = arith.constant 0 : index
    %swap3A_1202 = arith.constant 0 : index
    %swap3A_1203 = vector.load %arg2[%swap3A_1198, %swap3A_1199, %swap3A_1200, %swap3A_1201, %swap3A_1202] : memref<1x8x32x8x128xf32, #tpu.memory_space<vmem>>, vector<1x1x1x8x128xf32>
    %swap3A_1204 = vector.shape_cast %swap3A_1203 : vector<1x1x1x8x128xf32> to vector<8x128xf32>
    %swap3A_1205 = vector.shape_cast %slice3A_1197 : vector<8x128xf32> to vector<1x1x1x8x128xf32>
    tpu.vector_store %arg2[%swap3A_1198, %swap3A_1199, %swap3A_1200, %swap3A_1201, %swap3A_1202], %swap3A_1205 {strides = array<i32>} : memref<1x8x32x8x128xf32, #tpu.memory_space<vmem>>, vector<1x1x1x8x128xf32>,
    %slice3A_1206 = vector.extract_strided_slice %transpose3A {offsets = [112, 0], sizes = [8, 128], strides = [1, 1]} : vector<128x2048xf32> to vector<8x128xf32>
    %swap3A_1207 = arith.constant 0 : index
    %swap3A_1208 = arith.constant 6 : index
    %swap3A_1209 = arith.constant 16 : index
    %swap3A_1210 = arith.constant 0 : index
    %swap3A_1211 = arith.constant 0 : index
    %swap3A_1212 = vector.load %arg2[%swap3A_1207, %swap3A_1208, %swap3A_1209, %swap3A_1210, %swap3A_1211] : memref<1x8x32x8x128xf32, #tpu.memory_space<vmem>>, vector<1x1x1x8x128xf32>
    %swap3A_1213 = vector.shape_cast %swap3A_1212 : vector<1x1x1x8x128xf32> to vector<8x128xf32>
    %swap3A_1214 = vector.shape_cast %slice3A_1206 : vector<8x128xf32> to vector<1x1x1x8x128xf32>
    tpu.vector_store %arg2[%swap3A_1207, %swap3A_1208, %swap3A_1209, %swap3A_1210, %swap3A_1211], %swap3A_1214 {strides = array<i32>} : memref<1x8x32x8x128xf32, #tpu.memory_space<vmem>>, vector<1x1x1x8x128xf32>,
    %slice3A_1215 = vector.extract_strided_slice %transpose3A {offsets = [120, 0], sizes = [8, 128], strides = [1, 1]} : vector<128x2048xf32> to vector<8x128xf32>
    %swap3A_1216 = arith.constant 0 : index
    %swap3A_1217 = arith.constant 7 : index
    %swap3A_1218 = arith.constant 16 : index
    %swap3A_1219 = arith.constant 0 : index
    %swap3A_1220 = arith.constant 0 : index
    %swap3A_1221 = vector.load %arg2[%swap3A_1216, %swap3A_1217, %swap3A_1218, %swap3A_1219, %swap3A_1220] : memref<1x8x32x8x128xf32, #tpu.memory_space<vmem>>, vector<1x1x1x8x128xf32>
    %swap3A_1222 = vector.shape_cast %swap3A_1221 : vector<1x1x1x8x128xf32> to vector<8x128xf32>
    %swap3A_1223 = vector.shape_cast %slice3A_1215 : vector<8x128xf32> to vector<1x1x1x8x128xf32>
    tpu.vector_store %arg2[%swap3A_1216, %swap3A_1217, %swap3A_1218, %swap3A_1219, %swap3A_1220], %swap3A_1223 {strides = array<i32>} : memref<1x8x32x8x128xf32, #tpu.memory_space<vmem>>, vector<1x1x1x8x128xf32>,
    %slice3A_1224 = vector.extract_strided_slice %transpose3A {offsets = [64, 128], sizes = [8, 128], strides = [1, 1]} : vector<128x2048xf32> to vector<8x128xf32>
    %swap3A_1225 = arith.constant 0 : index
    %swap3A_1226 = arith.constant 0 : index
    %swap3A_1227 = arith.constant 17 : index
    %swap3A_1228 = arith.constant 0 : index
    %swap3A_1229 = arith.constant 0 : index
    %swap3A_1230 = vector.load %arg2[%swap3A_1225, %swap3A_1226, %swap3A_1227, %swap3A_1228, %swap3A_1229] : memref<1x8x32x8x128xf32, #tpu.memory_space<vmem>>, vector<1x1x1x8x128xf32>
    %swap3A_1231 = vector.shape_cast %swap3A_1230 : vector<1x1x1x8x128xf32> to vector<8x128xf32>
    %swap3A_1232 = vector.shape_cast %slice3A_1224 : vector<8x128xf32> to vector<1x1x1x8x128xf32>
    tpu.vector_store %arg2[%swap3A_1225, %swap3A_1226, %swap3A_1227, %swap3A_1228, %swap3A_1229], %swap3A_1232 {strides = array<i32>} : memref<1x8x32x8x128xf32, #tpu.memory_space<vmem>>, vector<1x1x1x8x128xf32>,
    %slice3A_1233 = vector.extract_strided_slice %transpose3A {offsets = [72, 128], sizes = [8, 128], strides = [1, 1]} : vector<128x2048xf32> to vector<8x128xf32>
    %swap3A_1234 = arith.constant 0 : index
    %swap3A_1235 = arith.constant 1 : index
    %swap3A_1236 = arith.constant 17 : index
    %swap3A_1237 = arith.constant 0 : index
    %swap3A_1238 = arith.constant 0 : index
    %swap3A_1239 = vector.load %arg2[%swap3A_1234, %swap3A_1235, %swap3A_1236, %swap3A_1237, %swap3A_1238] : memref<1x8x32x8x128xf32, #tpu.memory_space<vmem>>, vector<1x1x1x8x128xf32>
    %swap3A_1240 = vector.shape_cast %swap3A_1239 : vector<1x1x1x8x128xf32> to vector<8x128xf32>
    %swap3A_1241 = vector.shape_cast %slice3A_1233 : vector<8x128xf32> to vector<1x1x1x8x128xf32>
    tpu.vector_store %arg2[%swap3A_1234, %swap3A_1235, %swap3A_1236, %swap3A_1237, %swap3A_1238], %swap3A_1241 {strides = array<i32>} : memref<1x8x32x8x128xf32, #tpu.memory_space<vmem>>, vector<1x1x1x8x128xf32>,
    %slice3A_1242 = vector.extract_strided_slice %transpose3A {offsets = [80, 128], sizes = [8, 128], strides = [1, 1]} : vector<128x2048xf32> to vector<8x128xf32>
    %swap3A_1243 = arith.constant 0 : index
    %swap3A_1244 = arith.constant 2 : index
    %swap3A_1245 = arith.constant 17 : index
    %swap3A_1246 = arith.constant 0 : index
    %swap3A_1247 = arith.constant 0 : index
    %swap3A_1248 = vector.load %arg2[%swap3A_1243, %swap3A_1244, %swap3A_1245, %swap3A_1246, %swap3A_1247] : memref<1x8x32x8x128xf32, #tpu.memory_space<vmem>>, vector<1x1x1x8x128xf32>
    %swap3A_1249 = vector.shape_cast %swap3A_1248 : vector<1x1x1x8x128xf32> to vector<8x128xf32>
    %swap3A_1250 = vector.shape_cast %slice3A_1242 : vector<8x128xf32> to vector<1x1x1x8x128xf32>
    tpu.vector_store %arg2[%swap3A_1243, %swap3A_1244, %swap3A_1245, %swap3A_1246, %swap3A_1247], %swap3A_1250 {strides = array<i32>} : memref<1x8x32x8x128xf32, #tpu.memory_space<vmem>>, vector<1x1x1x8x128xf32>,
    %slice3A_1251 = vector.extract_strided_slice %transpose3A {offsets = [88, 128], sizes = [8, 128], strides = [1, 1]} : vector<128x2048xf32> to vector<8x128xf32>
    %swap3A_1252 = arith.constant 0 : index
    %swap3A_1253 = arith.constant 3 : index
    %swap3A_1254 = arith.constant 17 : index
    %swap3A_1255 = arith.constant 0 : index
    %swap3A_1256 = arith.constant 0 : index
    %swap3A_1257 = vector.load %arg2[%swap3A_1252, %swap3A_1253, %swap3A_1254, %swap3A_1255, %swap3A_1256] : memref<1x8x32x8x128xf32, #tpu.memory_space<vmem>>, vector<1x1x1x8x128xf32>
    %swap3A_1258 = vector.shape_cast %swap3A_1257 : vector<1x1x1x8x128xf32> to vector<8x128xf32>
    %swap3A_1259 = vector.shape_cast %slice3A_1251 : vector<8x128xf32> to vector<1x1x1x8x128xf32>
    tpu.vector_store %arg2[%swap3A_1252, %swap3A_1253, %swap3A_1254, %swap3A_1255, %swap3A_1256], %swap3A_1259 {strides = array<i32>} : memref<1x8x32x8x128xf32, #tpu.memory_space<vmem>>, vector<1x1x1x8x128xf32>,
    %slice3A_1260 = vector.extract_strided_slice %transpose3A {offsets = [96, 128], sizes = [8, 128], strides = [1, 1]} : vector<128x2048xf32> to vector<8x128xf32>
    %swap3A_1261 = arith.constant 0 : index
    %swap3A_1262 = arith.constant 4 : index
    %swap3A_1263 = arith.constant 17 : index
    %swap3A_1264 = arith.constant 0 : index
    %swap3A_1265 = arith.constant 0 : index
    %swap3A_1266 = vector.load %arg2[%swap3A_1261, %swap3A_1262, %swap3A_1263, %swap3A_1264, %swap3A_1265] : memref<1x8x32x8x128xf32, #tpu.memory_space<vmem>>, vector<1x1x1x8x128xf32>
    %swap3A_1267 = vector.shape_cast %swap3A_1266 : vector<1x1x1x8x128xf32> to vector<8x128xf32>
    %swap3A_1268 = vector.shape_cast %slice3A_1260 : vector<8x128xf32> to vector<1x1x1x8x128xf32>
    tpu.vector_store %arg2[%swap3A_1261, %swap3A_1262, %swap3A_1263, %swap3A_1264, %swap3A_1265], %swap3A_1268 {strides = array<i32>} : memref<1x8x32x8x128xf32, #tpu.memory_space<vmem>>, vector<1x1x1x8x128xf32>,
    %slice3A_1269 = vector.extract_strided_slice %transpose3A {offsets = [104, 128], sizes = [8, 128], strides = [1, 1]} : vector<128x2048xf32> to vector<8x128xf32>
    %swap3A_1270 = arith.constant 0 : index
    %swap3A_1271 = arith.constant 5 : index
    %swap3A_1272 = arith.constant 17 : index
    %swap3A_1273 = arith.constant 0 : index
    %swap3A_1274 = arith.constant 0 : index
    %swap3A_1275 = vector.load %arg2[%swap3A_1270, %swap3A_1271, %swap3A_1272, %swap3A_1273, %swap3A_1274] : memref<1x8x32x8x128xf32, #tpu.memory_space<vmem>>, vector<1x1x1x8x128xf32>
    %swap3A_1276 = vector.shape_cast %swap3A_1275 : vector<1x1x1x8x128xf32> to vector<8x128xf32>
    %swap3A_1277 = vector.shape_cast %slice3A_1269 : vector<8x128xf32> to vector<1x1x1x8x128xf32>
    tpu.vector_store %arg2[%swap3A_1270, %swap3A_1271, %swap3A_1272, %swap3A_1273, %swap3A_1274], %swap3A_1277 {strides = array<i32>} : memref<1x8x32x8x128xf32, #tpu.memory_space<vmem>>, vector<1x1x1x8x128xf32>,
    %slice3A_1278 = vector.extract_strided_slice %transpose3A {offsets = [112, 128], sizes = [8, 128], strides = [1, 1]} : vector<128x2048xf32> to vector<8x128xf32>
    %swap3A_1279 = arith.constant 0 : index
    %swap3A_1280 = arith.constant 6 : index
    %swap3A_1281 = arith.constant 17 : index
    %swap3A_1282 = arith.constant 0 : index
    %swap3A_1283 = arith.constant 0 : index
    %swap3A_1284 = vector.load %arg2[%swap3A_1279, %swap3A_1280, %swap3A_1281, %swap3A_1282, %swap3A_1283] : memref<1x8x32x8x128xf32, #tpu.memory_space<vmem>>, vector<1x1x1x8x128xf32>
    %swap3A_1285 = vector.shape_cast %swap3A_1284 : vector<1x1x1x8x128xf32> to vector<8x128xf32>
    %swap3A_1286 = vector.shape_cast %slice3A_1278 : vector<8x128xf32> to vector<1x1x1x8x128xf32>
    tpu.vector_store %arg2[%swap3A_1279, %swap3A_1280, %swap3A_1281, %swap3A_1282, %swap3A_1283], %swap3A_1286 {strides = array<i32>} : memref<1x8x32x8x128xf32, #tpu.memory_space<vmem>>, vector<1x1x1x8x128xf32>,
    %slice3A_1287 = vector.extract_strided_slice %transpose3A {offsets = [120, 128], sizes = [8, 128], strides = [1, 1]} : vector<128x2048xf32> to vector<8x128xf32>
    %swap3A_1288 = arith.constant 0 : index
    %swap3A_1289 = arith.constant 7 : index
    %swap3A_1290 = arith.constant 17 : index
    %swap3A_1291 = arith.constant 0 : index
    %swap3A_1292 = arith.constant 0 : index
    %swap3A_1293 = vector.load %arg2[%swap3A_1288, %swap3A_1289, %swap3A_1290, %swap3A_1291, %swap3A_1292] : memref<1x8x32x8x128xf32, #tpu.memory_space<vmem>>, vector<1x1x1x8x128xf32>
    %swap3A_1294 = vector.shape_cast %swap3A_1293 : vector<1x1x1x8x128xf32> to vector<8x128xf32>
    %swap3A_1295 = vector.shape_cast %slice3A_1287 : vector<8x128xf32> to vector<1x1x1x8x128xf32>
    tpu.vector_store %arg2[%swap3A_1288, %swap3A_1289, %swap3A_1290, %swap3A_1291, %swap3A_1292], %swap3A_1295 {strides = array<i32>} : memref<1x8x32x8x128xf32, #tpu.memory_space<vmem>>, vector<1x1x1x8x128xf32>,
    %slice3A_1296 = vector.extract_strided_slice %transpose3A {offsets = [64, 256], sizes = [8, 128], strides = [1, 1]} : vector<128x2048xf32> to vector<8x128xf32>
    %swap3A_1297 = arith.constant 0 : index
    %swap3A_1298 = arith.constant 0 : index
    %swap3A_1299 = arith.constant 18 : index
    %swap3A_1300 = arith.constant 0 : index
    %swap3A_1301 = arith.constant 0 : index
    %swap3A_1302 = vector.load %arg2[%swap3A_1297, %swap3A_1298, %swap3A_1299, %swap3A_1300, %swap3A_1301] : memref<1x8x32x8x128xf32, #tpu.memory_space<vmem>>, vector<1x1x1x8x128xf32>
    %swap3A_1303 = vector.shape_cast %swap3A_1302 : vector<1x1x1x8x128xf32> to vector<8x128xf32>
    %swap3A_1304 = vector.shape_cast %slice3A_1296 : vector<8x128xf32> to vector<1x1x1x8x128xf32>
    tpu.vector_store %arg2[%swap3A_1297, %swap3A_1298, %swap3A_1299, %swap3A_1300, %swap3A_1301], %swap3A_1304 {strides = array<i32>} : memref<1x8x32x8x128xf32, #tpu.memory_space<vmem>>, vector<1x1x1x8x128xf32>,
    %slice3A_1305 = vector.extract_strided_slice %transpose3A {offsets = [72, 256], sizes = [8, 128], strides = [1, 1]} : vector<128x2048xf32> to vector<8x128xf32>
    %swap3A_1306 = arith.constant 0 : index
    %swap3A_1307 = arith.constant 1 : index
    %swap3A_1308 = arith.constant 18 : index
    %swap3A_1309 = arith.constant 0 : index
    %swap3A_1310 = arith.constant 0 : index
    %swap3A_1311 = vector.load %arg2[%swap3A_1306, %swap3A_1307, %swap3A_1308, %swap3A_1309, %swap3A_1310] : memref<1x8x32x8x128xf32, #tpu.memory_space<vmem>>, vector<1x1x1x8x128xf32>
    %swap3A_1312 = vector.shape_cast %swap3A_1311 : vector<1x1x1x8x128xf32> to vector<8x128xf32>
    %swap3A_1313 = vector.shape_cast %slice3A_1305 : vector<8x128xf32> to vector<1x1x1x8x128xf32>
    tpu.vector_store %arg2[%swap3A_1306, %swap3A_1307, %swap3A_1308, %swap3A_1309, %swap3A_1310], %swap3A_1313 {strides = array<i32>} : memref<1x8x32x8x128xf32, #tpu.memory_space<vmem>>, vector<1x1x1x8x128xf32>,
    %slice3A_1314 = vector.extract_strided_slice %transpose3A {offsets = [80, 256], sizes = [8, 128], strides = [1, 1]} : vector<128x2048xf32> to vector<8x128xf32>
    %swap3A_1315 = arith.constant 0 : index
    %swap3A_1316 = arith.constant 2 : index
    %swap3A_1317 = arith.constant 18 : index
    %swap3A_1318 = arith.constant 0 : index
    %swap3A_1319 = arith.constant 0 : index
    %swap3A_1320 = vector.load %arg2[%swap3A_1315, %swap3A_1316, %swap3A_1317, %swap3A_1318, %swap3A_1319] : memref<1x8x32x8x128xf32, #tpu.memory_space<vmem>>, vector<1x1x1x8x128xf32>
    %swap3A_1321 = vector.shape_cast %swap3A_1320 : vector<1x1x1x8x128xf32> to vector<8x128xf32>
    %swap3A_1322 = vector.shape_cast %slice3A_1314 : vector<8x128xf32> to vector<1x1x1x8x128xf32>
    tpu.vector_store %arg2[%swap3A_1315, %swap3A_1316, %swap3A_1317, %swap3A_1318, %swap3A_1319], %swap3A_1322 {strides = array<i32>} : memref<1x8x32x8x128xf32, #tpu.memory_space<vmem>>, vector<1x1x1x8x128xf32>,
    %slice3A_1323 = vector.extract_strided_slice %transpose3A {offsets = [88, 256], sizes = [8, 128], strides = [1, 1]} : vector<128x2048xf32> to vector<8x128xf32>
    %swap3A_1324 = arith.constant 0 : index
    %swap3A_1325 = arith.constant 3 : index
    %swap3A_1326 = arith.constant 18 : index
    %swap3A_1327 = arith.constant 0 : index
    %swap3A_1328 = arith.constant 0 : index
    %swap3A_1329 = vector.load %arg2[%swap3A_1324, %swap3A_1325, %swap3A_1326, %swap3A_1327, %swap3A_1328] : memref<1x8x32x8x128xf32, #tpu.memory_space<vmem>>, vector<1x1x1x8x128xf32>
    %swap3A_1330 = vector.shape_cast %swap3A_1329 : vector<1x1x1x8x128xf32> to vector<8x128xf32>
    %swap3A_1331 = vector.shape_cast %slice3A_1323 : vector<8x128xf32> to vector<1x1x1x8x128xf32>
    tpu.vector_store %arg2[%swap3A_1324, %swap3A_1325, %swap3A_1326, %swap3A_1327, %swap3A_1328], %swap3A_1331 {strides = array<i32>} : memref<1x8x32x8x128xf32, #tpu.memory_space<vmem>>, vector<1x1x1x8x128xf32>,
    %slice3A_1332 = vector.extract_strided_slice %transpose3A {offsets = [96, 256], sizes = [8, 128], strides = [1, 1]} : vector<128x2048xf32> to vector<8x128xf32>
    %swap3A_1333 = arith.constant 0 : index
    %swap3A_1334 = arith.constant 4 : index
    %swap3A_1335 = arith.constant 18 : index
    %swap3A_1336 = arith.constant 0 : index
    %swap3A_1337 = arith.constant 0 : index
    %swap3A_1338 = vector.load %arg2[%swap3A_1333, %swap3A_1334, %swap3A_1335, %swap3A_1336, %swap3A_1337] : memref<1x8x32x8x128xf32, #tpu.memory_space<vmem>>, vector<1x1x1x8x128xf32>
    %swap3A_1339 = vector.shape_cast %swap3A_1338 : vector<1x1x1x8x128xf32> to vector<8x128xf32>
    %swap3A_1340 = vector.shape_cast %slice3A_1332 : vector<8x128xf32> to vector<1x1x1x8x128xf32>
    tpu.vector_store %arg2[%swap3A_1333, %swap3A_1334, %swap3A_1335, %swap3A_1336, %swap3A_1337], %swap3A_1340 {strides = array<i32>} : memref<1x8x32x8x128xf32, #tpu.memory_space<vmem>>, vector<1x1x1x8x128xf32>,
    %slice3A_1341 = vector.extract_strided_slice %transpose3A {offsets = [104, 256], sizes = [8, 128], strides = [1, 1]} : vector<128x2048xf32> to vector<8x128xf32>
    %swap3A_1342 = arith.constant 0 : index
    %swap3A_1343 = arith.constant 5 : index
    %swap3A_1344 = arith.constant 18 : index
    %swap3A_1345 = arith.constant 0 : index
    %swap3A_1346 = arith.constant 0 : index
    %swap3A_1347 = vector.load %arg2[%swap3A_1342, %swap3A_1343, %swap3A_1344, %swap3A_1345, %swap3A_1346] : memref<1x8x32x8x128xf32, #tpu.memory_space<vmem>>, vector<1x1x1x8x128xf32>
    %swap3A_1348 = vector.shape_cast %swap3A_1347 : vector<1x1x1x8x128xf32> to vector<8x128xf32>
    %swap3A_1349 = vector.shape_cast %slice3A_1341 : vector<8x128xf32> to vector<1x1x1x8x128xf32>
    tpu.vector_store %arg2[%swap3A_1342, %swap3A_1343, %swap3A_1344, %swap3A_1345, %swap3A_1346], %swap3A_1349 {strides = array<i32>} : memref<1x8x32x8x128xf32, #tpu.memory_space<vmem>>, vector<1x1x1x8x128xf32>,
    %slice3A_1350 = vector.extract_strided_slice %transpose3A {offsets = [112, 256], sizes = [8, 128], strides = [1, 1]} : vector<128x2048xf32> to vector<8x128xf32>
    %swap3A_1351 = arith.constant 0 : index
    %swap3A_1352 = arith.constant 6 : index
    %swap3A_1353 = arith.constant 18 : index
    %swap3A_1354 = arith.constant 0 : index
    %swap3A_1355 = arith.constant 0 : index
    %swap3A_1356 = vector.load %arg2[%swap3A_1351, %swap3A_1352, %swap3A_1353, %swap3A_1354, %swap3A_1355] : memref<1x8x32x8x128xf32, #tpu.memory_space<vmem>>, vector<1x1x1x8x128xf32>
    %swap3A_1357 = vector.shape_cast %swap3A_1356 : vector<1x1x1x8x128xf32> to vector<8x128xf32>
    %swap3A_1358 = vector.shape_cast %slice3A_1350 : vector<8x128xf32> to vector<1x1x1x8x128xf32>
    tpu.vector_store %arg2[%swap3A_1351, %swap3A_1352, %swap3A_1353, %swap3A_1354, %swap3A_1355], %swap3A_1358 {strides = array<i32>} : memref<1x8x32x8x128xf32, #tpu.memory_space<vmem>>, vector<1x1x1x8x128xf32>,
    %slice3A_1359 = vector.extract_strided_slice %transpose3A {offsets = [120, 256], sizes = [8, 128], strides = [1, 1]} : vector<128x2048xf32> to vector<8x128xf32>
    %swap3A_1360 = arith.constant 0 : index
    %swap3A_1361 = arith.constant 7 : index
    %swap3A_1362 = arith.constant 18 : index
    %swap3A_1363 = arith.constant 0 : index
    %swap3A_1364 = arith.constant 0 : index
    %swap3A_1365 = vector.load %arg2[%swap3A_1360, %swap3A_1361, %swap3A_1362, %swap3A_1363, %swap3A_1364] : memref<1x8x32x8x128xf32, #tpu.memory_space<vmem>>, vector<1x1x1x8x128xf32>
    %swap3A_1366 = vector.shape_cast %swap3A_1365 : vector<1x1x1x8x128xf32> to vector<8x128xf32>
    %swap3A_1367 = vector.shape_cast %slice3A_1359 : vector<8x128xf32> to vector<1x1x1x8x128xf32>
    tpu.vector_store %arg2[%swap3A_1360, %swap3A_1361, %swap3A_1362, %swap3A_1363, %swap3A_1364], %swap3A_1367 {strides = array<i32>} : memref<1x8x32x8x128xf32, #tpu.memory_space<vmem>>, vector<1x1x1x8x128xf32>,
    %slice3A_1368 = vector.extract_strided_slice %transpose3A {offsets = [64, 384], sizes = [8, 128], strides = [1, 1]} : vector<128x2048xf32> to vector<8x128xf32>
    %swap3A_1369 = arith.constant 0 : index
    %swap3A_1370 = arith.constant 0 : index
    %swap3A_1371 = arith.constant 19 : index
    %swap3A_1372 = arith.constant 0 : index
    %swap3A_1373 = arith.constant 0 : index
    %swap3A_1374 = vector.load %arg2[%swap3A_1369, %swap3A_1370, %swap3A_1371, %swap3A_1372, %swap3A_1373] : memref<1x8x32x8x128xf32, #tpu.memory_space<vmem>>, vector<1x1x1x8x128xf32>
    %swap3A_1375 = vector.shape_cast %swap3A_1374 : vector<1x1x1x8x128xf32> to vector<8x128xf32>
    %swap3A_1376 = vector.shape_cast %slice3A_1368 : vector<8x128xf32> to vector<1x1x1x8x128xf32>
    tpu.vector_store %arg2[%swap3A_1369, %swap3A_1370, %swap3A_1371, %swap3A_1372, %swap3A_1373], %swap3A_1376 {strides = array<i32>} : memref<1x8x32x8x128xf32, #tpu.memory_space<vmem>>, vector<1x1x1x8x128xf32>,
    %slice3A_1377 = vector.extract_strided_slice %transpose3A {offsets = [72, 384], sizes = [8, 128], strides = [1, 1]} : vector<128x2048xf32> to vector<8x128xf32>
    %swap3A_1378 = arith.constant 0 : index
    %swap3A_1379 = arith.constant 1 : index
    %swap3A_1380 = arith.constant 19 : index
    %swap3A_1381 = arith.constant 0 : index
    %swap3A_1382 = arith.constant 0 : index
    %swap3A_1383 = vector.load %arg2[%swap3A_1378, %swap3A_1379, %swap3A_1380, %swap3A_1381, %swap3A_1382] : memref<1x8x32x8x128xf32, #tpu.memory_space<vmem>>, vector<1x1x1x8x128xf32>
    %swap3A_1384 = vector.shape_cast %swap3A_1383 : vector<1x1x1x8x128xf32> to vector<8x128xf32>
    %swap3A_1385 = vector.shape_cast %slice3A_1377 : vector<8x128xf32> to vector<1x1x1x8x128xf32>
    tpu.vector_store %arg2[%swap3A_1378, %swap3A_1379, %swap3A_1380, %swap3A_1381, %swap3A_1382], %swap3A_1385 {strides = array<i32>} : memref<1x8x32x8x128xf32, #tpu.memory_space<vmem>>, vector<1x1x1x8x128xf32>,
    %slice3A_1386 = vector.extract_strided_slice %transpose3A {offsets = [80, 384], sizes = [8, 128], strides = [1, 1]} : vector<128x2048xf32> to vector<8x128xf32>
    %swap3A_1387 = arith.constant 0 : index
    %swap3A_1388 = arith.constant 2 : index
    %swap3A_1389 = arith.constant 19 : index
    %swap3A_1390 = arith.constant 0 : index
    %swap3A_1391 = arith.constant 0 : index
    %swap3A_1392 = vector.load %arg2[%swap3A_1387, %swap3A_1388, %swap3A_1389, %swap3A_1390, %swap3A_1391] : memref<1x8x32x8x128xf32, #tpu.memory_space<vmem>>, vector<1x1x1x8x128xf32>
    %swap3A_1393 = vector.shape_cast %swap3A_1392 : vector<1x1x1x8x128xf32> to vector<8x128xf32>
    %swap3A_1394 = vector.shape_cast %slice3A_1386 : vector<8x128xf32> to vector<1x1x1x8x128xf32>
    tpu.vector_store %arg2[%swap3A_1387, %swap3A_1388, %swap3A_1389, %swap3A_1390, %swap3A_1391], %swap3A_1394 {strides = array<i32>} : memref<1x8x32x8x128xf32, #tpu.memory_space<vmem>>, vector<1x1x1x8x128xf32>,
    %slice3A_1395 = vector.extract_strided_slice %transpose3A {offsets = [88, 384], sizes = [8, 128], strides = [1, 1]} : vector<128x2048xf32> to vector<8x128xf32>
    %swap3A_1396 = arith.constant 0 : index
    %swap3A_1397 = arith.constant 3 : index
    %swap3A_1398 = arith.constant 19 : index
    %swap3A_1399 = arith.constant 0 : index
    %swap3A_1400 = arith.constant 0 : index
    %swap3A_1401 = vector.load %arg2[%swap3A_1396, %swap3A_1397, %swap3A_1398, %swap3A_1399, %swap3A_1400] : memref<1x8x32x8x128xf32, #tpu.memory_space<vmem>>, vector<1x1x1x8x128xf32>
    %swap3A_1402 = vector.shape_cast %swap3A_1401 : vector<1x1x1x8x128xf32> to vector<8x128xf32>
    %swap3A_1403 = vector.shape_cast %slice3A_1395 : vector<8x128xf32> to vector<1x1x1x8x128xf32>
    tpu.vector_store %arg2[%swap3A_1396, %swap3A_1397, %swap3A_1398, %swap3A_1399, %swap3A_1400], %swap3A_1403 {strides = array<i32>} : memref<1x8x32x8x128xf32, #tpu.memory_space<vmem>>, vector<1x1x1x8x128xf32>,
    %slice3A_1404 = vector.extract_strided_slice %transpose3A {offsets = [96, 384], sizes = [8, 128], strides = [1, 1]} : vector<128x2048xf32> to vector<8x128xf32>
    %swap3A_1405 = arith.constant 0 : index
    %swap3A_1406 = arith.constant 4 : index
    %swap3A_1407 = arith.constant 19 : index
    %swap3A_1408 = arith.constant 0 : index
    %swap3A_1409 = arith.constant 0 : index
    %swap3A_1410 = vector.load %arg2[%swap3A_1405, %swap3A_1406, %swap3A_1407, %swap3A_1408, %swap3A_1409] : memref<1x8x32x8x128xf32, #tpu.memory_space<vmem>>, vector<1x1x1x8x128xf32>
    %swap3A_1411 = vector.shape_cast %swap3A_1410 : vector<1x1x1x8x128xf32> to vector<8x128xf32>
    %swap3A_1412 = vector.shape_cast %slice3A_1404 : vector<8x128xf32> to vector<1x1x1x8x128xf32>
    tpu.vector_store %arg2[%swap3A_1405, %swap3A_1406, %swap3A_1407, %swap3A_1408, %swap3A_1409], %swap3A_1412 {strides = array<i32>} : memref<1x8x32x8x128xf32, #tpu.memory_space<vmem>>, vector<1x1x1x8x128xf32>,
    %slice3A_1413 = vector.extract_strided_slice %transpose3A {offsets = [104, 384], sizes = [8, 128], strides = [1, 1]} : vector<128x2048xf32> to vector<8x128xf32>
    %swap3A_1414 = arith.constant 0 : index
    %swap3A_1415 = arith.constant 5 : index
    %swap3A_1416 = arith.constant 19 : index
    %swap3A_1417 = arith.constant 0 : index
    %swap3A_1418 = arith.constant 0 : index
    %swap3A_1419 = vector.load %arg2[%swap3A_1414, %swap3A_1415, %swap3A_1416, %swap3A_1417, %swap3A_1418] : memref<1x8x32x8x128xf32, #tpu.memory_space<vmem>>, vector<1x1x1x8x128xf32>
    %swap3A_1420 = vector.shape_cast %swap3A_1419 : vector<1x1x1x8x128xf32> to vector<8x128xf32>
    %swap3A_1421 = vector.shape_cast %slice3A_1413 : vector<8x128xf32> to vector<1x1x1x8x128xf32>
    tpu.vector_store %arg2[%swap3A_1414, %swap3A_1415, %swap3A_1416, %swap3A_1417, %swap3A_1418], %swap3A_1421 {strides = array<i32>} : memref<1x8x32x8x128xf32, #tpu.memory_space<vmem>>, vector<1x1x1x8x128xf32>,
    %slice3A_1422 = vector.extract_strided_slice %transpose3A {offsets = [112, 384], sizes = [8, 128], strides = [1, 1]} : vector<128x2048xf32> to vector<8x128xf32>
    %swap3A_1423 = arith.constant 0 : index
    %swap3A_1424 = arith.constant 6 : index
    %swap3A_1425 = arith.constant 19 : index
    %swap3A_1426 = arith.constant 0 : index
    %swap3A_1427 = arith.constant 0 : index
    %swap3A_1428 = vector.load %arg2[%swap3A_1423, %swap3A_1424, %swap3A_1425, %swap3A_1426, %swap3A_1427] : memref<1x8x32x8x128xf32, #tpu.memory_space<vmem>>, vector<1x1x1x8x128xf32>
    %swap3A_1429 = vector.shape_cast %swap3A_1428 : vector<1x1x1x8x128xf32> to vector<8x128xf32>
    %swap3A_1430 = vector.shape_cast %slice3A_1422 : vector<8x128xf32> to vector<1x1x1x8x128xf32>
    tpu.vector_store %arg2[%swap3A_1423, %swap3A_1424, %swap3A_1425, %swap3A_1426, %swap3A_1427], %swap3A_1430 {strides = array<i32>} : memref<1x8x32x8x128xf32, #tpu.memory_space<vmem>>, vector<1x1x1x8x128xf32>,
    %slice3A_1431 = vector.extract_strided_slice %transpose3A {offsets = [120, 384], sizes = [8, 128], strides = [1, 1]} : vector<128x2048xf32> to vector<8x128xf32>
    %swap3A_1432 = arith.constant 0 : index
    %swap3A_1433 = arith.constant 7 : index
    %swap3A_1434 = arith.constant 19 : index
    %swap3A_1435 = arith.constant 0 : index
    %swap3A_1436 = arith.constant 0 : index
    %swap3A_1437 = vector.load %arg2[%swap3A_1432, %swap3A_1433, %swap3A_1434, %swap3A_1435, %swap3A_1436] : memref<1x8x32x8x128xf32, #tpu.memory_space<vmem>>, vector<1x1x1x8x128xf32>
    %swap3A_1438 = vector.shape_cast %swap3A_1437 : vector<1x1x1x8x128xf32> to vector<8x128xf32>
    %swap3A_1439 = vector.shape_cast %slice3A_1431 : vector<8x128xf32> to vector<1x1x1x8x128xf32>
    tpu.vector_store %arg2[%swap3A_1432, %swap3A_1433, %swap3A_1434, %swap3A_1435, %swap3A_1436], %swap3A_1439 {strides = array<i32>} : memref<1x8x32x8x128xf32, #tpu.memory_space<vmem>>, vector<1x1x1x8x128xf32>,
    %slice3A_1440 = vector.extract_strided_slice %transpose3A {offsets = [64, 512], sizes = [8, 128], strides = [1, 1]} : vector<128x2048xf32> to vector<8x128xf32>
    %swap3A_1441 = arith.constant 0 : index
    %swap3A_1442 = arith.constant 0 : index
    %swap3A_1443 = arith.constant 20 : index
    %swap3A_1444 = arith.constant 0 : index
    %swap3A_1445 = arith.constant 0 : index
    %swap3A_1446 = vector.load %arg2[%swap3A_1441, %swap3A_1442, %swap3A_1443, %swap3A_1444, %swap3A_1445] : memref<1x8x32x8x128xf32, #tpu.memory_space<vmem>>, vector<1x1x1x8x128xf32>
    %swap3A_1447 = vector.shape_cast %swap3A_1446 : vector<1x1x1x8x128xf32> to vector<8x128xf32>
    %swap3A_1448 = vector.shape_cast %slice3A_1440 : vector<8x128xf32> to vector<1x1x1x8x128xf32>
    tpu.vector_store %arg2[%swap3A_1441, %swap3A_1442, %swap3A_1443, %swap3A_1444, %swap3A_1445], %swap3A_1448 {strides = array<i32>} : memref<1x8x32x8x128xf32, #tpu.memory_space<vmem>>, vector<1x1x1x8x128xf32>,
    %slice3A_1449 = vector.extract_strided_slice %transpose3A {offsets = [72, 512], sizes = [8, 128], strides = [1, 1]} : vector<128x2048xf32> to vector<8x128xf32>
    %swap3A_1450 = arith.constant 0 : index
    %swap3A_1451 = arith.constant 1 : index
    %swap3A_1452 = arith.constant 20 : index
    %swap3A_1453 = arith.constant 0 : index
    %swap3A_1454 = arith.constant 0 : index
    %swap3A_1455 = vector.load %arg2[%swap3A_1450, %swap3A_1451, %swap3A_1452, %swap3A_1453, %swap3A_1454] : memref<1x8x32x8x128xf32, #tpu.memory_space<vmem>>, vector<1x1x1x8x128xf32>
    %swap3A_1456 = vector.shape_cast %swap3A_1455 : vector<1x1x1x8x128xf32> to vector<8x128xf32>
    %swap3A_1457 = vector.shape_cast %slice3A_1449 : vector<8x128xf32> to vector<1x1x1x8x128xf32>
    tpu.vector_store %arg2[%swap3A_1450, %swap3A_1451, %swap3A_1452, %swap3A_1453, %swap3A_1454], %swap3A_1457 {strides = array<i32>} : memref<1x8x32x8x128xf32, #tpu.memory_space<vmem>>, vector<1x1x1x8x128xf32>,
    %slice3A_1458 = vector.extract_strided_slice %transpose3A {offsets = [80, 512], sizes = [8, 128], strides = [1, 1]} : vector<128x2048xf32> to vector<8x128xf32>
    %swap3A_1459 = arith.constant 0 : index
    %swap3A_1460 = arith.constant 2 : index
    %swap3A_1461 = arith.constant 20 : index
    %swap3A_1462 = arith.constant 0 : index
    %swap3A_1463 = arith.constant 0 : index
    %swap3A_1464 = vector.load %arg2[%swap3A_1459, %swap3A_1460, %swap3A_1461, %swap3A_1462, %swap3A_1463] : memref<1x8x32x8x128xf32, #tpu.memory_space<vmem>>, vector<1x1x1x8x128xf32>
    %swap3A_1465 = vector.shape_cast %swap3A_1464 : vector<1x1x1x8x128xf32> to vector<8x128xf32>
    %swap3A_1466 = vector.shape_cast %slice3A_1458 : vector<8x128xf32> to vector<1x1x1x8x128xf32>
    tpu.vector_store %arg2[%swap3A_1459, %swap3A_1460, %swap3A_1461, %swap3A_1462, %swap3A_1463], %swap3A_1466 {strides = array<i32>} : memref<1x8x32x8x128xf32, #tpu.memory_space<vmem>>, vector<1x1x1x8x128xf32>,
    %slice3A_1467 = vector.extract_strided_slice %transpose3A {offsets = [88, 512], sizes = [8, 128], strides = [1, 1]} : vector<128x2048xf32> to vector<8x128xf32>
    %swap3A_1468 = arith.constant 0 : index
    %swap3A_1469 = arith.constant 3 : index
    %swap3A_1470 = arith.constant 20 : index
    %swap3A_1471 = arith.constant 0 : index
    %swap3A_1472 = arith.constant 0 : index
    %swap3A_1473 = vector.load %arg2[%swap3A_1468, %swap3A_1469, %swap3A_1470, %swap3A_1471, %swap3A_1472] : memref<1x8x32x8x128xf32, #tpu.memory_space<vmem>>, vector<1x1x1x8x128xf32>
    %swap3A_1474 = vector.shape_cast %swap3A_1473 : vector<1x1x1x8x128xf32> to vector<8x128xf32>
    %swap3A_1475 = vector.shape_cast %slice3A_1467 : vector<8x128xf32> to vector<1x1x1x8x128xf32>
    tpu.vector_store %arg2[%swap3A_1468, %swap3A_1469, %swap3A_1470, %swap3A_1471, %swap3A_1472], %swap3A_1475 {strides = array<i32>} : memref<1x8x32x8x128xf32, #tpu.memory_space<vmem>>, vector<1x1x1x8x128xf32>,
    %slice3A_1476 = vector.extract_strided_slice %transpose3A {offsets = [96, 512], sizes = [8, 128], strides = [1, 1]} : vector<128x2048xf32> to vector<8x128xf32>
    %swap3A_1477 = arith.constant 0 : index
    %swap3A_1478 = arith.constant 4 : index
    %swap3A_1479 = arith.constant 20 : index
    %swap3A_1480 = arith.constant 0 : index
    %swap3A_1481 = arith.constant 0 : index
    %swap3A_1482 = vector.load %arg2[%swap3A_1477, %swap3A_1478, %swap3A_1479, %swap3A_1480, %swap3A_1481] : memref<1x8x32x8x128xf32, #tpu.memory_space<vmem>>, vector<1x1x1x8x128xf32>
    %swap3A_1483 = vector.shape_cast %swap3A_1482 : vector<1x1x1x8x128xf32> to vector<8x128xf32>
    %swap3A_1484 = vector.shape_cast %slice3A_1476 : vector<8x128xf32> to vector<1x1x1x8x128xf32>
    tpu.vector_store %arg2[%swap3A_1477, %swap3A_1478, %swap3A_1479, %swap3A_1480, %swap3A_1481], %swap3A_1484 {strides = array<i32>} : memref<1x8x32x8x128xf32, #tpu.memory_space<vmem>>, vector<1x1x1x8x128xf32>,
    %slice3A_1485 = vector.extract_strided_slice %transpose3A {offsets = [104, 512], sizes = [8, 128], strides = [1, 1]} : vector<128x2048xf32> to vector<8x128xf32>
    %swap3A_1486 = arith.constant 0 : index
    %swap3A_1487 = arith.constant 5 : index
    %swap3A_1488 = arith.constant 20 : index
    %swap3A_1489 = arith.constant 0 : index
    %swap3A_1490 = arith.constant 0 : index
    %swap3A_1491 = vector.load %arg2[%swap3A_1486, %swap3A_1487, %swap3A_1488, %swap3A_1489, %swap3A_1490] : memref<1x8x32x8x128xf32, #tpu.memory_space<vmem>>, vector<1x1x1x8x128xf32>
    %swap3A_1492 = vector.shape_cast %swap3A_1491 : vector<1x1x1x8x128xf32> to vector<8x128xf32>
    %swap3A_1493 = vector.shape_cast %slice3A_1485 : vector<8x128xf32> to vector<1x1x1x8x128xf32>
    tpu.vector_store %arg2[%swap3A_1486, %swap3A_1487, %swap3A_1488, %swap3A_1489, %swap3A_1490], %swap3A_1493 {strides = array<i32>} : memref<1x8x32x8x128xf32, #tpu.memory_space<vmem>>, vector<1x1x1x8x128xf32>,
    %slice3A_1494 = vector.extract_strided_slice %transpose3A {offsets = [112, 512], sizes = [8, 128], strides = [1, 1]} : vector<128x2048xf32> to vector<8x128xf32>
    %swap3A_1495 = arith.constant 0 : index
    %swap3A_1496 = arith.constant 6 : index
    %swap3A_1497 = arith.constant 20 : index
    %swap3A_1498 = arith.constant 0 : index
    %swap3A_1499 = arith.constant 0 : index
    %swap3A_1500 = vector.load %arg2[%swap3A_1495, %swap3A_1496, %swap3A_1497, %swap3A_1498, %swap3A_1499] : memref<1x8x32x8x128xf32, #tpu.memory_space<vmem>>, vector<1x1x1x8x128xf32>
    %swap3A_1501 = vector.shape_cast %swap3A_1500 : vector<1x1x1x8x128xf32> to vector<8x128xf32>
    %swap3A_1502 = vector.shape_cast %slice3A_1494 : vector<8x128xf32> to vector<1x1x1x8x128xf32>
    tpu.vector_store %arg2[%swap3A_1495, %swap3A_1496, %swap3A_1497, %swap3A_1498, %swap3A_1499], %swap3A_1502 {strides = array<i32>} : memref<1x8x32x8x128xf32, #tpu.memory_space<vmem>>, vector<1x1x1x8x128xf32>,
    %slice3A_1503 = vector.extract_strided_slice %transpose3A {offsets = [120, 512], sizes = [8, 128], strides = [1, 1]} : vector<128x2048xf32> to vector<8x128xf32>
    %swap3A_1504 = arith.constant 0 : index
    %swap3A_1505 = arith.constant 7 : index
    %swap3A_1506 = arith.constant 20 : index
    %swap3A_1507 = arith.constant 0 : index
    %swap3A_1508 = arith.constant 0 : index
    %swap3A_1509 = vector.load %arg2[%swap3A_1504, %swap3A_1505, %swap3A_1506, %swap3A_1507, %swap3A_1508] : memref<1x8x32x8x128xf32, #tpu.memory_space<vmem>>, vector<1x1x1x8x128xf32>
    %swap3A_1510 = vector.shape_cast %swap3A_1509 : vector<1x1x1x8x128xf32> to vector<8x128xf32>
    %swap3A_1511 = vector.shape_cast %slice3A_1503 : vector<8x128xf32> to vector<1x1x1x8x128xf32>
    tpu.vector_store %arg2[%swap3A_1504, %swap3A_1505, %swap3A_1506, %swap3A_1507, %swap3A_1508], %swap3A_1511 {strides = array<i32>} : memref<1x8x32x8x128xf32, #tpu.memory_space<vmem>>, vector<1x1x1x8x128xf32>,
    %slice3A_1512 = vector.extract_strided_slice %transpose3A {offsets = [64, 640], sizes = [8, 128], strides = [1, 1]} : vector<128x2048xf32> to vector<8x128xf32>
    %swap3A_1513 = arith.constant 0 : index
    %swap3A_1514 = arith.constant 0 : index
    %swap3A_1515 = arith.constant 21 : index
    %swap3A_1516 = arith.constant 0 : index
    %swap3A_1517 = arith.constant 0 : index
    %swap3A_1518 = vector.load %arg2[%swap3A_1513, %swap3A_1514, %swap3A_1515, %swap3A_1516, %swap3A_1517] : memref<1x8x32x8x128xf32, #tpu.memory_space<vmem>>, vector<1x1x1x8x128xf32>
    %swap3A_1519 = vector.shape_cast %swap3A_1518 : vector<1x1x1x8x128xf32> to vector<8x128xf32>
    %swap3A_1520 = vector.shape_cast %slice3A_1512 : vector<8x128xf32> to vector<1x1x1x8x128xf32>
    tpu.vector_store %arg2[%swap3A_1513, %swap3A_1514, %swap3A_1515, %swap3A_1516, %swap3A_1517], %swap3A_1520 {strides = array<i32>} : memref<1x8x32x8x128xf32, #tpu.memory_space<vmem>>, vector<1x1x1x8x128xf32>,
    %slice3A_1521 = vector.extract_strided_slice %transpose3A {offsets = [72, 640], sizes = [8, 128], strides = [1, 1]} : vector<128x2048xf32> to vector<8x128xf32>
    %swap3A_1522 = arith.constant 0 : index
    %swap3A_1523 = arith.constant 1 : index
    %swap3A_1524 = arith.constant 21 : index
    %swap3A_1525 = arith.constant 0 : index
    %swap3A_1526 = arith.constant 0 : index
    %swap3A_1527 = vector.load %arg2[%swap3A_1522, %swap3A_1523, %swap3A_1524, %swap3A_1525, %swap3A_1526] : memref<1x8x32x8x128xf32, #tpu.memory_space<vmem>>, vector<1x1x1x8x128xf32>
    %swap3A_1528 = vector.shape_cast %swap3A_1527 : vector<1x1x1x8x128xf32> to vector<8x128xf32>
    %swap3A_1529 = vector.shape_cast %slice3A_1521 : vector<8x128xf32> to vector<1x1x1x8x128xf32>
    tpu.vector_store %arg2[%swap3A_1522, %swap3A_1523, %swap3A_1524, %swap3A_1525, %swap3A_1526], %swap3A_1529 {strides = array<i32>} : memref<1x8x32x8x128xf32, #tpu.memory_space<vmem>>, vector<1x1x1x8x128xf32>,
    %slice3A_1530 = vector.extract_strided_slice %transpose3A {offsets = [80, 640], sizes = [8, 128], strides = [1, 1]} : vector<128x2048xf32> to vector<8x128xf32>
    %swap3A_1531 = arith.constant 0 : index
    %swap3A_1532 = arith.constant 2 : index
    %swap3A_1533 = arith.constant 21 : index
    %swap3A_1534 = arith.constant 0 : index
    %swap3A_1535 = arith.constant 0 : index
    %swap3A_1536 = vector.load %arg2[%swap3A_1531, %swap3A_1532, %swap3A_1533, %swap3A_1534, %swap3A_1535] : memref<1x8x32x8x128xf32, #tpu.memory_space<vmem>>, vector<1x1x1x8x128xf32>
    %swap3A_1537 = vector.shape_cast %swap3A_1536 : vector<1x1x1x8x128xf32> to vector<8x128xf32>
    %swap3A_1538 = vector.shape_cast %slice3A_1530 : vector<8x128xf32> to vector<1x1x1x8x128xf32>
    tpu.vector_store %arg2[%swap3A_1531, %swap3A_1532, %swap3A_1533, %swap3A_1534, %swap3A_1535], %swap3A_1538 {strides = array<i32>} : memref<1x8x32x8x128xf32, #tpu.memory_space<vmem>>, vector<1x1x1x8x128xf32>,
    %slice3A_1539 = vector.extract_strided_slice %transpose3A {offsets = [88, 640], sizes = [8, 128], strides = [1, 1]} : vector<128x2048xf32> to vector<8x128xf32>
    %swap3A_1540 = arith.constant 0 : index
    %swap3A_1541 = arith.constant 3 : index
    %swap3A_1542 = arith.constant 21 : index
    %swap3A_1543 = arith.constant 0 : index
    %swap3A_1544 = arith.constant 0 : index
    %swap3A_1545 = vector.load %arg2[%swap3A_1540, %swap3A_1541, %swap3A_1542, %swap3A_1543, %swap3A_1544] : memref<1x8x32x8x128xf32, #tpu.memory_space<vmem>>, vector<1x1x1x8x128xf32>
    %swap3A_1546 = vector.shape_cast %swap3A_1545 : vector<1x1x1x8x128xf32> to vector<8x128xf32>
    %swap3A_1547 = vector.shape_cast %slice3A_1539 : vector<8x128xf32> to vector<1x1x1x8x128xf32>
    tpu.vector_store %arg2[%swap3A_1540, %swap3A_1541, %swap3A_1542, %swap3A_1543, %swap3A_1544], %swap3A_1547 {strides = array<i32>} : memref<1x8x32x8x128xf32, #tpu.memory_space<vmem>>, vector<1x1x1x8x128xf32>,
    %slice3A_1548 = vector.extract_strided_slice %transpose3A {offsets = [96, 640], sizes = [8, 128], strides = [1, 1]} : vector<128x2048xf32> to vector<8x128xf32>
    %swap3A_1549 = arith.constant 0 : index
    %swap3A_1550 = arith.constant 4 : index
    %swap3A_1551 = arith.constant 21 : index
    %swap3A_1552 = arith.constant 0 : index
    %swap3A_1553 = arith.constant 0 : index
    %swap3A_1554 = vector.load %arg2[%swap3A_1549, %swap3A_1550, %swap3A_1551, %swap3A_1552, %swap3A_1553] : memref<1x8x32x8x128xf32, #tpu.memory_space<vmem>>, vector<1x1x1x8x128xf32>
    %swap3A_1555 = vector.shape_cast %swap3A_1554 : vector<1x1x1x8x128xf32> to vector<8x128xf32>
    %swap3A_1556 = vector.shape_cast %slice3A_1548 : vector<8x128xf32> to vector<1x1x1x8x128xf32>
    tpu.vector_store %arg2[%swap3A_1549, %swap3A_1550, %swap3A_1551, %swap3A_1552, %swap3A_1553], %swap3A_1556 {strides = array<i32>} : memref<1x8x32x8x128xf32, #tpu.memory_space<vmem>>, vector<1x1x1x8x128xf32>,
    %slice3A_1557 = vector.extract_strided_slice %transpose3A {offsets = [104, 640], sizes = [8, 128], strides = [1, 1]} : vector<128x2048xf32> to vector<8x128xf32>
    %swap3A_1558 = arith.constant 0 : index
    %swap3A_1559 = arith.constant 5 : index
    %swap3A_1560 = arith.constant 21 : index
    %swap3A_1561 = arith.constant 0 : index
    %swap3A_1562 = arith.constant 0 : index
    %swap3A_1563 = vector.load %arg2[%swap3A_1558, %swap3A_1559, %swap3A_1560, %swap3A_1561, %swap3A_1562] : memref<1x8x32x8x128xf32, #tpu.memory_space<vmem>>, vector<1x1x1x8x128xf32>
    %swap3A_1564 = vector.shape_cast %swap3A_1563 : vector<1x1x1x8x128xf32> to vector<8x128xf32>
    %swap3A_1565 = vector.shape_cast %slice3A_1557 : vector<8x128xf32> to vector<1x1x1x8x128xf32>
    tpu.vector_store %arg2[%swap3A_1558, %swap3A_1559, %swap3A_1560, %swap3A_1561, %swap3A_1562], %swap3A_1565 {strides = array<i32>} : memref<1x8x32x8x128xf32, #tpu.memory_space<vmem>>, vector<1x1x1x8x128xf32>,
    %slice3A_1566 = vector.extract_strided_slice %transpose3A {offsets = [112, 640], sizes = [8, 128], strides = [1, 1]} : vector<128x2048xf32> to vector<8x128xf32>
    %swap3A_1567 = arith.constant 0 : index
    %swap3A_1568 = arith.constant 6 : index
    %swap3A_1569 = arith.constant 21 : index
    %swap3A_1570 = arith.constant 0 : index
    %swap3A_1571 = arith.constant 0 : index
    %swap3A_1572 = vector.load %arg2[%swap3A_1567, %swap3A_1568, %swap3A_1569, %swap3A_1570, %swap3A_1571] : memref<1x8x32x8x128xf32, #tpu.memory_space<vmem>>, vector<1x1x1x8x128xf32>
    %swap3A_1573 = vector.shape_cast %swap3A_1572 : vector<1x1x1x8x128xf32> to vector<8x128xf32>
    %swap3A_1574 = vector.shape_cast %slice3A_1566 : vector<8x128xf32> to vector<1x1x1x8x128xf32>
    tpu.vector_store %arg2[%swap3A_1567, %swap3A_1568, %swap3A_1569, %swap3A_1570, %swap3A_1571], %swap3A_1574 {strides = array<i32>} : memref<1x8x32x8x128xf32, #tpu.memory_space<vmem>>, vector<1x1x1x8x128xf32>,
    %slice3A_1575 = vector.extract_strided_slice %transpose3A {offsets = [120, 640], sizes = [8, 128], strides = [1, 1]} : vector<128x2048xf32> to vector<8x128xf32>
    %swap3A_1576 = arith.constant 0 : index
    %swap3A_1577 = arith.constant 7 : index
    %swap3A_1578 = arith.constant 21 : index
    %swap3A_1579 = arith.constant 0 : index
    %swap3A_1580 = arith.constant 0 : index
    %swap3A_1581 = vector.load %arg2[%swap3A_1576, %swap3A_1577, %swap3A_1578, %swap3A_1579, %swap3A_1580] : memref<1x8x32x8x128xf32, #tpu.memory_space<vmem>>, vector<1x1x1x8x128xf32>
    %swap3A_1582 = vector.shape_cast %swap3A_1581 : vector<1x1x1x8x128xf32> to vector<8x128xf32>
    %swap3A_1583 = vector.shape_cast %slice3A_1575 : vector<8x128xf32> to vector<1x1x1x8x128xf32>
    tpu.vector_store %arg2[%swap3A_1576, %swap3A_1577, %swap3A_1578, %swap3A_1579, %swap3A_1580], %swap3A_1583 {strides = array<i32>} : memref<1x8x32x8x128xf32, #tpu.memory_space<vmem>>, vector<1x1x1x8x128xf32>,
    %slice3A_1584 = vector.extract_strided_slice %transpose3A {offsets = [64, 768], sizes = [8, 128], strides = [1, 1]} : vector<128x2048xf32> to vector<8x128xf32>
    %swap3A_1585 = arith.constant 0 : index
    %swap3A_1586 = arith.constant 0 : index
    %swap3A_1587 = arith.constant 22 : index
    %swap3A_1588 = arith.constant 0 : index
    %swap3A_1589 = arith.constant 0 : index
    %swap3A_1590 = vector.load %arg2[%swap3A_1585, %swap3A_1586, %swap3A_1587, %swap3A_1588, %swap3A_1589] : memref<1x8x32x8x128xf32, #tpu.memory_space<vmem>>, vector<1x1x1x8x128xf32>
    %swap3A_1591 = vector.shape_cast %swap3A_1590 : vector<1x1x1x8x128xf32> to vector<8x128xf32>
    %swap3A_1592 = vector.shape_cast %slice3A_1584 : vector<8x128xf32> to vector<1x1x1x8x128xf32>
    tpu.vector_store %arg2[%swap3A_1585, %swap3A_1586, %swap3A_1587, %swap3A_1588, %swap3A_1589], %swap3A_1592 {strides = array<i32>} : memref<1x8x32x8x128xf32, #tpu.memory_space<vmem>>, vector<1x1x1x8x128xf32>,
    %slice3A_1593 = vector.extract_strided_slice %transpose3A {offsets = [72, 768], sizes = [8, 128], strides = [1, 1]} : vector<128x2048xf32> to vector<8x128xf32>
    %swap3A_1594 = arith.constant 0 : index
    %swap3A_1595 = arith.constant 1 : index
    %swap3A_1596 = arith.constant 22 : index
    %swap3A_1597 = arith.constant 0 : index
    %swap3A_1598 = arith.constant 0 : index
    %swap3A_1599 = vector.load %arg2[%swap3A_1594, %swap3A_1595, %swap3A_1596, %swap3A_1597, %swap3A_1598] : memref<1x8x32x8x128xf32, #tpu.memory_space<vmem>>, vector<1x1x1x8x128xf32>
    %swap3A_1600 = vector.shape_cast %swap3A_1599 : vector<1x1x1x8x128xf32> to vector<8x128xf32>
    %swap3A_1601 = vector.shape_cast %slice3A_1593 : vector<8x128xf32> to vector<1x1x1x8x128xf32>
    tpu.vector_store %arg2[%swap3A_1594, %swap3A_1595, %swap3A_1596, %swap3A_1597, %swap3A_1598], %swap3A_1601 {strides = array<i32>} : memref<1x8x32x8x128xf32, #tpu.memory_space<vmem>>, vector<1x1x1x8x128xf32>,
    %slice3A_1602 = vector.extract_strided_slice %transpose3A {offsets = [80, 768], sizes = [8, 128], strides = [1, 1]} : vector<128x2048xf32> to vector<8x128xf32>
    %swap3A_1603 = arith.constant 0 : index
    %swap3A_1604 = arith.constant 2 : index
    %swap3A_1605 = arith.constant 22 : index
    %swap3A_1606 = arith.constant 0 : index
    %swap3A_1607 = arith.constant 0 : index
    %swap3A_1608 = vector.load %arg2[%swap3A_1603, %swap3A_1604, %swap3A_1605, %swap3A_1606, %swap3A_1607] : memref<1x8x32x8x128xf32, #tpu.memory_space<vmem>>, vector<1x1x1x8x128xf32>
    %swap3A_1609 = vector.shape_cast %swap3A_1608 : vector<1x1x1x8x128xf32> to vector<8x128xf32>
    %swap3A_1610 = vector.shape_cast %slice3A_1602 : vector<8x128xf32> to vector<1x1x1x8x128xf32>
    tpu.vector_store %arg2[%swap3A_1603, %swap3A_1604, %swap3A_1605, %swap3A_1606, %swap3A_1607], %swap3A_1610 {strides = array<i32>} : memref<1x8x32x8x128xf32, #tpu.memory_space<vmem>>, vector<1x1x1x8x128xf32>,
    %slice3A_1611 = vector.extract_strided_slice %transpose3A {offsets = [88, 768], sizes = [8, 128], strides = [1, 1]} : vector<128x2048xf32> to vector<8x128xf32>
    %swap3A_1612 = arith.constant 0 : index
    %swap3A_1613 = arith.constant 3 : index
    %swap3A_1614 = arith.constant 22 : index
    %swap3A_1615 = arith.constant 0 : index
    %swap3A_1616 = arith.constant 0 : index
    %swap3A_1617 = vector.load %arg2[%swap3A_1612, %swap3A_1613, %swap3A_1614, %swap3A_1615, %swap3A_1616] : memref<1x8x32x8x128xf32, #tpu.memory_space<vmem>>, vector<1x1x1x8x128xf32>
    %swap3A_1618 = vector.shape_cast %swap3A_1617 : vector<1x1x1x8x128xf32> to vector<8x128xf32>
    %swap3A_1619 = vector.shape_cast %slice3A_1611 : vector<8x128xf32> to vector<1x1x1x8x128xf32>
    tpu.vector_store %arg2[%swap3A_1612, %swap3A_1613, %swap3A_1614, %swap3A_1615, %swap3A_1616], %swap3A_1619 {strides = array<i32>} : memref<1x8x32x8x128xf32, #tpu.memory_space<vmem>>, vector<1x1x1x8x128xf32>,
    %slice3A_1620 = vector.extract_strided_slice %transpose3A {offsets = [96, 768], sizes = [8, 128], strides = [1, 1]} : vector<128x2048xf32> to vector<8x128xf32>
    %swap3A_1621 = arith.constant 0 : index
    %swap3A_1622 = arith.constant 4 : index
    %swap3A_1623 = arith.constant 22 : index
    %swap3A_1624 = arith.constant 0 : index
    %swap3A_1625 = arith.constant 0 : index
    %swap3A_1626 = vector.load %arg2[%swap3A_1621, %swap3A_1622, %swap3A_1623, %swap3A_1624, %swap3A_1625] : memref<1x8x32x8x128xf32, #tpu.memory_space<vmem>>, vector<1x1x1x8x128xf32>
    %swap3A_1627 = vector.shape_cast %swap3A_1626 : vector<1x1x1x8x128xf32> to vector<8x128xf32>
    %swap3A_1628 = vector.shape_cast %slice3A_1620 : vector<8x128xf32> to vector<1x1x1x8x128xf32>
    tpu.vector_store %arg2[%swap3A_1621, %swap3A_1622, %swap3A_1623, %swap3A_1624, %swap3A_1625], %swap3A_1628 {strides = array<i32>} : memref<1x8x32x8x128xf32, #tpu.memory_space<vmem>>, vector<1x1x1x8x128xf32>,
    %slice3A_1629 = vector.extract_strided_slice %transpose3A {offsets = [104, 768], sizes = [8, 128], strides = [1, 1]} : vector<128x2048xf32> to vector<8x128xf32>
    %swap3A_1630 = arith.constant 0 : index
    %swap3A_1631 = arith.constant 5 : index
    %swap3A_1632 = arith.constant 22 : index
    %swap3A_1633 = arith.constant 0 : index
    %swap3A_1634 = arith.constant 0 : index
    %swap3A_1635 = vector.load %arg2[%swap3A_1630, %swap3A_1631, %swap3A_1632, %swap3A_1633, %swap3A_1634] : memref<1x8x32x8x128xf32, #tpu.memory_space<vmem>>, vector<1x1x1x8x128xf32>
    %swap3A_1636 = vector.shape_cast %swap3A_1635 : vector<1x1x1x8x128xf32> to vector<8x128xf32>
    %swap3A_1637 = vector.shape_cast %slice3A_1629 : vector<8x128xf32> to vector<1x1x1x8x128xf32>
    tpu.vector_store %arg2[%swap3A_1630, %swap3A_1631, %swap3A_1632, %swap3A_1633, %swap3A_1634], %swap3A_1637 {strides = array<i32>} : memref<1x8x32x8x128xf32, #tpu.memory_space<vmem>>, vector<1x1x1x8x128xf32>,
    %slice3A_1638 = vector.extract_strided_slice %transpose3A {offsets = [112, 768], sizes = [8, 128], strides = [1, 1]} : vector<128x2048xf32> to vector<8x128xf32>
    %swap3A_1639 = arith.constant 0 : index
    %swap3A_1640 = arith.constant 6 : index
    %swap3A_1641 = arith.constant 22 : index
    %swap3A_1642 = arith.constant 0 : index
    %swap3A_1643 = arith.constant 0 : index
    %swap3A_1644 = vector.load %arg2[%swap3A_1639, %swap3A_1640, %swap3A_1641, %swap3A_1642, %swap3A_1643] : memref<1x8x32x8x128xf32, #tpu.memory_space<vmem>>, vector<1x1x1x8x128xf32>
    %swap3A_1645 = vector.shape_cast %swap3A_1644 : vector<1x1x1x8x128xf32> to vector<8x128xf32>
    %swap3A_1646 = vector.shape_cast %slice3A_1638 : vector<8x128xf32> to vector<1x1x1x8x128xf32>
    tpu.vector_store %arg2[%swap3A_1639, %swap3A_1640, %swap3A_1641, %swap3A_1642, %swap3A_1643], %swap3A_1646 {strides = array<i32>} : memref<1x8x32x8x128xf32, #tpu.memory_space<vmem>>, vector<1x1x1x8x128xf32>,
    %slice3A_1647 = vector.extract_strided_slice %transpose3A {offsets = [120, 768], sizes = [8, 128], strides = [1, 1]} : vector<128x2048xf32> to vector<8x128xf32>
    %swap3A_1648 = arith.constant 0 : index
    %swap3A_1649 = arith.constant 7 : index
    %swap3A_1650 = arith.constant 22 : index
    %swap3A_1651 = arith.constant 0 : index
    %swap3A_1652 = arith.constant 0 : index
    %swap3A_1653 = vector.load %arg2[%swap3A_1648, %swap3A_1649, %swap3A_1650, %swap3A_1651, %swap3A_1652] : memref<1x8x32x8x128xf32, #tpu.memory_space<vmem>>, vector<1x1x1x8x128xf32>
    %swap3A_1654 = vector.shape_cast %swap3A_1653 : vector<1x1x1x8x128xf32> to vector<8x128xf32>
    %swap3A_1655 = vector.shape_cast %slice3A_1647 : vector<8x128xf32> to vector<1x1x1x8x128xf32>
    tpu.vector_store %arg2[%swap3A_1648, %swap3A_1649, %swap3A_1650, %swap3A_1651, %swap3A_1652], %swap3A_1655 {strides = array<i32>} : memref<1x8x32x8x128xf32, #tpu.memory_space<vmem>>, vector<1x1x1x8x128xf32>,
    %slice3A_1656 = vector.extract_strided_slice %transpose3A {offsets = [64, 896], sizes = [8, 128], strides = [1, 1]} : vector<128x2048xf32> to vector<8x128xf32>
    %swap3A_1657 = arith.constant 0 : index
    %swap3A_1658 = arith.constant 0 : index
    %swap3A_1659 = arith.constant 23 : index
    %swap3A_1660 = arith.constant 0 : index
    %swap3A_1661 = arith.constant 0 : index
    %swap3A_1662 = vector.load %arg2[%swap3A_1657, %swap3A_1658, %swap3A_1659, %swap3A_1660, %swap3A_1661] : memref<1x8x32x8x128xf32, #tpu.memory_space<vmem>>, vector<1x1x1x8x128xf32>
    %swap3A_1663 = vector.shape_cast %swap3A_1662 : vector<1x1x1x8x128xf32> to vector<8x128xf32>
    %swap3A_1664 = vector.shape_cast %slice3A_1656 : vector<8x128xf32> to vector<1x1x1x8x128xf32>
    tpu.vector_store %arg2[%swap3A_1657, %swap3A_1658, %swap3A_1659, %swap3A_1660, %swap3A_1661], %swap3A_1664 {strides = array<i32>} : memref<1x8x32x8x128xf32, #tpu.memory_space<vmem>>, vector<1x1x1x8x128xf32>,
    %slice3A_1665 = vector.extract_strided_slice %transpose3A {offsets = [72, 896], sizes = [8, 128], strides = [1, 1]} : vector<128x2048xf32> to vector<8x128xf32>
    %swap3A_1666 = arith.constant 0 : index
    %swap3A_1667 = arith.constant 1 : index
    %swap3A_1668 = arith.constant 23 : index
    %swap3A_1669 = arith.constant 0 : index
    %swap3A_1670 = arith.constant 0 : index
    %swap3A_1671 = vector.load %arg2[%swap3A_1666, %swap3A_1667, %swap3A_1668, %swap3A_1669, %swap3A_1670] : memref<1x8x32x8x128xf32, #tpu.memory_space<vmem>>, vector<1x1x1x8x128xf32>
    %swap3A_1672 = vector.shape_cast %swap3A_1671 : vector<1x1x1x8x128xf32> to vector<8x128xf32>
    %swap3A_1673 = vector.shape_cast %slice3A_1665 : vector<8x128xf32> to vector<1x1x1x8x128xf32>
    tpu.vector_store %arg2[%swap3A_1666, %swap3A_1667, %swap3A_1668, %swap3A_1669, %swap3A_1670], %swap3A_1673 {strides = array<i32>} : memref<1x8x32x8x128xf32, #tpu.memory_space<vmem>>, vector<1x1x1x8x128xf32>,
    %slice3A_1674 = vector.extract_strided_slice %transpose3A {offsets = [80, 896], sizes = [8, 128], strides = [1, 1]} : vector<128x2048xf32> to vector<8x128xf32>
    %swap3A_1675 = arith.constant 0 : index
    %swap3A_1676 = arith.constant 2 : index
    %swap3A_1677 = arith.constant 23 : index
    %swap3A_1678 = arith.constant 0 : index
    %swap3A_1679 = arith.constant 0 : index
    %swap3A_1680 = vector.load %arg2[%swap3A_1675, %swap3A_1676, %swap3A_1677, %swap3A_1678, %swap3A_1679] : memref<1x8x32x8x128xf32, #tpu.memory_space<vmem>>, vector<1x1x1x8x128xf32>
    %swap3A_1681 = vector.shape_cast %swap3A_1680 : vector<1x1x1x8x128xf32> to vector<8x128xf32>
    %swap3A_1682 = vector.shape_cast %slice3A_1674 : vector<8x128xf32> to vector<1x1x1x8x128xf32>
    tpu.vector_store %arg2[%swap3A_1675, %swap3A_1676, %swap3A_1677, %swap3A_1678, %swap3A_1679], %swap3A_1682 {strides = array<i32>} : memref<1x8x32x8x128xf32, #tpu.memory_space<vmem>>, vector<1x1x1x8x128xf32>,
    %slice3A_1683 = vector.extract_strided_slice %transpose3A {offsets = [88, 896], sizes = [8, 128], strides = [1, 1]} : vector<128x2048xf32> to vector<8x128xf32>
    %swap3A_1684 = arith.constant 0 : index
    %swap3A_1685 = arith.constant 3 : index
    %swap3A_1686 = arith.constant 23 : index
    %swap3A_1687 = arith.constant 0 : index
    %swap3A_1688 = arith.constant 0 : index
    %swap3A_1689 = vector.load %arg2[%swap3A_1684, %swap3A_1685, %swap3A_1686, %swap3A_1687, %swap3A_1688] : memref<1x8x32x8x128xf32, #tpu.memory_space<vmem>>, vector<1x1x1x8x128xf32>
    %swap3A_1690 = vector.shape_cast %swap3A_1689 : vector<1x1x1x8x128xf32> to vector<8x128xf32>
    %swap3A_1691 = vector.shape_cast %slice3A_1683 : vector<8x128xf32> to vector<1x1x1x8x128xf32>
    tpu.vector_store %arg2[%swap3A_1684, %swap3A_1685, %swap3A_1686, %swap3A_1687, %swap3A_1688], %swap3A_1691 {strides = array<i32>} : memref<1x8x32x8x128xf32, #tpu.memory_space<vmem>>, vector<1x1x1x8x128xf32>,
    %slice3A_1692 = vector.extract_strided_slice %transpose3A {offsets = [96, 896], sizes = [8, 128], strides = [1, 1]} : vector<128x2048xf32> to vector<8x128xf32>
    %swap3A_1693 = arith.constant 0 : index
    %swap3A_1694 = arith.constant 4 : index
    %swap3A_1695 = arith.constant 23 : index
    %swap3A_1696 = arith.constant 0 : index
    %swap3A_1697 = arith.constant 0 : index
    %swap3A_1698 = vector.load %arg2[%swap3A_1693, %swap3A_1694, %swap3A_1695, %swap3A_1696, %swap3A_1697] : memref<1x8x32x8x128xf32, #tpu.memory_space<vmem>>, vector<1x1x1x8x128xf32>
    %swap3A_1699 = vector.shape_cast %swap3A_1698 : vector<1x1x1x8x128xf32> to vector<8x128xf32>
    %swap3A_1700 = vector.shape_cast %slice3A_1692 : vector<8x128xf32> to vector<1x1x1x8x128xf32>
    tpu.vector_store %arg2[%swap3A_1693, %swap3A_1694, %swap3A_1695, %swap3A_1696, %swap3A_1697], %swap3A_1700 {strides = array<i32>} : memref<1x8x32x8x128xf32, #tpu.memory_space<vmem>>, vector<1x1x1x8x128xf32>,
    %slice3A_1701 = vector.extract_strided_slice %transpose3A {offsets = [104, 896], sizes = [8, 128], strides = [1, 1]} : vector<128x2048xf32> to vector<8x128xf32>
    %swap3A_1702 = arith.constant 0 : index
    %swap3A_1703 = arith.constant 5 : index
    %swap3A_1704 = arith.constant 23 : index
    %swap3A_1705 = arith.constant 0 : index
    %swap3A_1706 = arith.constant 0 : index
    %swap3A_1707 = vector.load %arg2[%swap3A_1702, %swap3A_1703, %swap3A_1704, %swap3A_1705, %swap3A_1706] : memref<1x8x32x8x128xf32, #tpu.memory_space<vmem>>, vector<1x1x1x8x128xf32>
    %swap3A_1708 = vector.shape_cast %swap3A_1707 : vector<1x1x1x8x128xf32> to vector<8x128xf32>
    %swap3A_1709 = vector.shape_cast %slice3A_1701 : vector<8x128xf32> to vector<1x1x1x8x128xf32>
    tpu.vector_store %arg2[%swap3A_1702, %swap3A_1703, %swap3A_1704, %swap3A_1705, %swap3A_1706], %swap3A_1709 {strides = array<i32>} : memref<1x8x32x8x128xf32, #tpu.memory_space<vmem>>, vector<1x1x1x8x128xf32>,
    %slice3A_1710 = vector.extract_strided_slice %transpose3A {offsets = [112, 896], sizes = [8, 128], strides = [1, 1]} : vector<128x2048xf32> to vector<8x128xf32>
    %swap3A_1711 = arith.constant 0 : index
    %swap3A_1712 = arith.constant 6 : index
    %swap3A_1713 = arith.constant 23 : index
    %swap3A_1714 = arith.constant 0 : index
    %swap3A_1715 = arith.constant 0 : index
    %swap3A_1716 = vector.load %arg2[%swap3A_1711, %swap3A_1712, %swap3A_1713, %swap3A_1714, %swap3A_1715] : memref<1x8x32x8x128xf32, #tpu.memory_space<vmem>>, vector<1x1x1x8x128xf32>
    %swap3A_1717 = vector.shape_cast %swap3A_1716 : vector<1x1x1x8x128xf32> to vector<8x128xf32>
    %swap3A_1718 = vector.shape_cast %slice3A_1710 : vector<8x128xf32> to vector<1x1x1x8x128xf32>
    tpu.vector_store %arg2[%swap3A_1711, %swap3A_1712, %swap3A_1713, %swap3A_1714, %swap3A_1715], %swap3A_1718 {strides = array<i32>} : memref<1x8x32x8x128xf32, #tpu.memory_space<vmem>>, vector<1x1x1x8x128xf32>,
    %slice3A_1719 = vector.extract_strided_slice %transpose3A {offsets = [120, 896], sizes = [8, 128], strides = [1, 1]} : vector<128x2048xf32> to vector<8x128xf32>
    %swap3A_1720 = arith.constant 0 : index
    %swap3A_1721 = arith.constant 7 : index
    %swap3A_1722 = arith.constant 23 : index
    %swap3A_1723 = arith.constant 0 : index
    %swap3A_1724 = arith.constant 0 : index
    %swap3A_1725 = vector.load %arg2[%swap3A_1720, %swap3A_1721, %swap3A_1722, %swap3A_1723, %swap3A_1724] : memref<1x8x32x8x128xf32, #tpu.memory_space<vmem>>, vector<1x1x1x8x128xf32>
    %swap3A_1726 = vector.shape_cast %swap3A_1725 : vector<1x1x1x8x128xf32> to vector<8x128xf32>
    %swap3A_1727 = vector.shape_cast %slice3A_1719 : vector<8x128xf32> to vector<1x1x1x8x128xf32>
    tpu.vector_store %arg2[%swap3A_1720, %swap3A_1721, %swap3A_1722, %swap3A_1723, %swap3A_1724], %swap3A_1727 {strides = array<i32>} : memref<1x8x32x8x128xf32, #tpu.memory_space<vmem>>, vector<1x1x1x8x128xf32>,
    %slice3A_1728 = vector.extract_strided_slice %transpose3A {offsets = [64, 1024], sizes = [8, 128], strides = [1, 1]} : vector<128x2048xf32> to vector<8x128xf32>
    %swap3A_1729 = arith.constant 0 : index
    %swap3A_1730 = arith.constant 0 : index
    %swap3A_1731 = arith.constant 24 : index
    %swap3A_1732 = arith.constant 0 : index
    %swap3A_1733 = arith.constant 0 : index
    %swap3A_1734 = vector.load %arg2[%swap3A_1729, %swap3A_1730, %swap3A_1731, %swap3A_1732, %swap3A_1733] : memref<1x8x32x8x128xf32, #tpu.memory_space<vmem>>, vector<1x1x1x8x128xf32>
    %swap3A_1735 = vector.shape_cast %swap3A_1734 : vector<1x1x1x8x128xf32> to vector<8x128xf32>
    %swap3A_1736 = vector.shape_cast %slice3A_1728 : vector<8x128xf32> to vector<1x1x1x8x128xf32>
    tpu.vector_store %arg2[%swap3A_1729, %swap3A_1730, %swap3A_1731, %swap3A_1732, %swap3A_1733], %swap3A_1736 {strides = array<i32>} : memref<1x8x32x8x128xf32, #tpu.memory_space<vmem>>, vector<1x1x1x8x128xf32>,
    %slice3A_1737 = vector.extract_strided_slice %transpose3A {offsets = [72, 1024], sizes = [8, 128], strides = [1, 1]} : vector<128x2048xf32> to vector<8x128xf32>
    %swap3A_1738 = arith.constant 0 : index
    %swap3A_1739 = arith.constant 1 : index
    %swap3A_1740 = arith.constant 24 : index
    %swap3A_1741 = arith.constant 0 : index
    %swap3A_1742 = arith.constant 0 : index
    %swap3A_1743 = vector.load %arg2[%swap3A_1738, %swap3A_1739, %swap3A_1740, %swap3A_1741, %swap3A_1742] : memref<1x8x32x8x128xf32, #tpu.memory_space<vmem>>, vector<1x1x1x8x128xf32>
    %swap3A_1744 = vector.shape_cast %swap3A_1743 : vector<1x1x1x8x128xf32> to vector<8x128xf32>
    %swap3A_1745 = vector.shape_cast %slice3A_1737 : vector<8x128xf32> to vector<1x1x1x8x128xf32>
    tpu.vector_store %arg2[%swap3A_1738, %swap3A_1739, %swap3A_1740, %swap3A_1741, %swap3A_1742], %swap3A_1745 {strides = array<i32>} : memref<1x8x32x8x128xf32, #tpu.memory_space<vmem>>, vector<1x1x1x8x128xf32>,
    %slice3A_1746 = vector.extract_strided_slice %transpose3A {offsets = [80, 1024], sizes = [8, 128], strides = [1, 1]} : vector<128x2048xf32> to vector<8x128xf32>
    %swap3A_1747 = arith.constant 0 : index
    %swap3A_1748 = arith.constant 2 : index
    %swap3A_1749 = arith.constant 24 : index
    %swap3A_1750 = arith.constant 0 : index
    %swap3A_1751 = arith.constant 0 : index
    %swap3A_1752 = vector.load %arg2[%swap3A_1747, %swap3A_1748, %swap3A_1749, %swap3A_1750, %swap3A_1751] : memref<1x8x32x8x128xf32, #tpu.memory_space<vmem>>, vector<1x1x1x8x128xf32>
    %swap3A_1753 = vector.shape_cast %swap3A_1752 : vector<1x1x1x8x128xf32> to vector<8x128xf32>
    %swap3A_1754 = vector.shape_cast %slice3A_1746 : vector<8x128xf32> to vector<1x1x1x8x128xf32>
    tpu.vector_store %arg2[%swap3A_1747, %swap3A_1748, %swap3A_1749, %swap3A_1750, %swap3A_1751], %swap3A_1754 {strides = array<i32>} : memref<1x8x32x8x128xf32, #tpu.memory_space<vmem>>, vector<1x1x1x8x128xf32>,
    %slice3A_1755 = vector.extract_strided_slice %transpose3A {offsets = [88, 1024], sizes = [8, 128], strides = [1, 1]} : vector<128x2048xf32> to vector<8x128xf32>
    %swap3A_1756 = arith.constant 0 : index
    %swap3A_1757 = arith.constant 3 : index
    %swap3A_1758 = arith.constant 24 : index
    %swap3A_1759 = arith.constant 0 : index
    %swap3A_1760 = arith.constant 0 : index
    %swap3A_1761 = vector.load %arg2[%swap3A_1756, %swap3A_1757, %swap3A_1758, %swap3A_1759, %swap3A_1760] : memref<1x8x32x8x128xf32, #tpu.memory_space<vmem>>, vector<1x1x1x8x128xf32>
    %swap3A_1762 = vector.shape_cast %swap3A_1761 : vector<1x1x1x8x128xf32> to vector<8x128xf32>
    %swap3A_1763 = vector.shape_cast %slice3A_1755 : vector<8x128xf32> to vector<1x1x1x8x128xf32>
    tpu.vector_store %arg2[%swap3A_1756, %swap3A_1757, %swap3A_1758, %swap3A_1759, %swap3A_1760], %swap3A_1763 {strides = array<i32>} : memref<1x8x32x8x128xf32, #tpu.memory_space<vmem>>, vector<1x1x1x8x128xf32>,
    %slice3A_1764 = vector.extract_strided_slice %transpose3A {offsets = [96, 1024], sizes = [8, 128], strides = [1, 1]} : vector<128x2048xf32> to vector<8x128xf32>
    %swap3A_1765 = arith.constant 0 : index
    %swap3A_1766 = arith.constant 4 : index
    %swap3A_1767 = arith.constant 24 : index
    %swap3A_1768 = arith.constant 0 : index
    %swap3A_1769 = arith.constant 0 : index
    %swap3A_1770 = vector.load %arg2[%swap3A_1765, %swap3A_1766, %swap3A_1767, %swap3A_1768, %swap3A_1769] : memref<1x8x32x8x128xf32, #tpu.memory_space<vmem>>, vector<1x1x1x8x128xf32>
    %swap3A_1771 = vector.shape_cast %swap3A_1770 : vector<1x1x1x8x128xf32> to vector<8x128xf32>
    %swap3A_1772 = vector.shape_cast %slice3A_1764 : vector<8x128xf32> to vector<1x1x1x8x128xf32>
    tpu.vector_store %arg2[%swap3A_1765, %swap3A_1766, %swap3A_1767, %swap3A_1768, %swap3A_1769], %swap3A_1772 {strides = array<i32>} : memref<1x8x32x8x128xf32, #tpu.memory_space<vmem>>, vector<1x1x1x8x128xf32>,
    %slice3A_1773 = vector.extract_strided_slice %transpose3A {offsets = [104, 1024], sizes = [8, 128], strides = [1, 1]} : vector<128x2048xf32> to vector<8x128xf32>
    %swap3A_1774 = arith.constant 0 : index
    %swap3A_1775 = arith.constant 5 : index
    %swap3A_1776 = arith.constant 24 : index
    %swap3A_1777 = arith.constant 0 : index
    %swap3A_1778 = arith.constant 0 : index
    %swap3A_1779 = vector.load %arg2[%swap3A_1774, %swap3A_1775, %swap3A_1776, %swap3A_1777, %swap3A_1778] : memref<1x8x32x8x128xf32, #tpu.memory_space<vmem>>, vector<1x1x1x8x128xf32>
    %swap3A_1780 = vector.shape_cast %swap3A_1779 : vector<1x1x1x8x128xf32> to vector<8x128xf32>
    %swap3A_1781 = vector.shape_cast %slice3A_1773 : vector<8x128xf32> to vector<1x1x1x8x128xf32>
    tpu.vector_store %arg2[%swap3A_1774, %swap3A_1775, %swap3A_1776, %swap3A_1777, %swap3A_1778], %swap3A_1781 {strides = array<i32>} : memref<1x8x32x8x128xf32, #tpu.memory_space<vmem>>, vector<1x1x1x8x128xf32>,
    %slice3A_1782 = vector.extract_strided_slice %transpose3A {offsets = [112, 1024], sizes = [8, 128], strides = [1, 1]} : vector<128x2048xf32> to vector<8x128xf32>
    %swap3A_1783 = arith.constant 0 : index
    %swap3A_1784 = arith.constant 6 : index
    %swap3A_1785 = arith.constant 24 : index
    %swap3A_1786 = arith.constant 0 : index
    %swap3A_1787 = arith.constant 0 : index
    %swap3A_1788 = vector.load %arg2[%swap3A_1783, %swap3A_1784, %swap3A_1785, %swap3A_1786, %swap3A_1787] : memref<1x8x32x8x128xf32, #tpu.memory_space<vmem>>, vector<1x1x1x8x128xf32>
    %swap3A_1789 = vector.shape_cast %swap3A_1788 : vector<1x1x1x8x128xf32> to vector<8x128xf32>
    %swap3A_1790 = vector.shape_cast %slice3A_1782 : vector<8x128xf32> to vector<1x1x1x8x128xf32>
    tpu.vector_store %arg2[%swap3A_1783, %swap3A_1784, %swap3A_1785, %swap3A_1786, %swap3A_1787], %swap3A_1790 {strides = array<i32>} : memref<1x8x32x8x128xf32, #tpu.memory_space<vmem>>, vector<1x1x1x8x128xf32>,
    %slice3A_1791 = vector.extract_strided_slice %transpose3A {offsets = [120, 1024], sizes = [8, 128], strides = [1, 1]} : vector<128x2048xf32> to vector<8x128xf32>
    %swap3A_1792 = arith.constant 0 : index
    %swap3A_1793 = arith.constant 7 : index
    %swap3A_1794 = arith.constant 24 : index
    %swap3A_1795 = arith.constant 0 : index
    %swap3A_1796 = arith.constant 0 : index
    %swap3A_1797 = vector.load %arg2[%swap3A_1792, %swap3A_1793, %swap3A_1794, %swap3A_1795, %swap3A_1796] : memref<1x8x32x8x128xf32, #tpu.memory_space<vmem>>, vector<1x1x1x8x128xf32>
    %swap3A_1798 = vector.shape_cast %swap3A_1797 : vector<1x1x1x8x128xf32> to vector<8x128xf32>
    %swap3A_1799 = vector.shape_cast %slice3A_1791 : vector<8x128xf32> to vector<1x1x1x8x128xf32>
    tpu.vector_store %arg2[%swap3A_1792, %swap3A_1793, %swap3A_1794, %swap3A_1795, %swap3A_1796], %swap3A_1799 {strides = array<i32>} : memref<1x8x32x8x128xf32, #tpu.memory_space<vmem>>, vector<1x1x1x8x128xf32>,
    %slice3A_1800 = vector.extract_strided_slice %transpose3A {offsets = [64, 1152], sizes = [8, 128], strides = [1, 1]} : vector<128x2048xf32> to vector<8x128xf32>
    %swap3A_1801 = arith.constant 0 : index
    %swap3A_1802 = arith.constant 0 : index
    %swap3A_1803 = arith.constant 25 : index
    %swap3A_1804 = arith.constant 0 : index
    %swap3A_1805 = arith.constant 0 : index
    %swap3A_1806 = vector.load %arg2[%swap3A_1801, %swap3A_1802, %swap3A_1803, %swap3A_1804, %swap3A_1805] : memref<1x8x32x8x128xf32, #tpu.memory_space<vmem>>, vector<1x1x1x8x128xf32>
    %swap3A_1807 = vector.shape_cast %swap3A_1806 : vector<1x1x1x8x128xf32> to vector<8x128xf32>
    %swap3A_1808 = vector.shape_cast %slice3A_1800 : vector<8x128xf32> to vector<1x1x1x8x128xf32>
    tpu.vector_store %arg2[%swap3A_1801, %swap3A_1802, %swap3A_1803, %swap3A_1804, %swap3A_1805], %swap3A_1808 {strides = array<i32>} : memref<1x8x32x8x128xf32, #tpu.memory_space<vmem>>, vector<1x1x1x8x128xf32>,
    %slice3A_1809 = vector.extract_strided_slice %transpose3A {offsets = [72, 1152], sizes = [8, 128], strides = [1, 1]} : vector<128x2048xf32> to vector<8x128xf32>
    %swap3A_1810 = arith.constant 0 : index
    %swap3A_1811 = arith.constant 1 : index
    %swap3A_1812 = arith.constant 25 : index
    %swap3A_1813 = arith.constant 0 : index
    %swap3A_1814 = arith.constant 0 : index
    %swap3A_1815 = vector.load %arg2[%swap3A_1810, %swap3A_1811, %swap3A_1812, %swap3A_1813, %swap3A_1814] : memref<1x8x32x8x128xf32, #tpu.memory_space<vmem>>, vector<1x1x1x8x128xf32>
    %swap3A_1816 = vector.shape_cast %swap3A_1815 : vector<1x1x1x8x128xf32> to vector<8x128xf32>
    %swap3A_1817 = vector.shape_cast %slice3A_1809 : vector<8x128xf32> to vector<1x1x1x8x128xf32>
    tpu.vector_store %arg2[%swap3A_1810, %swap3A_1811, %swap3A_1812, %swap3A_1813, %swap3A_1814], %swap3A_1817 {strides = array<i32>} : memref<1x8x32x8x128xf32, #tpu.memory_space<vmem>>, vector<1x1x1x8x128xf32>,
    %slice3A_1818 = vector.extract_strided_slice %transpose3A {offsets = [80, 1152], sizes = [8, 128], strides = [1, 1]} : vector<128x2048xf32> to vector<8x128xf32>
    %swap3A_1819 = arith.constant 0 : index
    %swap3A_1820 = arith.constant 2 : index
    %swap3A_1821 = arith.constant 25 : index
    %swap3A_1822 = arith.constant 0 : index
    %swap3A_1823 = arith.constant 0 : index
    %swap3A_1824 = vector.load %arg2[%swap3A_1819, %swap3A_1820, %swap3A_1821, %swap3A_1822, %swap3A_1823] : memref<1x8x32x8x128xf32, #tpu.memory_space<vmem>>, vector<1x1x1x8x128xf32>
    %swap3A_1825 = vector.shape_cast %swap3A_1824 : vector<1x1x1x8x128xf32> to vector<8x128xf32>
    %swap3A_1826 = vector.shape_cast %slice3A_1818 : vector<8x128xf32> to vector<1x1x1x8x128xf32>
    tpu.vector_store %arg2[%swap3A_1819, %swap3A_1820, %swap3A_1821, %swap3A_1822, %swap3A_1823], %swap3A_1826 {strides = array<i32>} : memref<1x8x32x8x128xf32, #tpu.memory_space<vmem>>, vector<1x1x1x8x128xf32>,
    %slice3A_1827 = vector.extract_strided_slice %transpose3A {offsets = [88, 1152], sizes = [8, 128], strides = [1, 1]} : vector<128x2048xf32> to vector<8x128xf32>
    %swap3A_1828 = arith.constant 0 : index
    %swap3A_1829 = arith.constant 3 : index
    %swap3A_1830 = arith.constant 25 : index
    %swap3A_1831 = arith.constant 0 : index
    %swap3A_1832 = arith.constant 0 : index
    %swap3A_1833 = vector.load %arg2[%swap3A_1828, %swap3A_1829, %swap3A_1830, %swap3A_1831, %swap3A_1832] : memref<1x8x32x8x128xf32, #tpu.memory_space<vmem>>, vector<1x1x1x8x128xf32>
    %swap3A_1834 = vector.shape_cast %swap3A_1833 : vector<1x1x1x8x128xf32> to vector<8x128xf32>
    %swap3A_1835 = vector.shape_cast %slice3A_1827 : vector<8x128xf32> to vector<1x1x1x8x128xf32>
    tpu.vector_store %arg2[%swap3A_1828, %swap3A_1829, %swap3A_1830, %swap3A_1831, %swap3A_1832], %swap3A_1835 {strides = array<i32>} : memref<1x8x32x8x128xf32, #tpu.memory_space<vmem>>, vector<1x1x1x8x128xf32>,
    %slice3A_1836 = vector.extract_strided_slice %transpose3A {offsets = [96, 1152], sizes = [8, 128], strides = [1, 1]} : vector<128x2048xf32> to vector<8x128xf32>
    %swap3A_1837 = arith.constant 0 : index
    %swap3A_1838 = arith.constant 4 : index
    %swap3A_1839 = arith.constant 25 : index
    %swap3A_1840 = arith.constant 0 : index
    %swap3A_1841 = arith.constant 0 : index
    %swap3A_1842 = vector.load %arg2[%swap3A_1837, %swap3A_1838, %swap3A_1839, %swap3A_1840, %swap3A_1841] : memref<1x8x32x8x128xf32, #tpu.memory_space<vmem>>, vector<1x1x1x8x128xf32>
    %swap3A_1843 = vector.shape_cast %swap3A_1842 : vector<1x1x1x8x128xf32> to vector<8x128xf32>
    %swap3A_1844 = vector.shape_cast %slice3A_1836 : vector<8x128xf32> to vector<1x1x1x8x128xf32>
    tpu.vector_store %arg2[%swap3A_1837, %swap3A_1838, %swap3A_1839, %swap3A_1840, %swap3A_1841], %swap3A_1844 {strides = array<i32>} : memref<1x8x32x8x128xf32, #tpu.memory_space<vmem>>, vector<1x1x1x8x128xf32>,
    %slice3A_1845 = vector.extract_strided_slice %transpose3A {offsets = [104, 1152], sizes = [8, 128], strides = [1, 1]} : vector<128x2048xf32> to vector<8x128xf32>
    %swap3A_1846 = arith.constant 0 : index
    %swap3A_1847 = arith.constant 5 : index
    %swap3A_1848 = arith.constant 25 : index
    %swap3A_1849 = arith.constant 0 : index
    %swap3A_1850 = arith.constant 0 : index
    %swap3A_1851 = vector.load %arg2[%swap3A_1846, %swap3A_1847, %swap3A_1848, %swap3A_1849, %swap3A_1850] : memref<1x8x32x8x128xf32, #tpu.memory_space<vmem>>, vector<1x1x1x8x128xf32>
    %swap3A_1852 = vector.shape_cast %swap3A_1851 : vector<1x1x1x8x128xf32> to vector<8x128xf32>
    %swap3A_1853 = vector.shape_cast %slice3A_1845 : vector<8x128xf32> to vector<1x1x1x8x128xf32>
    tpu.vector_store %arg2[%swap3A_1846, %swap3A_1847, %swap3A_1848, %swap3A_1849, %swap3A_1850], %swap3A_1853 {strides = array<i32>} : memref<1x8x32x8x128xf32, #tpu.memory_space<vmem>>, vector<1x1x1x8x128xf32>,
    %slice3A_1854 = vector.extract_strided_slice %transpose3A {offsets = [112, 1152], sizes = [8, 128], strides = [1, 1]} : vector<128x2048xf32> to vector<8x128xf32>
    %swap3A_1855 = arith.constant 0 : index
    %swap3A_1856 = arith.constant 6 : index
    %swap3A_1857 = arith.constant 25 : index
    %swap3A_1858 = arith.constant 0 : index
    %swap3A_1859 = arith.constant 0 : index
    %swap3A_1860 = vector.load %arg2[%swap3A_1855, %swap3A_1856, %swap3A_1857, %swap3A_1858, %swap3A_1859] : memref<1x8x32x8x128xf32, #tpu.memory_space<vmem>>, vector<1x1x1x8x128xf32>
    %swap3A_1861 = vector.shape_cast %swap3A_1860 : vector<1x1x1x8x128xf32> to vector<8x128xf32>
    %swap3A_1862 = vector.shape_cast %slice3A_1854 : vector<8x128xf32> to vector<1x1x1x8x128xf32>
    tpu.vector_store %arg2[%swap3A_1855, %swap3A_1856, %swap3A_1857, %swap3A_1858, %swap3A_1859], %swap3A_1862 {strides = array<i32>} : memref<1x8x32x8x128xf32, #tpu.memory_space<vmem>>, vector<1x1x1x8x128xf32>,
    %slice3A_1863 = vector.extract_strided_slice %transpose3A {offsets = [120, 1152], sizes = [8, 128], strides = [1, 1]} : vector<128x2048xf32> to vector<8x128xf32>
    %swap3A_1864 = arith.constant 0 : index
    %swap3A_1865 = arith.constant 7 : index
    %swap3A_1866 = arith.constant 25 : index
    %swap3A_1867 = arith.constant 0 : index
    %swap3A_1868 = arith.constant 0 : index
    %swap3A_1869 = vector.load %arg2[%swap3A_1864, %swap3A_1865, %swap3A_1866, %swap3A_1867, %swap3A_1868] : memref<1x8x32x8x128xf32, #tpu.memory_space<vmem>>, vector<1x1x1x8x128xf32>
    %swap3A_1870 = vector.shape_cast %swap3A_1869 : vector<1x1x1x8x128xf32> to vector<8x128xf32>
    %swap3A_1871 = vector.shape_cast %slice3A_1863 : vector<8x128xf32> to vector<1x1x1x8x128xf32>
    tpu.vector_store %arg2[%swap3A_1864, %swap3A_1865, %swap3A_1866, %swap3A_1867, %swap3A_1868], %swap3A_1871 {strides = array<i32>} : memref<1x8x32x8x128xf32, #tpu.memory_space<vmem>>, vector<1x1x1x8x128xf32>,
    %slice3A_1872 = vector.extract_strided_slice %transpose3A {offsets = [64, 1280], sizes = [8, 128], strides = [1, 1]} : vector<128x2048xf32> to vector<8x128xf32>
    %swap3A_1873 = arith.constant 0 : index
    %swap3A_1874 = arith.constant 0 : index
    %swap3A_1875 = arith.constant 26 : index
    %swap3A_1876 = arith.constant 0 : index
    %swap3A_1877 = arith.constant 0 : index
    %swap3A_1878 = vector.load %arg2[%swap3A_1873, %swap3A_1874, %swap3A_1875, %swap3A_1876, %swap3A_1877] : memref<1x8x32x8x128xf32, #tpu.memory_space<vmem>>, vector<1x1x1x8x128xf32>
    %swap3A_1879 = vector.shape_cast %swap3A_1878 : vector<1x1x1x8x128xf32> to vector<8x128xf32>
    %swap3A_1880 = vector.shape_cast %slice3A_1872 : vector<8x128xf32> to vector<1x1x1x8x128xf32>
    tpu.vector_store %arg2[%swap3A_1873, %swap3A_1874, %swap3A_1875, %swap3A_1876, %swap3A_1877], %swap3A_1880 {strides = array<i32>} : memref<1x8x32x8x128xf32, #tpu.memory_space<vmem>>, vector<1x1x1x8x128xf32>,
    %slice3A_1881 = vector.extract_strided_slice %transpose3A {offsets = [72, 1280], sizes = [8, 128], strides = [1, 1]} : vector<128x2048xf32> to vector<8x128xf32>
    %swap3A_1882 = arith.constant 0 : index
    %swap3A_1883 = arith.constant 1 : index
    %swap3A_1884 = arith.constant 26 : index
    %swap3A_1885 = arith.constant 0 : index
    %swap3A_1886 = arith.constant 0 : index
    %swap3A_1887 = vector.load %arg2[%swap3A_1882, %swap3A_1883, %swap3A_1884, %swap3A_1885, %swap3A_1886] : memref<1x8x32x8x128xf32, #tpu.memory_space<vmem>>, vector<1x1x1x8x128xf32>
    %swap3A_1888 = vector.shape_cast %swap3A_1887 : vector<1x1x1x8x128xf32> to vector<8x128xf32>
    %swap3A_1889 = vector.shape_cast %slice3A_1881 : vector<8x128xf32> to vector<1x1x1x8x128xf32>
    tpu.vector_store %arg2[%swap3A_1882, %swap3A_1883, %swap3A_1884, %swap3A_1885, %swap3A_1886], %swap3A_1889 {strides = array<i32>} : memref<1x8x32x8x128xf32, #tpu.memory_space<vmem>>, vector<1x1x1x8x128xf32>,
    %slice3A_1890 = vector.extract_strided_slice %transpose3A {offsets = [80, 1280], sizes = [8, 128], strides = [1, 1]} : vector<128x2048xf32> to vector<8x128xf32>
    %swap3A_1891 = arith.constant 0 : index
    %swap3A_1892 = arith.constant 2 : index
    %swap3A_1893 = arith.constant 26 : index
    %swap3A_1894 = arith.constant 0 : index
    %swap3A_1895 = arith.constant 0 : index
    %swap3A_1896 = vector.load %arg2[%swap3A_1891, %swap3A_1892, %swap3A_1893, %swap3A_1894, %swap3A_1895] : memref<1x8x32x8x128xf32, #tpu.memory_space<vmem>>, vector<1x1x1x8x128xf32>
    %swap3A_1897 = vector.shape_cast %swap3A_1896 : vector<1x1x1x8x128xf32> to vector<8x128xf32>
    %swap3A_1898 = vector.shape_cast %slice3A_1890 : vector<8x128xf32> to vector<1x1x1x8x128xf32>
    tpu.vector_store %arg2[%swap3A_1891, %swap3A_1892, %swap3A_1893, %swap3A_1894, %swap3A_1895], %swap3A_1898 {strides = array<i32>} : memref<1x8x32x8x128xf32, #tpu.memory_space<vmem>>, vector<1x1x1x8x128xf32>,
    %slice3A_1899 = vector.extract_strided_slice %transpose3A {offsets = [88, 1280], sizes = [8, 128], strides = [1, 1]} : vector<128x2048xf32> to vector<8x128xf32>
    %swap3A_1900 = arith.constant 0 : index
    %swap3A_1901 = arith.constant 3 : index
    %swap3A_1902 = arith.constant 26 : index
    %swap3A_1903 = arith.constant 0 : index
    %swap3A_1904 = arith.constant 0 : index
    %swap3A_1905 = vector.load %arg2[%swap3A_1900, %swap3A_1901, %swap3A_1902, %swap3A_1903, %swap3A_1904] : memref<1x8x32x8x128xf32, #tpu.memory_space<vmem>>, vector<1x1x1x8x128xf32>
    %swap3A_1906 = vector.shape_cast %swap3A_1905 : vector<1x1x1x8x128xf32> to vector<8x128xf32>
    %swap3A_1907 = vector.shape_cast %slice3A_1899 : vector<8x128xf32> to vector<1x1x1x8x128xf32>
    tpu.vector_store %arg2[%swap3A_1900, %swap3A_1901, %swap3A_1902, %swap3A_1903, %swap3A_1904], %swap3A_1907 {strides = array<i32>} : memref<1x8x32x8x128xf32, #tpu.memory_space<vmem>>, vector<1x1x1x8x128xf32>,
    %slice3A_1908 = vector.extract_strided_slice %transpose3A {offsets = [96, 1280], sizes = [8, 128], strides = [1, 1]} : vector<128x2048xf32> to vector<8x128xf32>
    %swap3A_1909 = arith.constant 0 : index
    %swap3A_1910 = arith.constant 4 : index
    %swap3A_1911 = arith.constant 26 : index
    %swap3A_1912 = arith.constant 0 : index
    %swap3A_1913 = arith.constant 0 : index
    %swap3A_1914 = vector.load %arg2[%swap3A_1909, %swap3A_1910, %swap3A_1911, %swap3A_1912, %swap3A_1913] : memref<1x8x32x8x128xf32, #tpu.memory_space<vmem>>, vector<1x1x1x8x128xf32>
    %swap3A_1915 = vector.shape_cast %swap3A_1914 : vector<1x1x1x8x128xf32> to vector<8x128xf32>
    %swap3A_1916 = vector.shape_cast %slice3A_1908 : vector<8x128xf32> to vector<1x1x1x8x128xf32>
    tpu.vector_store %arg2[%swap3A_1909, %swap3A_1910, %swap3A_1911, %swap3A_1912, %swap3A_1913], %swap3A_1916 {strides = array<i32>} : memref<1x8x32x8x128xf32, #tpu.memory_space<vmem>>, vector<1x1x1x8x128xf32>,
    %slice3A_1917 = vector.extract_strided_slice %transpose3A {offsets = [104, 1280], sizes = [8, 128], strides = [1, 1]} : vector<128x2048xf32> to vector<8x128xf32>
    %swap3A_1918 = arith.constant 0 : index
    %swap3A_1919 = arith.constant 5 : index
    %swap3A_1920 = arith.constant 26 : index
    %swap3A_1921 = arith.constant 0 : index
    %swap3A_1922 = arith.constant 0 : index
    %swap3A_1923 = vector.load %arg2[%swap3A_1918, %swap3A_1919, %swap3A_1920, %swap3A_1921, %swap3A_1922] : memref<1x8x32x8x128xf32, #tpu.memory_space<vmem>>, vector<1x1x1x8x128xf32>
    %swap3A_1924 = vector.shape_cast %swap3A_1923 : vector<1x1x1x8x128xf32> to vector<8x128xf32>
    %swap3A_1925 = vector.shape_cast %slice3A_1917 : vector<8x128xf32> to vector<1x1x1x8x128xf32>
    tpu.vector_store %arg2[%swap3A_1918, %swap3A_1919, %swap3A_1920, %swap3A_1921, %swap3A_1922], %swap3A_1925 {strides = array<i32>} : memref<1x8x32x8x128xf32, #tpu.memory_space<vmem>>, vector<1x1x1x8x128xf32>,
    %slice3A_1926 = vector.extract_strided_slice %transpose3A {offsets = [112, 1280], sizes = [8, 128], strides = [1, 1]} : vector<128x2048xf32> to vector<8x128xf32>
    %swap3A_1927 = arith.constant 0 : index
    %swap3A_1928 = arith.constant 6 : index
    %swap3A_1929 = arith.constant 26 : index
    %swap3A_1930 = arith.constant 0 : index
    %swap3A_1931 = arith.constant 0 : index
    %swap3A_1932 = vector.load %arg2[%swap3A_1927, %swap3A_1928, %swap3A_1929, %swap3A_1930, %swap3A_1931] : memref<1x8x32x8x128xf32, #tpu.memory_space<vmem>>, vector<1x1x1x8x128xf32>
    %swap3A_1933 = vector.shape_cast %swap3A_1932 : vector<1x1x1x8x128xf32> to vector<8x128xf32>
    %swap3A_1934 = vector.shape_cast %slice3A_1926 : vector<8x128xf32> to vector<1x1x1x8x128xf32>
    tpu.vector_store %arg2[%swap3A_1927, %swap3A_1928, %swap3A_1929, %swap3A_1930, %swap3A_1931], %swap3A_1934 {strides = array<i32>} : memref<1x8x32x8x128xf32, #tpu.memory_space<vmem>>, vector<1x1x1x8x128xf32>,
    %slice3A_1935 = vector.extract_strided_slice %transpose3A {offsets = [120, 1280], sizes = [8, 128], strides = [1, 1]} : vector<128x2048xf32> to vector<8x128xf32>
    %swap3A_1936 = arith.constant 0 : index
    %swap3A_1937 = arith.constant 7 : index
    %swap3A_1938 = arith.constant 26 : index
    %swap3A_1939 = arith.constant 0 : index
    %swap3A_1940 = arith.constant 0 : index
    %swap3A_1941 = vector.load %arg2[%swap3A_1936, %swap3A_1937, %swap3A_1938, %swap3A_1939, %swap3A_1940] : memref<1x8x32x8x128xf32, #tpu.memory_space<vmem>>, vector<1x1x1x8x128xf32>
    %swap3A_1942 = vector.shape_cast %swap3A_1941 : vector<1x1x1x8x128xf32> to vector<8x128xf32>
    %swap3A_1943 = vector.shape_cast %slice3A_1935 : vector<8x128xf32> to vector<1x1x1x8x128xf32>
    tpu.vector_store %arg2[%swap3A_1936, %swap3A_1937, %swap3A_1938, %swap3A_1939, %swap3A_1940], %swap3A_1943 {strides = array<i32>} : memref<1x8x32x8x128xf32, #tpu.memory_space<vmem>>, vector<1x1x1x8x128xf32>,
    %slice3A_1944 = vector.extract_strided_slice %transpose3A {offsets = [64, 1408], sizes = [8, 128], strides = [1, 1]} : vector<128x2048xf32> to vector<8x128xf32>
    %swap3A_1945 = arith.constant 0 : index
    %swap3A_1946 = arith.constant 0 : index
    %swap3A_1947 = arith.constant 27 : index
    %swap3A_1948 = arith.constant 0 : index
    %swap3A_1949 = arith.constant 0 : index
    %swap3A_1950 = vector.load %arg2[%swap3A_1945, %swap3A_1946, %swap3A_1947, %swap3A_1948, %swap3A_1949] : memref<1x8x32x8x128xf32, #tpu.memory_space<vmem>>, vector<1x1x1x8x128xf32>
    %swap3A_1951 = vector.shape_cast %swap3A_1950 : vector<1x1x1x8x128xf32> to vector<8x128xf32>
    %swap3A_1952 = vector.shape_cast %slice3A_1944 : vector<8x128xf32> to vector<1x1x1x8x128xf32>
    tpu.vector_store %arg2[%swap3A_1945, %swap3A_1946, %swap3A_1947, %swap3A_1948, %swap3A_1949], %swap3A_1952 {strides = array<i32>} : memref<1x8x32x8x128xf32, #tpu.memory_space<vmem>>, vector<1x1x1x8x128xf32>,
    %slice3A_1953 = vector.extract_strided_slice %transpose3A {offsets = [72, 1408], sizes = [8, 128], strides = [1, 1]} : vector<128x2048xf32> to vector<8x128xf32>
    %swap3A_1954 = arith.constant 0 : index
    %swap3A_1955 = arith.constant 1 : index
    %swap3A_1956 = arith.constant 27 : index
    %swap3A_1957 = arith.constant 0 : index
    %swap3A_1958 = arith.constant 0 : index
    %swap3A_1959 = vector.load %arg2[%swap3A_1954, %swap3A_1955, %swap3A_1956, %swap3A_1957, %swap3A_1958] : memref<1x8x32x8x128xf32, #tpu.memory_space<vmem>>, vector<1x1x1x8x128xf32>
    %swap3A_1960 = vector.shape_cast %swap3A_1959 : vector<1x1x1x8x128xf32> to vector<8x128xf32>
    %swap3A_1961 = vector.shape_cast %slice3A_1953 : vector<8x128xf32> to vector<1x1x1x8x128xf32>
    tpu.vector_store %arg2[%swap3A_1954, %swap3A_1955, %swap3A_1956, %swap3A_1957, %swap3A_1958], %swap3A_1961 {strides = array<i32>} : memref<1x8x32x8x128xf32, #tpu.memory_space<vmem>>, vector<1x1x1x8x128xf32>,
    %slice3A_1962 = vector.extract_strided_slice %transpose3A {offsets = [80, 1408], sizes = [8, 128], strides = [1, 1]} : vector<128x2048xf32> to vector<8x128xf32>
    %swap3A_1963 = arith.constant 0 : index
    %swap3A_1964 = arith.constant 2 : index
    %swap3A_1965 = arith.constant 27 : index
    %swap3A_1966 = arith.constant 0 : index
    %swap3A_1967 = arith.constant 0 : index
    %swap3A_1968 = vector.load %arg2[%swap3A_1963, %swap3A_1964, %swap3A_1965, %swap3A_1966, %swap3A_1967] : memref<1x8x32x8x128xf32, #tpu.memory_space<vmem>>, vector<1x1x1x8x128xf32>
    %swap3A_1969 = vector.shape_cast %swap3A_1968 : vector<1x1x1x8x128xf32> to vector<8x128xf32>
    %swap3A_1970 = vector.shape_cast %slice3A_1962 : vector<8x128xf32> to vector<1x1x1x8x128xf32>
    tpu.vector_store %arg2[%swap3A_1963, %swap3A_1964, %swap3A_1965, %swap3A_1966, %swap3A_1967], %swap3A_1970 {strides = array<i32>} : memref<1x8x32x8x128xf32, #tpu.memory_space<vmem>>, vector<1x1x1x8x128xf32>,
    %slice3A_1971 = vector.extract_strided_slice %transpose3A {offsets = [88, 1408], sizes = [8, 128], strides = [1, 1]} : vector<128x2048xf32> to vector<8x128xf32>
    %swap3A_1972 = arith.constant 0 : index
    %swap3A_1973 = arith.constant 3 : index
    %swap3A_1974 = arith.constant 27 : index
    %swap3A_1975 = arith.constant 0 : index
    %swap3A_1976 = arith.constant 0 : index
    %swap3A_1977 = vector.load %arg2[%swap3A_1972, %swap3A_1973, %swap3A_1974, %swap3A_1975, %swap3A_1976] : memref<1x8x32x8x128xf32, #tpu.memory_space<vmem>>, vector<1x1x1x8x128xf32>
    %swap3A_1978 = vector.shape_cast %swap3A_1977 : vector<1x1x1x8x128xf32> to vector<8x128xf32>
    %swap3A_1979 = vector.shape_cast %slice3A_1971 : vector<8x128xf32> to vector<1x1x1x8x128xf32>
    tpu.vector_store %arg2[%swap3A_1972, %swap3A_1973, %swap3A_1974, %swap3A_1975, %swap3A_1976], %swap3A_1979 {strides = array<i32>} : memref<1x8x32x8x128xf32, #tpu.memory_space<vmem>>, vector<1x1x1x8x128xf32>,
    %slice3A_1980 = vector.extract_strided_slice %transpose3A {offsets = [96, 1408], sizes = [8, 128], strides = [1, 1]} : vector<128x2048xf32> to vector<8x128xf32>
    %swap3A_1981 = arith.constant 0 : index
    %swap3A_1982 = arith.constant 4 : index
    %swap3A_1983 = arith.constant 27 : index
    %swap3A_1984 = arith.constant 0 : index
    %swap3A_1985 = arith.constant 0 : index
    %swap3A_1986 = vector.load %arg2[%swap3A_1981, %swap3A_1982, %swap3A_1983, %swap3A_1984, %swap3A_1985] : memref<1x8x32x8x128xf32, #tpu.memory_space<vmem>>, vector<1x1x1x8x128xf32>
    %swap3A_1987 = vector.shape_cast %swap3A_1986 : vector<1x1x1x8x128xf32> to vector<8x128xf32>
    %swap3A_1988 = vector.shape_cast %slice3A_1980 : vector<8x128xf32> to vector<1x1x1x8x128xf32>
    tpu.vector_store %arg2[%swap3A_1981, %swap3A_1982, %swap3A_1983, %swap3A_1984, %swap3A_1985], %swap3A_1988 {strides = array<i32>} : memref<1x8x32x8x128xf32, #tpu.memory_space<vmem>>, vector<1x1x1x8x128xf32>,
    %slice3A_1989 = vector.extract_strided_slice %transpose3A {offsets = [104, 1408], sizes = [8, 128], strides = [1, 1]} : vector<128x2048xf32> to vector<8x128xf32>
    %swap3A_1990 = arith.constant 0 : index
    %swap3A_1991 = arith.constant 5 : index
    %swap3A_1992 = arith.constant 27 : index
    %swap3A_1993 = arith.constant 0 : index
    %swap3A_1994 = arith.constant 0 : index
    %swap3A_1995 = vector.load %arg2[%swap3A_1990, %swap3A_1991, %swap3A_1992, %swap3A_1993, %swap3A_1994] : memref<1x8x32x8x128xf32, #tpu.memory_space<vmem>>, vector<1x1x1x8x128xf32>
    %swap3A_1996 = vector.shape_cast %swap3A_1995 : vector<1x1x1x8x128xf32> to vector<8x128xf32>
    %swap3A_1997 = vector.shape_cast %slice3A_1989 : vector<8x128xf32> to vector<1x1x1x8x128xf32>
    tpu.vector_store %arg2[%swap3A_1990, %swap3A_1991, %swap3A_1992, %swap3A_1993, %swap3A_1994], %swap3A_1997 {strides = array<i32>} : memref<1x8x32x8x128xf32, #tpu.memory_space<vmem>>, vector<1x1x1x8x128xf32>,
    %slice3A_1998 = vector.extract_strided_slice %transpose3A {offsets = [112, 1408], sizes = [8, 128], strides = [1, 1]} : vector<128x2048xf32> to vector<8x128xf32>
    %swap3A_1999 = arith.constant 0 : index
    %swap3A_2000 = arith.constant 6 : index
    %swap3A_2001 = arith.constant 27 : index
    %swap3A_2002 = arith.constant 0 : index
    %swap3A_2003 = arith.constant 0 : index
    %swap3A_2004 = vector.load %arg2[%swap3A_1999, %swap3A_2000, %swap3A_2001, %swap3A_2002, %swap3A_2003] : memref<1x8x32x8x128xf32, #tpu.memory_space<vmem>>, vector<1x1x1x8x128xf32>
    %swap3A_2005 = vector.shape_cast %swap3A_2004 : vector<1x1x1x8x128xf32> to vector<8x128xf32>
    %swap3A_2006 = vector.shape_cast %slice3A_1998 : vector<8x128xf32> to vector<1x1x1x8x128xf32>
    tpu.vector_store %arg2[%swap3A_1999, %swap3A_2000, %swap3A_2001, %swap3A_2002, %swap3A_2003], %swap3A_2006 {strides = array<i32>} : memref<1x8x32x8x128xf32, #tpu.memory_space<vmem>>, vector<1x1x1x8x128xf32>,
    %slice3A_2007 = vector.extract_strided_slice %transpose3A {offsets = [120, 1408], sizes = [8, 128], strides = [1, 1]} : vector<128x2048xf32> to vector<8x128xf32>
    %swap3A_2008 = arith.constant 0 : index
    %swap3A_2009 = arith.constant 7 : index
    %swap3A_2010 = arith.constant 27 : index
    %swap3A_2011 = arith.constant 0 : index
    %swap3A_2012 = arith.constant 0 : index
    %swap3A_2013 = vector.load %arg2[%swap3A_2008, %swap3A_2009, %swap3A_2010, %swap3A_2011, %swap3A_2012] : memref<1x8x32x8x128xf32, #tpu.memory_space<vmem>>, vector<1x1x1x8x128xf32>
    %swap3A_2014 = vector.shape_cast %swap3A_2013 : vector<1x1x1x8x128xf32> to vector<8x128xf32>
    %swap3A_2015 = vector.shape_cast %slice3A_2007 : vector<8x128xf32> to vector<1x1x1x8x128xf32>
    tpu.vector_store %arg2[%swap3A_2008, %swap3A_2009, %swap3A_2010, %swap3A_2011, %swap3A_2012], %swap3A_2015 {strides = array<i32>} : memref<1x8x32x8x128xf32, #tpu.memory_space<vmem>>, vector<1x1x1x8x128xf32>,
    %slice3A_2016 = vector.extract_strided_slice %transpose3A {offsets = [64, 1536], sizes = [8, 128], strides = [1, 1]} : vector<128x2048xf32> to vector<8x128xf32>
    %swap3A_2017 = arith.constant 0 : index
    %swap3A_2018 = arith.constant 0 : index
    %swap3A_2019 = arith.constant 28 : index
    %swap3A_2020 = arith.constant 0 : index
    %swap3A_2021 = arith.constant 0 : index
    %swap3A_2022 = vector.load %arg2[%swap3A_2017, %swap3A_2018, %swap3A_2019, %swap3A_2020, %swap3A_2021] : memref<1x8x32x8x128xf32, #tpu.memory_space<vmem>>, vector<1x1x1x8x128xf32>
    %swap3A_2023 = vector.shape_cast %swap3A_2022 : vector<1x1x1x8x128xf32> to vector<8x128xf32>
    %swap3A_2024 = vector.shape_cast %slice3A_2016 : vector<8x128xf32> to vector<1x1x1x8x128xf32>
    tpu.vector_store %arg2[%swap3A_2017, %swap3A_2018, %swap3A_2019, %swap3A_2020, %swap3A_2021], %swap3A_2024 {strides = array<i32>} : memref<1x8x32x8x128xf32, #tpu.memory_space<vmem>>, vector<1x1x1x8x128xf32>,
    %slice3A_2025 = vector.extract_strided_slice %transpose3A {offsets = [72, 1536], sizes = [8, 128], strides = [1, 1]} : vector<128x2048xf32> to vector<8x128xf32>
    %swap3A_2026 = arith.constant 0 : index
    %swap3A_2027 = arith.constant 1 : index
    %swap3A_2028 = arith.constant 28 : index
    %swap3A_2029 = arith.constant 0 : index
    %swap3A_2030 = arith.constant 0 : index
    %swap3A_2031 = vector.load %arg2[%swap3A_2026, %swap3A_2027, %swap3A_2028, %swap3A_2029, %swap3A_2030] : memref<1x8x32x8x128xf32, #tpu.memory_space<vmem>>, vector<1x1x1x8x128xf32>
    %swap3A_2032 = vector.shape_cast %swap3A_2031 : vector<1x1x1x8x128xf32> to vector<8x128xf32>
    %swap3A_2033 = vector.shape_cast %slice3A_2025 : vector<8x128xf32> to vector<1x1x1x8x128xf32>
    tpu.vector_store %arg2[%swap3A_2026, %swap3A_2027, %swap3A_2028, %swap3A_2029, %swap3A_2030], %swap3A_2033 {strides = array<i32>} : memref<1x8x32x8x128xf32, #tpu.memory_space<vmem>>, vector<1x1x1x8x128xf32>,
    %slice3A_2034 = vector.extract_strided_slice %transpose3A {offsets = [80, 1536], sizes = [8, 128], strides = [1, 1]} : vector<128x2048xf32> to vector<8x128xf32>
    %swap3A_2035 = arith.constant 0 : index
    %swap3A_2036 = arith.constant 2 : index
    %swap3A_2037 = arith.constant 28 : index
    %swap3A_2038 = arith.constant 0 : index
    %swap3A_2039 = arith.constant 0 : index
    %swap3A_2040 = vector.load %arg2[%swap3A_2035, %swap3A_2036, %swap3A_2037, %swap3A_2038, %swap3A_2039] : memref<1x8x32x8x128xf32, #tpu.memory_space<vmem>>, vector<1x1x1x8x128xf32>
    %swap3A_2041 = vector.shape_cast %swap3A_2040 : vector<1x1x1x8x128xf32> to vector<8x128xf32>
    %swap3A_2042 = vector.shape_cast %slice3A_2034 : vector<8x128xf32> to vector<1x1x1x8x128xf32>
    tpu.vector_store %arg2[%swap3A_2035, %swap3A_2036, %swap3A_2037, %swap3A_2038, %swap3A_2039], %swap3A_2042 {strides = array<i32>} : memref<1x8x32x8x128xf32, #tpu.memory_space<vmem>>, vector<1x1x1x8x128xf32>,
    %slice3A_2043 = vector.extract_strided_slice %transpose3A {offsets = [88, 1536], sizes = [8, 128], strides = [1, 1]} : vector<128x2048xf32> to vector<8x128xf32>
    %swap3A_2044 = arith.constant 0 : index
    %swap3A_2045 = arith.constant 3 : index
    %swap3A_2046 = arith.constant 28 : index
    %swap3A_2047 = arith.constant 0 : index
    %swap3A_2048 = arith.constant 0 : index
    %swap3A_2049 = vector.load %arg2[%swap3A_2044, %swap3A_2045, %swap3A_2046, %swap3A_2047, %swap3A_2048] : memref<1x8x32x8x128xf32, #tpu.memory_space<vmem>>, vector<1x1x1x8x128xf32>
    %swap3A_2050 = vector.shape_cast %swap3A_2049 : vector<1x1x1x8x128xf32> to vector<8x128xf32>
    %swap3A_2051 = vector.shape_cast %slice3A_2043 : vector<8x128xf32> to vector<1x1x1x8x128xf32>
    tpu.vector_store %arg2[%swap3A_2044, %swap3A_2045, %swap3A_2046, %swap3A_2047, %swap3A_2048], %swap3A_2051 {strides = array<i32>} : memref<1x8x32x8x128xf32, #tpu.memory_space<vmem>>, vector<1x1x1x8x128xf32>,
    %slice3A_2052 = vector.extract_strided_slice %transpose3A {offsets = [96, 1536], sizes = [8, 128], strides = [1, 1]} : vector<128x2048xf32> to vector<8x128xf32>
    %swap3A_2053 = arith.constant 0 : index
    %swap3A_2054 = arith.constant 4 : index
    %swap3A_2055 = arith.constant 28 : index
    %swap3A_2056 = arith.constant 0 : index
    %swap3A_2057 = arith.constant 0 : index
    %swap3A_2058 = vector.load %arg2[%swap3A_2053, %swap3A_2054, %swap3A_2055, %swap3A_2056, %swap3A_2057] : memref<1x8x32x8x128xf32, #tpu.memory_space<vmem>>, vector<1x1x1x8x128xf32>
    %swap3A_2059 = vector.shape_cast %swap3A_2058 : vector<1x1x1x8x128xf32> to vector<8x128xf32>
    %swap3A_2060 = vector.shape_cast %slice3A_2052 : vector<8x128xf32> to vector<1x1x1x8x128xf32>
    tpu.vector_store %arg2[%swap3A_2053, %swap3A_2054, %swap3A_2055, %swap3A_2056, %swap3A_2057], %swap3A_2060 {strides = array<i32>} : memref<1x8x32x8x128xf32, #tpu.memory_space<vmem>>, vector<1x1x1x8x128xf32>,
    %slice3A_2061 = vector.extract_strided_slice %transpose3A {offsets = [104, 1536], sizes = [8, 128], strides = [1, 1]} : vector<128x2048xf32> to vector<8x128xf32>
    %swap3A_2062 = arith.constant 0 : index
    %swap3A_2063 = arith.constant 5 : index
    %swap3A_2064 = arith.constant 28 : index
    %swap3A_2065 = arith.constant 0 : index
    %swap3A_2066 = arith.constant 0 : index
    %swap3A_2067 = vector.load %arg2[%swap3A_2062, %swap3A_2063, %swap3A_2064, %swap3A_2065, %swap3A_2066] : memref<1x8x32x8x128xf32, #tpu.memory_space<vmem>>, vector<1x1x1x8x128xf32>
    %swap3A_2068 = vector.shape_cast %swap3A_2067 : vector<1x1x1x8x128xf32> to vector<8x128xf32>
    %swap3A_2069 = vector.shape_cast %slice3A_2061 : vector<8x128xf32> to vector<1x1x1x8x128xf32>
    tpu.vector_store %arg2[%swap3A_2062, %swap3A_2063, %swap3A_2064, %swap3A_2065, %swap3A_2066], %swap3A_2069 {strides = array<i32>} : memref<1x8x32x8x128xf32, #tpu.memory_space<vmem>>, vector<1x1x1x8x128xf32>,
    %slice3A_2070 = vector.extract_strided_slice %transpose3A {offsets = [112, 1536], sizes = [8, 128], strides = [1, 1]} : vector<128x2048xf32> to vector<8x128xf32>
    %swap3A_2071 = arith.constant 0 : index
    %swap3A_2072 = arith.constant 6 : index
    %swap3A_2073 = arith.constant 28 : index
    %swap3A_2074 = arith.constant 0 : index
    %swap3A_2075 = arith.constant 0 : index
    %swap3A_2076 = vector.load %arg2[%swap3A_2071, %swap3A_2072, %swap3A_2073, %swap3A_2074, %swap3A_2075] : memref<1x8x32x8x128xf32, #tpu.memory_space<vmem>>, vector<1x1x1x8x128xf32>
    %swap3A_2077 = vector.shape_cast %swap3A_2076 : vector<1x1x1x8x128xf32> to vector<8x128xf32>
    %swap3A_2078 = vector.shape_cast %slice3A_2070 : vector<8x128xf32> to vector<1x1x1x8x128xf32>
    tpu.vector_store %arg2[%swap3A_2071, %swap3A_2072, %swap3A_2073, %swap3A_2074, %swap3A_2075], %swap3A_2078 {strides = array<i32>} : memref<1x8x32x8x128xf32, #tpu.memory_space<vmem>>, vector<1x1x1x8x128xf32>,
    %slice3A_2079 = vector.extract_strided_slice %transpose3A {offsets = [120, 1536], sizes = [8, 128], strides = [1, 1]} : vector<128x2048xf32> to vector<8x128xf32>
    %swap3A_2080 = arith.constant 0 : index
    %swap3A_2081 = arith.constant 7 : index
    %swap3A_2082 = arith.constant 28 : index
    %swap3A_2083 = arith.constant 0 : index
    %swap3A_2084 = arith.constant 0 : index
    %swap3A_2085 = vector.load %arg2[%swap3A_2080, %swap3A_2081, %swap3A_2082, %swap3A_2083, %swap3A_2084] : memref<1x8x32x8x128xf32, #tpu.memory_space<vmem>>, vector<1x1x1x8x128xf32>
    %swap3A_2086 = vector.shape_cast %swap3A_2085 : vector<1x1x1x8x128xf32> to vector<8x128xf32>
    %swap3A_2087 = vector.shape_cast %slice3A_2079 : vector<8x128xf32> to vector<1x1x1x8x128xf32>
    tpu.vector_store %arg2[%swap3A_2080, %swap3A_2081, %swap3A_2082, %swap3A_2083, %swap3A_2084], %swap3A_2087 {strides = array<i32>} : memref<1x8x32x8x128xf32, #tpu.memory_space<vmem>>, vector<1x1x1x8x128xf32>,
    %slice3A_2088 = vector.extract_strided_slice %transpose3A {offsets = [64, 1664], sizes = [8, 128], strides = [1, 1]} : vector<128x2048xf32> to vector<8x128xf32>
    %swap3A_2089 = arith.constant 0 : index
    %swap3A_2090 = arith.constant 0 : index
    %swap3A_2091 = arith.constant 29 : index
    %swap3A_2092 = arith.constant 0 : index
    %swap3A_2093 = arith.constant 0 : index
    %swap3A_2094 = vector.load %arg2[%swap3A_2089, %swap3A_2090, %swap3A_2091, %swap3A_2092, %swap3A_2093] : memref<1x8x32x8x128xf32, #tpu.memory_space<vmem>>, vector<1x1x1x8x128xf32>
    %swap3A_2095 = vector.shape_cast %swap3A_2094 : vector<1x1x1x8x128xf32> to vector<8x128xf32>
    %swap3A_2096 = vector.shape_cast %slice3A_2088 : vector<8x128xf32> to vector<1x1x1x8x128xf32>
    tpu.vector_store %arg2[%swap3A_2089, %swap3A_2090, %swap3A_2091, %swap3A_2092, %swap3A_2093], %swap3A_2096 {strides = array<i32>} : memref<1x8x32x8x128xf32, #tpu.memory_space<vmem>>, vector<1x1x1x8x128xf32>,
    %slice3A_2097 = vector.extract_strided_slice %transpose3A {offsets = [72, 1664], sizes = [8, 128], strides = [1, 1]} : vector<128x2048xf32> to vector<8x128xf32>
    %swap3A_2098 = arith.constant 0 : index
    %swap3A_2099 = arith.constant 1 : index
    %swap3A_2100 = arith.constant 29 : index
    %swap3A_2101 = arith.constant 0 : index
    %swap3A_2102 = arith.constant 0 : index
    %swap3A_2103 = vector.load %arg2[%swap3A_2098, %swap3A_2099, %swap3A_2100, %swap3A_2101, %swap3A_2102] : memref<1x8x32x8x128xf32, #tpu.memory_space<vmem>>, vector<1x1x1x8x128xf32>
    %swap3A_2104 = vector.shape_cast %swap3A_2103 : vector<1x1x1x8x128xf32> to vector<8x128xf32>
    %swap3A_2105 = vector.shape_cast %slice3A_2097 : vector<8x128xf32> to vector<1x1x1x8x128xf32>
    tpu.vector_store %arg2[%swap3A_2098, %swap3A_2099, %swap3A_2100, %swap3A_2101, %swap3A_2102], %swap3A_2105 {strides = array<i32>} : memref<1x8x32x8x128xf32, #tpu.memory_space<vmem>>, vector<1x1x1x8x128xf32>,
    %slice3A_2106 = vector.extract_strided_slice %transpose3A {offsets = [80, 1664], sizes = [8, 128], strides = [1, 1]} : vector<128x2048xf32> to vector<8x128xf32>
    %swap3A_2107 = arith.constant 0 : index
    %swap3A_2108 = arith.constant 2 : index
    %swap3A_2109 = arith.constant 29 : index
    %swap3A_2110 = arith.constant 0 : index
    %swap3A_2111 = arith.constant 0 : index
    %swap3A_2112 = vector.load %arg2[%swap3A_2107, %swap3A_2108, %swap3A_2109, %swap3A_2110, %swap3A_2111] : memref<1x8x32x8x128xf32, #tpu.memory_space<vmem>>, vector<1x1x1x8x128xf32>
    %swap3A_2113 = vector.shape_cast %swap3A_2112 : vector<1x1x1x8x128xf32> to vector<8x128xf32>
    %swap3A_2114 = vector.shape_cast %slice3A_2106 : vector<8x128xf32> to vector<1x1x1x8x128xf32>
    tpu.vector_store %arg2[%swap3A_2107, %swap3A_2108, %swap3A_2109, %swap3A_2110, %swap3A_2111], %swap3A_2114 {strides = array<i32>} : memref<1x8x32x8x128xf32, #tpu.memory_space<vmem>>, vector<1x1x1x8x128xf32>,
    %slice3A_2115 = vector.extract_strided_slice %transpose3A {offsets = [88, 1664], sizes = [8, 128], strides = [1, 1]} : vector<128x2048xf32> to vector<8x128xf32>
    %swap3A_2116 = arith.constant 0 : index
    %swap3A_2117 = arith.constant 3 : index
    %swap3A_2118 = arith.constant 29 : index
    %swap3A_2119 = arith.constant 0 : index
    %swap3A_2120 = arith.constant 0 : index
    %swap3A_2121 = vector.load %arg2[%swap3A_2116, %swap3A_2117, %swap3A_2118, %swap3A_2119, %swap3A_2120] : memref<1x8x32x8x128xf32, #tpu.memory_space<vmem>>, vector<1x1x1x8x128xf32>
    %swap3A_2122 = vector.shape_cast %swap3A_2121 : vector<1x1x1x8x128xf32> to vector<8x128xf32>
    %swap3A_2123 = vector.shape_cast %slice3A_2115 : vector<8x128xf32> to vector<1x1x1x8x128xf32>
    tpu.vector_store %arg2[%swap3A_2116, %swap3A_2117, %swap3A_2118, %swap3A_2119, %swap3A_2120], %swap3A_2123 {strides = array<i32>} : memref<1x8x32x8x128xf32, #tpu.memory_space<vmem>>, vector<1x1x1x8x128xf32>,
    %slice3A_2124 = vector.extract_strided_slice %transpose3A {offsets = [96, 1664], sizes = [8, 128], strides = [1, 1]} : vector<128x2048xf32> to vector<8x128xf32>
    %swap3A_2125 = arith.constant 0 : index
    %swap3A_2126 = arith.constant 4 : index
    %swap3A_2127 = arith.constant 29 : index
    %swap3A_2128 = arith.constant 0 : index
    %swap3A_2129 = arith.constant 0 : index
    %swap3A_2130 = vector.load %arg2[%swap3A_2125, %swap3A_2126, %swap3A_2127, %swap3A_2128, %swap3A_2129] : memref<1x8x32x8x128xf32, #tpu.memory_space<vmem>>, vector<1x1x1x8x128xf32>
    %swap3A_2131 = vector.shape_cast %swap3A_2130 : vector<1x1x1x8x128xf32> to vector<8x128xf32>
    %swap3A_2132 = vector.shape_cast %slice3A_2124 : vector<8x128xf32> to vector<1x1x1x8x128xf32>
    tpu.vector_store %arg2[%swap3A_2125, %swap3A_2126, %swap3A_2127, %swap3A_2128, %swap3A_2129], %swap3A_2132 {strides = array<i32>} : memref<1x8x32x8x128xf32, #tpu.memory_space<vmem>>, vector<1x1x1x8x128xf32>,
    %slice3A_2133 = vector.extract_strided_slice %transpose3A {offsets = [104, 1664], sizes = [8, 128], strides = [1, 1]} : vector<128x2048xf32> to vector<8x128xf32>
    %swap3A_2134 = arith.constant 0 : index
    %swap3A_2135 = arith.constant 5 : index
    %swap3A_2136 = arith.constant 29 : index
    %swap3A_2137 = arith.constant 0 : index
    %swap3A_2138 = arith.constant 0 : index
    %swap3A_2139 = vector.load %arg2[%swap3A_2134, %swap3A_2135, %swap3A_2136, %swap3A_2137, %swap3A_2138] : memref<1x8x32x8x128xf32, #tpu.memory_space<vmem>>, vector<1x1x1x8x128xf32>
    %swap3A_2140 = vector.shape_cast %swap3A_2139 : vector<1x1x1x8x128xf32> to vector<8x128xf32>
    %swap3A_2141 = vector.shape_cast %slice3A_2133 : vector<8x128xf32> to vector<1x1x1x8x128xf32>
    tpu.vector_store %arg2[%swap3A_2134, %swap3A_2135, %swap3A_2136, %swap3A_2137, %swap3A_2138], %swap3A_2141 {strides = array<i32>} : memref<1x8x32x8x128xf32, #tpu.memory_space<vmem>>, vector<1x1x1x8x128xf32>,
    %slice3A_2142 = vector.extract_strided_slice %transpose3A {offsets = [112, 1664], sizes = [8, 128], strides = [1, 1]} : vector<128x2048xf32> to vector<8x128xf32>
    %swap3A_2143 = arith.constant 0 : index
    %swap3A_2144 = arith.constant 6 : index
    %swap3A_2145 = arith.constant 29 : index
    %swap3A_2146 = arith.constant 0 : index
    %swap3A_2147 = arith.constant 0 : index
    %swap3A_2148 = vector.load %arg2[%swap3A_2143, %swap3A_2144, %swap3A_2145, %swap3A_2146, %swap3A_2147] : memref<1x8x32x8x128xf32, #tpu.memory_space<vmem>>, vector<1x1x1x8x128xf32>
    %swap3A_2149 = vector.shape_cast %swap3A_2148 : vector<1x1x1x8x128xf32> to vector<8x128xf32>
    %swap3A_2150 = vector.shape_cast %slice3A_2142 : vector<8x128xf32> to vector<1x1x1x8x128xf32>
    tpu.vector_store %arg2[%swap3A_2143, %swap3A_2144, %swap3A_2145, %swap3A_2146, %swap3A_2147], %swap3A_2150 {strides = array<i32>} : memref<1x8x32x8x128xf32, #tpu.memory_space<vmem>>, vector<1x1x1x8x128xf32>,
    %slice3A_2151 = vector.extract_strided_slice %transpose3A {offsets = [120, 1664], sizes = [8, 128], strides = [1, 1]} : vector<128x2048xf32> to vector<8x128xf32>
    %swap3A_2152 = arith.constant 0 : index
    %swap3A_2153 = arith.constant 7 : index
    %swap3A_2154 = arith.constant 29 : index
    %swap3A_2155 = arith.constant 0 : index
    %swap3A_2156 = arith.constant 0 : index
    %swap3A_2157 = vector.load %arg2[%swap3A_2152, %swap3A_2153, %swap3A_2154, %swap3A_2155, %swap3A_2156] : memref<1x8x32x8x128xf32, #tpu.memory_space<vmem>>, vector<1x1x1x8x128xf32>
    %swap3A_2158 = vector.shape_cast %swap3A_2157 : vector<1x1x1x8x128xf32> to vector<8x128xf32>
    %swap3A_2159 = vector.shape_cast %slice3A_2151 : vector<8x128xf32> to vector<1x1x1x8x128xf32>
    tpu.vector_store %arg2[%swap3A_2152, %swap3A_2153, %swap3A_2154, %swap3A_2155, %swap3A_2156], %swap3A_2159 {strides = array<i32>} : memref<1x8x32x8x128xf32, #tpu.memory_space<vmem>>, vector<1x1x1x8x128xf32>,
    %slice3A_2160 = vector.extract_strided_slice %transpose3A {offsets = [64, 1792], sizes = [8, 128], strides = [1, 1]} : vector<128x2048xf32> to vector<8x128xf32>
    %swap3A_2161 = arith.constant 0 : index
    %swap3A_2162 = arith.constant 0 : index
    %swap3A_2163 = arith.constant 30 : index
    %swap3A_2164 = arith.constant 0 : index
    %swap3A_2165 = arith.constant 0 : index
    %swap3A_2166 = vector.load %arg2[%swap3A_2161, %swap3A_2162, %swap3A_2163, %swap3A_2164, %swap3A_2165] : memref<1x8x32x8x128xf32, #tpu.memory_space<vmem>>, vector<1x1x1x8x128xf32>
    %swap3A_2167 = vector.shape_cast %swap3A_2166 : vector<1x1x1x8x128xf32> to vector<8x128xf32>
    %swap3A_2168 = vector.shape_cast %slice3A_2160 : vector<8x128xf32> to vector<1x1x1x8x128xf32>
    tpu.vector_store %arg2[%swap3A_2161, %swap3A_2162, %swap3A_2163, %swap3A_2164, %swap3A_2165], %swap3A_2168 {strides = array<i32>} : memref<1x8x32x8x128xf32, #tpu.memory_space<vmem>>, vector<1x1x1x8x128xf32>,
    %slice3A_2169 = vector.extract_strided_slice %transpose3A {offsets = [72, 1792], sizes = [8, 128], strides = [1, 1]} : vector<128x2048xf32> to vector<8x128xf32>
    %swap3A_2170 = arith.constant 0 : index
    %swap3A_2171 = arith.constant 1 : index
    %swap3A_2172 = arith.constant 30 : index
    %swap3A_2173 = arith.constant 0 : index
    %swap3A_2174 = arith.constant 0 : index
    %swap3A_2175 = vector.load %arg2[%swap3A_2170, %swap3A_2171, %swap3A_2172, %swap3A_2173, %swap3A_2174] : memref<1x8x32x8x128xf32, #tpu.memory_space<vmem>>, vector<1x1x1x8x128xf32>
    %swap3A_2176 = vector.shape_cast %swap3A_2175 : vector<1x1x1x8x128xf32> to vector<8x128xf32>
    %swap3A_2177 = vector.shape_cast %slice3A_2169 : vector<8x128xf32> to vector<1x1x1x8x128xf32>
    tpu.vector_store %arg2[%swap3A_2170, %swap3A_2171, %swap3A_2172, %swap3A_2173, %swap3A_2174], %swap3A_2177 {strides = array<i32>} : memref<1x8x32x8x128xf32, #tpu.memory_space<vmem>>, vector<1x1x1x8x128xf32>,
    %slice3A_2178 = vector.extract_strided_slice %transpose3A {offsets = [80, 1792], sizes = [8, 128], strides = [1, 1]} : vector<128x2048xf32> to vector<8x128xf32>
    %swap3A_2179 = arith.constant 0 : index
    %swap3A_2180 = arith.constant 2 : index
    %swap3A_2181 = arith.constant 30 : index
    %swap3A_2182 = arith.constant 0 : index
    %swap3A_2183 = arith.constant 0 : index
    %swap3A_2184 = vector.load %arg2[%swap3A_2179, %swap3A_2180, %swap3A_2181, %swap3A_2182, %swap3A_2183] : memref<1x8x32x8x128xf32, #tpu.memory_space<vmem>>, vector<1x1x1x8x128xf32>
    %swap3A_2185 = vector.shape_cast %swap3A_2184 : vector<1x1x1x8x128xf32> to vector<8x128xf32>
    %swap3A_2186 = vector.shape_cast %slice3A_2178 : vector<8x128xf32> to vector<1x1x1x8x128xf32>
    tpu.vector_store %arg2[%swap3A_2179, %swap3A_2180, %swap3A_2181, %swap3A_2182, %swap3A_2183], %swap3A_2186 {strides = array<i32>} : memref<1x8x32x8x128xf32, #tpu.memory_space<vmem>>, vector<1x1x1x8x128xf32>,
    %slice3A_2187 = vector.extract_strided_slice %transpose3A {offsets = [88, 1792], sizes = [8, 128], strides = [1, 1]} : vector<128x2048xf32> to vector<8x128xf32>
    %swap3A_2188 = arith.constant 0 : index
    %swap3A_2189 = arith.constant 3 : index
    %swap3A_2190 = arith.constant 30 : index
    %swap3A_2191 = arith.constant 0 : index
    %swap3A_2192 = arith.constant 0 : index
    %swap3A_2193 = vector.load %arg2[%swap3A_2188, %swap3A_2189, %swap3A_2190, %swap3A_2191, %swap3A_2192] : memref<1x8x32x8x128xf32, #tpu.memory_space<vmem>>, vector<1x1x1x8x128xf32>
    %swap3A_2194 = vector.shape_cast %swap3A_2193 : vector<1x1x1x8x128xf32> to vector<8x128xf32>
    %swap3A_2195 = vector.shape_cast %slice3A_2187 : vector<8x128xf32> to vector<1x1x1x8x128xf32>
    tpu.vector_store %arg2[%swap3A_2188, %swap3A_2189, %swap3A_2190, %swap3A_2191, %swap3A_2192], %swap3A_2195 {strides = array<i32>} : memref<1x8x32x8x128xf32, #tpu.memory_space<vmem>>, vector<1x1x1x8x128xf32>,
    %slice3A_2196 = vector.extract_strided_slice %transpose3A {offsets = [96, 1792], sizes = [8, 128], strides = [1, 1]} : vector<128x2048xf32> to vector<8x128xf32>
    %swap3A_2197 = arith.constant 0 : index
    %swap3A_2198 = arith.constant 4 : index
    %swap3A_2199 = arith.constant 30 : index
    %swap3A_2200 = arith.constant 0 : index
    %swap3A_2201 = arith.constant 0 : index
    %swap3A_2202 = vector.load %arg2[%swap3A_2197, %swap3A_2198, %swap3A_2199, %swap3A_2200, %swap3A_2201] : memref<1x8x32x8x128xf32, #tpu.memory_space<vmem>>, vector<1x1x1x8x128xf32>
    %swap3A_2203 = vector.shape_cast %swap3A_2202 : vector<1x1x1x8x128xf32> to vector<8x128xf32>
    %swap3A_2204 = vector.shape_cast %slice3A_2196 : vector<8x128xf32> to vector<1x1x1x8x128xf32>
    tpu.vector_store %arg2[%swap3A_2197, %swap3A_2198, %swap3A_2199, %swap3A_2200, %swap3A_2201], %swap3A_2204 {strides = array<i32>} : memref<1x8x32x8x128xf32, #tpu.memory_space<vmem>>, vector<1x1x1x8x128xf32>,
    %slice3A_2205 = vector.extract_strided_slice %transpose3A {offsets = [104, 1792], sizes = [8, 128], strides = [1, 1]} : vector<128x2048xf32> to vector<8x128xf32>
    %swap3A_2206 = arith.constant 0 : index
    %swap3A_2207 = arith.constant 5 : index
    %swap3A_2208 = arith.constant 30 : index
    %swap3A_2209 = arith.constant 0 : index
    %swap3A_2210 = arith.constant 0 : index
    %swap3A_2211 = vector.load %arg2[%swap3A_2206, %swap3A_2207, %swap3A_2208, %swap3A_2209, %swap3A_2210] : memref<1x8x32x8x128xf32, #tpu.memory_space<vmem>>, vector<1x1x1x8x128xf32>
    %swap3A_2212 = vector.shape_cast %swap3A_2211 : vector<1x1x1x8x128xf32> to vector<8x128xf32>
    %swap3A_2213 = vector.shape_cast %slice3A_2205 : vector<8x128xf32> to vector<1x1x1x8x128xf32>
    tpu.vector_store %arg2[%swap3A_2206, %swap3A_2207, %swap3A_2208, %swap3A_2209, %swap3A_2210], %swap3A_2213 {strides = array<i32>} : memref<1x8x32x8x128xf32, #tpu.memory_space<vmem>>, vector<1x1x1x8x128xf32>,
    %slice3A_2214 = vector.extract_strided_slice %transpose3A {offsets = [112, 1792], sizes = [8, 128], strides = [1, 1]} : vector<128x2048xf32> to vector<8x128xf32>
    %swap3A_2215 = arith.constant 0 : index
    %swap3A_2216 = arith.constant 6 : index
    %swap3A_2217 = arith.constant 30 : index
    %swap3A_2218 = arith.constant 0 : index
    %swap3A_2219 = arith.constant 0 : index
    %swap3A_2220 = vector.load %arg2[%swap3A_2215, %swap3A_2216, %swap3A_2217, %swap3A_2218, %swap3A_2219] : memref<1x8x32x8x128xf32, #tpu.memory_space<vmem>>, vector<1x1x1x8x128xf32>
    %swap3A_2221 = vector.shape_cast %swap3A_2220 : vector<1x1x1x8x128xf32> to vector<8x128xf32>
    %swap3A_2222 = vector.shape_cast %slice3A_2214 : vector<8x128xf32> to vector<1x1x1x8x128xf32>
    tpu.vector_store %arg2[%swap3A_2215, %swap3A_2216, %swap3A_2217, %swap3A_2218, %swap3A_2219], %swap3A_2222 {strides = array<i32>} : memref<1x8x32x8x128xf32, #tpu.memory_space<vmem>>, vector<1x1x1x8x128xf32>,
    %slice3A_2223 = vector.extract_strided_slice %transpose3A {offsets = [120, 1792], sizes = [8, 128], strides = [1, 1]} : vector<128x2048xf32> to vector<8x128xf32>
    %swap3A_2224 = arith.constant 0 : index
    %swap3A_2225 = arith.constant 7 : index
    %swap3A_2226 = arith.constant 30 : index
    %swap3A_2227 = arith.constant 0 : index
    %swap3A_2228 = arith.constant 0 : index
    %swap3A_2229 = vector.load %arg2[%swap3A_2224, %swap3A_2225, %swap3A_2226, %swap3A_2227, %swap3A_2228] : memref<1x8x32x8x128xf32, #tpu.memory_space<vmem>>, vector<1x1x1x8x128xf32>
    %swap3A_2230 = vector.shape_cast %swap3A_2229 : vector<1x1x1x8x128xf32> to vector<8x128xf32>
    %swap3A_2231 = vector.shape_cast %slice3A_2223 : vector<8x128xf32> to vector<1x1x1x8x128xf32>
    tpu.vector_store %arg2[%swap3A_2224, %swap3A_2225, %swap3A_2226, %swap3A_2227, %swap3A_2228], %swap3A_2231 {strides = array<i32>} : memref<1x8x32x8x128xf32, #tpu.memory_space<vmem>>, vector<1x1x1x8x128xf32>,
    %slice3A_2232 = vector.extract_strided_slice %transpose3A {offsets = [64, 1920], sizes = [8, 128], strides = [1, 1]} : vector<128x2048xf32> to vector<8x128xf32>
    %swap3A_2233 = arith.constant 0 : index
    %swap3A_2234 = arith.constant 0 : index
    %swap3A_2235 = arith.constant 31 : index
    %swap3A_2236 = arith.constant 0 : index
    %swap3A_2237 = arith.constant 0 : index
    %swap3A_2238 = vector.load %arg2[%swap3A_2233, %swap3A_2234, %swap3A_2235, %swap3A_2236, %swap3A_2237] : memref<1x8x32x8x128xf32, #tpu.memory_space<vmem>>, vector<1x1x1x8x128xf32>
    %swap3A_2239 = vector.shape_cast %swap3A_2238 : vector<1x1x1x8x128xf32> to vector<8x128xf32>
    %swap3A_2240 = vector.shape_cast %slice3A_2232 : vector<8x128xf32> to vector<1x1x1x8x128xf32>
    tpu.vector_store %arg2[%swap3A_2233, %swap3A_2234, %swap3A_2235, %swap3A_2236, %swap3A_2237], %swap3A_2240 {strides = array<i32>} : memref<1x8x32x8x128xf32, #tpu.memory_space<vmem>>, vector<1x1x1x8x128xf32>,
    %slice3A_2241 = vector.extract_strided_slice %transpose3A {offsets = [72, 1920], sizes = [8, 128], strides = [1, 1]} : vector<128x2048xf32> to vector<8x128xf32>
    %swap3A_2242 = arith.constant 0 : index
    %swap3A_2243 = arith.constant 1 : index
    %swap3A_2244 = arith.constant 31 : index
    %swap3A_2245 = arith.constant 0 : index
    %swap3A_2246 = arith.constant 0 : index
    %swap3A_2247 = vector.load %arg2[%swap3A_2242, %swap3A_2243, %swap3A_2244, %swap3A_2245, %swap3A_2246] : memref<1x8x32x8x128xf32, #tpu.memory_space<vmem>>, vector<1x1x1x8x128xf32>
    %swap3A_2248 = vector.shape_cast %swap3A_2247 : vector<1x1x1x8x128xf32> to vector<8x128xf32>
    %swap3A_2249 = vector.shape_cast %slice3A_2241 : vector<8x128xf32> to vector<1x1x1x8x128xf32>
    tpu.vector_store %arg2[%swap3A_2242, %swap3A_2243, %swap3A_2244, %swap3A_2245, %swap3A_2246], %swap3A_2249 {strides = array<i32>} : memref<1x8x32x8x128xf32, #tpu.memory_space<vmem>>, vector<1x1x1x8x128xf32>,
    %slice3A_2250 = vector.extract_strided_slice %transpose3A {offsets = [80, 1920], sizes = [8, 128], strides = [1, 1]} : vector<128x2048xf32> to vector<8x128xf32>
    %swap3A_2251 = arith.constant 0 : index
    %swap3A_2252 = arith.constant 2 : index
    %swap3A_2253 = arith.constant 31 : index
    %swap3A_2254 = arith.constant 0 : index
    %swap3A_2255 = arith.constant 0 : index
    %swap3A_2256 = vector.load %arg2[%swap3A_2251, %swap3A_2252, %swap3A_2253, %swap3A_2254, %swap3A_2255] : memref<1x8x32x8x128xf32, #tpu.memory_space<vmem>>, vector<1x1x1x8x128xf32>
    %swap3A_2257 = vector.shape_cast %swap3A_2256 : vector<1x1x1x8x128xf32> to vector<8x128xf32>
    %swap3A_2258 = vector.shape_cast %slice3A_2250 : vector<8x128xf32> to vector<1x1x1x8x128xf32>
    tpu.vector_store %arg2[%swap3A_2251, %swap3A_2252, %swap3A_2253, %swap3A_2254, %swap3A_2255], %swap3A_2258 {strides = array<i32>} : memref<1x8x32x8x128xf32, #tpu.memory_space<vmem>>, vector<1x1x1x8x128xf32>,
    %slice3A_2259 = vector.extract_strided_slice %transpose3A {offsets = [88, 1920], sizes = [8, 128], strides = [1, 1]} : vector<128x2048xf32> to vector<8x128xf32>
    %swap3A_2260 = arith.constant 0 : index
    %swap3A_2261 = arith.constant 3 : index
    %swap3A_2262 = arith.constant 31 : index
    %swap3A_2263 = arith.constant 0 : index
    %swap3A_2264 = arith.constant 0 : index
    %swap3A_2265 = vector.load %arg2[%swap3A_2260, %swap3A_2261, %swap3A_2262, %swap3A_2263, %swap3A_2264] : memref<1x8x32x8x128xf32, #tpu.memory_space<vmem>>, vector<1x1x1x8x128xf32>
    %swap3A_2266 = vector.shape_cast %swap3A_2265 : vector<1x1x1x8x128xf32> to vector<8x128xf32>
    %swap3A_2267 = vector.shape_cast %slice3A_2259 : vector<8x128xf32> to vector<1x1x1x8x128xf32>
    tpu.vector_store %arg2[%swap3A_2260, %swap3A_2261, %swap3A_2262, %swap3A_2263, %swap3A_2264], %swap3A_2267 {strides = array<i32>} : memref<1x8x32x8x128xf32, #tpu.memory_space<vmem>>, vector<1x1x1x8x128xf32>,
    %slice3A_2268 = vector.extract_strided_slice %transpose3A {offsets = [96, 1920], sizes = [8, 128], strides = [1, 1]} : vector<128x2048xf32> to vector<8x128xf32>
    %swap3A_2269 = arith.constant 0 : index
    %swap3A_2270 = arith.constant 4 : index
    %swap3A_2271 = arith.constant 31 : index
    %swap3A_2272 = arith.constant 0 : index
    %swap3A_2273 = arith.constant 0 : index
    %swap3A_2274 = vector.load %arg2[%swap3A_2269, %swap3A_2270, %swap3A_2271, %swap3A_2272, %swap3A_2273] : memref<1x8x32x8x128xf32, #tpu.memory_space<vmem>>, vector<1x1x1x8x128xf32>
    %swap3A_2275 = vector.shape_cast %swap3A_2274 : vector<1x1x1x8x128xf32> to vector<8x128xf32>
    %swap3A_2276 = vector.shape_cast %slice3A_2268 : vector<8x128xf32> to vector<1x1x1x8x128xf32>
    tpu.vector_store %arg2[%swap3A_2269, %swap3A_2270, %swap3A_2271, %swap3A_2272, %swap3A_2273], %swap3A_2276 {strides = array<i32>} : memref<1x8x32x8x128xf32, #tpu.memory_space<vmem>>, vector<1x1x1x8x128xf32>,
    %slice3A_2277 = vector.extract_strided_slice %transpose3A {offsets = [104, 1920], sizes = [8, 128], strides = [1, 1]} : vector<128x2048xf32> to vector<8x128xf32>
    %swap3A_2278 = arith.constant 0 : index
    %swap3A_2279 = arith.constant 5 : index
    %swap3A_2280 = arith.constant 31 : index
    %swap3A_2281 = arith.constant 0 : index
    %swap3A_2282 = arith.constant 0 : index
    %swap3A_2283 = vector.load %arg2[%swap3A_2278, %swap3A_2279, %swap3A_2280, %swap3A_2281, %swap3A_2282] : memref<1x8x32x8x128xf32, #tpu.memory_space<vmem>>, vector<1x1x1x8x128xf32>
    %swap3A_2284 = vector.shape_cast %swap3A_2283 : vector<1x1x1x8x128xf32> to vector<8x128xf32>
    %swap3A_2285 = vector.shape_cast %slice3A_2277 : vector<8x128xf32> to vector<1x1x1x8x128xf32>
    tpu.vector_store %arg2[%swap3A_2278, %swap3A_2279, %swap3A_2280, %swap3A_2281, %swap3A_2282], %swap3A_2285 {strides = array<i32>} : memref<1x8x32x8x128xf32, #tpu.memory_space<vmem>>, vector<1x1x1x8x128xf32>,
    %slice3A_2286 = vector.extract_strided_slice %transpose3A {offsets = [112, 1920], sizes = [8, 128], strides = [1, 1]} : vector<128x2048xf32> to vector<8x128xf32>
    %swap3A_2287 = arith.constant 0 : index
    %swap3A_2288 = arith.constant 6 : index
    %swap3A_2289 = arith.constant 31 : index
    %swap3A_2290 = arith.constant 0 : index
    %swap3A_2291 = arith.constant 0 : index
    %swap3A_2292 = vector.load %arg2[%swap3A_2287, %swap3A_2288, %swap3A_2289, %swap3A_2290, %swap3A_2291] : memref<1x8x32x8x128xf32, #tpu.memory_space<vmem>>, vector<1x1x1x8x128xf32>
    %swap3A_2293 = vector.shape_cast %swap3A_2292 : vector<1x1x1x8x128xf32> to vector<8x128xf32>
    %swap3A_2294 = vector.shape_cast %slice3A_2286 : vector<8x128xf32> to vector<1x1x1x8x128xf32>
    tpu.vector_store %arg2[%swap3A_2287, %swap3A_2288, %swap3A_2289, %swap3A_2290, %swap3A_2291], %swap3A_2294 {strides = array<i32>} : memref<1x8x32x8x128xf32, #tpu.memory_space<vmem>>, vector<1x1x1x8x128xf32>,
    %slice3A_2295 = vector.extract_strided_slice %transpose3A {offsets = [120, 1920], sizes = [8, 128], strides = [1, 1]} : vector<128x2048xf32> to vector<8x128xf32>
    %swap3A_2296 = arith.constant 0 : index
    %swap3A_2297 = arith.constant 7 : index
    %swap3A_2298 = arith.constant 31 : index
    %swap3A_2299 = arith.constant 0 : index
    %swap3A_2300 = arith.constant 0 : index
    %swap3A_2301 = vector.load %arg2[%swap3A_2296, %swap3A_2297, %swap3A_2298, %swap3A_2299, %swap3A_2300] : memref<1x8x32x8x128xf32, #tpu.memory_space<vmem>>, vector<1x1x1x8x128xf32>
    %swap3A_2302 = vector.shape_cast %swap3A_2301 : vector<1x1x1x8x128xf32> to vector<8x128xf32>
    %swap3A_2303 = vector.shape_cast %slice3A_2295 : vector<8x128xf32> to vector<1x1x1x8x128xf32>
    tpu.vector_store %arg2[%swap3A_2296, %swap3A_2297, %swap3A_2298, %swap3A_2299, %swap3A_2300], %swap3A_2303 {strides = array<i32>} : memref<1x8x32x8x128xf32, #tpu.memory_space<vmem>>, vector<1x1x1x8x128xf32>,
    return
  }
  func.func @transform_0(%arg0: i32) -> (i32, i32) {
    %c0_i32 = arith.constant 0 : i32
    %c0_i32_0 = arith.constant 0 : i32
    return %arg0, %c0_i32 : i32, i32
  }
  func.func @transform_1(%arg0: i32) -> (i32, i32, i32, i32, i32) {
    %c0_i32 = arith.constant 0 : i32
    %c0_i32_0 = arith.constant 0 : i32
    %c0_i32_1 = arith.constant 0 : i32
    %c0_i32_2 = arith.constant 0 : i32
    %c0_i32_3 = arith.constant 0 : i32
    return %arg0, %c0_i32, %c0_i32_0, %c0_i32_1, %c0_i32_2 : i32, i32, i32, i32, i32
  }
}

</mosaic_0001>

<sc_bundles>
// kernel: gather_offload_async_start
scs
__scs_entry_jumppad:
0x0: {  	(pc) =	sbr.rel $0x88, $3  }
0x1: {  	(tag) =	ssettag $0x0;
	lr =	simm.s32 $0x1  }
0x2: {  	[smem:$0x3F9A] =	sst lr;
	_ =	strace $0xD0000000  }
0x3: {  	_ = 	snop  }
0x4: {  	_ = 	snop  }
0x5: {  	_ = 	snop  }
0x6: {  	_ = 	snop  }
0x7: {  	_ = 	snop  }
__scs_overlays_trampoline_lowered:
0x8: {  	[smem:$0x3FA9] =	sst s0  }
0x9: {  	[smem:$0x3FAA] =	sst s1  }
0xa: {  	[smem:$0x3FAB] =	sst s2  }
0xb: {  	[smem:$0x3FAC] =	sst s3  }
0xc: {  	[smem:$0x3FAD] =	sst s4  }
0xd: {  	[smem:$0x3FAE] =	sst s5  }
0xe: {  	[smem:$0x3FAF] =	sst s6  }
0xf: {  	[smem:$0x3FB0] =	sst s7  }
0x10: {  	[smem:$0x3FB1] =	sst s8  }
0x11: {  	[smem:$0x3FB2] =	sst s9;
	s0 =	simm.s32 @!p0 $0x0  }
0x12: {  	s1 =	sld [smem:$0x3F98];
	s0 =	simm.s32 @p0 $0x1  }
0x13: {  	[smem:$0x3FB3] =	sst s0;
	s0 =	simm.s32 @!p1 $0x0  }
0x14: {  	s2 =	sld [smem:$0x3F97];
	s0 =	simm.s32 @p1 $0x1  }
0x15: {  	[smem:$0x3FB4] =	sst s0;
	s0 =	simm.s32 @!p2 $0x0  }
0x16: {  	s3 =	sld [smem:$0x3FDB];
	s0 =	simm.s32 @p2 $0x1  }
0x17: {  	s4 =	simm.s32 $0x1BF5;
	[smem:$0x3FB6] =	sst s0  }
0x18: {  	s0 =	sld [smem:$0x3F99];
	_ =	swait.ge [sflag:s4], $0x0  }
0x19: {  	s7 =	sld [smem:$0x3F9A]  }
0x1a: {  	s8 =	sadd.s32 $0xFFFFE003, lr  }
0x1b: {  	s9 =	sadd.s32 $0xFFFFFEF7, lr;
	s5 =	simm.s32 $0xFFFFFFFF;
	p2 =	slt.u32 s8, $0xFFFFF086  }
0x1c: {  	p1 =	slt.u32 s9, $0xF7A;
	s5 =	simm.s32 @!p2 $0x0  }
0x1d: {  	s5 =	simm.s32 @p1 $0x1;
	p0 =	seq.s32 s7, s2  }
0x1e: {  	s7 =	smul.u32 @!p0 $0xF7A, s2;
	p2 =	seq.s32 @!p0 s5, $0x0  }
0x1f: {  	s9 =	smul.u32 $0xF7A, s1;
	s8 =	simm.s32 @!p0 $0x1BF5;
	p2 =	por !p2, p0  }
0x20: {  	[sflag:s8] =	ssyncset.s32 @!p0 $0xFFFFF086;
	s6 =	sadd.s32 @!p0 s3, s7;
	s7 =	simm.s32 @!p0 $0x108  }
0x21: {  	s3 =	sadd.s32 s3, s9;
	s6 =	sadd.s32 @!p0 $0x88, s6;
	s7 =	simm.s32 @p2 $0x1082  }
0x22: {  	[simem:s7], [sflag:s8] =	dma.local @!p0 [hbm:s6], $0xF7A  }
0x23: {  	s9 =	sor.u32 $0xD0000000, s2;
	s6 =	simm.s32 $0x108;
	_ =	swait.ge @!p0 [sflag:s8], $0x0  }
0x24: {  	s3 =	sadd.s32 $0x88, s3;
	s6 =	simm.s32 @!p1 $0x1082;
	[sflag:s4] =	ssyncset.s32 $0xFFFFF086  }
0x25: {  	[simem:s6], [sflag:s4] =	dma.local [hbm:s3], $0xF7A  }
0x26: {  	[smem:$0x3F9A] =	sst s1;
	(tag) =	ssettag s2;
	_ =	strace s9  }
0x27: {  	s1 =	sld [smem:$0x3FAA]  }
0x28: {  	s2 =	sld [smem:$0x3FAB]  }
0x29: {  	s4 =	sld [smem:$0x3FAD]  }
0x2a: {  	p0 =	seq.s32 s5, $0x0;
	s5 =	sld [smem:$0x3FAE]  }
0x2b: {  	s6 =	sld [smem:$0x3FAF]  }
0x2c: {  	s7 =	sld [smem:$0x3FB0]  }
0x2d: {  	s3 =	simm.s32 $0x108;
	s8 =	sld [smem:$0x3FB1]  }
0x2e: {  	s3 =	simm.s32 @!p0 $0x1082;
	s9 =	sld [smem:$0x3FB2]  }
0x2f: {  	lr =	sadd.s32 s0, s3;
	s0 =	sld [smem:$0x3FA9]  }
0x30: {  	s3 =	sld [smem:$0x3FAC]  }
0x31: {  	[smem:$0x3FB5] =	sst s10  }
0x32: {  	s10 =	sld [smem:$0x3FB3];
	_ =	sdelay $0x3  }
0x33: {  	p0 =	seq.s32 s10, $0x1;
	s10 =	sld [smem:$0x3FB5];
	_ =	sdelay $0x3  }
0x34: {  	[smem:$0x3FB5] =	sst s10  }
0x35: {  	s10 =	sld [smem:$0x3FB4];
	_ =	sdelay $0x3  }
0x36: {  	p1 =	seq.s32 s10, $0x1;
	s10 =	sld [smem:$0x3FB5];
	_ =	sdelay $0x3  }
0x37: {  	[smem:$0x3FB5] =	sst s10  }
0x38: {  	s10 =	sld [smem:$0x3FB6]  }
0x39: {  	_ = 	snop;
	(pc) =	sbr.ind lr, $3  }
0x3a: {  	_ = 	snop  }
0x3b: {  	_ = 	snop  }
0x3c: {  	p2 =	seq.s32 s10, $0x1;
	s10 =	sld [smem:$0x3FB5]  }
0x3d: {  	_ =	shalt  }
0x3e: {  	_ =	shalt  }
0x3f: {  	_ =	shalt  }
0x40: {  	_ =	shalt  }
0x41: {  	_ =	shalt  }
0x42: {  	_ =	shalt  }
0x43: {  	_ =	shalt  }
0x44: {  	_ =	shalt  }
0x45: {  	_ =	shalt  }
0x46: {  	_ =	shalt  }
0x47: {  	_ =	shalt  }
0x48: {  	_ =	shalt  }
0x49: {  	_ =	shalt  }
0x4a: {  	_ =	shalt  }
0x4b: {  	_ =	shalt  }
0x4c: {  	_ =	shalt  }
0x4d: {  	_ =	shalt  }
0x4e: {  	_ =	shalt  }
0x4f: {  	_ =	shalt  }
0x50: {  	_ =	shalt  }
0x51: {  	_ =	shalt  }
0x52: {  	_ =	shalt  }
0x53: {  	_ =	shalt  }
0x54: {  	_ =	shalt  }
0x55: {  	_ =	shalt  }
0x56: {  	_ =	shalt  }
0x57: {  	_ =	shalt  }
0x58: {  	_ =	shalt  }
0x59: {  	_ =	shalt  }
0x5a: {  	_ =	shalt  }
0x5b: {  	_ =	shalt  }
0x5c: {  	_ =	shalt  }
0x5d: {  	_ =	shalt  }
0x5e: {  	_ =	shalt  }
0x5f: {  	_ =	shalt  }
0x60: {  	_ =	shalt  }
0x61: {  	_ =	shalt  }
0x62: {  	_ =	shalt  }
0x63: {  	_ =	shalt  }
0x64: {  	_ =	shalt  }
0x65: {  	_ =	shalt  }
0x66: {  	_ =	shalt  }
0x67: {  	_ =	shalt  }
0x68: {  	_ =	shalt  }
0x69: {  	_ =	shalt  }
0x6a: {  	_ =	shalt  }
0x6b: {  	_ =	shalt  }
0x6c: {  	_ =	shalt  }
0x6d: {  	_ =	shalt  }
0x6e: {  	_ =	shalt  }
0x6f: {  	_ =	shalt  }
0x70: {  	_ =	shalt  }
0x71: {  	_ =	shalt  }
0x72: {  	_ =	shalt  }
0x73: {  	_ =	shalt  }
0x74: {  	_ =	shalt  }
0x75: {  	_ =	shalt  }
0x76: {  	_ =	shalt  }
0x77: {  	_ =	shalt  }
0x78: {  	_ =	shalt  }
0x79: {  	_ =	shalt  }
0x7a: {  	_ =	shalt  }
0x7b: {  	_ =	shalt  }
0x7c: {  	_ =	shalt  }
0x7d: {  	_ =	shalt  }
0x7e: {  	_ =	shalt  }
0x7f: {  	_ =	shalt  }
0x80: {  	_ =	shalt  }
0x81: {  	_ =	shalt  }
0x82: {  	_ =	shalt  }
0x83: {  	_ =	shalt  }
0x84: {  	_ =	shalt  }
0x85: {  	_ =	shalt  }
0x86: {  	_ =	shalt  }
0x87: {  	_ =	shalt  }
.Lfunc_end0:
.L_simem_size_0:
called_computation_lowered:
.L_overlay_start_0:
0x88: {  	s2 =	sld [smem:$0x3FD9]  }
0x89: {  	s3 =	sld [smem:$0x3FFE];
	_ =	sdelay $0x1  }
0x8a: {  	s1 =	srdreg.scid  }
0x8b: {  	s0 =	sand.u32 $0x1, s1  }
0x8c: {  	s14 =	sshll.u32 s0, $0xA;
	s2 =	sadd.s32 s3, s2  }
0x8d: {  	s2 =	sadd.s32 s2, s14  }
0x8e: {  	[smem:$0x3FC1] =	sst s2  }
0x8f: {  	_ = 	snop  }
0x90: {  	s2 =	sld [smem:$0x3FD0];
	_ =	sdelay $0x2  }
0x91: {  	s15 =	simm.s32 $0xA;
	s4 =	simm.s32 $0x10  }
0x92: {  	[smem:s4], [sflag:s15] =	dma.local [hbm:s2], $0x1  }
0x93: {  	_ =	swait.eq [sflag:s15], $0x1  }
0x94: {  	[sflag:s15] =	ssyncset.done $0x0  }
0x95: {  	s16 =	sld [smem:$0x10];
	[sflag:s15] =	ssyncadd.s32 $0xFFFFFFFF  }
0x96: {  	s17 =	sld [smem:$0x11];
	(tm) =	ssettm $0x1  }
0x97: {  	s18 =	sld [smem:$0x3FFB];
	_ =	sdelay $0x3  }
0x98: {  	_ =	strace s18  }
0x99: {  	s4 =	sld [smem:$0x3FFC];
	_ =	sdelay $0x3  }
0x9a: {  	_ =	strace s4  }
0x9b: {  	s4 =	sld [smem:$0x3FFD];
	_ =	sdelay $0x3  }
0x9c: {  	_ =	strace s4  }
0x9d: {  	_ =	strace $0x8FFFFFFF  }
0x9e: {  	s19 =	sld [smem:$0x3FDB];
	_ =	sdelay $0x1  }
0x9f: {  	s5 =	simm.s32 $_scs_section_size  }
0xa0: {  	s6 =	simm.s32 $_size__tile_overlayer_lowered;
	s7 =	simm.s32 $_tile_overlayer_lowered  }
0xa1: {  	s22 =	simm.s32 $0x1BFF;
	s21 =	sshll.u32 s7, $0x1;
	s4 =	sadd.s32 s5, s19  }
0xa2: {  	s8 =	simm.s32 $0x0;
	s20 =	sshll.u32 s6, $0x1;
	s6 =	sadd.s32 s21, s4  }
0xa3: {  	[timem:s8], [sflag:s22] =	dma.local [hbm:s6], s20  }
0xa4: {  	_ =	swait.ge [sflag:s22], s20  }
0xa5: {  	s5 =	ssub.s32 $0x0, s20;
	[sflag:s22] =	ssyncset.done $0x0  }
0xa6: {  	[sflag:s22] =	ssyncadd.s32 s5;
	_ =	sdelay $0x1  }
0xa7: {  	s23 =	simm.s32 $0x1B8B  }
0xa8: {  	_ =	swait.ge [sflag:s23], $0x1  }
0xa9: {  	[sflag:s23] =	ssyncset.done $0x0  }
0xaa: {  	s25 =	simm.s32 $0x1B8E;
	s24 =	sld [smem:$0x3FFE];
	[sflag:s23] =	ssyncadd.s32 $0xFFFFFFFF  }
0xab: {  	s26 =	simm.s32 $execute0_lowered;
	[smem:$0x3FD2] =	sst s25  }
0xac: {  	s6 =	sshll.u32 s26, $0x1;
	_ =	strace $0x80000046;
	[dreg:$0x1] =	wrdreg $0xFFFFFFFF  }
0xad: {  	s28 =	simm.s32 $_size_execute0_lowered;
	s4 =	sadd.s32 s4, s6;
	[dreg:$0x0] =	wrdreg $0x0  }
0xae: {  	s6 =	sshll.u32 s28, $0x1;
	[dreg:$0x2] =	wrdreg s4  }
0xaf: {  	[dreg:$0x3] =	wrdreg s6  }
0xb0: {  	[dreg:$0x4] =	wrdreg $0xC0  }
0xb1: {  	_ =	task [dreg:s8], $0x5FFFF  }
0xb2: {  	[dreg:$0x1] =	wrdreg $0xFFFFFFFF  }
0xb3: {  	[dreg:$0x0] =	wrdreg $0x60  }
0xb4: {  	[dreg:$0x2] =	wrdreg s17  }
0xb5: {  	[dreg:$0x3] =	wrdreg s24  }
0xb6: {  	[dreg:$0x4] =	wrdreg s16  }
0xb7: {  	[dreg:$0x5] =	wrdreg $0x9  }
0xb8: {  	_ =	task.clear_ibuf [dreg:s8], $0x6FFFF;
	_ =	strace $0x90000046  }
0xb9: {  	s29 =	simm.s32 $0x9;
	_ =	strace $0x80000048  }
0xba: {  	_ =	swait.ge [sflag:s29], $0x1  }
0xbb: {  	[sflag:s29] =	ssyncadd.s32 $0xFFFFFFFF  }
0xbc: {  	_ =	strace $0x90000048  }
0xbd: {  	_ =	sfence  }
0xbe: {  	s30 =	sld [smem:$0x0];
	_ =	sdelay $0x2  }
0xbf: {  	s31 =	sshll.u32 s1, $0xD;
	s1 =	sshrl.u32 s1, $0x2  }
0xc0: {  	s3 =	sand.u32 $0x4000, s31;
	s1 =	sadd.s32 s1, s30  }
0xc1: {  	s0 =	sor.u32 s3, s0;
	s1 =	sshll.u32 s1, $0x11  }
0xc2: {  	s0 =	sor.u32 s1, s0  }
0xc3: {  	s0 =	sadd.s32 $0x8F2B, s0  }
0xc4: {  	[sflag:s0] =	ssyncadd.remote.s32 $0x1  }
0xc5: {  	_ =	sfence.sel $0xFFFF  }
0xc6: {  	[dreg:$0x0] =	wrdreg $0xFFFFFFFF;
	(pc) =	sbr.abs _section_cstart, $3  }
0xc7: {  	[dreg:$0x1] =	wrdreg $0xFFFFFFFF  }
0xc8: {  	_ =	task.clear_ibuf [dreg:s8], $0x2FFFF;
	_ =	strace $0x9FFFFFFF  }
0xc9: {  	(tm) =	ssettm $0x7FFFFFFF  }
tec
execute0_lowered:
.L_overlay_start_1:
0x0: {  	(tag) =	ssettag $0x1  }
0x1: {  	s2 =	rddreg [dreg:$0x0]  }
0x2: {  	s7 =	rddreg [dreg:$0x1]  }
0x3: {  	s3 =	rddreg [dreg:$0x2]  }
0x4: {  	s0 =	rddreg [dreg:$0x3];
	s1 =	srdreg.scid;
	_ =	strace $0x80000047  }
0x5: {  	s4 =	simm.s32 $0x1;
	s9 =	simm.s32 $0x3;
	s5 =	sshll.u32 s1, $0x4  }
.Ltmp0:
0x6: {  	s1 =	stileid.u32;
	s5 =	sand.u32 $0x10, s5;
	(pc) =	sbr.rel .LBB2_1-.Ltmp0, $4  }
0x7: {  	s12 =	simm.s32 $0x0;
	s10 =	simm.s32 $0x0;
	s6 =	sor.u32 s1, s5  }
0x8: {  	[sflag:s4] =	ssyncpa.u1 $0x0;
	s5 =	simm.s32 $0x2;
	s6 =	sshll.u32 s6, $0x7  }
0x9: {  	s7 =	sadd.s32 $0x1000, s7;
	[sflag:s5] =	ssyncpa.u1 $0x0;
	s8 =	sadd.s32 $0x80, s6  }
0xa: {  	vm0 =	vmmov $0xff;
	vm1 =	vcmask $0x3F20;
	[sflag:s9] =	ssyncpa.u1 $0x0;
	s9 =	simm.s32 $0x80;
	s11 =	smov.u32 s6  }
.LBB2_10:
0xb: {  	[hbm:s16] =	stream.linear.scatter [tilespmem:s13], [sflag:$0x3], $0x800, $0x38;
	[tilespmem:$0x10100] =	vst v63  }
.LBB2_11:
0xc: {  	p0 =	seq.s32 s10, $0x2  }
.Ltmp1:
0xd: {  	_ = 	snop;
	(pc) =	sbr.rel @p0 .LBB2_13-.Ltmp1, $1  }
0xe: {  	_ =	sdelay $0x3  }
.LBB2_12:
0xf: {  	s12 =	sadd.s32 $0x80, s11  }
0x10: {  	s13 =	smov.u32 s6;
	p0 =	slt.s32 s12, s8  }
0x11: {  	s13 =	smov.u32 @p0 s12  }
0x12: {  	s10 =	sadd.s32 $0x1, s10;
	s12 =	smov.u32 s11;
	s11 =	smov.u32 s13  }
.LBB2_1:
0x13: {  	p0 =	sne.s32 s10, $0x0  }
.Ltmp2:
0x14: {  	_ = 	snop;
	(pc) =	sbr.rel @!p0 .LBB2_2-.Ltmp2, $1  }
0x15: {  	_ =	sdelay $0x3  }
0x16: {  	s13 =	sand.u32 $0x1, s10  }
0x17: {  	p0 =	seq.s32 s13, $0x0  }
.Ltmp3:
0x18: {  	_ = 	snop;
	(pc) =	sbr.rel @p0 .LBB2_11-.Ltmp3, $1  }
0x19: {  	_ =	sdelay $0x3  }
0x1a: {  	_ =	swait.ge [sflag:s5], $0x80  }
0x1b: {  	[sflag:s5] =	ssyncset.done $0x0  }
0x1c: {  	s13 =	simm.s32 $0x0;
	[sflag:s5] =	ssyncadd.s32 $0xFFFFFF80  }
.LBB2_5:
0x1d: {  	s14 =	sshll.u32 s13, $0x4  }
0x1e: {  	s14 =	sand.u32 $0x3FFFFFF0, s14  }
0x1f: {  	v0 =	vld.msk [tilespmem:s14+$0x80 ss:$0x1], $0xffff;
	_ =	sdelay $0x4  }
0x20: {  	vm2 =	vgt.s32 v0, $0x0  }
0x21: {  	v0 =	vnsel vm2, $0x0, v0  }
0x22: {  	v0 =	vmin.u32 v0, $0xFFF  }
0x23: {  	s31 =	sshll.u32 s13, $0xC;
	v1 =	vshll.u32 v0, $0x5;
	v0 =	vshll.u32 v0, $0x4  }
0x24: {  	s14 =	sand.u32 $0x3FFFF000, s31;
	v1 =	vand.u32 $0x1FF00, v1;
	v0 =	vand.u32 $0x70, v0  }
0x25: {  	p0 =	por $0x1, $0x1;
	s15 =	simm.s32 $0x0;
	s14 =	sadd.s32 $0x8100, s14;
	v0 =	vor.u32 v0, v1  }
.LBB2_6:
0x26: {  	_ =	sdelay $0x1  }
0x27: {  	s15 =	sshra.s32 s15, $0x2;
	p1 =	por p0, p0  }
.Ltmp4:
0x28: {  	s15 =	sadd.s32 s15, s14;
	(pc) =	sbr.rel @p1 .LBB2_6-.Ltmp4, $4  }
0x29: {  	[tilespmem:s15], [sflag:$0x1] =	stream.indirect_vreg.gather [hbm:s2], $0x80, v0, vm0, $0x38;
	[tilespmem:$0x10100] =	vst v63  }
0x2a: {  	s15 =	sadd.s32 $0x800, s15  }
0x2b: {  	[tilespmem:s15], [sflag:$0x1] =	stream.indirect_vreg.gather [hbm:s2], $0x80, v0, vm1, $0x38;
	[tilespmem:$0x10100] =	vst v63  }
0x2c: {  	p0 =	por $0x0, $0x0;
	v0 =	vadd.s32 $0x80, v0;
	s15 =	simm.s32 $0x1000  }
0x2d: {  	s13 =	sadd.s32 $0x1, s13  }
0x2e: {  	p0 =	sne.s32 s13, $0x8  }
.Ltmp5:
0x2f: {  	_ = 	snop;
	(pc) =	sbr.rel @p0 .LBB2_5-.Ltmp5, $1  }
0x30: {  	_ =	sdelay $0x3  }
0x31: {  	s13 =	sshll.u32 s12, $0x5  }
0x32: {  	_ =	swait.ge [sflag:s4], $0x8000;
	s31 =	sshll.u32 s12, $0x4;
	s13 =	sand.u32 $0xFFFFFF00, s13  }
0x33: {  	s14 =	simm.s32 $0x100;
	s12 =	sand.u32 $0x70, s31;
	s13 =	sadd.s32 s13, s3  }
0x34: {  	s15 =	simm.s32 $0x8900;
	[sflag:s4] =	ssyncset.done $0x0;
	s12 =	sadd.s32 s12, s13  }
0x35: {  	[sflag:s4] =	ssyncadd.s32 $0xFFFF8000;
	s13 =	simm.s32 $0x8100;
	s16 =	sadd.s32 $0x0, s12  }
.LBB2_9:
0x36: {  	[hbm:s16] =	stream.linear.scatter [tilespmem:s13], [sflag:$0x3], $0x800, $0x38;
	[tilespmem:$0x10100] =	vst v63  }
0x37: {  	s16 =	smov.u32 s14;
	s13 =	smov.u32 s15;
	p0 =	sne.s32 s14, $0xF00  }
.Ltmp6:
0x38: {  	s14 =	sadd.s32 $0x100, s14;
	(pc) =	sbr.rel @p0 .LBB2_9-.Ltmp6, $2  }
0x39: {  	_ =	sdelay $0x2  }
0x3a: {  	s15 =	sadd.s32 $0x800, s15;
	s16 =	sadd.s32 s16, s12  }
.Ltmp7:
0x3b: {  	_ = 	snop;
	(pc) =	sbr.rel .LBB2_10-.Ltmp7, $1  }
0x3c: {  	_ =	sdelay $0x3  }
.LBB2_2:
.Ltmp8:
0x3d: {  	(pc) =	sbr.rel .LBB2_12-.Ltmp8, $4  }
0x3e: {  	_ = 	snop  }
0x3f: {  	s12 =	sshrl.u32 s11, $0x3  }
0x40: {  	s13 =	sand.u32 $0x7, s11;
	s12 =	sadd.s32 s7, s12  }
0x41: {  	[tilespmem:s9], [sflag:$0x2] =	stream.linear.gather [hbm4b:s12+s13], $0x80, $0x38;
	[tilespmem:$0x10100] =	vst v63  }
.LBB2_13:
0x42: {  	s2 =	simm.s32 $0x3  }
0x43: {  	_ =	swait.ge [sflag:s2], $0x8000  }
0x44: {  	[sflag:s2] =	ssyncset.done $0x0  }
0x45: {  	[sflag:s2] =	ssyncadd.s32 $0xFFFF8000  }
0x46: {  	_ =	sfence.sel $0x180000  }
0x47: {  	s3 =	simm.s32 $0x2;
	[bflag:$0x0] =	sbarrier.arrive $0xFFFF  }
0x48: {  	[sflag:s3] =	ssyncpa.u1 $0x1  }
0x49: {  	s31 =	simm.s32 $0x1;
	[sflag:s2] =	ssyncpa.u1 $0x1  }
0x4a: {  	[sflag:s31] =	ssyncpa.u1 $0x1  }
0x4b: {  	p0 =	sne.s32 s1, $0x0;
	_ =	strace $0x90000047  }
0x4c: {  	s0 =	sadd.s32 @!p0 $0x100000, s0;
	[bflag:$0x2] =	sbarrier.arrive $0xFFFF  }
0x4d: {  	[sflag:s0] =	ssyncadd.tile.s32 @!p0 $0x1;
	_ =	shalt  }
.Lfunc_end2:
_tile_overlayer_lowered:
.L_overlay_start_2:
0x4e: {  	(tag) =	ssettag $0x2  }
0x4f: {  	s0 =	rddreg [dreg:$0x0];
	s2 =	stileid.u32  }
0x50: {  	s1 =	rddreg [dreg:$0x1];
	p0 =	sne.s32 s2, $0x0  }
0x51: {  	s3 =	rddreg [dreg:$0x2];
	[bflag:$0x3] =	sbarrier.arrive $0xFFFF;
	s2 =	simm.s32 @!p0 $0x1C01  }
0x52: {  	[timem:s3], [sflag:s2] =	dma.local @!p0 [hbm:s0], s1  }
0x53: {  	s0 =	simm.s32 @!p0 $0x1  }
0x54: {  	_ =	swait.ge @!p0 [sflag:s0], s1  }
0x55: {  	s1 =	ssub.s32 @!p0 $0x0, s1;
	[sflag:s0] =	ssyncset.done @!p0 $0x0  }
0x56: {  	[sflag:s0] =	ssyncadd.s32 @!p0 s1  }
0x57: {  	[bflag:$0x3] =	sbarrier.arrive $0xFFFF  }
0x58: {  	_ =	shalt  }

// kernel: kernel.6.cloned.1.call-start
scs
__scs_entry_jumppad:
0x0: {  	(pc) =	sbr.rel $0x88, $3  }
0x1: {  	(tag) =	ssettag $0x0;
	lr =	simm.s32 $0x1  }
0x2: {  	[smem:$0x3F9A] =	sst lr;
	_ =	strace $0xD0000000  }
0x3: {  	_ = 	snop  }
0x4: {  	_ = 	snop  }
0x5: {  	_ = 	snop  }
0x6: {  	_ = 	snop  }
0x7: {  	_ = 	snop  }
__scs_overlays_trampoline_lowered:
0x8: {  	[smem:$0x3FA9] =	sst s0  }
0x9: {  	[smem:$0x3FAA] =	sst s1  }
0xa: {  	[smem:$0x3FAB] =	sst s2  }
0xb: {  	[smem:$0x3FAC] =	sst s3  }
0xc: {  	[smem:$0x3FAD] =	sst s4  }
0xd: {  	[smem:$0x3FAE] =	sst s5  }
0xe: {  	[smem:$0x3FAF] =	sst s6  }
0xf: {  	[smem:$0x3FB0] =	sst s7  }
0x10: {  	[smem:$0x3FB1] =	sst s8  }
0x11: {  	[smem:$0x3FB2] =	sst s9;
	s0 =	simm.s32 @!p0 $0x0  }
0x12: {  	s1 =	sld [smem:$0x3F98];
	s0 =	simm.s32 @p0 $0x1  }
0x13: {  	[smem:$0x3FB3] =	sst s0;
	s0 =	simm.s32 @!p1 $0x0  }
0x14: {  	s2 =	sld [smem:$0x3F97];
	s0 =	simm.s32 @p1 $0x1  }
0x15: {  	[smem:$0x3FB4] =	sst s0;
	s0 =	simm.s32 @!p2 $0x0  }
0x16: {  	s3 =	sld [smem:$0x3FDB];
	s0 =	simm.s32 @p2 $0x1  }
0x17: {  	s4 =	simm.s32 $0x1BF5;
	[smem:$0x3FB6] =	sst s0  }
0x18: {  	s0 =	sld [smem:$0x3F99];
	_ =	swait.ge [sflag:s4], $0x0  }
0x19: {  	s7 =	sld [smem:$0x3F9A]  }
0x1a: {  	s8 =	sadd.s32 $0xFFFFE003, lr  }
0x1b: {  	s9 =	sadd.s32 $0xFFFFFEF7, lr;
	s5 =	simm.s32 $0xFFFFFFFF;
	p2 =	slt.u32 s8, $0xFFFFF086  }
0x1c: {  	p1 =	slt.u32 s9, $0xF7A;
	s5 =	simm.s32 @!p2 $0x0  }
0x1d: {  	s5 =	simm.s32 @p1 $0x1;
	p0 =	seq.s32 s7, s2  }
0x1e: {  	s7 =	smul.u32 @!p0 $0xF7A, s2;
	p2 =	seq.s32 @!p0 s5, $0x0  }
0x1f: {  	s9 =	smul.u32 $0xF7A, s1;
	s8 =	simm.s32 @!p0 $0x1BF5;
	p2 =	por !p2, p0  }
0x20: {  	[sflag:s8] =	ssyncset.s32 @!p0 $0xFFFFF086;
	s6 =	sadd.s32 @!p0 s3, s7;
	s7 =	simm.s32 @!p0 $0x108  }
0x21: {  	s3 =	sadd.s32 s3, s9;
	s6 =	sadd.s32 @!p0 $0x88, s6;
	s7 =	simm.s32 @p2 $0x1082  }
0x22: {  	[simem:s7], [sflag:s8] =	dma.local @!p0 [hbm:s6], $0xF7A  }
0x23: {  	s9 =	sor.u32 $0xD0000000, s2;
	s6 =	simm.s32 $0x108;
	_ =	swait.ge @!p0 [sflag:s8], $0x0  }
0x24: {  	s3 =	sadd.s32 $0x88, s3;
	s6 =	simm.s32 @!p1 $0x1082;
	[sflag:s4] =	ssyncset.s32 $0xFFFFF086  }
0x25: {  	[simem:s6], [sflag:s4] =	dma.local [hbm:s3], $0xF7A  }
0x26: {  	[smem:$0x3F9A] =	sst s1;
	(tag) =	ssettag s2;
	_ =	strace s9  }
0x27: {  	s1 =	sld [smem:$0x3FAA]  }
0x28: {  	s2 =	sld [smem:$0x3FAB]  }
0x29: {  	s4 =	sld [smem:$0x3FAD]  }
0x2a: {  	p0 =	seq.s32 s5, $0x0;
	s5 =	sld [smem:$0x3FAE]  }
0x2b: {  	s6 =	sld [smem:$0x3FAF]  }
0x2c: {  	s7 =	sld [smem:$0x3FB0]  }
0x2d: {  	s3 =	simm.s32 $0x108;
	s8 =	sld [smem:$0x3FB1]  }
0x2e: {  	s3 =	simm.s32 @!p0 $0x1082;
	s9 =	sld [smem:$0x3FB2]  }
0x2f: {  	lr =	sadd.s32 s0, s3;
	s0 =	sld [smem:$0x3FA9]  }
0x30: {  	s3 =	sld [smem:$0x3FAC]  }
0x31: {  	[smem:$0x3FB5] =	sst s10  }
0x32: {  	s10 =	sld [smem:$0x3FB3];
	_ =	sdelay $0x3  }
0x33: {  	p0 =	seq.s32 s10, $0x1;
	s10 =	sld [smem:$0x3FB5];
	_ =	sdelay $0x3  }
0x34: {  	[smem:$0x3FB5] =	sst s10  }
0x35: {  	s10 =	sld [smem:$0x3FB4];
	_ =	sdelay $0x3  }
0x36: {  	p1 =	seq.s32 s10, $0x1;
	s10 =	sld [smem:$0x3FB5];
	_ =	sdelay $0x3  }
0x37: {  	[smem:$0x3FB5] =	sst s10  }
0x38: {  	s10 =	sld [smem:$0x3FB6]  }
0x39: {  	_ = 	snop;
	(pc) =	sbr.ind lr, $3  }
0x3a: {  	_ = 	snop  }
0x3b: {  	_ = 	snop  }
0x3c: {  	p2 =	seq.s32 s10, $0x1;
	s10 =	sld [smem:$0x3FB5]  }
0x3d: {  	_ =	shalt  }
0x3e: {  	_ =	shalt  }
0x3f: {  	_ =	shalt  }
0x40: {  	_ =	shalt  }
0x41: {  	_ =	shalt  }
0x42: {  	_ =	shalt  }
0x43: {  	_ =	shalt  }
0x44: {  	_ =	shalt  }
0x45: {  	_ =	shalt  }
0x46: {  	_ =	shalt  }
0x47: {  	_ =	shalt  }
0x48: {  	_ =	shalt  }
0x49: {  	_ =	shalt  }
0x4a: {  	_ =	shalt  }
0x4b: {  	_ =	shalt  }
0x4c: {  	_ =	shalt  }
0x4d: {  	_ =	shalt  }
0x4e: {  	_ =	shalt  }
0x4f: {  	_ =	shalt  }
0x50: {  	_ =	shalt  }
0x51: {  	_ =	shalt  }
0x52: {  	_ =	shalt  }
0x53: {  	_ =	shalt  }
0x54: {  	_ =	shalt  }
0x55: {  	_ =	shalt  }
0x56: {  	_ =	shalt  }
0x57: {  	_ =	shalt  }
0x58: {  	_ =	shalt  }
0x59: {  	_ =	shalt  }
0x5a: {  	_ =	shalt  }
0x5b: {  	_ =	shalt  }
0x5c: {  	_ =	shalt  }
0x5d: {  	_ =	shalt  }
0x5e: {  	_ =	shalt  }
0x5f: {  	_ =	shalt  }
0x60: {  	_ =	shalt  }
0x61: {  	_ =	shalt  }
0x62: {  	_ =	shalt  }
0x63: {  	_ =	shalt  }
0x64: {  	_ =	shalt  }
0x65: {  	_ =	shalt  }
0x66: {  	_ =	shalt  }
0x67: {  	_ =	shalt  }
0x68: {  	_ =	shalt  }
0x69: {  	_ =	shalt  }
0x6a: {  	_ =	shalt  }
0x6b: {  	_ =	shalt  }
0x6c: {  	_ =	shalt  }
0x6d: {  	_ =	shalt  }
0x6e: {  	_ =	shalt  }
0x6f: {  	_ =	shalt  }
0x70: {  	_ =	shalt  }
0x71: {  	_ =	shalt  }
0x72: {  	_ =	shalt  }
0x73: {  	_ =	shalt  }
0x74: {  	_ =	shalt  }
0x75: {  	_ =	shalt  }
0x76: {  	_ =	shalt  }
0x77: {  	_ =	shalt  }
0x78: {  	_ =	shalt  }
0x79: {  	_ =	shalt  }
0x7a: {  	_ =	shalt  }
0x7b: {  	_ =	shalt  }
0x7c: {  	_ =	shalt  }
0x7d: {  	_ =	shalt  }
0x7e: {  	_ =	shalt  }
0x7f: {  	_ =	shalt  }
0x80: {  	_ =	shalt  }
0x81: {  	_ =	shalt  }
0x82: {  	_ =	shalt  }
0x83: {  	_ =	shalt  }
0x84: {  	_ =	shalt  }
0x85: {  	_ =	shalt  }
0x86: {  	_ =	shalt  }
0x87: {  	_ =	shalt  }
.Lfunc_end0:
.L_simem_size_0:
called_computation.1_lowered:
.L_overlay_start_0:
0x88: {  	s2 =	sld [smem:$0x3FD9]  }
0x89: {  	s3 =	sld [smem:$0x3FFE];
	_ =	sdelay $0x1  }
0x8a: {  	s1 =	srdreg.scid  }
0x8b: {  	s0 =	sand.u32 $0x1, s1  }
0x8c: {  	s14 =	sshll.u32 s0, $0xA;
	s2 =	sadd.s32 s3, s2  }
0x8d: {  	s2 =	sadd.s32 s2, s14  }
0x8e: {  	[smem:$0x3FC1] =	sst s2  }
0x8f: {  	_ = 	snop  }
0x90: {  	s2 =	sld [smem:$0x3FD0];
	_ =	sdelay $0x2  }
0x91: {  	s15 =	simm.s32 $0xA;
	s4 =	simm.s32 $0x10  }
0x92: {  	[smem:s4], [sflag:s15] =	dma.local [hbm:s2], $0x1  }
0x93: {  	_ =	swait.eq [sflag:s15], $0x1  }
0x94: {  	[sflag:s15] =	ssyncset.done $0x0  }
0x95: {  	[sflag:s15] =	ssyncadd.s32 $0xFFFFFFFF  }
0x96: {  	s16 =	sld [smem:$0x10];
	(tm) =	ssettm $0x1  }
0x97: {  	s17 =	sld [smem:$0x3FFB];
	_ =	sdelay $0x3  }
0x98: {  	_ =	strace s17  }
0x99: {  	s3 =	sld [smem:$0x3FFC];
	_ =	sdelay $0x3  }
0x9a: {  	_ =	strace s3  }
0x9b: {  	s3 =	sld [smem:$0x3FFD];
	_ =	sdelay $0x3  }
0x9c: {  	_ =	strace s3  }
0x9d: {  	_ =	strace $0x8FFFFFFF  }
0x9e: {  	s18 =	sld [smem:$0x3FDB];
	_ =	sdelay $0x1  }
0x9f: {  	s19 =	simm.s32 $_scs_section_size  }
0xa0: {  	s5 =	simm.s32 $_size__tile_overlayer_lowered;
	s6 =	simm.s32 $_tile_overlayer_lowered  }
0xa1: {  	s22 =	simm.s32 $0x1BFF;
	s21 =	sshll.u32 s6, $0x1;
	s3 =	sadd.s32 s19, s18  }
0xa2: {  	s7 =	simm.s32 $0x0;
	s20 =	sshll.u32 s5, $0x1;
	s5 =	sadd.s32 s21, s3  }
0xa3: {  	[timem:s7], [sflag:s22] =	dma.local [hbm:s5], s20  }
0xa4: {  	_ =	swait.ge [sflag:s22], s20  }
0xa5: {  	s4 =	ssub.s32 $0x0, s20;
	[sflag:s22] =	ssyncset.done $0x0  }
0xa6: {  	[sflag:s22] =	ssyncadd.s32 s4;
	_ =	sdelay $0x1  }
0xa7: {  	s23 =	simm.s32 $0x1B8B  }
0xa8: {  	_ =	swait.ge [sflag:s23], $0x1  }
0xa9: {  	[sflag:s23] =	ssyncset.done $0x0  }
0xaa: {  	s25 =	simm.s32 $0x1B8E;
	s24 =	sld [smem:$0x3FFE];
	[sflag:s23] =	ssyncadd.s32 $0xFFFFFFFF  }
0xab: {  	s26 =	simm.s32 $execute0_lowered;
	[smem:$0x3FD2] =	sst s25  }
0xac: {  	s5 =	sshll.u32 s26, $0x1;
	_ =	strace $0x80000049;
	[dreg:$0x1] =	wrdreg $0xFFFFFFFF  }
0xad: {  	s28 =	simm.s32 $_size_execute0_lowered;
	s3 =	sadd.s32 s3, s5;
	[dreg:$0x0] =	wrdreg $0x0  }
0xae: {  	s5 =	sshll.u32 s28, $0x1;
	[dreg:$0x2] =	wrdreg s3  }
0xaf: {  	[dreg:$0x3] =	wrdreg s5  }
0xb0: {  	[dreg:$0x4] =	wrdreg $0xC0  }
0xb1: {  	_ =	task [dreg:s7], $0x5FFFF  }
0xb2: {  	[dreg:$0x1] =	wrdreg $0xFFFFFFFF  }
0xb3: {  	[dreg:$0x0] =	wrdreg $0x60  }
0xb4: {  	[dreg:$0x2] =	wrdreg s24  }
0xb5: {  	[dreg:$0x3] =	wrdreg s16  }
0xb6: {  	[dreg:$0x4] =	wrdreg $0x9  }
0xb7: {  	_ =	task.clear_ibuf [dreg:s7], $0x5FFFF;
	_ =	strace $0x90000049  }
0xb8: {  	s29 =	simm.s32 $0x9;
	_ =	strace $0x8000004B  }
0xb9: {  	_ =	swait.ge [sflag:s29], $0x1  }
0xba: {  	[sflag:s29] =	ssyncadd.s32 $0xFFFFFFFF  }
0xbb: {  	_ =	strace $0x9000004B  }
0xbc: {  	_ =	sfence  }
0xbd: {  	s30 =	sld [smem:$0x0];
	_ =	sdelay $0x2  }
0xbe: {  	s31 =	sshll.u32 s1, $0xD;
	s1 =	sshrl.u32 s1, $0x2  }
0xbf: {  	s3 =	sand.u32 $0x4000, s31;
	s1 =	sadd.s32 s1, s30  }
0xc0: {  	s0 =	sor.u32 s3, s0;
	s1 =	sshll.u32 s1, $0x11  }
0xc1: {  	s0 =	sor.u32 s1, s0  }
0xc2: {  	s0 =	sadd.s32 $0x8F2B, s0  }
0xc3: {  	[sflag:s0] =	ssyncadd.remote.s32 $0x1  }
0xc4: {  	_ =	sfence.sel $0xFFFF  }
0xc5: {  	[dreg:$0x0] =	wrdreg $0xFFFFFFFF;
	(pc) =	sbr.abs _section_cstart, $3  }
0xc6: {  	[dreg:$0x1] =	wrdreg $0xFFFFFFFF  }
0xc7: {  	_ =	task.clear_ibuf [dreg:s7], $0x2FFFF;
	_ =	strace $0x9FFFFFFF  }
0xc8: {  	(tm) =	ssettm $0x7FFFFFFF  }
0xc9: {  	_ =	shalt  }
tec
execute0_lowered:
.L_overlay_start_1:
0x0: {  	(tag) =	ssettag $0x1  }
0x1: {  	s3 =	rddreg [dreg:$0x0]  }
0x2: {  	s4 =	rddreg [dreg:$0x1]  }
0x3: {  	s0 =	rddreg [dreg:$0x2];
	s2 =	simm.s32 $0x0;
	s1 =	stileid.u32  }
0x4: {  	s5 =	srdreg.scid;
	s10 =	simm.s32 $0x8400;
	s11 =	simm.s32 $0xA400  }
0x5: {  	s12 =	simm.s32 $0xC400;
	s13 =	simm.s32 $0x1;
	s14 =	simm.s32 $0x2  }
0x6: {  	s15 =	simm.s32 $0x3;
	s16 =	simm.s32 $0x4;
	s17 =	simm.s32 $0x5  }
0x7: {  	s18 =	simm.s32 $0x0;
	[smem:$0x7FF] =	sst s2;
	s6 =	smul.u32 $0x64000, s1  }
0x8: {  	s5 =	sand.u32 $0x1, s5;
	s7 =	sshll.u32 s1, $0x1;
	_ =	strace $0x8000004A  }
0x9: {  	s8 =	ssub.s32 $0x2, s5;
	s7 =	sor.u32 s5, s7;
	s5 =	smul.u32 $0x32000, s5  }
0xa: {  	s6 =	sadd.s32 s6, s3;
	s9 =	sshrl.u32 s8, $0x1;
	s7 =	smul.u32 $0xC80, s7  }
0xb: {  	s3 =	sadd.s32 $0x1200, s3;
	s8 =	ssub.s32 s8, s9;
	s6 =	sadd.s32 s5, s6  }
0xc: {  	s9 =	simm.s32 $0x6400;
	s4 =	sadd.s32 s4, s7;
	s5 =	smax.u32 s8, $0x1  }
0xd: {  	s6 =	sadd.s32 $0x7D1E00, s6;
	s7 =	simm.s32 $0x6;
	s8 =	simm.s32 $0x80  }
.LBB2_1:
0xe: {  	[tilespmem:s2], [sflag:$0x6] =	stream.linear.gather [hbm4b:s4+s2], $0x6400, $0x38;
	[tilespmem:$0xE400] =	vst v63  }
0xf: {  	_ =	swait.ge [sflag:s7], $0x6400  }
0x10: {  	[sflag:s7] =	ssyncset.done $0x0  }
0x11: {  	s19 =	simm.s32 $0x0;
	[sflag:s7] =	ssyncadd.s32 $0xFFFF9C00  }
0x12: {  	[tilespmem:s9], [sflag:$0x1] =	stream.indirect.gather [hbm4b:s3+s8], $0x40, s19, s8, $0xb8;
	[tilespmem:$0xE400] =	vst v63  }
0x13: {  	s25 =	simm.s32 $0x80  }
0x14: {  	[tilespmem:s10], [sflag:$0x2] =	stream.indirect.gather [hbm4b:s3+s8], $0x40, s25, s8, $0xb8;
	[tilespmem:$0xE400] =	vst v63  }
0x15: {  	s26 =	simm.s32 $0x100  }
0x16: {  	[tilespmem:s11], [sflag:$0x3] =	stream.indirect.gather [hbm4b:s3+s8], $0x40, s26, s8, $0xb8;
	[tilespmem:$0xE400] =	vst v63  }
0x17: {  	s28 =	simm.s32 $0x180  }
0x18: {  	[tilespmem:s12], [sflag:$0x4] =	stream.indirect.gather [hbm4b:s3+s8], $0x40, s28, s8, $0xb8;
	[tilespmem:$0xE400] =	vst v63  }
0x19: {  	_ =	swait.ge [sflag:s13], $0x2000  }
0x1a: {  	[sflag:s13] =	ssyncset.done $0x0  }
0x1b: {  	s29 =	sadd.s32 $0xFFFFF400, s6;
	[sflag:s13] =	ssyncadd.s32 $0xFFFFE000  }
0x1c: {  	[hbm4b:s29+s2] =	stream.linear.scatter [tilespmem:s9], [sflag:$0x5], $0x2000, $0x38;
	[tilespmem:$0xE400] =	vst v63  }
0x1d: {  	_ =	swait.ge [sflag:s14], $0x2000  }
0x1e: {  	[sflag:s14] =	ssyncset.done $0x0  }
0x1f: {  	s30 =	sadd.s32 $0xFFFFF800, s6;
	[sflag:s14] =	ssyncadd.s32 $0xFFFFE000  }
0x20: {  	[hbm4b:s30+s2] =	stream.linear.scatter [tilespmem:s10], [sflag:$0x5], $0x2000, $0x38;
	[tilespmem:$0xE400] =	vst v63  }
0x21: {  	_ =	swait.ge [sflag:s15], $0x2000  }
0x22: {  	[sflag:s15] =	ssyncset.done $0x0  }
0x23: {  	s31 =	sadd.s32 $0xFFFFFC00, s6;
	[sflag:s15] =	ssyncadd.s32 $0xFFFFE000  }
0x24: {  	[hbm4b:s31+s2] =	stream.linear.scatter [tilespmem:s11], [sflag:$0x5], $0x2000, $0x38;
	[tilespmem:$0xE400] =	vst v63  }
0x25: {  	_ =	swait.ge [sflag:s16], $0x2000  }
0x26: {  	[sflag:s16] =	ssyncset.done $0x0  }
0x27: {  	[sflag:s16] =	ssyncadd.s32 $0xFFFFE000  }
0x28: {  	[hbm4b:s6+s2] =	stream.linear.scatter [tilespmem:s12], [sflag:$0x5], $0x2000, $0x38;
	[tilespmem:$0xE400] =	vst v63  }
0x29: {  	_ =	swait.ge [sflag:s17], $0x2000  }
0x2a: {  	[sflag:s17] =	ssyncset.done $0x0  }
0x2b: {  	[sflag:s17] =	ssyncadd.s32 $0xFFFFE000  }
0x2c: {  	_ =	swait.ge [sflag:s17], $0x2000  }
0x2d: {  	[sflag:s17] =	ssyncset.done $0x0  }
0x2e: {  	[sflag:s17] =	ssyncadd.s32 $0xFFFFE000  }
0x2f: {  	_ =	swait.ge [sflag:s17], $0x2000  }
0x30: {  	[sflag:s17] =	ssyncset.done $0x0  }
0x31: {  	[sflag:s17] =	ssyncadd.s32 $0xFFFFE000  }
0x32: {  	s20 =	simm.s32 $0x800;
	_ =	swait.ge [sflag:s17], $0x2000  }
0x33: {  	s22 =	simm.s32 $0x1000;
	s19 =	sadd.s32 $0x1000, s6;
	[sflag:s17] =	ssyncset.done $0x0  }
.LBB2_2:
0x34: {  	s23 =	sshra.s32 s20, $0x2  }
0x35: {  	[sflag:s17] =	ssyncadd.s32 $0xFFFFE000;
	s20 =	smov.u32 s22;
	s21 =	sadd.s32 $0x800, s22  }
0x36: {  	[tilespmem:s9], [sflag:$0x1] =	stream.indirect.gather [hbm4b:s3+s8], $0x40, s23, s8, $0xb8;
	[tilespmem:$0xE400] =	vst v63  }
0x37: {  	p0 =	sne.s32 s22, $0x18800;
	s22 =	sadd.s32 $0x80, s23  }
0x38: {  	[tilespmem:s10], [sflag:$0x2] =	stream.indirect.gather [hbm4b:s3+s8], $0x40, s22, s8, $0xb8;
	[tilespmem:$0xE400] =	vst v63  }
0x39: {  	s22 =	sadd.s32 $0x100, s23  }
0x3a: {  	[tilespmem:s11], [sflag:$0x3] =	stream.indirect.gather [hbm4b:s3+s8], $0x40, s22, s8, $0xb8;
	[tilespmem:$0xE400] =	vst v63  }
0x3b: {  	s22 =	sadd.s32 $0x180, s23  }
0x3c: {  	[tilespmem:s12], [sflag:$0x4] =	stream.indirect.gather [hbm4b:s3+s8], $0x40, s22, s8, $0xb8;
	[tilespmem:$0xE400] =	vst v63  }
0x3d: {  	_ =	swait.ge [sflag:s13], $0x2000  }
0x3e: {  	[sflag:s13] =	ssyncset.done $0x0  }
0x3f: {  	s22 =	sadd.s32 $0xFFFFF400, s19;
	[sflag:s13] =	ssyncadd.s32 $0xFFFFE000  }
0x40: {  	[hbm4b:s22+s2] =	stream.linear.scatter [tilespmem:s9], [sflag:$0x5], $0x2000, $0x38;
	[tilespmem:$0xE400] =	vst v63  }
0x41: {  	_ =	swait.ge [sflag:s14], $0x2000  }
0x42: {  	[sflag:s14] =	ssyncset.done $0x0  }
0x43: {  	s22 =	sadd.s32 $0xFFFFF800, s19;
	[sflag:s14] =	ssyncadd.s32 $0xFFFFE000  }
0x44: {  	[hbm4b:s22+s2] =	stream.linear.scatter [tilespmem:s10], [sflag:$0x5], $0x2000, $0x38;
	[tilespmem:$0xE400] =	vst v63  }
0x45: {  	_ =	swait.ge [sflag:s15], $0x2000  }
0x46: {  	[sflag:s15] =	ssyncset.done $0x0  }
0x47: {  	s22 =	sadd.s32 $0xFFFFFC00, s19;
	[sflag:s15] =	ssyncadd.s32 $0xFFFFE000  }
0x48: {  	[hbm4b:s22+s2] =	stream.linear.scatter [tilespmem:s11], [sflag:$0x5], $0x2000, $0x38;
	[tilespmem:$0xE400] =	vst v63  }
0x49: {  	_ =	swait.ge [sflag:s16], $0x2000  }
0x4a: {  	[sflag:s16] =	ssyncset.done $0x0  }
0x4b: {  	[sflag:s16] =	ssyncadd.s32 $0xFFFFE000  }
0x4c: {  	[hbm4b:s19+s2] =	stream.linear.scatter [tilespmem:s12], [sflag:$0x5], $0x2000, $0x38;
	[tilespmem:$0xE400] =	vst v63  }
0x4d: {  	_ =	swait.ge [sflag:s17], $0x2000  }
0x4e: {  	[sflag:s17] =	ssyncset.done $0x0  }
0x4f: {  	[sflag:s17] =	ssyncadd.s32 $0xFFFFE000  }
0x50: {  	_ =	swait.ge [sflag:s17], $0x2000  }
0x51: {  	[sflag:s17] =	ssyncset.done $0x0  }
0x52: {  	[sflag:s17] =	ssyncadd.s32 $0xFFFFE000  }
.Ltmp0:
0x53: {  	_ =	swait.ge [sflag:s17], $0x2000;
	(pc) =	sbr.rel @p0 .LBB2_2-.Ltmp0, $4  }
0x54: {  	[sflag:s17] =	ssyncset.done $0x0  }
0x55: {  	[sflag:s17] =	ssyncadd.s32 $0xFFFFE000  }
0x56: {  	_ =	swait.ge [sflag:s17], $0x2000  }
0x57: {  	s22 =	smov.u32 s21;
	s19 =	sadd.s32 $0x1000, s19;
	[sflag:s17] =	ssyncset.done $0x0  }
0x58: {  	s20 =	sshra.s32 s20, $0x2;
	[sflag:s17] =	ssyncadd.s32 $0xFFFFE000  }
0x59: {  	[tilespmem:s9], [sflag:$0x1] =	stream.indirect.gather [hbm4b:s3+s8], $0x40, s20, s8, $0xb8;
	[tilespmem:$0xE400] =	vst v63  }
0x5a: {  	s21 =	sadd.s32 $0x80, s20  }
0x5b: {  	[tilespmem:s10], [sflag:$0x2] =	stream.indirect.gather [hbm4b:s3+s8], $0x40, s21, s8, $0xb8;
	[tilespmem:$0xE400] =	vst v63  }
0x5c: {  	s28 =	sadd.s32 $0x100, s20  }
0x5d: {  	[tilespmem:s11], [sflag:$0x3] =	stream.indirect.gather [hbm4b:s3+s8], $0x40, s28, s8, $0xb8;
	[tilespmem:$0xE400] =	vst v63  }
0x5e: {  	s20 =	sadd.s32 $0x180, s20  }
0x5f: {  	[tilespmem:s12], [sflag:$0x4] =	stream.indirect.gather [hbm4b:s3+s8], $0x40, s20, s8, $0xb8;
	[tilespmem:$0xE400] =	vst v63  }
0x60: {  	_ =	swait.ge [sflag:s13], $0x2000  }
0x61: {  	[sflag:s13] =	ssyncset.done $0x0  }
0x62: {  	s29 =	sadd.s32 $0xFFFFF400, s19;
	[sflag:s13] =	ssyncadd.s32 $0xFFFFE000  }
0x63: {  	[hbm4b:s29+s2] =	stream.linear.scatter [tilespmem:s9], [sflag:$0x5], $0x2000, $0x38;
	[tilespmem:$0xE400] =	vst v63  }
0x64: {  	_ =	swait.ge [sflag:s14], $0x2000  }
0x65: {  	[sflag:s14] =	ssyncset.done $0x0  }
0x66: {  	s30 =	sadd.s32 $0xFFFFF800, s19;
	[sflag:s14] =	ssyncadd.s32 $0xFFFFE000  }
0x67: {  	[hbm4b:s30+s2] =	stream.linear.scatter [tilespmem:s10], [sflag:$0x5], $0x2000, $0x38;
	[tilespmem:$0xE400] =	vst v63  }
0x68: {  	_ =	swait.ge [sflag:s15], $0x2000  }
0x69: {  	[sflag:s15] =	ssyncset.done $0x0  }
0x6a: {  	s31 =	sadd.s32 $0xFFFFFC00, s19;
	[sflag:s15] =	ssyncadd.s32 $0xFFFFE000  }
0x6b: {  	[hbm4b:s31+s2] =	stream.linear.scatter [tilespmem:s11], [sflag:$0x5], $0x2000, $0x38;
	[tilespmem:$0xE400] =	vst v63  }
0x6c: {  	_ =	swait.ge [sflag:s16], $0x2000  }
0x6d: {  	[sflag:s16] =	ssyncset.done $0x0  }
0x6e: {  	[sflag:s16] =	ssyncadd.s32 $0xFFFFE000  }
0x6f: {  	[hbm4b:s19+s2] =	stream.linear.scatter [tilespmem:s12], [sflag:$0x5], $0x2000, $0x38;
	[tilespmem:$0xE400] =	vst v63  }
0x70: {  	_ =	swait.ge [sflag:s17], $0x2000  }
0x71: {  	[sflag:s17] =	ssyncset.done $0x0  }
0x72: {  	[sflag:s17] =	ssyncadd.s32 $0xFFFFE000  }
0x73: {  	_ =	swait.ge [sflag:s17], $0x2000  }
0x74: {  	[sflag:s17] =	ssyncset.done $0x0  }
0x75: {  	s18 =	sadd.s32 $0x1, s18;
	[sflag:s17] =	ssyncadd.s32 $0xFFFFE000  }
0x76: {  	p0 =	sne.s32 s18, s5;
	_ =	swait.ge [sflag:s17], $0x2000  }
.Ltmp1:
0x77: {  	[sflag:s17] =	ssyncset.done $0x0;
	(pc) =	sbr.rel @p0 .LBB2_1-.Ltmp1, $4  }
0x78: {  	[sflag:s17] =	ssyncadd.s32 $0xFFFFE000  }
0x79: {  	_ =	swait.ge [sflag:s17], $0x2000  }
0x7a: {  	[sflag:s17] =	ssyncset.done $0x0  }
0x7b: {  	[sflag:s17] =	ssyncadd.s32 $0xFFFFE000  }
0x7c: {  	_ =	sfence.sel $0x180000  }
0x7d: {  	[bflag:$0x0] =	sbarrier.arrive $0xFFFF  }
0x7e: {  	p0 =	sne.s32 s1, $0x0;
	_ =	strace $0x9000004A  }
0x7f: {  	s0 =	sadd.s32 @!p0 $0x100000, s0;
	[bflag:$0x2] =	sbarrier.arrive $0xFFFF  }
0x80: {  	[sflag:s0] =	ssyncadd.tile.s32 @!p0 $0x1;
	_ =	shalt  }
.Lfunc_end2:
_tile_overlayer_lowered:
.L_overlay_start_2:
0x81: {  	(tag) =	ssettag $0x2  }
0x82: {  	s0 =	rddreg [dreg:$0x0];
	s2 =	stileid.u32  }
0x83: {  	s1 =	rddreg [dreg:$0x1];
	p0 =	sne.s32 s2, $0x0  }
0x84: {  	s3 =	rddreg [dreg:$0x2];
	[bflag:$0x3] =	sbarrier.arrive $0xFFFF;
	s2 =	simm.s32 @!p0 $0x1C06  }
0x85: {  	[timem:s3], [sflag:s2] =	dma.local @!p0 [hbm:s0], s1  }
0x86: {  	s0 =	simm.s32 @!p0 $0x6  }
0x87: {  	_ =	swait.ge @!p0 [sflag:s0], s1  }
0x88: {  	s1 =	ssub.s32 @!p0 $0x0, s1;
	[sflag:s0] =	ssyncset.done @!p0 $0x0  }
0x89: {  	[sflag:s0] =	ssyncadd.s32 @!p0 s1  }
0x8a: {  	[bflag:$0x3] =	sbarrier.arrive $0xFFFF  }
0x8b: {  	_ =	shalt  }

</sc_bundles>
